<compile_context>
chip_gen: v7x
topology: tpu7x:2x2x1
jax: 0.10.2.dev20260603
libtpu: 0.0.44.dev20260713+nightly
codegen_flags: <defaults>
</compile_context>

<pallas_src>
import jax
import jax.numpy as jnp
from jax import lax
from jax.experimental import pallas as pl
from jax.experimental.pallas import tpu as pltpu
from jax.experimental.pallas import tpu_sc as plsc

NN = 10000
EE = 320000
DD = 128
NC = 2
NS = 16
NW = NC * NS
CHUNK = 128
GRP = 8
NCH0 = 120
NCH1 = 40
NCHMAX = max(NCH0, NCH1)
N_PAD = 10240
ROWS_PT = N_PAD // NS
BLK = 2000

_mesh = plsc.VectorSubcoreMesh(core_axis_name="c", subcore_axis_name="s")


def _agg_body(h_hbm, src_hbm, dst_hbm, agg_out,
              src_v, dst_v, rows_a, rows_b, acc_sh, sem_a, sem_b):
    cid = lax.axis_index("c")
    sid = lax.axis_index("s")
    wid = cid * NS + sid
    base = sid * ROWS_PT
    ngrp = jnp.where(cid == 0, NCH0 // GRP, NCH1 // GRP)

    def zrow(r, _):
        for k in range(DD // 16):
            rows_a[r, pl.ds(k * 16, 16)] = jnp.zeros((16,), jnp.float32)
        return 0
    lax.fori_loop(0, CHUNK, zrow, 0)
    for b in range(ROWS_PT // CHUNK):
        pltpu.sync_copy(rows_a, acc_sh.at[pl.ds(base + b * CHUNK, CHUNK)])
    plsc.subcore_barrier()

    rows = (rows_a, rows_b)
    sems = (sem_a, sem_b)

    def group(g, _):
        gs = pl.ds(g * GRP, GRP)
        pltpu.sync_copy(src_hbm.at[wid, gs], src_v)
        pltpu.sync_copy(dst_hbm.at[wid, gs], dst_v)
        cps = [None, None]
        cps[0] = pltpu.async_copy(h_hbm.at[src_v.at[0]], rows[0], sems[0])
        for b in range(GRP):
            cur, nxt = b % 2, (b + 1) % 2
            cps[cur].wait()
            if b + 1 < GRP:
                cps[nxt] = pltpu.async_copy(
                    h_hbm.at[src_v.at[b + 1]], rows[nxt], sems[nxt])
            pltpu.sync_copy(rows[cur], acc_sh.at[dst_v.at[b]], add=True)
        return 0
    lax.fori_loop(0, ngrp, group, 0)
    plsc.subcore_barrier()

    pltpu.sync_copy(acc_sh.at[pl.ds(base, ROWS_PT)],
                    agg_out.at[cid, pl.ds(base, ROWS_PT)])


_agg = pl.kernel(
    _agg_body,
    out_type=jax.ShapeDtypeStruct((NC, N_PAD, DD), jnp.float32),
    mesh=_mesh,
    scratch_types=[
        pltpu.VMEM((GRP, CHUNK), jnp.int32),
        pltpu.VMEM((GRP, CHUNK), jnp.int32),
        pltpu.VMEM((CHUNK, DD), jnp.float32),
        pltpu.VMEM((CHUNK, DD), jnp.float32),
        pltpu.VMEM_SHARED((N_PAD, DD), jnp.float32),
        pltpu.SemaphoreType.DMA,
        pltpu.SemaphoreType.DMA,
    ],
)


def _hist_body(dst_hbm, hist_out, dst_v, ones_v, deg_sh):
    cid = lax.axis_index("c")
    sid = lax.axis_index("s")
    wid = cid * NS + sid
    base = sid * ROWS_PT
    ngrp = jnp.where(cid == 0, NCH0 // GRP, NCH1 // GRP)

    def zrow(r, _):
        for k in range(DD // 16):
            ones_v[r, pl.ds(k * 16, 16)] = jnp.zeros((16,), jnp.float32)
        return 0
    lax.fori_loop(0, CHUNK, zrow, 0)
    for b in range(ROWS_PT // CHUNK):
        pltpu.sync_copy(ones_v, deg_sh.at[pl.ds(base + b * CHUNK, CHUNK)])

    def orow(r, _):
        for k in range(DD // 16):
            ones_v[r, pl.ds(k * 16, 16)] = jnp.ones((16,), jnp.float32)
        return 0
    lax.fori_loop(0, CHUNK, orow, 0)
    plsc.subcore_barrier()

    def group(g, _):
        pltpu.sync_copy(dst_hbm.at[wid, pl.ds(g * GRP, GRP)], dst_v)
        for b in range(GRP):
            pltpu.sync_copy(ones_v, deg_sh.at[dst_v.at[b]], add=True)
        return 0
    lax.fori_loop(0, ngrp, group, 0)
    plsc.subcore_barrier()

    pltpu.sync_copy(deg_sh.at[pl.ds(base, ROWS_PT)],
                    hist_out.at[cid, pl.ds(base, ROWS_PT)])


_hist = pl.kernel(
    _hist_body,
    out_type=jax.ShapeDtypeStruct((NC, N_PAD, DD), jnp.float32),
    mesh=_mesh,
    scratch_types=[
        pltpu.VMEM((GRP, CHUNK), jnp.int32),
        pltpu.VMEM((CHUNK, DD), jnp.float32),
        pltpu.VMEM_SHARED((N_PAD, DD), jnp.float32),
    ],
)


def _invdeg_body(hist_a, hist_b, out):
    d = hist_a[0, :, 0:1] + hist_b[0, :, 0:1]
    out[...] = 1.0 / jnp.maximum(d, 1.0)


_invdeg = pl.pallas_call(
    _invdeg_body,
    grid=(1,),
    in_specs=[pl.BlockSpec((1, N_PAD, DD), lambda i: (0, 0, 0)),
              pl.BlockSpec((1, N_PAD, DD), lambda i: (1, 0, 0))],
    out_specs=pl.BlockSpec((N_PAD, 1), lambda i: (0, 0)),
    out_shape=jax.ShapeDtypeStruct((N_PAD, 1), jnp.float32),
)


def _dense_body(agg_a, agg_b, inv, h, wlt, bl, wrt, out):
    mean = (agg_a[0] + agg_b[0]) * inv[...]
    acc = jnp.dot(mean, wlt[...], preferred_element_type=jnp.float32)
    acc += bl[...]
    acc += jnp.dot(h[...], wrt[...], preferred_element_type=jnp.float32)
    out[...] = jnp.maximum(acc, 0.0)


def _final_body(agg_a, agg_b, inv, h, wlt, bl, wrt, lw, lb, out):
    mean = (agg_a[0] + agg_b[0]) * inv[...]
    acc = jnp.dot(mean, wlt[...], preferred_element_type=jnp.float32)
    acc += bl[...]
    acc += jnp.dot(h[...], wrt[...], preferred_element_type=jnp.float32)
    hn = jnp.maximum(acc, 0.0)
    out[...] = jnp.sum(hn * lw[...], axis=1, keepdims=True) + lb[0, 0]


_agg_a_spec = pl.BlockSpec((1, BLK, DD), lambda i: (0, i, 0))
_agg_b_spec = pl.BlockSpec((1, BLK, DD), lambda i: (1, i, 0))
_inv_spec = pl.BlockSpec((BLK, 1), lambda i: (i, 0))
_row_spec = pl.BlockSpec((BLK, DD), lambda i: (i, 0))
_w_spec = pl.BlockSpec((DD, DD), lambda i: (0, 0))
_b_spec = pl.BlockSpec((1, DD), lambda i: (0, 0))

_dense = pl.pallas_call(
    _dense_body,
    grid=(NN // BLK,),
    in_specs=[_agg_a_spec, _agg_b_spec, _inv_spec, _row_spec,
              _w_spec, _b_spec, _w_spec],
    out_specs=_row_spec,
    out_shape=jax.ShapeDtypeStruct((NN, DD), jnp.float32),
)

_final = pl.pallas_call(
    _final_body,
    grid=(NN // BLK,),
    in_specs=[_agg_a_spec, _agg_b_spec, _inv_spec, _row_spec,
              _w_spec, _b_spec, _w_spec, _b_spec,
              pl.BlockSpec((1, 1), lambda i: (0, 0))],
    out_specs=pl.BlockSpec((BLK, 1), lambda i: (i, 0)),
    out_shape=jax.ShapeDtypeStruct((NN, 1), jnp.float32),
)


def _split_edges(idx, fill):
    e0 = NS * NCH0 * CHUNK
    e1 = NS * NCH1 * CHUNK
    padded = jnp.concatenate(
        [idx, jnp.full((e0 + e1 - EE,), fill, jnp.int32)])
    c0 = padded[:e0].reshape(NS, NCH0, CHUNK)
    c1 = padded[e0:].reshape(NS, NCH1, CHUNK)
    c0 = jnp.pad(c0, ((0, 0), (0, NCHMAX - NCH0), (0, 0)),
                 constant_values=fill)
    c1 = jnp.pad(c1, ((0, 0), (0, NCHMAX - NCH1), (0, 0)),
                 constant_values=fill)
    return jnp.concatenate([c0, c1])


def kernel(x, edge_index, Wl0, bl0, Wr0, Wl1, bl1, Wr1, Wl2, bl2, Wr2,
           lin_W, lin_b):
    src_p = _split_edges(edge_index[0], 0)
    dst_p = _split_edges(edge_index[1], NN)

    hist = _hist(dst_p)
    inv = _invdeg(hist, hist)
    agg = _agg(x, src_p, dst_p)
    h = _dense(agg, agg, inv, x,
               Wl0.T, bl0.reshape(1, DD), Wr0.T)
    agg = _agg(h, src_p, dst_p)
    h = _dense(agg, agg, inv, h,
               Wl1.T, bl1.reshape(1, DD), Wr1.T)
    agg = _agg(h, src_p, dst_p)
    out = _final(agg, agg, inv, h,
                 Wl2.T, bl2.reshape(1, DD), Wr2.T,
                 lin_W.reshape(1, DD), lin_b.reshape(1, 1))
    return out.reshape(NN)

# --- scband reference (transcript-rebuilt; emitter-appended) ---
"""Pipeline reference for scband-stacked-gnn-36507222016457 (READ-ONLY COPY).

The authoritative reference and input builder live on the scoring server;
editing this copy changes nothing except your own understanding.
"""

import jax, jax.numpy as jnp
import numpy as np

N = 10000
E = 320000
D = 128
H = 128


def setup_inputs(seed: int = 0) -> dict:
    key = jax.random.key(seed)
    ks = jax.random.split(key, 16)
    x = jax.random.normal(ks[0], (N, D), dtype=jnp.float32)
    edge_index = jax.random.randint(ks[1], (2, E), 0, N, dtype=jnp.int32)
    def lin(k, fan_out, fan_in):
        s = 1.0 / np.sqrt(fan_in)
        return jax.random.uniform(k, (fan_out, fan_in), jnp.float32, -s, s)
    def bias(k, fan_out, fan_in):
        s = 1.0 / np.sqrt(fan_in)
        return jax.random.uniform(k, (fan_out,), jnp.float32, -s, s)
    inp = {"x": x, "edge_index": edge_index}
    # layer 0: in_dim -> hidden_dim; layers 1,2: hidden -> hidden
    inp["Wl0"] = lin(ks[2], H, D); inp["bl0"] = bias(ks[3], H, D); inp["Wr0"] = lin(ks[4], H, D)
    inp["Wl1"] = lin(ks[5], H, H); inp["bl1"] = bias(ks[6], H, H); inp["Wr1"] = lin(ks[7], H, H)
    inp["Wl2"] = lin(ks[8], H, H); inp["bl2"] = bias(ks[9], H, H); inp["Wr2"] = lin(ks[10], H, H)
    inp["lin_W"] = lin(ks[11], 1, H); inp["lin_b"] = bias(ks[12], 1, H)
    return inp


def _sage_layer(h, src, dst, Wl, bl, Wr):
    # GraphSAGE (mean aggregation, PyG semantics):
    #   out_i = W_l * mean_{j in N(i)} h_j + b_l + W_r * h_i
    msg = jnp.take(h, src, axis=0)                               # gather   [E, d]
    agg = jax.ops.segment_sum(msg, dst, num_segments=N)          # scatter-add [N, d]
    deg = jax.ops.segment_sum(jnp.ones((src.shape[0],), h.dtype), dst, num_segments=N)
    mean = agg / jnp.clip(deg, 1.0)[:, None]
    return mean @ Wl.T + bl + h @ Wr.T


def reference(x, edge_index, Wl0, bl0, Wr0, Wl1, bl1, Wr1, Wl2, bl2, Wr2, lin_W, lin_b):
    src = edge_index[0]
    dst = edge_index[1]
    h = x
    for (Wl, bl, Wr) in ((Wl0, bl0, Wr0), (Wl1, bl1, Wr1), (Wl2, bl2, Wr2)):
        h = _sage_layer(h, src, dst, Wl, bl, Wr)
        h = jax.nn.relu(h)
        # dropout: identity in eval mode
    out = (h @ lin_W.T + lin_b).squeeze(-1)                      # [N]
    return out

if __name__ == "__main__":
    import jax
    _d = setup_inputs()
    print(jax.jit(kernel)(*tuple(_d.values())))

</pallas_src>

<mosaic_0001>
#map = affine_map<(d0, d1) -> (0, 0)>
#map1 = affine_map<(d0, d1) -> (0, 0, 0)>
module attributes {stable_mosaic.version = 14 : i64} {
  func.func @_agg_body(%arg0: i32, %arg1: i32, %arg2: memref<10000x128xf32, #tpu.memory_space<hbm>>, %arg3: memref<32x120x128xi32, #tpu.memory_space<hbm>>, %arg4: memref<32x120x128xi32, #tpu.memory_space<hbm>>, %arg5: memref<2x10240x128xf32, #tpu.memory_space<hbm>>, %arg6: memref<8x128xi32, #tpu.memory_space<vmem>>, %arg7: memref<8x128xi32, #tpu.memory_space<vmem>>, %arg8: memref<128x128xf32, #tpu.memory_space<vmem>>, %arg9: memref<128x128xf32, #tpu.memory_space<vmem>>, %arg10: memref<10240x128xf32, #tpu.memory_space<vmem_shared>>, %arg11: memref<!tpu.dma_semaphore, #tpu.memory_space<semaphore_mem>>, %arg12: memref<!tpu.dma_semaphore, #tpu.memory_space<semaphore_mem>>) attributes {dimension_semantics = [#tpu.dimension_semantics<core_parallel>, #tpu.dimension_semantics<subcore_parallel>], iteration_bounds = array<i64: 2, 16>, scalar_prefetch = 0 : i64, scratch_operands = 7 : i64, tpu.core_type = #tpu.core_type<sc_vector_subcore>, window_params = [{transform_indices = #map}, {transform_indices = #map1}, {transform_indices = #map1}, {transform_indices = #map1}]} {
    %mul3A = arith.constant 16 : i32
    %mul3A_0 = arith.muli %arg0, %mul3A : i32
    %add3A = arith.addi %mul3A_0, %arg1 : i32
    %mul3A_1 = arith.constant 640 : i32
    %mul3A_2 = arith.muli %arg1, %mul3A_1 : i32
    %eq3A = arith.constant 0 : i32
    %eq3A_3 = arith.cmpi eq, %arg0, %eq3A : i32
    %jit3A = arith.constant 15 : i32
    %jit3A_4 = arith.constant 5 : i32
    %select_n3A = arith.select %eq3A_3, %jit3A, %jit3A_4 : i32
    %scan3A = arith.constant 0 : i32
    %scan3A_5 = arith.constant 0 : i32
    %scan3A_6 = arith.constant 128 : i32
    %scan3A_7 = arith.addi %scan3A_5, %scan3A_6 : i32
    %scan3A_8 = arith.constant 1 : i32
    %scan3A_9 = scf.for %scan3A_33 = %scan3A_5 to %scan3A_7 step %scan3A_8 iter_args(%scan3A_34 = %scan3A) -> (i32)  : i32 {
      %broadcast_in_dim3A = arith.constant 0.000000e+00 : f32
      %broadcast_in_dim3A_35 = vector.broadcast %broadcast_in_dim3A : f32 to vector<16xf32>
      %swap3A = arith.index_cast %scan3A_33 : i32 to index
      %swap3A_36 = arith.constant 0 : index
      %swap3A_37 = tpu.vector_load %arg8[%swap3A, %swap3A_36] {strides = array<i32>} : memref<128x128xf32, #tpu.memory_space<vmem>>, vector<1x16xf32>,
      %swap3A_38 = vector.shape_cast %swap3A_37 : vector<1x16xf32> to vector<16xf32>
      %swap3A_39 = vector.shape_cast %broadcast_in_dim3A_35 : vector<16xf32> to vector<1x16xf32>
      tpu.vector_store %arg8[%swap3A, %swap3A_36], %swap3A_39 {strides = array<i32>} : memref<128x128xf32, #tpu.memory_space<vmem>>, vector<1x16xf32>,
      %broadcast_in_dim3A_40 = arith.constant 0.000000e+00 : f32
      %broadcast_in_dim3A_41 = vector.broadcast %broadcast_in_dim3A_40 : f32 to vector<16xf32>
      %swap3A_42 = arith.index_cast %scan3A_33 : i32 to index
      %swap3A_43 = arith.constant 16 : index
      %swap3A_44 = tpu.vector_load %arg8[%swap3A_42, %swap3A_43] {strides = array<i32>} : memref<128x128xf32, #tpu.memory_space<vmem>>, vector<1x16xf32>,
      %swap3A_45 = vector.shape_cast %swap3A_44 : vector<1x16xf32> to vector<16xf32>
      %swap3A_46 = vector.shape_cast %broadcast_in_dim3A_41 : vector<16xf32> to vector<1x16xf32>
      tpu.vector_store %arg8[%swap3A_42, %swap3A_43], %swap3A_46 {strides = array<i32>} : memref<128x128xf32, #tpu.memory_space<vmem>>, vector<1x16xf32>,
      %broadcast_in_dim3A_47 = arith.constant 0.000000e+00 : f32
      %broadcast_in_dim3A_48 = vector.broadcast %broadcast_in_dim3A_47 : f32 to vector<16xf32>
      %swap3A_49 = arith.index_cast %scan3A_33 : i32 to index
      %swap3A_50 = arith.constant 32 : index
      %swap3A_51 = tpu.vector_load %arg8[%swap3A_49, %swap3A_50] {strides = array<i32>} : memref<128x128xf32, #tpu.memory_space<vmem>>, vector<1x16xf32>,
      %swap3A_52 = vector.shape_cast %swap3A_51 : vector<1x16xf32> to vector<16xf32>
      %swap3A_53 = vector.shape_cast %broadcast_in_dim3A_48 : vector<16xf32> to vector<1x16xf32>
      tpu.vector_store %arg8[%swap3A_49, %swap3A_50], %swap3A_53 {strides = array<i32>} : memref<128x128xf32, #tpu.memory_space<vmem>>, vector<1x16xf32>,
      %broadcast_in_dim3A_54 = arith.constant 0.000000e+00 : f32
      %broadcast_in_dim3A_55 = vector.broadcast %broadcast_in_dim3A_54 : f32 to vector<16xf32>
      %swap3A_56 = arith.index_cast %scan3A_33 : i32 to index
      %swap3A_57 = arith.constant 48 : index
      %swap3A_58 = tpu.vector_load %arg8[%swap3A_56, %swap3A_57] {strides = array<i32>} : memref<128x128xf32, #tpu.memory_space<vmem>>, vector<1x16xf32>,
      %swap3A_59 = vector.shape_cast %swap3A_58 : vector<1x16xf32> to vector<16xf32>
      %swap3A_60 = vector.shape_cast %broadcast_in_dim3A_55 : vector<16xf32> to vector<1x16xf32>
      tpu.vector_store %arg8[%swap3A_56, %swap3A_57], %swap3A_60 {strides = array<i32>} : memref<128x128xf32, #tpu.memory_space<vmem>>, vector<1x16xf32>,
      %broadcast_in_dim3A_61 = arith.constant 0.000000e+00 : f32
      %broadcast_in_dim3A_62 = vector.broadcast %broadcast_in_dim3A_61 : f32 to vector<16xf32>
      %swap3A_63 = arith.index_cast %scan3A_33 : i32 to index
      %swap3A_64 = arith.constant 64 : index
      %swap3A_65 = tpu.vector_load %arg8[%swap3A_63, %swap3A_64] {strides = array<i32>} : memref<128x128xf32, #tpu.memory_space<vmem>>, vector<1x16xf32>,
      %swap3A_66 = vector.shape_cast %swap3A_65 : vector<1x16xf32> to vector<16xf32>
      %swap3A_67 = vector.shape_cast %broadcast_in_dim3A_62 : vector<16xf32> to vector<1x16xf32>
      tpu.vector_store %arg8[%swap3A_63, %swap3A_64], %swap3A_67 {strides = array<i32>} : memref<128x128xf32, #tpu.memory_space<vmem>>, vector<1x16xf32>,
      %broadcast_in_dim3A_68 = arith.constant 0.000000e+00 : f32
      %broadcast_in_dim3A_69 = vector.broadcast %broadcast_in_dim3A_68 : f32 to vector<16xf32>
      %swap3A_70 = arith.index_cast %scan3A_33 : i32 to index
      %swap3A_71 = arith.constant 80 : index
      %swap3A_72 = tpu.vector_load %arg8[%swap3A_70, %swap3A_71] {strides = array<i32>} : memref<128x128xf32, #tpu.memory_space<vmem>>, vector<1x16xf32>,
      %swap3A_73 = vector.shape_cast %swap3A_72 : vector<1x16xf32> to vector<16xf32>
      %swap3A_74 = vector.shape_cast %broadcast_in_dim3A_69 : vector<16xf32> to vector<1x16xf32>
      tpu.vector_store %arg8[%swap3A_70, %swap3A_71], %swap3A_74 {strides = array<i32>} : memref<128x128xf32, #tpu.memory_space<vmem>>, vector<1x16xf32>,
      %broadcast_in_dim3A_75 = arith.constant 0.000000e+00 : f32
      %broadcast_in_dim3A_76 = vector.broadcast %broadcast_in_dim3A_75 : f32 to vector<16xf32>
      %swap3A_77 = arith.index_cast %scan3A_33 : i32 to index
      %swap3A_78 = arith.constant 96 : index
      %swap3A_79 = tpu.vector_load %arg8[%swap3A_77, %swap3A_78] {strides = array<i32>} : memref<128x128xf32, #tpu.memory_space<vmem>>, vector<1x16xf32>,
      %swap3A_80 = vector.shape_cast %swap3A_79 : vector<1x16xf32> to vector<16xf32>
      %swap3A_81 = vector.shape_cast %broadcast_in_dim3A_76 : vector<16xf32> to vector<1x16xf32>
      tpu.vector_store %arg8[%swap3A_77, %swap3A_78], %swap3A_81 {strides = array<i32>} : memref<128x128xf32, #tpu.memory_space<vmem>>, vector<1x16xf32>,
      %broadcast_in_dim3A_82 = arith.constant 0.000000e+00 : f32
      %broadcast_in_dim3A_83 = vector.broadcast %broadcast_in_dim3A_82 : f32 to vector<16xf32>
      %swap3A_84 = arith.index_cast %scan3A_33 : i32 to index
      %swap3A_85 = arith.constant 112 : index
      %swap3A_86 = tpu.vector_load %arg8[%swap3A_84, %swap3A_85] {strides = array<i32>} : memref<128x128xf32, #tpu.memory_space<vmem>>, vector<1x16xf32>,
      %swap3A_87 = vector.shape_cast %swap3A_86 : vector<1x16xf32> to vector<16xf32>
      %swap3A_88 = vector.shape_cast %broadcast_in_dim3A_83 : vector<16xf32> to vector<1x16xf32>
      tpu.vector_store %arg8[%swap3A_84, %swap3A_85], %swap3A_88 {strides = array<i32>} : memref<128x128xf32, #tpu.memory_space<vmem>>, vector<1x16xf32>,
      %scan3A_89 = arith.constant 0 : i32
      scf.yield %scan3A_89 : i32
    }
    %scan3A_10 = arith.constant 128 : i32
    %add3A_11 = arith.constant 0 : i32
    %add3A_12 = arith.addi %mul3A_2, %add3A_11 : i32
    "tpu.region"() ({
      %run_scoped3A = tpu.sem_alloc : memref<!tpu.dma_semaphore, #tpu.memory_space<semaphore_mem>>
      %dma_start3A = arith.constant 0 : i32
      %dma_start3A_33 = tpu.memref_slice %arg10[%add3A_12, %dma_start3A] : memref<10240x128xf32, #tpu.memory_space<vmem_shared>> -> memref<128x128xf32, #tpu.memory_space<vmem_shared>>
      %dma_start3A_34 = arith.constant 0 : i32
      %dma_start3A_35 = tpu.memref_slice %arg10[%add3A_12, %dma_start3A_34] : memref<10240x128xf32, #tpu.memory_space<vmem_shared>> -> memref<128x128xf32, #tpu.memory_space<vmem_shared>>
      tpu.enqueue_dma source(%arg8 : memref<128x128xf32, #tpu.memory_space<vmem>>) target(%dma_start3A_35 : memref<128x128xf32, #tpu.memory_space<vmem_shared>>) target_semaphore(%run_scoped3A : memref<!tpu.dma_semaphore, #tpu.memory_space<semaphore_mem>>)
      %dma_wait3A = arith.constant 0 : i32
      %dma_wait3A_36 = tpu.memref_slice %arg10[%add3A_12, %dma_wait3A] : memref<10240x128xf32, #tpu.memory_space<vmem_shared>> -> memref<128x128xf32, #tpu.memory_space<vmem_shared>>
      %dma_wait3A_37 = arith.constant 0 : i32
      %dma_wait3A_38 = tpu.memref_slice %arg10[%add3A_12, %dma_wait3A_37] : memref<10240x128xf32, #tpu.memory_space<vmem_shared>> -> memref<128x128xf32, #tpu.memory_space<vmem_shared>>
      tpu.wait_dma2 semaphore(%run_scoped3A : memref<!tpu.dma_semaphore, #tpu.memory_space<semaphore_mem>>) src(%arg8 : memref<128x128xf32, #tpu.memory_space<vmem>>) dst(%dma_wait3A_38 : memref<128x128xf32, #tpu.memory_space<vmem_shared>>)
      tpu.yield
    }) : () -> ()
    %add3A_13 = arith.constant 128 : i32
    %add3A_14 = arith.addi %mul3A_2, %add3A_13 : i32
    "tpu.region"() ({
      %run_scoped3A = tpu.sem_alloc : memref<!tpu.dma_semaphore, #tpu.memory_space<semaphore_mem>>
      %dma_start3A = arith.constant 0 : i32
      %dma_start3A_33 = tpu.memref_slice %arg10[%add3A_14, %dma_start3A] : memref<10240x128xf32, #tpu.memory_space<vmem_shared>> -> memref<128x128xf32, #tpu.memory_space<vmem_shared>>
      %dma_start3A_34 = arith.constant 0 : i32
      %dma_start3A_35 = tpu.memref_slice %arg10[%add3A_14, %dma_start3A_34] : memref<10240x128xf32, #tpu.memory_space<vmem_shared>> -> memref<128x128xf32, #tpu.memory_space<vmem_shared>>
      tpu.enqueue_dma source(%arg8 : memref<128x128xf32, #tpu.memory_space<vmem>>) target(%dma_start3A_35 : memref<128x128xf32, #tpu.memory_space<vmem_shared>>) target_semaphore(%run_scoped3A : memref<!tpu.dma_semaphore, #tpu.memory_space<semaphore_mem>>)
      %dma_wait3A = arith.constant 0 : i32
      %dma_wait3A_36 = tpu.memref_slice %arg10[%add3A_14, %dma_wait3A] : memref<10240x128xf32, #tpu.memory_space<vmem_shared>> -> memref<128x128xf32, #tpu.memory_space<vmem_shared>>
      %dma_wait3A_37 = arith.constant 0 : i32
      %dma_wait3A_38 = tpu.memref_slice %arg10[%add3A_14, %dma_wait3A_37] : memref<10240x128xf32, #tpu.memory_space<vmem_shared>> -> memref<128x128xf32, #tpu.memory_space<vmem_shared>>
      tpu.wait_dma2 semaphore(%run_scoped3A : memref<!tpu.dma_semaphore, #tpu.memory_space<semaphore_mem>>) src(%arg8 : memref<128x128xf32, #tpu.memory_space<vmem>>) dst(%dma_wait3A_38 : memref<128x128xf32, #tpu.memory_space<vmem_shared>>)
      tpu.yield
    }) : () -> ()
    %add3A_15 = arith.constant 256 : i32
    %add3A_16 = arith.addi %mul3A_2, %add3A_15 : i32
    "tpu.region"() ({
      %run_scoped3A = tpu.sem_alloc : memref<!tpu.dma_semaphore, #tpu.memory_space<semaphore_mem>>
      %dma_start3A = arith.constant 0 : i32
      %dma_start3A_33 = tpu.memref_slice %arg10[%add3A_16, %dma_start3A] : memref<10240x128xf32, #tpu.memory_space<vmem_shared>> -> memref<128x128xf32, #tpu.memory_space<vmem_shared>>
      %dma_start3A_34 = arith.constant 0 : i32
      %dma_start3A_35 = tpu.memref_slice %arg10[%add3A_16, %dma_start3A_34] : memref<10240x128xf32, #tpu.memory_space<vmem_shared>> -> memref<128x128xf32, #tpu.memory_space<vmem_shared>>
      tpu.enqueue_dma source(%arg8 : memref<128x128xf32, #tpu.memory_space<vmem>>) target(%dma_start3A_35 : memref<128x128xf32, #tpu.memory_space<vmem_shared>>) target_semaphore(%run_scoped3A : memref<!tpu.dma_semaphore, #tpu.memory_space<semaphore_mem>>)
      %dma_wait3A = arith.constant 0 : i32
      %dma_wait3A_36 = tpu.memref_slice %arg10[%add3A_16, %dma_wait3A] : memref<10240x128xf32, #tpu.memory_space<vmem_shared>> -> memref<128x128xf32, #tpu.memory_space<vmem_shared>>
      %dma_wait3A_37 = arith.constant 0 : i32
      %dma_wait3A_38 = tpu.memref_slice %arg10[%add3A_16, %dma_wait3A_37] : memref<10240x128xf32, #tpu.memory_space<vmem_shared>> -> memref<128x128xf32, #tpu.memory_space<vmem_shared>>
      tpu.wait_dma2 semaphore(%run_scoped3A : memref<!tpu.dma_semaphore, #tpu.memory_space<semaphore_mem>>) src(%arg8 : memref<128x128xf32, #tpu.memory_space<vmem>>) dst(%dma_wait3A_38 : memref<128x128xf32, #tpu.memory_space<vmem_shared>>)
      tpu.yield
    }) : () -> ()
    %add3A_17 = arith.constant 384 : i32
    %add3A_18 = arith.addi %mul3A_2, %add3A_17 : i32
    "tpu.region"() ({
      %run_scoped3A = tpu.sem_alloc : memref<!tpu.dma_semaphore, #tpu.memory_space<semaphore_mem>>
      %dma_start3A = arith.constant 0 : i32
      %dma_start3A_33 = tpu.memref_slice %arg10[%add3A_18, %dma_start3A] : memref<10240x128xf32, #tpu.memory_space<vmem_shared>> -> memref<128x128xf32, #tpu.memory_space<vmem_shared>>
      %dma_start3A_34 = arith.constant 0 : i32
      %dma_start3A_35 = tpu.memref_slice %arg10[%add3A_18, %dma_start3A_34] : memref<10240x128xf32, #tpu.memory_space<vmem_shared>> -> memref<128x128xf32, #tpu.memory_space<vmem_shared>>
      tpu.enqueue_dma source(%arg8 : memref<128x128xf32, #tpu.memory_space<vmem>>) target(%dma_start3A_35 : memref<128x128xf32, #tpu.memory_space<vmem_shared>>) target_semaphore(%run_scoped3A : memref<!tpu.dma_semaphore, #tpu.memory_space<semaphore_mem>>)
      %dma_wait3A = arith.constant 0 : i32
      %dma_wait3A_36 = tpu.memref_slice %arg10[%add3A_18, %dma_wait3A] : memref<10240x128xf32, #tpu.memory_space<vmem_shared>> -> memref<128x128xf32, #tpu.memory_space<vmem_shared>>
      %dma_wait3A_37 = arith.constant 0 : i32
      %dma_wait3A_38 = tpu.memref_slice %arg10[%add3A_18, %dma_wait3A_37] : memref<10240x128xf32, #tpu.memory_space<vmem_shared>> -> memref<128x128xf32, #tpu.memory_space<vmem_shared>>
      tpu.wait_dma2 semaphore(%run_scoped3A : memref<!tpu.dma_semaphore, #tpu.memory_space<semaphore_mem>>) src(%arg8 : memref<128x128xf32, #tpu.memory_space<vmem>>) dst(%dma_wait3A_38 : memref<128x128xf32, #tpu.memory_space<vmem_shared>>)
      tpu.yield
    }) : () -> ()
    %add3A_19 = arith.constant 512 : i32
    %add3A_20 = arith.addi %mul3A_2, %add3A_19 : i32
    "tpu.region"() ({
      %run_scoped3A = tpu.sem_alloc : memref<!tpu.dma_semaphore, #tpu.memory_space<semaphore_mem>>
      %dma_start3A = arith.constant 0 : i32
      %dma_start3A_33 = tpu.memref_slice %arg10[%add3A_20, %dma_start3A] : memref<10240x128xf32, #tpu.memory_space<vmem_shared>> -> memref<128x128xf32, #tpu.memory_space<vmem_shared>>
      %dma_start3A_34 = arith.constant 0 : i32
      %dma_start3A_35 = tpu.memref_slice %arg10[%add3A_20, %dma_start3A_34] : memref<10240x128xf32, #tpu.memory_space<vmem_shared>> -> memref<128x128xf32, #tpu.memory_space<vmem_shared>>
      tpu.enqueue_dma source(%arg8 : memref<128x128xf32, #tpu.memory_space<vmem>>) target(%dma_start3A_35 : memref<128x128xf32, #tpu.memory_space<vmem_shared>>) target_semaphore(%run_scoped3A : memref<!tpu.dma_semaphore, #tpu.memory_space<semaphore_mem>>)
      %dma_wait3A = arith.constant 0 : i32
      %dma_wait3A_36 = tpu.memref_slice %arg10[%add3A_20, %dma_wait3A] : memref<10240x128xf32, #tpu.memory_space<vmem_shared>> -> memref<128x128xf32, #tpu.memory_space<vmem_shared>>
      %dma_wait3A_37 = arith.constant 0 : i32
      %dma_wait3A_38 = tpu.memref_slice %arg10[%add3A_20, %dma_wait3A_37] : memref<10240x128xf32, #tpu.memory_space<vmem_shared>> -> memref<128x128xf32, #tpu.memory_space<vmem_shared>>
      tpu.wait_dma2 semaphore(%run_scoped3A : memref<!tpu.dma_semaphore, #tpu.memory_space<semaphore_mem>>) src(%arg8 : memref<128x128xf32, #tpu.memory_space<vmem>>) dst(%dma_wait3A_38 : memref<128x128xf32, #tpu.memory_space<vmem_shared>>)
      tpu.yield
    }) : () -> ()
    %barrier3A = arith.constant 0 : index
    tpu.barrier barrier_id(%barrier3A)
    %while3A = arith.constant 0 : i32
    %while3A_21 = arith.constant 0 : i32
    %while3A_22 = arith.subi %select_n3A, %while3A : i32
    %while3A_23 = arith.addi %while3A, %while3A_22 : i32
    %while3A_24 = arith.constant 1 : i32
    %while3A_25 = arith.divsi %while3A_22, %while3A_24 : i32
    %while3A_26 = arith.muli %while3A_25, %while3A_24 : i32
    %while3A_27 = arith.addi %while3A, %while3A_26 : i32
    %while3A_28 = arith.constant 1 : i32
    %while3A_29 = scf.for %while3A_33 = %while3A to %while3A_27 step %while3A_28 iter_args(%while3A_34 = %while3A_21) -> (i32)  : i32 {
      %mul3A_35 = arith.constant 8 : i32
      %mul3A_36 = arith.muli %while3A_33, %mul3A_35 : i32
      "tpu.region"() ({
        %run_scoped3A_155 = tpu.sem_alloc : memref<!tpu.dma_semaphore, #tpu.memory_space<semaphore_mem>>
        %dma_start3A_156 = arith.constant 0 : i32
        %dma_start3A_157 = tpu.memref_slice %arg3[%add3A, %mul3A_36, %dma_start3A_156] : memref<32x120x128xi32, #tpu.memory_space<hbm>> -> memref<1x8x128xi32, #tpu.memory_space<hbm>>
        %dma_start3A_158 = tpu.memref_squeeze %dma_start3A_157 : memref<1x8x128xi32, #tpu.memory_space<hbm>> -> memref<8x128xi32, #tpu.memory_space<hbm>>
        %dma_start3A_159 = arith.constant 0 : i32
        %dma_start3A_160 = tpu.memref_slice %arg3[%add3A, %mul3A_36, %dma_start3A_159] : memref<32x120x128xi32, #tpu.memory_space<hbm>> -> memref<1x8x128xi32, #tpu.memory_space<hbm>>
        %dma_start3A_161 = tpu.memref_squeeze %dma_start3A_160 : memref<1x8x128xi32, #tpu.memory_space<hbm>> -> memref<8x128xi32, #tpu.memory_space<hbm>>
        tpu.enqueue_dma source(%dma_start3A_161 : memref<8x128xi32, #tpu.memory_space<hbm>>) target(%arg6 : memref<8x128xi32, #tpu.memory_space<vmem>>) target_semaphore(%run_scoped3A_155 : memref<!tpu.dma_semaphore, #tpu.memory_space<semaphore_mem>>)
        %dma_wait3A_162 = arith.constant 0 : i32
        %dma_wait3A_163 = tpu.memref_slice %arg3[%add3A, %mul3A_36, %dma_wait3A_162] : memref<32x120x128xi32, #tpu.memory_space<hbm>> -> memref<1x8x128xi32, #tpu.memory_space<hbm>>
        %dma_wait3A_164 = tpu.memref_squeeze %dma_wait3A_163 : memref<1x8x128xi32, #tpu.memory_space<hbm>> -> memref<8x128xi32, #tpu.memory_space<hbm>>
        %dma_wait3A_165 = arith.constant 0 : i32
        %dma_wait3A_166 = tpu.memref_slice %arg3[%add3A, %mul3A_36, %dma_wait3A_165] : memref<32x120x128xi32, #tpu.memory_space<hbm>> -> memref<1x8x128xi32, #tpu.memory_space<hbm>>
        %dma_wait3A_167 = tpu.memref_squeeze %dma_wait3A_166 : memref<1x8x128xi32, #tpu.memory_space<hbm>> -> memref<8x128xi32, #tpu.memory_space<hbm>>
        tpu.wait_dma2 semaphore(%run_scoped3A_155 : memref<!tpu.dma_semaphore, #tpu.memory_space<semaphore_mem>>) src(%dma_wait3A_167 : memref<8x128xi32, #tpu.memory_space<hbm>>) dst(%arg6 : memref<8x128xi32, #tpu.memory_space<vmem>>)
        tpu.yield
      }) : () -> ()
      "tpu.region"() ({
        %run_scoped3A_155 = tpu.sem_alloc : memref<!tpu.dma_semaphore, #tpu.memory_space<semaphore_mem>>
        %dma_start3A_156 = arith.constant 0 : i32
        %dma_start3A_157 = tpu.memref_slice %arg4[%add3A, %mul3A_36, %dma_start3A_156] : memref<32x120x128xi32, #tpu.memory_space<hbm>> -> memref<1x8x128xi32, #tpu.memory_space<hbm>>
        %dma_start3A_158 = tpu.memref_squeeze %dma_start3A_157 : memref<1x8x128xi32, #tpu.memory_space<hbm>> -> memref<8x128xi32, #tpu.memory_space<hbm>>
        %dma_start3A_159 = arith.constant 0 : i32
        %dma_start3A_160 = tpu.memref_slice %arg4[%add3A, %mul3A_36, %dma_start3A_159] : memref<32x120x128xi32, #tpu.memory_space<hbm>> -> memref<1x8x128xi32, #tpu.memory_space<hbm>>
        %dma_start3A_161 = tpu.memref_squeeze %dma_start3A_160 : memref<1x8x128xi32, #tpu.memory_space<hbm>> -> memref<8x128xi32, #tpu.memory_space<hbm>>
        tpu.enqueue_dma source(%dma_start3A_161 : memref<8x128xi32, #tpu.memory_space<hbm>>) target(%arg7 : memref<8x128xi32, #tpu.memory_space<vmem>>) target_semaphore(%run_scoped3A_155 : memref<!tpu.dma_semaphore, #tpu.memory_space<semaphore_mem>>)
        %dma_wait3A_162 = arith.constant 0 : i32
        %dma_wait3A_163 = tpu.memref_slice %arg4[%add3A, %mul3A_36, %dma_wait3A_162] : memref<32x120x128xi32, #tpu.memory_space<hbm>> -> memref<1x8x128xi32, #tpu.memory_space<hbm>>
        %dma_wait3A_164 = tpu.memref_squeeze %dma_wait3A_163 : memref<1x8x128xi32, #tpu.memory_space<hbm>> -> memref<8x128xi32, #tpu.memory_space<hbm>>
        %dma_wait3A_165 = arith.constant 0 : i32
        %dma_wait3A_166 = tpu.memref_slice %arg4[%add3A, %mul3A_36, %dma_wait3A_165] : memref<32x120x128xi32, #tpu.memory_space<hbm>> -> memref<1x8x128xi32, #tpu.memory_space<hbm>>
        %dma_wait3A_167 = tpu.memref_squeeze %dma_wait3A_166 : memref<1x8x128xi32, #tpu.memory_space<hbm>> -> memref<8x128xi32, #tpu.memory_space<hbm>>
        tpu.wait_dma2 semaphore(%run_scoped3A_155 : memref<!tpu.dma_semaphore, #tpu.memory_space<semaphore_mem>>) src(%dma_wait3A_167 : memref<8x128xi32, #tpu.memory_space<hbm>>) dst(%arg7 : memref<8x128xi32, #tpu.memory_space<vmem>>)
        tpu.yield
      }) : () -> ()
      %dma_start3A = arith.constant 0 : i32
      %dma_start3A_37 = arith.constant 0 : i32
      %dma_start3A_38 = tpu.memref_slice %arg6[%dma_start3A, %dma_start3A_37] : memref<8x128xi32, #tpu.memory_space<vmem>> -> memref<1x128xi32, #tpu.memory_space<vmem>>
      %dma_start3A_39 = tpu.memref_squeeze %dma_start3A_38 : memref<1x128xi32, #tpu.memory_space<vmem>> -> memref<128xi32, #tpu.memory_space<vmem>>
      %dma_start3A_40 = arith.constant 0 : i32
      %dma_start3A_41 = arith.constant 0 : i32
      %dma_start3A_42 = tpu.memref_slice %arg2[%dma_start3A_40, %dma_start3A_41] : memref<10000x128xf32, #tpu.memory_space<hbm>> -> memref<10000x128xf32, #tpu.memory_space<hbm>>
      tpu.enqueue_indirect_dma source(%dma_start3A_42 : memref<10000x128xf32, #tpu.memory_space<hbm>>) target(%arg8 : memref<128x128xf32, #tpu.memory_space<vmem>>) offsets(%dma_start3A_39 : memref<128xi32, #tpu.memory_space<vmem>>) semaphore(%arg11 : memref<!tpu.dma_semaphore, #tpu.memory_space<semaphore_mem>>)
      %dma_wait3A = arith.constant 0 : i32
      %dma_wait3A_43 = arith.constant 0 : i32
      %dma_wait3A_44 = tpu.memref_slice %arg6[%dma_wait3A, %dma_wait3A_43] : memref<8x128xi32, #tpu.memory_space<vmem>> -> memref<1x128xi32, #tpu.memory_space<vmem>>
      %dma_wait3A_45 = tpu.memref_squeeze %dma_wait3A_44 : memref<1x128xi32, #tpu.memory_space<vmem>> -> memref<128xi32, #tpu.memory_space<vmem>>
      %dma_wait3A_46 = arith.constant 0 : i32
      %dma_wait3A_47 = arith.constant 0 : i32
      %dma_wait3A_48 = tpu.memref_slice %arg2[%dma_wait3A_46, %dma_wait3A_47] : memref<10000x128xf32, #tpu.memory_space<hbm>> -> memref<10000x128xf32, #tpu.memory_space<hbm>>
      tpu.wait_indirect_dma semaphore(%arg11 : memref<!tpu.dma_semaphore, #tpu.memory_space<semaphore_mem>>) src(%dma_wait3A_48 : memref<10000x128xf32, #tpu.memory_space<hbm>>) dst(%arg8 : memref<128x128xf32, #tpu.memory_space<vmem>>)
      %dma_start3A_49 = arith.constant 1 : i32
      %dma_start3A_50 = arith.constant 0 : i32
      %dma_start3A_51 = tpu.memref_slice %arg6[%dma_start3A_49, %dma_start3A_50] : memref<8x128xi32, #tpu.memory_space<vmem>> -> memref<1x128xi32, #tpu.memory_space<vmem>>
      %dma_start3A_52 = tpu.memref_squeeze %dma_start3A_51 : memref<1x128xi32, #tpu.memory_space<vmem>> -> memref<128xi32, #tpu.memory_space<vmem>>
      %dma_start3A_53 = arith.constant 0 : i32
      %dma_start3A_54 = arith.constant 0 : i32
      %dma_start3A_55 = tpu.memref_slice %arg2[%dma_start3A_53, %dma_start3A_54] : memref<10000x128xf32, #tpu.memory_space<hbm>> -> memref<10000x128xf32, #tpu.memory_space<hbm>>
      tpu.enqueue_indirect_dma source(%dma_start3A_55 : memref<10000x128xf32, #tpu.memory_space<hbm>>) target(%arg9 : memref<128x128xf32, #tpu.memory_space<vmem>>) offsets(%dma_start3A_52 : memref<128xi32, #tpu.memory_space<vmem>>) semaphore(%arg12 : memref<!tpu.dma_semaphore, #tpu.memory_space<semaphore_mem>>)
      %run_scoped3A = arith.constant 0 : i32
      "tpu.region"() ({
        %run_scoped3A_155 = tpu.sem_alloc : memref<!tpu.dma_semaphore, #tpu.memory_space<semaphore_mem>>
        %dma_start3A_156 = arith.constant 0 : i32
        %dma_start3A_157 = tpu.memref_slice %arg7[%run_scoped3A, %dma_start3A_156] : memref<8x128xi32, #tpu.memory_space<vmem>> -> memref<1x128xi32, #tpu.memory_space<vmem>>
        %dma_start3A_158 = tpu.memref_squeeze %dma_start3A_157 : memref<1x128xi32, #tpu.memory_space<vmem>> -> memref<128xi32, #tpu.memory_space<vmem>>
        %dma_start3A_159 = arith.constant 0 : i32
        %dma_start3A_160 = arith.constant 0 : i32
        %dma_start3A_161 = tpu.memref_slice %arg10[%dma_start3A_159, %dma_start3A_160] : memref<10240x128xf32, #tpu.memory_space<vmem_shared>> -> memref<10240x128xf32, #tpu.memory_space<vmem_shared>>
        tpu.enqueue_indirect_dma source(%arg8 : memref<128x128xf32, #tpu.memory_space<vmem>>) target(%dma_start3A_161 : memref<10240x128xf32, #tpu.memory_space<vmem_shared>>) offsets(%dma_start3A_158 : memref<128xi32, #tpu.memory_space<vmem>>) semaphore(%run_scoped3A_155 : memref<!tpu.dma_semaphore, #tpu.memory_space<semaphore_mem>>) {add = true}
        %dma_wait3A_162 = arith.constant 0 : i32
        %dma_wait3A_163 = tpu.memref_slice %arg7[%run_scoped3A, %dma_wait3A_162] : memref<8x128xi32, #tpu.memory_space<vmem>> -> memref<1x128xi32, #tpu.memory_space<vmem>>
        %dma_wait3A_164 = tpu.memref_squeeze %dma_wait3A_163 : memref<1x128xi32, #tpu.memory_space<vmem>> -> memref<128xi32, #tpu.memory_space<vmem>>
        %dma_wait3A_165 = arith.constant 0 : i32
        %dma_wait3A_166 = arith.constant 0 : i32
        %dma_wait3A_167 = tpu.memref_slice %arg10[%dma_wait3A_165, %dma_wait3A_166] : memref<10240x128xf32, #tpu.memory_space<vmem_shared>> -> memref<10240x128xf32, #tpu.memory_space<vmem_shared>>
        tpu.wait_indirect_dma semaphore(%run_scoped3A_155 : memref<!tpu.dma_semaphore, #tpu.memory_space<semaphore_mem>>) src(%arg8 : memref<128x128xf32, #tpu.memory_space<vmem>>) dst(%dma_wait3A_167 : memref<10240x128xf32, #tpu.memory_space<vmem_shared>>)
        tpu.yield
      }) : () -> ()
      %dma_wait3A_56 = arith.constant 1 : i32
      %dma_wait3A_57 = arith.constant 0 : i32
      %dma_wait3A_58 = tpu.memref_slice %arg6[%dma_wait3A_56, %dma_wait3A_57] : memref<8x128xi32, #tpu.memory_space<vmem>> -> memref<1x128xi32, #tpu.memory_space<vmem>>
      %dma_wait3A_59 = tpu.memref_squeeze %dma_wait3A_58 : memref<1x128xi32, #tpu.memory_space<vmem>> -> memref<128xi32, #tpu.memory_space<vmem>>
      %dma_wait3A_60 = arith.constant 0 : i32
      %dma_wait3A_61 = arith.constant 0 : i32
      %dma_wait3A_62 = tpu.memref_slice %arg2[%dma_wait3A_60, %dma_wait3A_61] : memref<10000x128xf32, #tpu.memory_space<hbm>> -> memref<10000x128xf32, #tpu.memory_space<hbm>>
      tpu.wait_indirect_dma semaphore(%arg12 : memref<!tpu.dma_semaphore, #tpu.memory_space<semaphore_mem>>) src(%dma_wait3A_62 : memref<10000x128xf32, #tpu.memory_space<hbm>>) dst(%arg9 : memref<128x128xf32, #tpu.memory_space<vmem>>)
      %dma_start3A_63 = arith.constant 2 : i32
      %dma_start3A_64 = arith.constant 0 : i32
      %dma_start3A_65 = tpu.memref_slice %arg6[%dma_start3A_63, %dma_start3A_64] : memref<8x128xi32, #tpu.memory_space<vmem>> -> memref<1x128xi32, #tpu.memory_space<vmem>>
      %dma_start3A_66 = tpu.memref_squeeze %dma_start3A_65 : memref<1x128xi32, #tpu.memory_space<vmem>> -> memref<128xi32, #tpu.memory_space<vmem>>
      %dma_start3A_67 = arith.constant 0 : i32
      %dma_start3A_68 = arith.constant 0 : i32
      %dma_start3A_69 = tpu.memref_slice %arg2[%dma_start3A_67, %dma_start3A_68] : memref<10000x128xf32, #tpu.memory_space<hbm>> -> memref<10000x128xf32, #tpu.memory_space<hbm>>
      tpu.enqueue_indirect_dma source(%dma_start3A_69 : memref<10000x128xf32, #tpu.memory_space<hbm>>) target(%arg8 : memref<128x128xf32, #tpu.memory_space<vmem>>) offsets(%dma_start3A_66 : memref<128xi32, #tpu.memory_space<vmem>>) semaphore(%arg11 : memref<!tpu.dma_semaphore, #tpu.memory_space<semaphore_mem>>)
      %run_scoped3A_70 = arith.constant 1 : i32
      "tpu.region"() ({
        %run_scoped3A_155 = tpu.sem_alloc : memref<!tpu.dma_semaphore, #tpu.memory_space<semaphore_mem>>
        %dma_start3A_156 = arith.constant 0 : i32
        %dma_start3A_157 = tpu.memref_slice %arg7[%run_scoped3A_70, %dma_start3A_156] : memref<8x128xi32, #tpu.memory_space<vmem>> -> memref<1x128xi32, #tpu.memory_space<vmem>>
        %dma_start3A_158 = tpu.memref_squeeze %dma_start3A_157 : memref<1x128xi32, #tpu.memory_space<vmem>> -> memref<128xi32, #tpu.memory_space<vmem>>
        %dma_start3A_159 = arith.constant 0 : i32
        %dma_start3A_160 = arith.constant 0 : i32
        %dma_start3A_161 = tpu.memref_slice %arg10[%dma_start3A_159, %dma_start3A_160] : memref<10240x128xf32, #tpu.memory_space<vmem_shared>> -> memref<10240x128xf32, #tpu.memory_space<vmem_shared>>
        tpu.enqueue_indirect_dma source(%arg9 : memref<128x128xf32, #tpu.memory_space<vmem>>) target(%dma_start3A_161 : memref<10240x128xf32, #tpu.memory_space<vmem_shared>>) offsets(%dma_start3A_158 : memref<128xi32, #tpu.memory_space<vmem>>) semaphore(%run_scoped3A_155 : memref<!tpu.dma_semaphore, #tpu.memory_space<semaphore_mem>>) {add = true}
        %dma_wait3A_162 = arith.constant 0 : i32
        %dma_wait3A_163 = tpu.memref_slice %arg7[%run_scoped3A_70, %dma_wait3A_162] : memref<8x128xi32, #tpu.memory_space<vmem>> -> memref<1x128xi32, #tpu.memory_space<vmem>>
        %dma_wait3A_164 = tpu.memref_squeeze %dma_wait3A_163 : memref<1x128xi32, #tpu.memory_space<vmem>> -> memref<128xi32, #tpu.memory_space<vmem>>
        %dma_wait3A_165 = arith.constant 0 : i32
        %dma_wait3A_166 = arith.constant 0 : i32
        %dma_wait3A_167 = tpu.memref_slice %arg10[%dma_wait3A_165, %dma_wait3A_166] : memref<10240x128xf32, #tpu.memory_space<vmem_shared>> -> memref<10240x128xf32, #tpu.memory_space<vmem_shared>>
        tpu.wait_indirect_dma semaphore(%run_scoped3A_155 : memref<!tpu.dma_semaphore, #tpu.memory_space<semaphore_mem>>) src(%arg9 : memref<128x128xf32, #tpu.memory_space<vmem>>) dst(%dma_wait3A_167 : memref<10240x128xf32, #tpu.memory_space<vmem_shared>>)
        tpu.yield
      }) : () -> ()
      %dma_wait3A_71 = arith.constant 2 : i32
      %dma_wait3A_72 = arith.constant 0 : i32
      %dma_wait3A_73 = tpu.memref_slice %arg6[%dma_wait3A_71, %dma_wait3A_72] : memref<8x128xi32, #tpu.memory_space<vmem>> -> memref<1x128xi32, #tpu.memory_space<vmem>>
      %dma_wait3A_74 = tpu.memref_squeeze %dma_wait3A_73 : memref<1x128xi32, #tpu.memory_space<vmem>> -> memref<128xi32, #tpu.memory_space<vmem>>
      %dma_wait3A_75 = arith.constant 0 : i32
      %dma_wait3A_76 = arith.constant 0 : i32
      %dma_wait3A_77 = tpu.memref_slice %arg2[%dma_wait3A_75, %dma_wait3A_76] : memref<10000x128xf32, #tpu.memory_space<hbm>> -> memref<10000x128xf32, #tpu.memory_space<hbm>>
      tpu.wait_indirect_dma semaphore(%arg11 : memref<!tpu.dma_semaphore, #tpu.memory_space<semaphore_mem>>) src(%dma_wait3A_77 : memref<10000x128xf32, #tpu.memory_space<hbm>>) dst(%arg8 : memref<128x128xf32, #tpu.memory_space<vmem>>)
      %dma_start3A_78 = arith.constant 3 : i32
      %dma_start3A_79 = arith.constant 0 : i32
      %dma_start3A_80 = tpu.memref_slice %arg6[%dma_start3A_78, %dma_start3A_79] : memref<8x128xi32, #tpu.memory_space<vmem>> -> memref<1x128xi32, #tpu.memory_space<vmem>>
      %dma_start3A_81 = tpu.memref_squeeze %dma_start3A_80 : memref<1x128xi32, #tpu.memory_space<vmem>> -> memref<128xi32, #tpu.memory_space<vmem>>
      %dma_start3A_82 = arith.constant 0 : i32
      %dma_start3A_83 = arith.constant 0 : i32
      %dma_start3A_84 = tpu.memref_slice %arg2[%dma_start3A_82, %dma_start3A_83] : memref<10000x128xf32, #tpu.memory_space<hbm>> -> memref<10000x128xf32, #tpu.memory_space<hbm>>
      tpu.enqueue_indirect_dma source(%dma_start3A_84 : memref<10000x128xf32, #tpu.memory_space<hbm>>) target(%arg9 : memref<128x128xf32, #tpu.memory_space<vmem>>) offsets(%dma_start3A_81 : memref<128xi32, #tpu.memory_space<vmem>>) semaphore(%arg12 : memref<!tpu.dma_semaphore, #tpu.memory_space<semaphore_mem>>)
      %run_scoped3A_85 = arith.constant 2 : i32
      "tpu.region"() ({
        %run_scoped3A_155 = tpu.sem_alloc : memref<!tpu.dma_semaphore, #tpu.memory_space<semaphore_mem>>
        %dma_start3A_156 = arith.constant 0 : i32
        %dma_start3A_157 = tpu.memref_slice %arg7[%run_scoped3A_85, %dma_start3A_156] : memref<8x128xi32, #tpu.memory_space<vmem>> -> memref<1x128xi32, #tpu.memory_space<vmem>>
        %dma_start3A_158 = tpu.memref_squeeze %dma_start3A_157 : memref<1x128xi32, #tpu.memory_space<vmem>> -> memref<128xi32, #tpu.memory_space<vmem>>
        %dma_start3A_159 = arith.constant 0 : i32
        %dma_start3A_160 = arith.constant 0 : i32
        %dma_start3A_161 = tpu.memref_slice %arg10[%dma_start3A_159, %dma_start3A_160] : memref<10240x128xf32, #tpu.memory_space<vmem_shared>> -> memref<10240x128xf32, #tpu.memory_space<vmem_shared>>
        tpu.enqueue_indirect_dma source(%arg8 : memref<128x128xf32, #tpu.memory_space<vmem>>) target(%dma_start3A_161 : memref<10240x128xf32, #tpu.memory_space<vmem_shared>>) offsets(%dma_start3A_158 : memref<128xi32, #tpu.memory_space<vmem>>) semaphore(%run_scoped3A_155 : memref<!tpu.dma_semaphore, #tpu.memory_space<semaphore_mem>>) {add = true}
        %dma_wait3A_162 = arith.constant 0 : i32
        %dma_wait3A_163 = tpu.memref_slice %arg7[%run_scoped3A_85, %dma_wait3A_162] : memref<8x128xi32, #tpu.memory_space<vmem>> -> memref<1x128xi32, #tpu.memory_space<vmem>>
        %dma_wait3A_164 = tpu.memref_squeeze %dma_wait3A_163 : memref<1x128xi32, #tpu.memory_space<vmem>> -> memref<128xi32, #tpu.memory_space<vmem>>
        %dma_wait3A_165 = arith.constant 0 : i32
        %dma_wait3A_166 = arith.constant 0 : i32
        %dma_wait3A_167 = tpu.memref_slice %arg10[%dma_wait3A_165, %dma_wait3A_166] : memref<10240x128xf32, #tpu.memory_space<vmem_shared>> -> memref<10240x128xf32, #tpu.memory_space<vmem_shared>>
        tpu.wait_indirect_dma semaphore(%run_scoped3A_155 : memref<!tpu.dma_semaphore, #tpu.memory_space<semaphore_mem>>) src(%arg8 : memref<128x128xf32, #tpu.memory_space<vmem>>) dst(%dma_wait3A_167 : memref<10240x128xf32, #tpu.memory_space<vmem_shared>>)
        tpu.yield
      }) : () -> ()
      %dma_wait3A_86 = arith.constant 3 : i32
      %dma_wait3A_87 = arith.constant 0 : i32
      %dma_wait3A_88 = tpu.memref_slice %arg6[%dma_wait3A_86, %dma_wait3A_87] : memref<8x128xi32, #tpu.memory_space<vmem>> -> memref<1x128xi32, #tpu.memory_space<vmem>>
      %dma_wait3A_89 = tpu.memref_squeeze %dma_wait3A_88 : memref<1x128xi32, #tpu.memory_space<vmem>> -> memref<128xi32, #tpu.memory_space<vmem>>
      %dma_wait3A_90 = arith.constant 0 : i32
      %dma_wait3A_91 = arith.constant 0 : i32
      %dma_wait3A_92 = tpu.memref_slice %arg2[%dma_wait3A_90, %dma_wait3A_91] : memref<10000x128xf32, #tpu.memory_space<hbm>> -> memref<10000x128xf32, #tpu.memory_space<hbm>>
      tpu.wait_indirect_dma semaphore(%arg12 : memref<!tpu.dma_semaphore, #tpu.memory_space<semaphore_mem>>) src(%dma_wait3A_92 : memref<10000x128xf32, #tpu.memory_space<hbm>>) dst(%arg9 : memref<128x128xf32, #tpu.memory_space<vmem>>)
      %dma_start3A_93 = arith.constant 4 : i32
      %dma_start3A_94 = arith.constant 0 : i32
      %dma_start3A_95 = tpu.memref_slice %arg6[%dma_start3A_93, %dma_start3A_94] : memref<8x128xi32, #tpu.memory_space<vmem>> -> memref<1x128xi32, #tpu.memory_space<vmem>>
      %dma_start3A_96 = tpu.memref_squeeze %dma_start3A_95 : memref<1x128xi32, #tpu.memory_space<vmem>> -> memref<128xi32, #tpu.memory_space<vmem>>
      %dma_start3A_97 = arith.constant 0 : i32
      %dma_start3A_98 = arith.constant 0 : i32
      %dma_start3A_99 = tpu.memref_slice %arg2[%dma_start3A_97, %dma_start3A_98] : memref<10000x128xf32, #tpu.memory_space<hbm>> -> memref<10000x128xf32, #tpu.memory_space<hbm>>
      tpu.enqueue_indirect_dma source(%dma_start3A_99 : memref<10000x128xf32, #tpu.memory_space<hbm>>) target(%arg8 : memref<128x128xf32, #tpu.memory_space<vmem>>) offsets(%dma_start3A_96 : memref<128xi32, #tpu.memory_space<vmem>>) semaphore(%arg11 : memref<!tpu.dma_semaphore, #tpu.memory_space<semaphore_mem>>)
      %run_scoped3A_100 = arith.constant 3 : i32
      "tpu.region"() ({
        %run_scoped3A_155 = tpu.sem_alloc : memref<!tpu.dma_semaphore, #tpu.memory_space<semaphore_mem>>
        %dma_start3A_156 = arith.constant 0 : i32
        %dma_start3A_157 = tpu.memref_slice %arg7[%run_scoped3A_100, %dma_start3A_156] : memref<8x128xi32, #tpu.memory_space<vmem>> -> memref<1x128xi32, #tpu.memory_space<vmem>>
        %dma_start3A_158 = tpu.memref_squeeze %dma_start3A_157 : memref<1x128xi32, #tpu.memory_space<vmem>> -> memref<128xi32, #tpu.memory_space<vmem>>
        %dma_start3A_159 = arith.constant 0 : i32
        %dma_start3A_160 = arith.constant 0 : i32
        %dma_start3A_161 = tpu.memref_slice %arg10[%dma_start3A_159, %dma_start3A_160] : memref<10240x128xf32, #tpu.memory_space<vmem_shared>> -> memref<10240x128xf32, #tpu.memory_space<vmem_shared>>
        tpu.enqueue_indirect_dma source(%arg9 : memref<128x128xf32, #tpu.memory_space<vmem>>) target(%dma_start3A_161 : memref<10240x128xf32, #tpu.memory_space<vmem_shared>>) offsets(%dma_start3A_158 : memref<128xi32, #tpu.memory_space<vmem>>) semaphore(%run_scoped3A_155 : memref<!tpu.dma_semaphore, #tpu.memory_space<semaphore_mem>>) {add = true}
        %dma_wait3A_162 = arith.constant 0 : i32
        %dma_wait3A_163 = tpu.memref_slice %arg7[%run_scoped3A_100, %dma_wait3A_162] : memref<8x128xi32, #tpu.memory_space<vmem>> -> memref<1x128xi32, #tpu.memory_space<vmem>>
        %dma_wait3A_164 = tpu.memref_squeeze %dma_wait3A_163 : memref<1x128xi32, #tpu.memory_space<vmem>> -> memref<128xi32, #tpu.memory_space<vmem>>
        %dma_wait3A_165 = arith.constant 0 : i32
        %dma_wait3A_166 = arith.constant 0 : i32
        %dma_wait3A_167 = tpu.memref_slice %arg10[%dma_wait3A_165, %dma_wait3A_166] : memref<10240x128xf32, #tpu.memory_space<vmem_shared>> -> memref<10240x128xf32, #tpu.memory_space<vmem_shared>>
        tpu.wait_indirect_dma semaphore(%run_scoped3A_155 : memref<!tpu.dma_semaphore, #tpu.memory_space<semaphore_mem>>) src(%arg9 : memref<128x128xf32, #tpu.memory_space<vmem>>) dst(%dma_wait3A_167 : memref<10240x128xf32, #tpu.memory_space<vmem_shared>>)
        tpu.yield
      }) : () -> ()
      %dma_wait3A_101 = arith.constant 4 : i32
      %dma_wait3A_102 = arith.constant 0 : i32
      %dma_wait3A_103 = tpu.memref_slice %arg6[%dma_wait3A_101, %dma_wait3A_102] : memref<8x128xi32, #tpu.memory_space<vmem>> -> memref<1x128xi32, #tpu.memory_space<vmem>>
      %dma_wait3A_104 = tpu.memref_squeeze %dma_wait3A_103 : memref<1x128xi32, #tpu.memory_space<vmem>> -> memref<128xi32, #tpu.memory_space<vmem>>
      %dma_wait3A_105 = arith.constant 0 : i32
      %dma_wait3A_106 = arith.constant 0 : i32
      %dma_wait3A_107 = tpu.memref_slice %arg2[%dma_wait3A_105, %dma_wait3A_106] : memref<10000x128xf32, #tpu.memory_space<hbm>> -> memref<10000x128xf32, #tpu.memory_space<hbm>>
      tpu.wait_indirect_dma semaphore(%arg11 : memref<!tpu.dma_semaphore, #tpu.memory_space<semaphore_mem>>) src(%dma_wait3A_107 : memref<10000x128xf32, #tpu.memory_space<hbm>>) dst(%arg8 : memref<128x128xf32, #tpu.memory_space<vmem>>)
      %dma_start3A_108 = arith.constant 5 : i32
      %dma_start3A_109 = arith.constant 0 : i32
      %dma_start3A_110 = tpu.memref_slice %arg6[%dma_start3A_108, %dma_start3A_109] : memref<8x128xi32, #tpu.memory_space<vmem>> -> memref<1x128xi32, #tpu.memory_space<vmem>>
      %dma_start3A_111 = tpu.memref_squeeze %dma_start3A_110 : memref<1x128xi32, #tpu.memory_space<vmem>> -> memref<128xi32, #tpu.memory_space<vmem>>
      %dma_start3A_112 = arith.constant 0 : i32
      %dma_start3A_113 = arith.constant 0 : i32
      %dma_start3A_114 = tpu.memref_slice %arg2[%dma_start3A_112, %dma_start3A_113] : memref<10000x128xf32, #tpu.memory_space<hbm>> -> memref<10000x128xf32, #tpu.memory_space<hbm>>
      tpu.enqueue_indirect_dma source(%dma_start3A_114 : memref<10000x128xf32, #tpu.memory_space<hbm>>) target(%arg9 : memref<128x128xf32, #tpu.memory_space<vmem>>) offsets(%dma_start3A_111 : memref<128xi32, #tpu.memory_space<vmem>>) semaphore(%arg12 : memref<!tpu.dma_semaphore, #tpu.memory_space<semaphore_mem>>)
      %run_scoped3A_115 = arith.constant 4 : i32
      "tpu.region"() ({
        %run_scoped3A_155 = tpu.sem_alloc : memref<!tpu.dma_semaphore, #tpu.memory_space<semaphore_mem>>
        %dma_start3A_156 = arith.constant 0 : i32
        %dma_start3A_157 = tpu.memref_slice %arg7[%run_scoped3A_115, %dma_start3A_156] : memref<8x128xi32, #tpu.memory_space<vmem>> -> memref<1x128xi32, #tpu.memory_space<vmem>>
        %dma_start3A_158 = tpu.memref_squeeze %dma_start3A_157 : memref<1x128xi32, #tpu.memory_space<vmem>> -> memref<128xi32, #tpu.memory_space<vmem>>
        %dma_start3A_159 = arith.constant 0 : i32
        %dma_start3A_160 = arith.constant 0 : i32
        %dma_start3A_161 = tpu.memref_slice %arg10[%dma_start3A_159, %dma_start3A_160] : memref<10240x128xf32, #tpu.memory_space<vmem_shared>> -> memref<10240x128xf32, #tpu.memory_space<vmem_shared>>
        tpu.enqueue_indirect_dma source(%arg8 : memref<128x128xf32, #tpu.memory_space<vmem>>) target(%dma_start3A_161 : memref<10240x128xf32, #tpu.memory_space<vmem_shared>>) offsets(%dma_start3A_158 : memref<128xi32, #tpu.memory_space<vmem>>) semaphore(%run_scoped3A_155 : memref<!tpu.dma_semaphore, #tpu.memory_space<semaphore_mem>>) {add = true}
        %dma_wait3A_162 = arith.constant 0 : i32
        %dma_wait3A_163 = tpu.memref_slice %arg7[%run_scoped3A_115, %dma_wait3A_162] : memref<8x128xi32, #tpu.memory_space<vmem>> -> memref<1x128xi32, #tpu.memory_space<vmem>>
        %dma_wait3A_164 = tpu.memref_squeeze %dma_wait3A_163 : memref<1x128xi32, #tpu.memory_space<vmem>> -> memref<128xi32, #tpu.memory_space<vmem>>
        %dma_wait3A_165 = arith.constant 0 : i32
        %dma_wait3A_166 = arith.constant 0 : i32
        %dma_wait3A_167 = tpu.memref_slice %arg10[%dma_wait3A_165, %dma_wait3A_166] : memref<10240x128xf32, #tpu.memory_space<vmem_shared>> -> memref<10240x128xf32, #tpu.memory_space<vmem_shared>>
        tpu.wait_indirect_dma semaphore(%run_scoped3A_155 : memref<!tpu.dma_semaphore, #tpu.memory_space<semaphore_mem>>) src(%arg8 : memref<128x128xf32, #tpu.memory_space<vmem>>) dst(%dma_wait3A_167 : memref<10240x128xf32, #tpu.memory_space<vmem_shared>>)
        tpu.yield
      }) : () -> ()
      %dma_wait3A_116 = arith.constant 5 : i32
      %dma_wait3A_117 = arith.constant 0 : i32
      %dma_wait3A_118 = tpu.memref_slice %arg6[%dma_wait3A_116, %dma_wait3A_117] : memref<8x128xi32, #tpu.memory_space<vmem>> -> memref<1x128xi32, #tpu.memory_space<vmem>>
      %dma_wait3A_119 = tpu.memref_squeeze %dma_wait3A_118 : memref<1x128xi32, #tpu.memory_space<vmem>> -> memref<128xi32, #tpu.memory_space<vmem>>
      %dma_wait3A_120 = arith.constant 0 : i32
      %dma_wait3A_121 = arith.constant 0 : i32
      %dma_wait3A_122 = tpu.memref_slice %arg2[%dma_wait3A_120, %dma_wait3A_121] : memref<10000x128xf32, #tpu.memory_space<hbm>> -> memref<10000x128xf32, #tpu.memory_space<hbm>>
      tpu.wait_indirect_dma semaphore(%arg12 : memref<!tpu.dma_semaphore, #tpu.memory_space<semaphore_mem>>) src(%dma_wait3A_122 : memref<10000x128xf32, #tpu.memory_space<hbm>>) dst(%arg9 : memref<128x128xf32, #tpu.memory_space<vmem>>)
      %dma_start3A_123 = arith.constant 6 : i32
      %dma_start3A_124 = arith.constant 0 : i32
      %dma_start3A_125 = tpu.memref_slice %arg6[%dma_start3A_123, %dma_start3A_124] : memref<8x128xi32, #tpu.memory_space<vmem>> -> memref<1x128xi32, #tpu.memory_space<vmem>>
      %dma_start3A_126 = tpu.memref_squeeze %dma_start3A_125 : memref<1x128xi32, #tpu.memory_space<vmem>> -> memref<128xi32, #tpu.memory_space<vmem>>
      %dma_start3A_127 = arith.constant 0 : i32
      %dma_start3A_128 = arith.constant 0 : i32
      %dma_start3A_129 = tpu.memref_slice %arg2[%dma_start3A_127, %dma_start3A_128] : memref<10000x128xf32, #tpu.memory_space<hbm>> -> memref<10000x128xf32, #tpu.memory_space<hbm>>
      tpu.enqueue_indirect_dma source(%dma_start3A_129 : memref<10000x128xf32, #tpu.memory_space<hbm>>) target(%arg8 : memref<128x128xf32, #tpu.memory_space<vmem>>) offsets(%dma_start3A_126 : memref<128xi32, #tpu.memory_space<vmem>>) semaphore(%arg11 : memref<!tpu.dma_semaphore, #tpu.memory_space<semaphore_mem>>)
      %run_scoped3A_130 = arith.constant 5 : i32
      "tpu.region"() ({
        %run_scoped3A_155 = tpu.sem_alloc : memref<!tpu.dma_semaphore, #tpu.memory_space<semaphore_mem>>
        %dma_start3A_156 = arith.constant 0 : i32
        %dma_start3A_157 = tpu.memref_slice %arg7[%run_scoped3A_130, %dma_start3A_156] : memref<8x128xi32, #tpu.memory_space<vmem>> -> memref<1x128xi32, #tpu.memory_space<vmem>>
        %dma_start3A_158 = tpu.memref_squeeze %dma_start3A_157 : memref<1x128xi32, #tpu.memory_space<vmem>> -> memref<128xi32, #tpu.memory_space<vmem>>
        %dma_start3A_159 = arith.constant 0 : i32
        %dma_start3A_160 = arith.constant 0 : i32
        %dma_start3A_161 = tpu.memref_slice %arg10[%dma_start3A_159, %dma_start3A_160] : memref<10240x128xf32, #tpu.memory_space<vmem_shared>> -> memref<10240x128xf32, #tpu.memory_space<vmem_shared>>
        tpu.enqueue_indirect_dma source(%arg9 : memref<128x128xf32, #tpu.memory_space<vmem>>) target(%dma_start3A_161 : memref<10240x128xf32, #tpu.memory_space<vmem_shared>>) offsets(%dma_start3A_158 : memref<128xi32, #tpu.memory_space<vmem>>) semaphore(%run_scoped3A_155 : memref<!tpu.dma_semaphore, #tpu.memory_space<semaphore_mem>>) {add = true}
        %dma_wait3A_162 = arith.constant 0 : i32
        %dma_wait3A_163 = tpu.memref_slice %arg7[%run_scoped3A_130, %dma_wait3A_162] : memref<8x128xi32, #tpu.memory_space<vmem>> -> memref<1x128xi32, #tpu.memory_space<vmem>>
        %dma_wait3A_164 = tpu.memref_squeeze %dma_wait3A_163 : memref<1x128xi32, #tpu.memory_space<vmem>> -> memref<128xi32, #tpu.memory_space<vmem>>
        %dma_wait3A_165 = arith.constant 0 : i32
        %dma_wait3A_166 = arith.constant 0 : i32
        %dma_wait3A_167 = tpu.memref_slice %arg10[%dma_wait3A_165, %dma_wait3A_166] : memref<10240x128xf32, #tpu.memory_space<vmem_shared>> -> memref<10240x128xf32, #tpu.memory_space<vmem_shared>>
        tpu.wait_indirect_dma semaphore(%run_scoped3A_155 : memref<!tpu.dma_semaphore, #tpu.memory_space<semaphore_mem>>) src(%arg9 : memref<128x128xf32, #tpu.memory_space<vmem>>) dst(%dma_wait3A_167 : memref<10240x128xf32, #tpu.memory_space<vmem_shared>>)
        tpu.yield
      }) : () -> ()
      %dma_wait3A_131 = arith.constant 6 : i32
      %dma_wait3A_132 = arith.constant 0 : i32
      %dma_wait3A_133 = tpu.memref_slice %arg6[%dma_wait3A_131, %dma_wait3A_132] : memref<8x128xi32, #tpu.memory_space<vmem>> -> memref<1x128xi32, #tpu.memory_space<vmem>>
      %dma_wait3A_134 = tpu.memref_squeeze %dma_wait3A_133 : memref<1x128xi32, #tpu.memory_space<vmem>> -> memref<128xi32, #tpu.memory_space<vmem>>
      %dma_wait3A_135 = arith.constant 0 : i32
      %dma_wait3A_136 = arith.constant 0 : i32
      %dma_wait3A_137 = tpu.memref_slice %arg2[%dma_wait3A_135, %dma_wait3A_136] : memref<10000x128xf32, #tpu.memory_space<hbm>> -> memref<10000x128xf32, #tpu.memory_space<hbm>>
      tpu.wait_indirect_dma semaphore(%arg11 : memref<!tpu.dma_semaphore, #tpu.memory_space<semaphore_mem>>) src(%dma_wait3A_137 : memref<10000x128xf32, #tpu.memory_space<hbm>>) dst(%arg8 : memref<128x128xf32, #tpu.memory_space<vmem>>)
      %dma_start3A_138 = arith.constant 7 : i32
      %dma_start3A_139 = arith.constant 0 : i32
      %dma_start3A_140 = tpu.memref_slice %arg6[%dma_start3A_138, %dma_start3A_139] : memref<8x128xi32, #tpu.memory_space<vmem>> -> memref<1x128xi32, #tpu.memory_space<vmem>>
      %dma_start3A_141 = tpu.memref_squeeze %dma_start3A_140 : memref<1x128xi32, #tpu.memory_space<vmem>> -> memref<128xi32, #tpu.memory_space<vmem>>
      %dma_start3A_142 = arith.constant 0 : i32
      %dma_start3A_143 = arith.constant 0 : i32
      %dma_start3A_144 = tpu.memref_slice %arg2[%dma_start3A_142, %dma_start3A_143] : memref<10000x128xf32, #tpu.memory_space<hbm>> -> memref<10000x128xf32, #tpu.memory_space<hbm>>
      tpu.enqueue_indirect_dma source(%dma_start3A_144 : memref<10000x128xf32, #tpu.memory_space<hbm>>) target(%arg9 : memref<128x128xf32, #tpu.memory_space<vmem>>) offsets(%dma_start3A_141 : memref<128xi32, #tpu.memory_space<vmem>>) semaphore(%arg12 : memref<!tpu.dma_semaphore, #tpu.memory_space<semaphore_mem>>)
      %run_scoped3A_145 = arith.constant 6 : i32
      "tpu.region"() ({
        %run_scoped3A_155 = tpu.sem_alloc : memref<!tpu.dma_semaphore, #tpu.memory_space<semaphore_mem>>
        %dma_start3A_156 = arith.constant 0 : i32
        %dma_start3A_157 = tpu.memref_slice %arg7[%run_scoped3A_145, %dma_start3A_156] : memref<8x128xi32, #tpu.memory_space<vmem>> -> memref<1x128xi32, #tpu.memory_space<vmem>>
        %dma_start3A_158 = tpu.memref_squeeze %dma_start3A_157 : memref<1x128xi32, #tpu.memory_space<vmem>> -> memref<128xi32, #tpu.memory_space<vmem>>
        %dma_start3A_159 = arith.constant 0 : i32
        %dma_start3A_160 = arith.constant 0 : i32
        %dma_start3A_161 = tpu.memref_slice %arg10[%dma_start3A_159, %dma_start3A_160] : memref<10240x128xf32, #tpu.memory_space<vmem_shared>> -> memref<10240x128xf32, #tpu.memory_space<vmem_shared>>
        tpu.enqueue_indirect_dma source(%arg8 : memref<128x128xf32, #tpu.memory_space<vmem>>) target(%dma_start3A_161 : memref<10240x128xf32, #tpu.memory_space<vmem_shared>>) offsets(%dma_start3A_158 : memref<128xi32, #tpu.memory_space<vmem>>) semaphore(%run_scoped3A_155 : memref<!tpu.dma_semaphore, #tpu.memory_space<semaphore_mem>>) {add = true}
        %dma_wait3A_162 = arith.constant 0 : i32
        %dma_wait3A_163 = tpu.memref_slice %arg7[%run_scoped3A_145, %dma_wait3A_162] : memref<8x128xi32, #tpu.memory_space<vmem>> -> memref<1x128xi32, #tpu.memory_space<vmem>>
        %dma_wait3A_164 = tpu.memref_squeeze %dma_wait3A_163 : memref<1x128xi32, #tpu.memory_space<vmem>> -> memref<128xi32, #tpu.memory_space<vmem>>
        %dma_wait3A_165 = arith.constant 0 : i32
        %dma_wait3A_166 = arith.constant 0 : i32
        %dma_wait3A_167 = tpu.memref_slice %arg10[%dma_wait3A_165, %dma_wait3A_166] : memref<10240x128xf32, #tpu.memory_space<vmem_shared>> -> memref<10240x128xf32, #tpu.memory_space<vmem_shared>>
        tpu.wait_indirect_dma semaphore(%run_scoped3A_155 : memref<!tpu.dma_semaphore, #tpu.memory_space<semaphore_mem>>) src(%arg8 : memref<128x128xf32, #tpu.memory_space<vmem>>) dst(%dma_wait3A_167 : memref<10240x128xf32, #tpu.memory_space<vmem_shared>>)
        tpu.yield
      }) : () -> ()
      %dma_wait3A_146 = arith.constant 7 : i32
      %dma_wait3A_147 = arith.constant 0 : i32
      %dma_wait3A_148 = tpu.memref_slice %arg6[%dma_wait3A_146, %dma_wait3A_147] : memref<8x128xi32, #tpu.memory_space<vmem>> -> memref<1x128xi32, #tpu.memory_space<vmem>>
      %dma_wait3A_149 = tpu.memref_squeeze %dma_wait3A_148 : memref<1x128xi32, #tpu.memory_space<vmem>> -> memref<128xi32, #tpu.memory_space<vmem>>
      %dma_wait3A_150 = arith.constant 0 : i32
      %dma_wait3A_151 = arith.constant 0 : i32
      %dma_wait3A_152 = tpu.memref_slice %arg2[%dma_wait3A_150, %dma_wait3A_151] : memref<10000x128xf32, #tpu.memory_space<hbm>> -> memref<10000x128xf32, #tpu.memory_space<hbm>>
      tpu.wait_indirect_dma semaphore(%arg12 : memref<!tpu.dma_semaphore, #tpu.memory_space<semaphore_mem>>) src(%dma_wait3A_152 : memref<10000x128xf32, #tpu.memory_space<hbm>>) dst(%arg9 : memref<128x128xf32, #tpu.memory_space<vmem>>)
      %run_scoped3A_153 = arith.constant 7 : i32
      "tpu.region"() ({
        %run_scoped3A_155 = tpu.sem_alloc : memref<!tpu.dma_semaphore, #tpu.memory_space<semaphore_mem>>
        %dma_start3A_156 = arith.constant 0 : i32
        %dma_start3A_157 = tpu.memref_slice %arg7[%run_scoped3A_153, %dma_start3A_156] : memref<8x128xi32, #tpu.memory_space<vmem>> -> memref<1x128xi32, #tpu.memory_space<vmem>>
        %dma_start3A_158 = tpu.memref_squeeze %dma_start3A_157 : memref<1x128xi32, #tpu.memory_space<vmem>> -> memref<128xi32, #tpu.memory_space<vmem>>
        %dma_start3A_159 = arith.constant 0 : i32
        %dma_start3A_160 = arith.constant 0 : i32
        %dma_start3A_161 = tpu.memref_slice %arg10[%dma_start3A_159, %dma_start3A_160] : memref<10240x128xf32, #tpu.memory_space<vmem_shared>> -> memref<10240x128xf32, #tpu.memory_space<vmem_shared>>
        tpu.enqueue_indirect_dma source(%arg9 : memref<128x128xf32, #tpu.memory_space<vmem>>) target(%dma_start3A_161 : memref<10240x128xf32, #tpu.memory_space<vmem_shared>>) offsets(%dma_start3A_158 : memref<128xi32, #tpu.memory_space<vmem>>) semaphore(%run_scoped3A_155 : memref<!tpu.dma_semaphore, #tpu.memory_space<semaphore_mem>>) {add = true}
        %dma_wait3A_162 = arith.constant 0 : i32
        %dma_wait3A_163 = tpu.memref_slice %arg7[%run_scoped3A_153, %dma_wait3A_162] : memref<8x128xi32, #tpu.memory_space<vmem>> -> memref<1x128xi32, #tpu.memory_space<vmem>>
        %dma_wait3A_164 = tpu.memref_squeeze %dma_wait3A_163 : memref<1x128xi32, #tpu.memory_space<vmem>> -> memref<128xi32, #tpu.memory_space<vmem>>
        %dma_wait3A_165 = arith.constant 0 : i32
        %dma_wait3A_166 = arith.constant 0 : i32
        %dma_wait3A_167 = tpu.memref_slice %arg10[%dma_wait3A_165, %dma_wait3A_166] : memref<10240x128xf32, #tpu.memory_space<vmem_shared>> -> memref<10240x128xf32, #tpu.memory_space<vmem_shared>>
        tpu.wait_indirect_dma semaphore(%run_scoped3A_155 : memref<!tpu.dma_semaphore, #tpu.memory_space<semaphore_mem>>) src(%arg9 : memref<128x128xf32, #tpu.memory_space<vmem>>) dst(%dma_wait3A_167 : memref<10240x128xf32, #tpu.memory_space<vmem_shared>>)
        tpu.yield
      }) : () -> ()
      %while3A_154 = arith.constant 0 : i32
      scf.yield %while3A_154 : i32
    }
    %while3A_30 = arith.constant 1 : i32
    %while3A_31 = scf.for %while3A_33 = %while3A_27 to %while3A_23 step %while3A_30 iter_args(%while3A_34 = %while3A_29) -> (i32)  : i32 {
      %mul3A_35 = arith.constant 8 : i32
      %mul3A_36 = arith.muli %while3A_33, %mul3A_35 : i32
      "tpu.region"() ({
        %run_scoped3A_155 = tpu.sem_alloc : memref<!tpu.dma_semaphore, #tpu.memory_space<semaphore_mem>>
        %dma_start3A_156 = arith.constant 0 : i32
        %dma_start3A_157 = tpu.memref_slice %arg3[%add3A, %mul3A_36, %dma_start3A_156] : memref<32x120x128xi32, #tpu.memory_space<hbm>> -> memref<1x8x128xi32, #tpu.memory_space<hbm>>
        %dma_start3A_158 = tpu.memref_squeeze %dma_start3A_157 : memref<1x8x128xi32, #tpu.memory_space<hbm>> -> memref<8x128xi32, #tpu.memory_space<hbm>>
        %dma_start3A_159 = arith.constant 0 : i32
        %dma_start3A_160 = tpu.memref_slice %arg3[%add3A, %mul3A_36, %dma_start3A_159] : memref<32x120x128xi32, #tpu.memory_space<hbm>> -> memref<1x8x128xi32, #tpu.memory_space<hbm>>
        %dma_start3A_161 = tpu.memref_squeeze %dma_start3A_160 : memref<1x8x128xi32, #tpu.memory_space<hbm>> -> memref<8x128xi32, #tpu.memory_space<hbm>>
        tpu.enqueue_dma source(%dma_start3A_161 : memref<8x128xi32, #tpu.memory_space<hbm>>) target(%arg6 : memref<8x128xi32, #tpu.memory_space<vmem>>) target_semaphore(%run_scoped3A_155 : memref<!tpu.dma_semaphore, #tpu.memory_space<semaphore_mem>>)
        %dma_wait3A_162 = arith.constant 0 : i32
        %dma_wait3A_163 = tpu.memref_slice %arg3[%add3A, %mul3A_36, %dma_wait3A_162] : memref<32x120x128xi32, #tpu.memory_space<hbm>> -> memref<1x8x128xi32, #tpu.memory_space<hbm>>
        %dma_wait3A_164 = tpu.memref_squeeze %dma_wait3A_163 : memref<1x8x128xi32, #tpu.memory_space<hbm>> -> memref<8x128xi32, #tpu.memory_space<hbm>>
        %dma_wait3A_165 = arith.constant 0 : i32
        %dma_wait3A_166 = tpu.memref_slice %arg3[%add3A, %mul3A_36, %dma_wait3A_165] : memref<32x120x128xi32, #tpu.memory_space<hbm>> -> memref<1x8x128xi32, #tpu.memory_space<hbm>>
        %dma_wait3A_167 = tpu.memref_squeeze %dma_wait3A_166 : memref<1x8x128xi32, #tpu.memory_space<hbm>> -> memref<8x128xi32, #tpu.memory_space<hbm>>
        tpu.wait_dma2 semaphore(%run_scoped3A_155 : memref<!tpu.dma_semaphore, #tpu.memory_space<semaphore_mem>>) src(%dma_wait3A_167 : memref<8x128xi32, #tpu.memory_space<hbm>>) dst(%arg6 : memref<8x128xi32, #tpu.memory_space<vmem>>)
        tpu.yield
      }) : () -> ()
      "tpu.region"() ({
        %run_scoped3A_155 = tpu.sem_alloc : memref<!tpu.dma_semaphore, #tpu.memory_space<semaphore_mem>>
        %dma_start3A_156 = arith.constant 0 : i32
        %dma_start3A_157 = tpu.memref_slice %arg4[%add3A, %mul3A_36, %dma_start3A_156] : memref<32x120x128xi32, #tpu.memory_space<hbm>> -> memref<1x8x128xi32, #tpu.memory_space<hbm>>
        %dma_start3A_158 = tpu.memref_squeeze %dma_start3A_157 : memref<1x8x128xi32, #tpu.memory_space<hbm>> -> memref<8x128xi32, #tpu.memory_space<hbm>>
        %dma_start3A_159 = arith.constant 0 : i32
        %dma_start3A_160 = tpu.memref_slice %arg4[%add3A, %mul3A_36, %dma_start3A_159] : memref<32x120x128xi32, #tpu.memory_space<hbm>> -> memref<1x8x128xi32, #tpu.memory_space<hbm>>
        %dma_start3A_161 = tpu.memref_squeeze %dma_start3A_160 : memref<1x8x128xi32, #tpu.memory_space<hbm>> -> memref<8x128xi32, #tpu.memory_space<hbm>>
        tpu.enqueue_dma source(%dma_start3A_161 : memref<8x128xi32, #tpu.memory_space<hbm>>) target(%arg7 : memref<8x128xi32, #tpu.memory_space<vmem>>) target_semaphore(%run_scoped3A_155 : memref<!tpu.dma_semaphore, #tpu.memory_space<semaphore_mem>>)
        %dma_wait3A_162 = arith.constant 0 : i32
        %dma_wait3A_163 = tpu.memref_slice %arg4[%add3A, %mul3A_36, %dma_wait3A_162] : memref<32x120x128xi32, #tpu.memory_space<hbm>> -> memref<1x8x128xi32, #tpu.memory_space<hbm>>
        %dma_wait3A_164 = tpu.memref_squeeze %dma_wait3A_163 : memref<1x8x128xi32, #tpu.memory_space<hbm>> -> memref<8x128xi32, #tpu.memory_space<hbm>>
        %dma_wait3A_165 = arith.constant 0 : i32
        %dma_wait3A_166 = tpu.memref_slice %arg4[%add3A, %mul3A_36, %dma_wait3A_165] : memref<32x120x128xi32, #tpu.memory_space<hbm>> -> memref<1x8x128xi32, #tpu.memory_space<hbm>>
        %dma_wait3A_167 = tpu.memref_squeeze %dma_wait3A_166 : memref<1x8x128xi32, #tpu.memory_space<hbm>> -> memref<8x128xi32, #tpu.memory_space<hbm>>
        tpu.wait_dma2 semaphore(%run_scoped3A_155 : memref<!tpu.dma_semaphore, #tpu.memory_space<semaphore_mem>>) src(%dma_wait3A_167 : memref<8x128xi32, #tpu.memory_space<hbm>>) dst(%arg7 : memref<8x128xi32, #tpu.memory_space<vmem>>)
        tpu.yield
      }) : () -> ()
      %dma_start3A = arith.constant 0 : i32
      %dma_start3A_37 = arith.constant 0 : i32
      %dma_start3A_38 = tpu.memref_slice %arg6[%dma_start3A, %dma_start3A_37] : memref<8x128xi32, #tpu.memory_space<vmem>> -> memref<1x128xi32, #tpu.memory_space<vmem>>
      %dma_start3A_39 = tpu.memref_squeeze %dma_start3A_38 : memref<1x128xi32, #tpu.memory_space<vmem>> -> memref<128xi32, #tpu.memory_space<vmem>>
      %dma_start3A_40 = arith.constant 0 : i32
      %dma_start3A_41 = arith.constant 0 : i32
      %dma_start3A_42 = tpu.memref_slice %arg2[%dma_start3A_40, %dma_start3A_41] : memref<10000x128xf32, #tpu.memory_space<hbm>> -> memref<10000x128xf32, #tpu.memory_space<hbm>>
      tpu.enqueue_indirect_dma source(%dma_start3A_42 : memref<10000x128xf32, #tpu.memory_space<hbm>>) target(%arg8 : memref<128x128xf32, #tpu.memory_space<vmem>>) offsets(%dma_start3A_39 : memref<128xi32, #tpu.memory_space<vmem>>) semaphore(%arg11 : memref<!tpu.dma_semaphore, #tpu.memory_space<semaphore_mem>>)
      %dma_wait3A = arith.constant 0 : i32
      %dma_wait3A_43 = arith.constant 0 : i32
      %dma_wait3A_44 = tpu.memref_slice %arg6[%dma_wait3A, %dma_wait3A_43] : memref<8x128xi32, #tpu.memory_space<vmem>> -> memref<1x128xi32, #tpu.memory_space<vmem>>
      %dma_wait3A_45 = tpu.memref_squeeze %dma_wait3A_44 : memref<1x128xi32, #tpu.memory_space<vmem>> -> memref<128xi32, #tpu.memory_space<vmem>>
      %dma_wait3A_46 = arith.constant 0 : i32
      %dma_wait3A_47 = arith.constant 0 : i32
      %dma_wait3A_48 = tpu.memref_slice %arg2[%dma_wait3A_46, %dma_wait3A_47] : memref<10000x128xf32, #tpu.memory_space<hbm>> -> memref<10000x128xf32, #tpu.memory_space<hbm>>
      tpu.wait_indirect_dma semaphore(%arg11 : memref<!tpu.dma_semaphore, #tpu.memory_space<semaphore_mem>>) src(%dma_wait3A_48 : memref<10000x128xf32, #tpu.memory_space<hbm>>) dst(%arg8 : memref<128x128xf32, #tpu.memory_space<vmem>>)
      %dma_start3A_49 = arith.constant 1 : i32
      %dma_start3A_50 = arith.constant 0 : i32
      %dma_start3A_51 = tpu.memref_slice %arg6[%dma_start3A_49, %dma_start3A_50] : memref<8x128xi32, #tpu.memory_space<vmem>> -> memref<1x128xi32, #tpu.memory_space<vmem>>
      %dma_start3A_52 = tpu.memref_squeeze %dma_start3A_51 : memref<1x128xi32, #tpu.memory_space<vmem>> -> memref<128xi32, #tpu.memory_space<vmem>>
      %dma_start3A_53 = arith.constant 0 : i32
      %dma_start3A_54 = arith.constant 0 : i32
      %dma_start3A_55 = tpu.memref_slice %arg2[%dma_start3A_53, %dma_start3A_54] : memref<10000x128xf32, #tpu.memory_space<hbm>> -> memref<10000x128xf32, #tpu.memory_space<hbm>>
      tpu.enqueue_indirect_dma source(%dma_start3A_55 : memref<10000x128xf32, #tpu.memory_space<hbm>>) target(%arg9 : memref<128x128xf32, #tpu.memory_space<vmem>>) offsets(%dma_start3A_52 : memref<128xi32, #tpu.memory_space<vmem>>) semaphore(%arg12 : memref<!tpu.dma_semaphore, #tpu.memory_space<semaphore_mem>>)
      %run_scoped3A = arith.constant 0 : i32
      "tpu.region"() ({
        %run_scoped3A_155 = tpu.sem_alloc : memref<!tpu.dma_semaphore, #tpu.memory_space<semaphore_mem>>
        %dma_start3A_156 = arith.constant 0 : i32
        %dma_start3A_157 = tpu.memref_slice %arg7[%run_scoped3A, %dma_start3A_156] : memref<8x128xi32, #tpu.memory_space<vmem>> -> memref<1x128xi32, #tpu.memory_space<vmem>>
        %dma_start3A_158 = tpu.memref_squeeze %dma_start3A_157 : memref<1x128xi32, #tpu.memory_space<vmem>> -> memref<128xi32, #tpu.memory_space<vmem>>
        %dma_start3A_159 = arith.constant 0 : i32
        %dma_start3A_160 = arith.constant 0 : i32
        %dma_start3A_161 = tpu.memref_slice %arg10[%dma_start3A_159, %dma_start3A_160] : memref<10240x128xf32, #tpu.memory_space<vmem_shared>> -> memref<10240x128xf32, #tpu.memory_space<vmem_shared>>
        tpu.enqueue_indirect_dma source(%arg8 : memref<128x128xf32, #tpu.memory_space<vmem>>) target(%dma_start3A_161 : memref<10240x128xf32, #tpu.memory_space<vmem_shared>>) offsets(%dma_start3A_158 : memref<128xi32, #tpu.memory_space<vmem>>) semaphore(%run_scoped3A_155 : memref<!tpu.dma_semaphore, #tpu.memory_space<semaphore_mem>>) {add = true}
        %dma_wait3A_162 = arith.constant 0 : i32
        %dma_wait3A_163 = tpu.memref_slice %arg7[%run_scoped3A, %dma_wait3A_162] : memref<8x128xi32, #tpu.memory_space<vmem>> -> memref<1x128xi32, #tpu.memory_space<vmem>>
        %dma_wait3A_164 = tpu.memref_squeeze %dma_wait3A_163 : memref<1x128xi32, #tpu.memory_space<vmem>> -> memref<128xi32, #tpu.memory_space<vmem>>
        %dma_wait3A_165 = arith.constant 0 : i32
        %dma_wait3A_166 = arith.constant 0 : i32
        %dma_wait3A_167 = tpu.memref_slice %arg10[%dma_wait3A_165, %dma_wait3A_166] : memref<10240x128xf32, #tpu.memory_space<vmem_shared>> -> memref<10240x128xf32, #tpu.memory_space<vmem_shared>>
        tpu.wait_indirect_dma semaphore(%run_scoped3A_155 : memref<!tpu.dma_semaphore, #tpu.memory_space<semaphore_mem>>) src(%arg8 : memref<128x128xf32, #tpu.memory_space<vmem>>) dst(%dma_wait3A_167 : memref<10240x128xf32, #tpu.memory_space<vmem_shared>>)
        tpu.yield
      }) : () -> ()
      %dma_wait3A_56 = arith.constant 1 : i32
      %dma_wait3A_57 = arith.constant 0 : i32
      %dma_wait3A_58 = tpu.memref_slice %arg6[%dma_wait3A_56, %dma_wait3A_57] : memref<8x128xi32, #tpu.memory_space<vmem>> -> memref<1x128xi32, #tpu.memory_space<vmem>>
      %dma_wait3A_59 = tpu.memref_squeeze %dma_wait3A_58 : memref<1x128xi32, #tpu.memory_space<vmem>> -> memref<128xi32, #tpu.memory_space<vmem>>
      %dma_wait3A_60 = arith.constant 0 : i32
      %dma_wait3A_61 = arith.constant 0 : i32
      %dma_wait3A_62 = tpu.memref_slice %arg2[%dma_wait3A_60, %dma_wait3A_61] : memref<10000x128xf32, #tpu.memory_space<hbm>> -> memref<10000x128xf32, #tpu.memory_space<hbm>>
      tpu.wait_indirect_dma semaphore(%arg12 : memref<!tpu.dma_semaphore, #tpu.memory_space<semaphore_mem>>) src(%dma_wait3A_62 : memref<10000x128xf32, #tpu.memory_space<hbm>>) dst(%arg9 : memref<128x128xf32, #tpu.memory_space<vmem>>)
      %dma_start3A_63 = arith.constant 2 : i32
      %dma_start3A_64 = arith.constant 0 : i32
      %dma_start3A_65 = tpu.memref_slice %arg6[%dma_start3A_63, %dma_start3A_64] : memref<8x128xi32, #tpu.memory_space<vmem>> -> memref<1x128xi32, #tpu.memory_space<vmem>>
      %dma_start3A_66 = tpu.memref_squeeze %dma_start3A_65 : memref<1x128xi32, #tpu.memory_space<vmem>> -> memref<128xi32, #tpu.memory_space<vmem>>
      %dma_start3A_67 = arith.constant 0 : i32
      %dma_start3A_68 = arith.constant 0 : i32
      %dma_start3A_69 = tpu.memref_slice %arg2[%dma_start3A_67, %dma_start3A_68] : memref<10000x128xf32, #tpu.memory_space<hbm>> -> memref<10000x128xf32, #tpu.memory_space<hbm>>
      tpu.enqueue_indirect_dma source(%dma_start3A_69 : memref<10000x128xf32, #tpu.memory_space<hbm>>) target(%arg8 : memref<128x128xf32, #tpu.memory_space<vmem>>) offsets(%dma_start3A_66 : memref<128xi32, #tpu.memory_space<vmem>>) semaphore(%arg11 : memref<!tpu.dma_semaphore, #tpu.memory_space<semaphore_mem>>)
      %run_scoped3A_70 = arith.constant 1 : i32
      "tpu.region"() ({
        %run_scoped3A_155 = tpu.sem_alloc : memref<!tpu.dma_semaphore, #tpu.memory_space<semaphore_mem>>
        %dma_start3A_156 = arith.constant 0 : i32
        %dma_start3A_157 = tpu.memref_slice %arg7[%run_scoped3A_70, %dma_start3A_156] : memref<8x128xi32, #tpu.memory_space<vmem>> -> memref<1x128xi32, #tpu.memory_space<vmem>>
        %dma_start3A_158 = tpu.memref_squeeze %dma_start3A_157 : memref<1x128xi32, #tpu.memory_space<vmem>> -> memref<128xi32, #tpu.memory_space<vmem>>
        %dma_start3A_159 = arith.constant 0 : i32
        %dma_start3A_160 = arith.constant 0 : i32
        %dma_start3A_161 = tpu.memref_slice %arg10[%dma_start3A_159, %dma_start3A_160] : memref<10240x128xf32, #tpu.memory_space<vmem_shared>> -> memref<10240x128xf32, #tpu.memory_space<vmem_shared>>
        tpu.enqueue_indirect_dma source(%arg9 : memref<128x128xf32, #tpu.memory_space<vmem>>) target(%dma_start3A_161 : memref<10240x128xf32, #tpu.memory_space<vmem_shared>>) offsets(%dma_start3A_158 : memref<128xi32, #tpu.memory_space<vmem>>) semaphore(%run_scoped3A_155 : memref<!tpu.dma_semaphore, #tpu.memory_space<semaphore_mem>>) {add = true}
        %dma_wait3A_162 = arith.constant 0 : i32
        %dma_wait3A_163 = tpu.memref_slice %arg7[%run_scoped3A_70, %dma_wait3A_162] : memref<8x128xi32, #tpu.memory_space<vmem>> -> memref<1x128xi32, #tpu.memory_space<vmem>>
        %dma_wait3A_164 = tpu.memref_squeeze %dma_wait3A_163 : memref<1x128xi32, #tpu.memory_space<vmem>> -> memref<128xi32, #tpu.memory_space<vmem>>
        %dma_wait3A_165 = arith.constant 0 : i32
        %dma_wait3A_166 = arith.constant 0 : i32
        %dma_wait3A_167 = tpu.memref_slice %arg10[%dma_wait3A_165, %dma_wait3A_166] : memref<10240x128xf32, #tpu.memory_space<vmem_shared>> -> memref<10240x128xf32, #tpu.memory_space<vmem_shared>>
        tpu.wait_indirect_dma semaphore(%run_scoped3A_155 : memref<!tpu.dma_semaphore, #tpu.memory_space<semaphore_mem>>) src(%arg9 : memref<128x128xf32, #tpu.memory_space<vmem>>) dst(%dma_wait3A_167 : memref<10240x128xf32, #tpu.memory_space<vmem_shared>>)
        tpu.yield
      }) : () -> ()
      %dma_wait3A_71 = arith.constant 2 : i32
      %dma_wait3A_72 = arith.constant 0 : i32
      %dma_wait3A_73 = tpu.memref_slice %arg6[%dma_wait3A_71, %dma_wait3A_72] : memref<8x128xi32, #tpu.memory_space<vmem>> -> memref<1x128xi32, #tpu.memory_space<vmem>>
      %dma_wait3A_74 = tpu.memref_squeeze %dma_wait3A_73 : memref<1x128xi32, #tpu.memory_space<vmem>> -> memref<128xi32, #tpu.memory_space<vmem>>
      %dma_wait3A_75 = arith.constant 0 : i32
      %dma_wait3A_76 = arith.constant 0 : i32
      %dma_wait3A_77 = tpu.memref_slice %arg2[%dma_wait3A_75, %dma_wait3A_76] : memref<10000x128xf32, #tpu.memory_space<hbm>> -> memref<10000x128xf32, #tpu.memory_space<hbm>>
      tpu.wait_indirect_dma semaphore(%arg11 : memref<!tpu.dma_semaphore, #tpu.memory_space<semaphore_mem>>) src(%dma_wait3A_77 : memref<10000x128xf32, #tpu.memory_space<hbm>>) dst(%arg8 : memref<128x128xf32, #tpu.memory_space<vmem>>)
      %dma_start3A_78 = arith.constant 3 : i32
      %dma_start3A_79 = arith.constant 0 : i32
      %dma_start3A_80 = tpu.memref_slice %arg6[%dma_start3A_78, %dma_start3A_79] : memref<8x128xi32, #tpu.memory_space<vmem>> -> memref<1x128xi32, #tpu.memory_space<vmem>>
      %dma_start3A_81 = tpu.memref_squeeze %dma_start3A_80 : memref<1x128xi32, #tpu.memory_space<vmem>> -> memref<128xi32, #tpu.memory_space<vmem>>
      %dma_start3A_82 = arith.constant 0 : i32
      %dma_start3A_83 = arith.constant 0 : i32
      %dma_start3A_84 = tpu.memref_slice %arg2[%dma_start3A_82, %dma_start3A_83] : memref<10000x128xf32, #tpu.memory_space<hbm>> -> memref<10000x128xf32, #tpu.memory_space<hbm>>
      tpu.enqueue_indirect_dma source(%dma_start3A_84 : memref<10000x128xf32, #tpu.memory_space<hbm>>) target(%arg9 : memref<128x128xf32, #tpu.memory_space<vmem>>) offsets(%dma_start3A_81 : memref<128xi32, #tpu.memory_space<vmem>>) semaphore(%arg12 : memref<!tpu.dma_semaphore, #tpu.memory_space<semaphore_mem>>)
      %run_scoped3A_85 = arith.constant 2 : i32
      "tpu.region"() ({
        %run_scoped3A_155 = tpu.sem_alloc : memref<!tpu.dma_semaphore, #tpu.memory_space<semaphore_mem>>
        %dma_start3A_156 = arith.constant 0 : i32
        %dma_start3A_157 = tpu.memref_slice %arg7[%run_scoped3A_85, %dma_start3A_156] : memref<8x128xi32, #tpu.memory_space<vmem>> -> memref<1x128xi32, #tpu.memory_space<vmem>>
        %dma_start3A_158 = tpu.memref_squeeze %dma_start3A_157 : memref<1x128xi32, #tpu.memory_space<vmem>> -> memref<128xi32, #tpu.memory_space<vmem>>
        %dma_start3A_159 = arith.constant 0 : i32
        %dma_start3A_160 = arith.constant 0 : i32
        %dma_start3A_161 = tpu.memref_slice %arg10[%dma_start3A_159, %dma_start3A_160] : memref<10240x128xf32, #tpu.memory_space<vmem_shared>> -> memref<10240x128xf32, #tpu.memory_space<vmem_shared>>
        tpu.enqueue_indirect_dma source(%arg8 : memref<128x128xf32, #tpu.memory_space<vmem>>) target(%dma_start3A_161 : memref<10240x128xf32, #tpu.memory_space<vmem_shared>>) offsets(%dma_start3A_158 : memref<128xi32, #tpu.memory_space<vmem>>) semaphore(%run_scoped3A_155 : memref<!tpu.dma_semaphore, #tpu.memory_space<semaphore_mem>>) {add = true}
        %dma_wait3A_162 = arith.constant 0 : i32
        %dma_wait3A_163 = tpu.memref_slice %arg7[%run_scoped3A_85, %dma_wait3A_162] : memref<8x128xi32, #tpu.memory_space<vmem>> -> memref<1x128xi32, #tpu.memory_space<vmem>>
        %dma_wait3A_164 = tpu.memref_squeeze %dma_wait3A_163 : memref<1x128xi32, #tpu.memory_space<vmem>> -> memref<128xi32, #tpu.memory_space<vmem>>
        %dma_wait3A_165 = arith.constant 0 : i32
        %dma_wait3A_166 = arith.constant 0 : i32
        %dma_wait3A_167 = tpu.memref_slice %arg10[%dma_wait3A_165, %dma_wait3A_166] : memref<10240x128xf32, #tpu.memory_space<vmem_shared>> -> memref<10240x128xf32, #tpu.memory_space<vmem_shared>>
        tpu.wait_indirect_dma semaphore(%run_scoped3A_155 : memref<!tpu.dma_semaphore, #tpu.memory_space<semaphore_mem>>) src(%arg8 : memref<128x128xf32, #tpu.memory_space<vmem>>) dst(%dma_wait3A_167 : memref<10240x128xf32, #tpu.memory_space<vmem_shared>>)
        tpu.yield
      }) : () -> ()
      %dma_wait3A_86 = arith.constant 3 : i32
      %dma_wait3A_87 = arith.constant 0 : i32
      %dma_wait3A_88 = tpu.memref_slice %arg6[%dma_wait3A_86, %dma_wait3A_87] : memref<8x128xi32, #tpu.memory_space<vmem>> -> memref<1x128xi32, #tpu.memory_space<vmem>>
      %dma_wait3A_89 = tpu.memref_squeeze %dma_wait3A_88 : memref<1x128xi32, #tpu.memory_space<vmem>> -> memref<128xi32, #tpu.memory_space<vmem>>
      %dma_wait3A_90 = arith.constant 0 : i32
      %dma_wait3A_91 = arith.constant 0 : i32
      %dma_wait3A_92 = tpu.memref_slice %arg2[%dma_wait3A_90, %dma_wait3A_91] : memref<10000x128xf32, #tpu.memory_space<hbm>> -> memref<10000x128xf32, #tpu.memory_space<hbm>>
      tpu.wait_indirect_dma semaphore(%arg12 : memref<!tpu.dma_semaphore, #tpu.memory_space<semaphore_mem>>) src(%dma_wait3A_92 : memref<10000x128xf32, #tpu.memory_space<hbm>>) dst(%arg9 : memref<128x128xf32, #tpu.memory_space<vmem>>)
      %dma_start3A_93 = arith.constant 4 : i32
      %dma_start3A_94 = arith.constant 0 : i32
      %dma_start3A_95 = tpu.memref_slice %arg6[%dma_start3A_93, %dma_start3A_94] : memref<8x128xi32, #tpu.memory_space<vmem>> -> memref<1x128xi32, #tpu.memory_space<vmem>>
      %dma_start3A_96 = tpu.memref_squeeze %dma_start3A_95 : memref<1x128xi32, #tpu.memory_space<vmem>> -> memref<128xi32, #tpu.memory_space<vmem>>
      %dma_start3A_97 = arith.constant 0 : i32
      %dma_start3A_98 = arith.constant 0 : i32
      %dma_start3A_99 = tpu.memref_slice %arg2[%dma_start3A_97, %dma_start3A_98] : memref<10000x128xf32, #tpu.memory_space<hbm>> -> memref<10000x128xf32, #tpu.memory_space<hbm>>
      tpu.enqueue_indirect_dma source(%dma_start3A_99 : memref<10000x128xf32, #tpu.memory_space<hbm>>) target(%arg8 : memref<128x128xf32, #tpu.memory_space<vmem>>) offsets(%dma_start3A_96 : memref<128xi32, #tpu.memory_space<vmem>>) semaphore(%arg11 : memref<!tpu.dma_semaphore, #tpu.memory_space<semaphore_mem>>)
      %run_scoped3A_100 = arith.constant 3 : i32
      "tpu.region"() ({
        %run_scoped3A_155 = tpu.sem_alloc : memref<!tpu.dma_semaphore, #tpu.memory_space<semaphore_mem>>
        %dma_start3A_156 = arith.constant 0 : i32
        %dma_start3A_157 = tpu.memref_slice %arg7[%run_scoped3A_100, %dma_start3A_156] : memref<8x128xi32, #tpu.memory_space<vmem>> -> memref<1x128xi32, #tpu.memory_space<vmem>>
        %dma_start3A_158 = tpu.memref_squeeze %dma_start3A_157 : memref<1x128xi32, #tpu.memory_space<vmem>> -> memref<128xi32, #tpu.memory_space<vmem>>
        %dma_start3A_159 = arith.constant 0 : i32
        %dma_start3A_160 = arith.constant 0 : i32
        %dma_start3A_161 = tpu.memref_slice %arg10[%dma_start3A_159, %dma_start3A_160] : memref<10240x128xf32, #tpu.memory_space<vmem_shared>> -> memref<10240x128xf32, #tpu.memory_space<vmem_shared>>
        tpu.enqueue_indirect_dma source(%arg9 : memref<128x128xf32, #tpu.memory_space<vmem>>) target(%dma_start3A_161 : memref<10240x128xf32, #tpu.memory_space<vmem_shared>>) offsets(%dma_start3A_158 : memref<128xi32, #tpu.memory_space<vmem>>) semaphore(%run_scoped3A_155 : memref<!tpu.dma_semaphore, #tpu.memory_space<semaphore_mem>>) {add = true}
        %dma_wait3A_162 = arith.constant 0 : i32
        %dma_wait3A_163 = tpu.memref_slice %arg7[%run_scoped3A_100, %dma_wait3A_162] : memref<8x128xi32, #tpu.memory_space<vmem>> -> memref<1x128xi32, #tpu.memory_space<vmem>>
        %dma_wait3A_164 = tpu.memref_squeeze %dma_wait3A_163 : memref<1x128xi32, #tpu.memory_space<vmem>> -> memref<128xi32, #tpu.memory_space<vmem>>
        %dma_wait3A_165 = arith.constant 0 : i32
        %dma_wait3A_166 = arith.constant 0 : i32
        %dma_wait3A_167 = tpu.memref_slice %arg10[%dma_wait3A_165, %dma_wait3A_166] : memref<10240x128xf32, #tpu.memory_space<vmem_shared>> -> memref<10240x128xf32, #tpu.memory_space<vmem_shared>>
        tpu.wait_indirect_dma semaphore(%run_scoped3A_155 : memref<!tpu.dma_semaphore, #tpu.memory_space<semaphore_mem>>) src(%arg9 : memref<128x128xf32, #tpu.memory_space<vmem>>) dst(%dma_wait3A_167 : memref<10240x128xf32, #tpu.memory_space<vmem_shared>>)
        tpu.yield
      }) : () -> ()
      %dma_wait3A_101 = arith.constant 4 : i32
      %dma_wait3A_102 = arith.constant 0 : i32
      %dma_wait3A_103 = tpu.memref_slice %arg6[%dma_wait3A_101, %dma_wait3A_102] : memref<8x128xi32, #tpu.memory_space<vmem>> -> memref<1x128xi32, #tpu.memory_space<vmem>>
      %dma_wait3A_104 = tpu.memref_squeeze %dma_wait3A_103 : memref<1x128xi32, #tpu.memory_space<vmem>> -> memref<128xi32, #tpu.memory_space<vmem>>
      %dma_wait3A_105 = arith.constant 0 : i32
      %dma_wait3A_106 = arith.constant 0 : i32
      %dma_wait3A_107 = tpu.memref_slice %arg2[%dma_wait3A_105, %dma_wait3A_106] : memref<10000x128xf32, #tpu.memory_space<hbm>> -> memref<10000x128xf32, #tpu.memory_space<hbm>>
      tpu.wait_indirect_dma semaphore(%arg11 : memref<!tpu.dma_semaphore, #tpu.memory_space<semaphore_mem>>) src(%dma_wait3A_107 : memref<10000x128xf32, #tpu.memory_space<hbm>>) dst(%arg8 : memref<128x128xf32, #tpu.memory_space<vmem>>)
      %dma_start3A_108 = arith.constant 5 : i32
      %dma_start3A_109 = arith.constant 0 : i32
      %dma_start3A_110 = tpu.memref_slice %arg6[%dma_start3A_108, %dma_start3A_109] : memref<8x128xi32, #tpu.memory_space<vmem>> -> memref<1x128xi32, #tpu.memory_space<vmem>>
      %dma_start3A_111 = tpu.memref_squeeze %dma_start3A_110 : memref<1x128xi32, #tpu.memory_space<vmem>> -> memref<128xi32, #tpu.memory_space<vmem>>
      %dma_start3A_112 = arith.constant 0 : i32
      %dma_start3A_113 = arith.constant 0 : i32
      %dma_start3A_114 = tpu.memref_slice %arg2[%dma_start3A_112, %dma_start3A_113] : memref<10000x128xf32, #tpu.memory_space<hbm>> -> memref<10000x128xf32, #tpu.memory_space<hbm>>
      tpu.enqueue_indirect_dma source(%dma_start3A_114 : memref<10000x128xf32, #tpu.memory_space<hbm>>) target(%arg9 : memref<128x128xf32, #tpu.memory_space<vmem>>) offsets(%dma_start3A_111 : memref<128xi32, #tpu.memory_space<vmem>>) semaphore(%arg12 : memref<!tpu.dma_semaphore, #tpu.memory_space<semaphore_mem>>)
      %run_scoped3A_115 = arith.constant 4 : i32
      "tpu.region"() ({
        %run_scoped3A_155 = tpu.sem_alloc : memref<!tpu.dma_semaphore, #tpu.memory_space<semaphore_mem>>
        %dma_start3A_156 = arith.constant 0 : i32
        %dma_start3A_157 = tpu.memref_slice %arg7[%run_scoped3A_115, %dma_start3A_156] : memref<8x128xi32, #tpu.memory_space<vmem>> -> memref<1x128xi32, #tpu.memory_space<vmem>>
        %dma_start3A_158 = tpu.memref_squeeze %dma_start3A_157 : memref<1x128xi32, #tpu.memory_space<vmem>> -> memref<128xi32, #tpu.memory_space<vmem>>
        %dma_start3A_159 = arith.constant 0 : i32
        %dma_start3A_160 = arith.constant 0 : i32
        %dma_start3A_161 = tpu.memref_slice %arg10[%dma_start3A_159, %dma_start3A_160] : memref<10240x128xf32, #tpu.memory_space<vmem_shared>> -> memref<10240x128xf32, #tpu.memory_space<vmem_shared>>
        tpu.enqueue_indirect_dma source(%arg8 : memref<128x128xf32, #tpu.memory_space<vmem>>) target(%dma_start3A_161 : memref<10240x128xf32, #tpu.memory_space<vmem_shared>>) offsets(%dma_start3A_158 : memref<128xi32, #tpu.memory_space<vmem>>) semaphore(%run_scoped3A_155 : memref<!tpu.dma_semaphore, #tpu.memory_space<semaphore_mem>>) {add = true}
        %dma_wait3A_162 = arith.constant 0 : i32
        %dma_wait3A_163 = tpu.memref_slice %arg7[%run_scoped3A_115, %dma_wait3A_162] : memref<8x128xi32, #tpu.memory_space<vmem>> -> memref<1x128xi32, #tpu.memory_space<vmem>>
        %dma_wait3A_164 = tpu.memref_squeeze %dma_wait3A_163 : memref<1x128xi32, #tpu.memory_space<vmem>> -> memref<128xi32, #tpu.memory_space<vmem>>
        %dma_wait3A_165 = arith.constant 0 : i32
        %dma_wait3A_166 = arith.constant 0 : i32
        %dma_wait3A_167 = tpu.memref_slice %arg10[%dma_wait3A_165, %dma_wait3A_166] : memref<10240x128xf32, #tpu.memory_space<vmem_shared>> -> memref<10240x128xf32, #tpu.memory_space<vmem_shared>>
        tpu.wait_indirect_dma semaphore(%run_scoped3A_155 : memref<!tpu.dma_semaphore, #tpu.memory_space<semaphore_mem>>) src(%arg8 : memref<128x128xf32, #tpu.memory_space<vmem>>) dst(%dma_wait3A_167 : memref<10240x128xf32, #tpu.memory_space<vmem_shared>>)
        tpu.yield
      }) : () -> ()
      %dma_wait3A_116 = arith.constant 5 : i32
      %dma_wait3A_117 = arith.constant 0 : i32
      %dma_wait3A_118 = tpu.memref_slice %arg6[%dma_wait3A_116, %dma_wait3A_117] : memref<8x128xi32, #tpu.memory_space<vmem>> -> memref<1x128xi32, #tpu.memory_space<vmem>>
      %dma_wait3A_119 = tpu.memref_squeeze %dma_wait3A_118 : memref<1x128xi32, #tpu.memory_space<vmem>> -> memref<128xi32, #tpu.memory_space<vmem>>
      %dma_wait3A_120 = arith.constant 0 : i32
      %dma_wait3A_121 = arith.constant 0 : i32
      %dma_wait3A_122 = tpu.memref_slice %arg2[%dma_wait3A_120, %dma_wait3A_121] : memref<10000x128xf32, #tpu.memory_space<hbm>> -> memref<10000x128xf32, #tpu.memory_space<hbm>>
      tpu.wait_indirect_dma semaphore(%arg12 : memref<!tpu.dma_semaphore, #tpu.memory_space<semaphore_mem>>) src(%dma_wait3A_122 : memref<10000x128xf32, #tpu.memory_space<hbm>>) dst(%arg9 : memref<128x128xf32, #tpu.memory_space<vmem>>)
      %dma_start3A_123 = arith.constant 6 : i32
      %dma_start3A_124 = arith.constant 0 : i32
      %dma_start3A_125 = tpu.memref_slice %arg6[%dma_start3A_123, %dma_start3A_124] : memref<8x128xi32, #tpu.memory_space<vmem>> -> memref<1x128xi32, #tpu.memory_space<vmem>>
      %dma_start3A_126 = tpu.memref_squeeze %dma_start3A_125 : memref<1x128xi32, #tpu.memory_space<vmem>> -> memref<128xi32, #tpu.memory_space<vmem>>
      %dma_start3A_127 = arith.constant 0 : i32
      %dma_start3A_128 = arith.constant 0 : i32
      %dma_start3A_129 = tpu.memref_slice %arg2[%dma_start3A_127, %dma_start3A_128] : memref<10000x128xf32, #tpu.memory_space<hbm>> -> memref<10000x128xf32, #tpu.memory_space<hbm>>
      tpu.enqueue_indirect_dma source(%dma_start3A_129 : memref<10000x128xf32, #tpu.memory_space<hbm>>) target(%arg8 : memref<128x128xf32, #tpu.memory_space<vmem>>) offsets(%dma_start3A_126 : memref<128xi32, #tpu.memory_space<vmem>>) semaphore(%arg11 : memref<!tpu.dma_semaphore, #tpu.memory_space<semaphore_mem>>)
      %run_scoped3A_130 = arith.constant 5 : i32
      "tpu.region"() ({
        %run_scoped3A_155 = tpu.sem_alloc : memref<!tpu.dma_semaphore, #tpu.memory_space<semaphore_mem>>
        %dma_start3A_156 = arith.constant 0 : i32
        %dma_start3A_157 = tpu.memref_slice %arg7[%run_scoped3A_130, %dma_start3A_156] : memref<8x128xi32, #tpu.memory_space<vmem>> -> memref<1x128xi32, #tpu.memory_space<vmem>>
        %dma_start3A_158 = tpu.memref_squeeze %dma_start3A_157 : memref<1x128xi32, #tpu.memory_space<vmem>> -> memref<128xi32, #tpu.memory_space<vmem>>
        %dma_start3A_159 = arith.constant 0 : i32
        %dma_start3A_160 = arith.constant 0 : i32
        %dma_start3A_161 = tpu.memref_slice %arg10[%dma_start3A_159, %dma_start3A_160] : memref<10240x128xf32, #tpu.memory_space<vmem_shared>> -> memref<10240x128xf32, #tpu.memory_space<vmem_shared>>
        tpu.enqueue_indirect_dma source(%arg9 : memref<128x128xf32, #tpu.memory_space<vmem>>) target(%dma_start3A_161 : memref<10240x128xf32, #tpu.memory_space<vmem_shared>>) offsets(%dma_start3A_158 : memref<128xi32, #tpu.memory_space<vmem>>) semaphore(%run_scoped3A_155 : memref<!tpu.dma_semaphore, #tpu.memory_space<semaphore_mem>>) {add = true}
        %dma_wait3A_162 = arith.constant 0 : i32
        %dma_wait3A_163 = tpu.memref_slice %arg7[%run_scoped3A_130, %dma_wait3A_162] : memref<8x128xi32, #tpu.memory_space<vmem>> -> memref<1x128xi32, #tpu.memory_space<vmem>>
        %dma_wait3A_164 = tpu.memref_squeeze %dma_wait3A_163 : memref<1x128xi32, #tpu.memory_space<vmem>> -> memref<128xi32, #tpu.memory_space<vmem>>
        %dma_wait3A_165 = arith.constant 0 : i32
        %dma_wait3A_166 = arith.constant 0 : i32
        %dma_wait3A_167 = tpu.memref_slice %arg10[%dma_wait3A_165, %dma_wait3A_166] : memref<10240x128xf32, #tpu.memory_space<vmem_shared>> -> memref<10240x128xf32, #tpu.memory_space<vmem_shared>>
        tpu.wait_indirect_dma semaphore(%run_scoped3A_155 : memref<!tpu.dma_semaphore, #tpu.memory_space<semaphore_mem>>) src(%arg9 : memref<128x128xf32, #tpu.memory_space<vmem>>) dst(%dma_wait3A_167 : memref<10240x128xf32, #tpu.memory_space<vmem_shared>>)
        tpu.yield
      }) : () -> ()
      %dma_wait3A_131 = arith.constant 6 : i32
      %dma_wait3A_132 = arith.constant 0 : i32
      %dma_wait3A_133 = tpu.memref_slice %arg6[%dma_wait3A_131, %dma_wait3A_132] : memref<8x128xi32, #tpu.memory_space<vmem>> -> memref<1x128xi32, #tpu.memory_space<vmem>>
      %dma_wait3A_134 = tpu.memref_squeeze %dma_wait3A_133 : memref<1x128xi32, #tpu.memory_space<vmem>> -> memref<128xi32, #tpu.memory_space<vmem>>
      %dma_wait3A_135 = arith.constant 0 : i32
      %dma_wait3A_136 = arith.constant 0 : i32
      %dma_wait3A_137 = tpu.memref_slice %arg2[%dma_wait3A_135, %dma_wait3A_136] : memref<10000x128xf32, #tpu.memory_space<hbm>> -> memref<10000x128xf32, #tpu.memory_space<hbm>>
      tpu.wait_indirect_dma semaphore(%arg11 : memref<!tpu.dma_semaphore, #tpu.memory_space<semaphore_mem>>) src(%dma_wait3A_137 : memref<10000x128xf32, #tpu.memory_space<hbm>>) dst(%arg8 : memref<128x128xf32, #tpu.memory_space<vmem>>)
      %dma_start3A_138 = arith.constant 7 : i32
      %dma_start3A_139 = arith.constant 0 : i32
      %dma_start3A_140 = tpu.memref_slice %arg6[%dma_start3A_138, %dma_start3A_139] : memref<8x128xi32, #tpu.memory_space<vmem>> -> memref<1x128xi32, #tpu.memory_space<vmem>>
      %dma_start3A_141 = tpu.memref_squeeze %dma_start3A_140 : memref<1x128xi32, #tpu.memory_space<vmem>> -> memref<128xi32, #tpu.memory_space<vmem>>
      %dma_start3A_142 = arith.constant 0 : i32
      %dma_start3A_143 = arith.constant 0 : i32
      %dma_start3A_144 = tpu.memref_slice %arg2[%dma_start3A_142, %dma_start3A_143] : memref<10000x128xf32, #tpu.memory_space<hbm>> -> memref<10000x128xf32, #tpu.memory_space<hbm>>
      tpu.enqueue_indirect_dma source(%dma_start3A_144 : memref<10000x128xf32, #tpu.memory_space<hbm>>) target(%arg9 : memref<128x128xf32, #tpu.memory_space<vmem>>) offsets(%dma_start3A_141 : memref<128xi32, #tpu.memory_space<vmem>>) semaphore(%arg12 : memref<!tpu.dma_semaphore, #tpu.memory_space<semaphore_mem>>)
      %run_scoped3A_145 = arith.constant 6 : i32
      "tpu.region"() ({
        %run_scoped3A_155 = tpu.sem_alloc : memref<!tpu.dma_semaphore, #tpu.memory_space<semaphore_mem>>
        %dma_start3A_156 = arith.constant 0 : i32
        %dma_start3A_157 = tpu.memref_slice %arg7[%run_scoped3A_145, %dma_start3A_156] : memref<8x128xi32, #tpu.memory_space<vmem>> -> memref<1x128xi32, #tpu.memory_space<vmem>>
        %dma_start3A_158 = tpu.memref_squeeze %dma_start3A_157 : memref<1x128xi32, #tpu.memory_space<vmem>> -> memref<128xi32, #tpu.memory_space<vmem>>
        %dma_start3A_159 = arith.constant 0 : i32
        %dma_start3A_160 = arith.constant 0 : i32
        %dma_start3A_161 = tpu.memref_slice %arg10[%dma_start3A_159, %dma_start3A_160] : memref<10240x128xf32, #tpu.memory_space<vmem_shared>> -> memref<10240x128xf32, #tpu.memory_space<vmem_shared>>
        tpu.enqueue_indirect_dma source(%arg8 : memref<128x128xf32, #tpu.memory_space<vmem>>) target(%dma_start3A_161 : memref<10240x128xf32, #tpu.memory_space<vmem_shared>>) offsets(%dma_start3A_158 : memref<128xi32, #tpu.memory_space<vmem>>) semaphore(%run_scoped3A_155 : memref<!tpu.dma_semaphore, #tpu.memory_space<semaphore_mem>>) {add = true}
        %dma_wait3A_162 = arith.constant 0 : i32
        %dma_wait3A_163 = tpu.memref_slice %arg7[%run_scoped3A_145, %dma_wait3A_162] : memref<8x128xi32, #tpu.memory_space<vmem>> -> memref<1x128xi32, #tpu.memory_space<vmem>>
        %dma_wait3A_164 = tpu.memref_squeeze %dma_wait3A_163 : memref<1x128xi32, #tpu.memory_space<vmem>> -> memref<128xi32, #tpu.memory_space<vmem>>
        %dma_wait3A_165 = arith.constant 0 : i32
        %dma_wait3A_166 = arith.constant 0 : i32
        %dma_wait3A_167 = tpu.memref_slice %arg10[%dma_wait3A_165, %dma_wait3A_166] : memref<10240x128xf32, #tpu.memory_space<vmem_shared>> -> memref<10240x128xf32, #tpu.memory_space<vmem_shared>>
        tpu.wait_indirect_dma semaphore(%run_scoped3A_155 : memref<!tpu.dma_semaphore, #tpu.memory_space<semaphore_mem>>) src(%arg8 : memref<128x128xf32, #tpu.memory_space<vmem>>) dst(%dma_wait3A_167 : memref<10240x128xf32, #tpu.memory_space<vmem_shared>>)
        tpu.yield
      }) : () -> ()
      %dma_wait3A_146 = arith.constant 7 : i32
      %dma_wait3A_147 = arith.constant 0 : i32
      %dma_wait3A_148 = tpu.memref_slice %arg6[%dma_wait3A_146, %dma_wait3A_147] : memref<8x128xi32, #tpu.memory_space<vmem>> -> memref<1x128xi32, #tpu.memory_space<vmem>>
      %dma_wait3A_149 = tpu.memref_squeeze %dma_wait3A_148 : memref<1x128xi32, #tpu.memory_space<vmem>> -> memref<128xi32, #tpu.memory_space<vmem>>
      %dma_wait3A_150 = arith.constant 0 : i32
      %dma_wait3A_151 = arith.constant 0 : i32
      %dma_wait3A_152 = tpu.memref_slice %arg2[%dma_wait3A_150, %dma_wait3A_151] : memref<10000x128xf32, #tpu.memory_space<hbm>> -> memref<10000x128xf32, #tpu.memory_space<hbm>>
      tpu.wait_indirect_dma semaphore(%arg12 : memref<!tpu.dma_semaphore, #tpu.memory_space<semaphore_mem>>) src(%dma_wait3A_152 : memref<10000x128xf32, #tpu.memory_space<hbm>>) dst(%arg9 : memref<128x128xf32, #tpu.memory_space<vmem>>)
      %run_scoped3A_153 = arith.constant 7 : i32
      "tpu.region"() ({
        %run_scoped3A_155 = tpu.sem_alloc : memref<!tpu.dma_semaphore, #tpu.memory_space<semaphore_mem>>
        %dma_start3A_156 = arith.constant 0 : i32
        %dma_start3A_157 = tpu.memref_slice %arg7[%run_scoped3A_153, %dma_start3A_156] : memref<8x128xi32, #tpu.memory_space<vmem>> -> memref<1x128xi32, #tpu.memory_space<vmem>>
        %dma_start3A_158 = tpu.memref_squeeze %dma_start3A_157 : memref<1x128xi32, #tpu.memory_space<vmem>> -> memref<128xi32, #tpu.memory_space<vmem>>
        %dma_start3A_159 = arith.constant 0 : i32
        %dma_start3A_160 = arith.constant 0 : i32
        %dma_start3A_161 = tpu.memref_slice %arg10[%dma_start3A_159, %dma_start3A_160] : memref<10240x128xf32, #tpu.memory_space<vmem_shared>> -> memref<10240x128xf32, #tpu.memory_space<vmem_shared>>
        tpu.enqueue_indirect_dma source(%arg9 : memref<128x128xf32, #tpu.memory_space<vmem>>) target(%dma_start3A_161 : memref<10240x128xf32, #tpu.memory_space<vmem_shared>>) offsets(%dma_start3A_158 : memref<128xi32, #tpu.memory_space<vmem>>) semaphore(%run_scoped3A_155 : memref<!tpu.dma_semaphore, #tpu.memory_space<semaphore_mem>>) {add = true}
        %dma_wait3A_162 = arith.constant 0 : i32
        %dma_wait3A_163 = tpu.memref_slice %arg7[%run_scoped3A_153, %dma_wait3A_162] : memref<8x128xi32, #tpu.memory_space<vmem>> -> memref<1x128xi32, #tpu.memory_space<vmem>>
        %dma_wait3A_164 = tpu.memref_squeeze %dma_wait3A_163 : memref<1x128xi32, #tpu.memory_space<vmem>> -> memref<128xi32, #tpu.memory_space<vmem>>
        %dma_wait3A_165 = arith.constant 0 : i32
        %dma_wait3A_166 = arith.constant 0 : i32
        %dma_wait3A_167 = tpu.memref_slice %arg10[%dma_wait3A_165, %dma_wait3A_166] : memref<10240x128xf32, #tpu.memory_space<vmem_shared>> -> memref<10240x128xf32, #tpu.memory_space<vmem_shared>>
        tpu.wait_indirect_dma semaphore(%run_scoped3A_155 : memref<!tpu.dma_semaphore, #tpu.memory_space<semaphore_mem>>) src(%arg9 : memref<128x128xf32, #tpu.memory_space<vmem>>) dst(%dma_wait3A_167 : memref<10240x128xf32, #tpu.memory_space<vmem_shared>>)
        tpu.yield
      }) : () -> ()
      %while3A_154 = arith.constant 0 : i32
      scf.yield %while3A_154 : i32
    }
    %barrier3A_32 = arith.constant 0 : index
    tpu.barrier barrier_id(%barrier3A_32)
    "tpu.region"() ({
      %run_scoped3A = tpu.sem_alloc : memref<!tpu.dma_semaphore, #tpu.memory_space<semaphore_mem>>
      %dma_start3A = arith.constant 0 : i32
      %dma_start3A_33 = tpu.memref_slice %arg5[%arg0, %mul3A_2, %dma_start3A] : memref<2x10240x128xf32, #tpu.memory_space<hbm>> -> memref<1x640x128xf32, #tpu.memory_space<hbm>>
      %dma_start3A_34 = tpu.memref_squeeze %dma_start3A_33 : memref<1x640x128xf32, #tpu.memory_space<hbm>> -> memref<640x128xf32, #tpu.memory_space<hbm>>
      %dma_start3A_35 = arith.constant 0 : i32
      %dma_start3A_36 = tpu.memref_slice %arg10[%mul3A_2, %dma_start3A_35] : memref<10240x128xf32, #tpu.memory_space<vmem_shared>> -> memref<640x128xf32, #tpu.memory_space<vmem_shared>>
      tpu.enqueue_dma source(%dma_start3A_36 : memref<640x128xf32, #tpu.memory_space<vmem_shared>>) target(%dma_start3A_34 : memref<640x128xf32, #tpu.memory_space<hbm>>) target_semaphore(%run_scoped3A : memref<!tpu.dma_semaphore, #tpu.memory_space<semaphore_mem>>)
      %dma_wait3A = arith.constant 0 : i32
      %dma_wait3A_37 = tpu.memref_slice %arg5[%arg0, %mul3A_2, %dma_wait3A] : memref<2x10240x128xf32, #tpu.memory_space<hbm>> -> memref<1x640x128xf32, #tpu.memory_space<hbm>>
      %dma_wait3A_38 = tpu.memref_squeeze %dma_wait3A_37 : memref<1x640x128xf32, #tpu.memory_space<hbm>> -> memref<640x128xf32, #tpu.memory_space<hbm>>
      %dma_wait3A_39 = arith.constant 0 : i32
      %dma_wait3A_40 = tpu.memref_slice %arg10[%mul3A_2, %dma_wait3A_39] : memref<10240x128xf32, #tpu.memory_space<vmem_shared>> -> memref<640x128xf32, #tpu.memory_space<vmem_shared>>
      tpu.wait_dma2 semaphore(%run_scoped3A : memref<!tpu.dma_semaphore, #tpu.memory_space<semaphore_mem>>) src(%dma_wait3A_40 : memref<640x128xf32, #tpu.memory_space<vmem_shared>>) dst(%dma_wait3A_38 : memref<640x128xf32, #tpu.memory_space<hbm>>)
      tpu.yield
    }) : () -> ()
    return
  }
}

#map = affine_map<(d0, d1) -> (0, 0, 0)>
module attributes {stable_mosaic.version = 14 : i64} {
  func.func @_hist_body(%arg0: i32, %arg1: i32, %arg2: memref<32x120x128xi32, #tpu.memory_space<hbm>>, %arg3: memref<2x10240x128xf32, #tpu.memory_space<hbm>>, %arg4: memref<8x128xi32, #tpu.memory_space<vmem>>, %arg5: memref<128x128xf32, #tpu.memory_space<vmem>>, %arg6: memref<10240x128xf32, #tpu.memory_space<vmem_shared>>) attributes {dimension_semantics = [#tpu.dimension_semantics<core_parallel>, #tpu.dimension_semantics<subcore_parallel>], iteration_bounds = array<i64: 2, 16>, scalar_prefetch = 0 : i64, scratch_operands = 3 : i64, tpu.core_type = #tpu.core_type<sc_vector_subcore>, window_params = [{transform_indices = #map}, {transform_indices = #map}]} {
    %mul3A = arith.constant 16 : i32
    %mul3A_0 = arith.muli %arg0, %mul3A : i32
    %add3A = arith.addi %mul3A_0, %arg1 : i32
    %mul3A_1 = arith.constant 640 : i32
    %mul3A_2 = arith.muli %arg1, %mul3A_1 : i32
    %eq3A = arith.constant 0 : i32
    %eq3A_3 = arith.cmpi eq, %arg0, %eq3A : i32
    %jit3A = arith.constant 15 : i32
    %jit3A_4 = arith.constant 5 : i32
    %select_n3A = arith.select %eq3A_3, %jit3A, %jit3A_4 : i32
    %scan3A = arith.constant 0 : i32
    %scan3A_5 = arith.constant 0 : i32
    %scan3A_6 = arith.constant 128 : i32
    %scan3A_7 = arith.addi %scan3A_5, %scan3A_6 : i32
    %scan3A_8 = arith.constant 1 : i32
    %scan3A_9 = scf.for %scan3A_40 = %scan3A_5 to %scan3A_7 step %scan3A_8 iter_args(%scan3A_41 = %scan3A) -> (i32)  : i32 {
      %broadcast_in_dim3A = arith.constant 0.000000e+00 : f32
      %broadcast_in_dim3A_42 = vector.broadcast %broadcast_in_dim3A : f32 to vector<16xf32>
      %swap3A = arith.index_cast %scan3A_40 : i32 to index
      %swap3A_43 = arith.constant 0 : index
      %swap3A_44 = tpu.vector_load %arg5[%swap3A, %swap3A_43] {strides = array<i32>} : memref<128x128xf32, #tpu.memory_space<vmem>>, vector<1x16xf32>,
      %swap3A_45 = vector.shape_cast %swap3A_44 : vector<1x16xf32> to vector<16xf32>
      %swap3A_46 = vector.shape_cast %broadcast_in_dim3A_42 : vector<16xf32> to vector<1x16xf32>
      tpu.vector_store %arg5[%swap3A, %swap3A_43], %swap3A_46 {strides = array<i32>} : memref<128x128xf32, #tpu.memory_space<vmem>>, vector<1x16xf32>,
      %broadcast_in_dim3A_47 = arith.constant 0.000000e+00 : f32
      %broadcast_in_dim3A_48 = vector.broadcast %broadcast_in_dim3A_47 : f32 to vector<16xf32>
      %swap3A_49 = arith.index_cast %scan3A_40 : i32 to index
      %swap3A_50 = arith.constant 16 : index
      %swap3A_51 = tpu.vector_load %arg5[%swap3A_49, %swap3A_50] {strides = array<i32>} : memref<128x128xf32, #tpu.memory_space<vmem>>, vector<1x16xf32>,
      %swap3A_52 = vector.shape_cast %swap3A_51 : vector<1x16xf32> to vector<16xf32>
      %swap3A_53 = vector.shape_cast %broadcast_in_dim3A_48 : vector<16xf32> to vector<1x16xf32>
      tpu.vector_store %arg5[%swap3A_49, %swap3A_50], %swap3A_53 {strides = array<i32>} : memref<128x128xf32, #tpu.memory_space<vmem>>, vector<1x16xf32>,
      %broadcast_in_dim3A_54 = arith.constant 0.000000e+00 : f32
      %broadcast_in_dim3A_55 = vector.broadcast %broadcast_in_dim3A_54 : f32 to vector<16xf32>
      %swap3A_56 = arith.index_cast %scan3A_40 : i32 to index
      %swap3A_57 = arith.constant 32 : index
      %swap3A_58 = tpu.vector_load %arg5[%swap3A_56, %swap3A_57] {strides = array<i32>} : memref<128x128xf32, #tpu.memory_space<vmem>>, vector<1x16xf32>,
      %swap3A_59 = vector.shape_cast %swap3A_58 : vector<1x16xf32> to vector<16xf32>
      %swap3A_60 = vector.shape_cast %broadcast_in_dim3A_55 : vector<16xf32> to vector<1x16xf32>
      tpu.vector_store %arg5[%swap3A_56, %swap3A_57], %swap3A_60 {strides = array<i32>} : memref<128x128xf32, #tpu.memory_space<vmem>>, vector<1x16xf32>,
      %broadcast_in_dim3A_61 = arith.constant 0.000000e+00 : f32
      %broadcast_in_dim3A_62 = vector.broadcast %broadcast_in_dim3A_61 : f32 to vector<16xf32>
      %swap3A_63 = arith.index_cast %scan3A_40 : i32 to index
      %swap3A_64 = arith.constant 48 : index
      %swap3A_65 = tpu.vector_load %arg5[%swap3A_63, %swap3A_64] {strides = array<i32>} : memref<128x128xf32, #tpu.memory_space<vmem>>, vector<1x16xf32>,
      %swap3A_66 = vector.shape_cast %swap3A_65 : vector<1x16xf32> to vector<16xf32>
      %swap3A_67 = vector.shape_cast %broadcast_in_dim3A_62 : vector<16xf32> to vector<1x16xf32>
      tpu.vector_store %arg5[%swap3A_63, %swap3A_64], %swap3A_67 {strides = array<i32>} : memref<128x128xf32, #tpu.memory_space<vmem>>, vector<1x16xf32>,
      %broadcast_in_dim3A_68 = arith.constant 0.000000e+00 : f32
      %broadcast_in_dim3A_69 = vector.broadcast %broadcast_in_dim3A_68 : f32 to vector<16xf32>
      %swap3A_70 = arith.index_cast %scan3A_40 : i32 to index
      %swap3A_71 = arith.constant 64 : index
      %swap3A_72 = tpu.vector_load %arg5[%swap3A_70, %swap3A_71] {strides = array<i32>} : memref<128x128xf32, #tpu.memory_space<vmem>>, vector<1x16xf32>,
      %swap3A_73 = vector.shape_cast %swap3A_72 : vector<1x16xf32> to vector<16xf32>
      %swap3A_74 = vector.shape_cast %broadcast_in_dim3A_69 : vector<16xf32> to vector<1x16xf32>
      tpu.vector_store %arg5[%swap3A_70, %swap3A_71], %swap3A_74 {strides = array<i32>} : memref<128x128xf32, #tpu.memory_space<vmem>>, vector<1x16xf32>,
      %broadcast_in_dim3A_75 = arith.constant 0.000000e+00 : f32
      %broadcast_in_dim3A_76 = vector.broadcast %broadcast_in_dim3A_75 : f32 to vector<16xf32>
      %swap3A_77 = arith.index_cast %scan3A_40 : i32 to index
      %swap3A_78 = arith.constant 80 : index
      %swap3A_79 = tpu.vector_load %arg5[%swap3A_77, %swap3A_78] {strides = array<i32>} : memref<128x128xf32, #tpu.memory_space<vmem>>, vector<1x16xf32>,
      %swap3A_80 = vector.shape_cast %swap3A_79 : vector<1x16xf32> to vector<16xf32>
      %swap3A_81 = vector.shape_cast %broadcast_in_dim3A_76 : vector<16xf32> to vector<1x16xf32>
      tpu.vector_store %arg5[%swap3A_77, %swap3A_78], %swap3A_81 {strides = array<i32>} : memref<128x128xf32, #tpu.memory_space<vmem>>, vector<1x16xf32>,
      %broadcast_in_dim3A_82 = arith.constant 0.000000e+00 : f32
      %broadcast_in_dim3A_83 = vector.broadcast %broadcast_in_dim3A_82 : f32 to vector<16xf32>
      %swap3A_84 = arith.index_cast %scan3A_40 : i32 to index
      %swap3A_85 = arith.constant 96 : index
      %swap3A_86 = tpu.vector_load %arg5[%swap3A_84, %swap3A_85] {strides = array<i32>} : memref<128x128xf32, #tpu.memory_space<vmem>>, vector<1x16xf32>,
      %swap3A_87 = vector.shape_cast %swap3A_86 : vector<1x16xf32> to vector<16xf32>
      %swap3A_88 = vector.shape_cast %broadcast_in_dim3A_83 : vector<16xf32> to vector<1x16xf32>
      tpu.vector_store %arg5[%swap3A_84, %swap3A_85], %swap3A_88 {strides = array<i32>} : memref<128x128xf32, #tpu.memory_space<vmem>>, vector<1x16xf32>,
      %broadcast_in_dim3A_89 = arith.constant 0.000000e+00 : f32
      %broadcast_in_dim3A_90 = vector.broadcast %broadcast_in_dim3A_89 : f32 to vector<16xf32>
      %swap3A_91 = arith.index_cast %scan3A_40 : i32 to index
      %swap3A_92 = arith.constant 112 : index
      %swap3A_93 = tpu.vector_load %arg5[%swap3A_91, %swap3A_92] {strides = array<i32>} : memref<128x128xf32, #tpu.memory_space<vmem>>, vector<1x16xf32>,
      %swap3A_94 = vector.shape_cast %swap3A_93 : vector<1x16xf32> to vector<16xf32>
      %swap3A_95 = vector.shape_cast %broadcast_in_dim3A_90 : vector<16xf32> to vector<1x16xf32>
      tpu.vector_store %arg5[%swap3A_91, %swap3A_92], %swap3A_95 {strides = array<i32>} : memref<128x128xf32, #tpu.memory_space<vmem>>, vector<1x16xf32>,
      %scan3A_96 = arith.constant 0 : i32
      scf.yield %scan3A_96 : i32
    }
    %scan3A_10 = arith.constant 128 : i32
    %add3A_11 = arith.constant 0 : i32
    %add3A_12 = arith.addi %mul3A_2, %add3A_11 : i32
    "tpu.region"() ({
      %run_scoped3A = tpu.sem_alloc : memref<!tpu.dma_semaphore, #tpu.memory_space<semaphore_mem>>
      %dma_start3A = arith.constant 0 : i32
      %dma_start3A_40 = tpu.memref_slice %arg6[%add3A_12, %dma_start3A] : memref<10240x128xf32, #tpu.memory_space<vmem_shared>> -> memref<128x128xf32, #tpu.memory_space<vmem_shared>>
      %dma_start3A_41 = arith.constant 0 : i32
      %dma_start3A_42 = tpu.memref_slice %arg6[%add3A_12, %dma_start3A_41] : memref<10240x128xf32, #tpu.memory_space<vmem_shared>> -> memref<128x128xf32, #tpu.memory_space<vmem_shared>>
      tpu.enqueue_dma source(%arg5 : memref<128x128xf32, #tpu.memory_space<vmem>>) target(%dma_start3A_42 : memref<128x128xf32, #tpu.memory_space<vmem_shared>>) target_semaphore(%run_scoped3A : memref<!tpu.dma_semaphore, #tpu.memory_space<semaphore_mem>>)
      %dma_wait3A = arith.constant 0 : i32
      %dma_wait3A_43 = tpu.memref_slice %arg6[%add3A_12, %dma_wait3A] : memref<10240x128xf32, #tpu.memory_space<vmem_shared>> -> memref<128x128xf32, #tpu.memory_space<vmem_shared>>
      %dma_wait3A_44 = arith.constant 0 : i32
      %dma_wait3A_45 = tpu.memref_slice %arg6[%add3A_12, %dma_wait3A_44] : memref<10240x128xf32, #tpu.memory_space<vmem_shared>> -> memref<128x128xf32, #tpu.memory_space<vmem_shared>>
      tpu.wait_dma2 semaphore(%run_scoped3A : memref<!tpu.dma_semaphore, #tpu.memory_space<semaphore_mem>>) src(%arg5 : memref<128x128xf32, #tpu.memory_space<vmem>>) dst(%dma_wait3A_45 : memref<128x128xf32, #tpu.memory_space<vmem_shared>>)
      tpu.yield
    }) : () -> ()
    %add3A_13 = arith.constant 128 : i32
    %add3A_14 = arith.addi %mul3A_2, %add3A_13 : i32
    "tpu.region"() ({
      %run_scoped3A = tpu.sem_alloc : memref<!tpu.dma_semaphore, #tpu.memory_space<semaphore_mem>>
      %dma_start3A = arith.constant 0 : i32
      %dma_start3A_40 = tpu.memref_slice %arg6[%add3A_14, %dma_start3A] : memref<10240x128xf32, #tpu.memory_space<vmem_shared>> -> memref<128x128xf32, #tpu.memory_space<vmem_shared>>
      %dma_start3A_41 = arith.constant 0 : i32
      %dma_start3A_42 = tpu.memref_slice %arg6[%add3A_14, %dma_start3A_41] : memref<10240x128xf32, #tpu.memory_space<vmem_shared>> -> memref<128x128xf32, #tpu.memory_space<vmem_shared>>
      tpu.enqueue_dma source(%arg5 : memref<128x128xf32, #tpu.memory_space<vmem>>) target(%dma_start3A_42 : memref<128x128xf32, #tpu.memory_space<vmem_shared>>) target_semaphore(%run_scoped3A : memref<!tpu.dma_semaphore, #tpu.memory_space<semaphore_mem>>)
      %dma_wait3A = arith.constant 0 : i32
      %dma_wait3A_43 = tpu.memref_slice %arg6[%add3A_14, %dma_wait3A] : memref<10240x128xf32, #tpu.memory_space<vmem_shared>> -> memref<128x128xf32, #tpu.memory_space<vmem_shared>>
      %dma_wait3A_44 = arith.constant 0 : i32
      %dma_wait3A_45 = tpu.memref_slice %arg6[%add3A_14, %dma_wait3A_44] : memref<10240x128xf32, #tpu.memory_space<vmem_shared>> -> memref<128x128xf32, #tpu.memory_space<vmem_shared>>
      tpu.wait_dma2 semaphore(%run_scoped3A : memref<!tpu.dma_semaphore, #tpu.memory_space<semaphore_mem>>) src(%arg5 : memref<128x128xf32, #tpu.memory_space<vmem>>) dst(%dma_wait3A_45 : memref<128x128xf32, #tpu.memory_space<vmem_shared>>)
      tpu.yield
    }) : () -> ()
    %add3A_15 = arith.constant 256 : i32
    %add3A_16 = arith.addi %mul3A_2, %add3A_15 : i32
    "tpu.region"() ({
      %run_scoped3A = tpu.sem_alloc : memref<!tpu.dma_semaphore, #tpu.memory_space<semaphore_mem>>
      %dma_start3A = arith.constant 0 : i32
      %dma_start3A_40 = tpu.memref_slice %arg6[%add3A_16, %dma_start3A] : memref<10240x128xf32, #tpu.memory_space<vmem_shared>> -> memref<128x128xf32, #tpu.memory_space<vmem_shared>>
      %dma_start3A_41 = arith.constant 0 : i32
      %dma_start3A_42 = tpu.memref_slice %arg6[%add3A_16, %dma_start3A_41] : memref<10240x128xf32, #tpu.memory_space<vmem_shared>> -> memref<128x128xf32, #tpu.memory_space<vmem_shared>>
      tpu.enqueue_dma source(%arg5 : memref<128x128xf32, #tpu.memory_space<vmem>>) target(%dma_start3A_42 : memref<128x128xf32, #tpu.memory_space<vmem_shared>>) target_semaphore(%run_scoped3A : memref<!tpu.dma_semaphore, #tpu.memory_space<semaphore_mem>>)
      %dma_wait3A = arith.constant 0 : i32
      %dma_wait3A_43 = tpu.memref_slice %arg6[%add3A_16, %dma_wait3A] : memref<10240x128xf32, #tpu.memory_space<vmem_shared>> -> memref<128x128xf32, #tpu.memory_space<vmem_shared>>
      %dma_wait3A_44 = arith.constant 0 : i32
      %dma_wait3A_45 = tpu.memref_slice %arg6[%add3A_16, %dma_wait3A_44] : memref<10240x128xf32, #tpu.memory_space<vmem_shared>> -> memref<128x128xf32, #tpu.memory_space<vmem_shared>>
      tpu.wait_dma2 semaphore(%run_scoped3A : memref<!tpu.dma_semaphore, #tpu.memory_space<semaphore_mem>>) src(%arg5 : memref<128x128xf32, #tpu.memory_space<vmem>>) dst(%dma_wait3A_45 : memref<128x128xf32, #tpu.memory_space<vmem_shared>>)
      tpu.yield
    }) : () -> ()
    %add3A_17 = arith.constant 384 : i32
    %add3A_18 = arith.addi %mul3A_2, %add3A_17 : i32
    "tpu.region"() ({
      %run_scoped3A = tpu.sem_alloc : memref<!tpu.dma_semaphore, #tpu.memory_space<semaphore_mem>>
      %dma_start3A = arith.constant 0 : i32
      %dma_start3A_40 = tpu.memref_slice %arg6[%add3A_18, %dma_start3A] : memref<10240x128xf32, #tpu.memory_space<vmem_shared>> -> memref<128x128xf32, #tpu.memory_space<vmem_shared>>
      %dma_start3A_41 = arith.constant 0 : i32
      %dma_start3A_42 = tpu.memref_slice %arg6[%add3A_18, %dma_start3A_41] : memref<10240x128xf32, #tpu.memory_space<vmem_shared>> -> memref<128x128xf32, #tpu.memory_space<vmem_shared>>
      tpu.enqueue_dma source(%arg5 : memref<128x128xf32, #tpu.memory_space<vmem>>) target(%dma_start3A_42 : memref<128x128xf32, #tpu.memory_space<vmem_shared>>) target_semaphore(%run_scoped3A : memref<!tpu.dma_semaphore, #tpu.memory_space<semaphore_mem>>)
      %dma_wait3A = arith.constant 0 : i32
      %dma_wait3A_43 = tpu.memref_slice %arg6[%add3A_18, %dma_wait3A] : memref<10240x128xf32, #tpu.memory_space<vmem_shared>> -> memref<128x128xf32, #tpu.memory_space<vmem_shared>>
      %dma_wait3A_44 = arith.constant 0 : i32
      %dma_wait3A_45 = tpu.memref_slice %arg6[%add3A_18, %dma_wait3A_44] : memref<10240x128xf32, #tpu.memory_space<vmem_shared>> -> memref<128x128xf32, #tpu.memory_space<vmem_shared>>
      tpu.wait_dma2 semaphore(%run_scoped3A : memref<!tpu.dma_semaphore, #tpu.memory_space<semaphore_mem>>) src(%arg5 : memref<128x128xf32, #tpu.memory_space<vmem>>) dst(%dma_wait3A_45 : memref<128x128xf32, #tpu.memory_space<vmem_shared>>)
      tpu.yield
    }) : () -> ()
    %add3A_19 = arith.constant 512 : i32
    %add3A_20 = arith.addi %mul3A_2, %add3A_19 : i32
    "tpu.region"() ({
      %run_scoped3A = tpu.sem_alloc : memref<!tpu.dma_semaphore, #tpu.memory_space<semaphore_mem>>
      %dma_start3A = arith.constant 0 : i32
      %dma_start3A_40 = tpu.memref_slice %arg6[%add3A_20, %dma_start3A] : memref<10240x128xf32, #tpu.memory_space<vmem_shared>> -> memref<128x128xf32, #tpu.memory_space<vmem_shared>>
      %dma_start3A_41 = arith.constant 0 : i32
      %dma_start3A_42 = tpu.memref_slice %arg6[%add3A_20, %dma_start3A_41] : memref<10240x128xf32, #tpu.memory_space<vmem_shared>> -> memref<128x128xf32, #tpu.memory_space<vmem_shared>>
      tpu.enqueue_dma source(%arg5 : memref<128x128xf32, #tpu.memory_space<vmem>>) target(%dma_start3A_42 : memref<128x128xf32, #tpu.memory_space<vmem_shared>>) target_semaphore(%run_scoped3A : memref<!tpu.dma_semaphore, #tpu.memory_space<semaphore_mem>>)
      %dma_wait3A = arith.constant 0 : i32
      %dma_wait3A_43 = tpu.memref_slice %arg6[%add3A_20, %dma_wait3A] : memref<10240x128xf32, #tpu.memory_space<vmem_shared>> -> memref<128x128xf32, #tpu.memory_space<vmem_shared>>
      %dma_wait3A_44 = arith.constant 0 : i32
      %dma_wait3A_45 = tpu.memref_slice %arg6[%add3A_20, %dma_wait3A_44] : memref<10240x128xf32, #tpu.memory_space<vmem_shared>> -> memref<128x128xf32, #tpu.memory_space<vmem_shared>>
      tpu.wait_dma2 semaphore(%run_scoped3A : memref<!tpu.dma_semaphore, #tpu.memory_space<semaphore_mem>>) src(%arg5 : memref<128x128xf32, #tpu.memory_space<vmem>>) dst(%dma_wait3A_45 : memref<128x128xf32, #tpu.memory_space<vmem_shared>>)
      tpu.yield
    }) : () -> ()
    %scan3A_21 = arith.constant 0 : i32
    %scan3A_22 = arith.constant 0 : i32
    %scan3A_23 = arith.constant 128 : i32
    %scan3A_24 = arith.addi %scan3A_22, %scan3A_23 : i32
    %scan3A_25 = arith.constant 1 : i32
    %scan3A_26 = scf.for %scan3A_40 = %scan3A_22 to %scan3A_24 step %scan3A_25 iter_args(%scan3A_41 = %scan3A_21) -> (i32)  : i32 {
      %broadcast_in_dim3A = arith.constant 1.000000e+00 : f32
      %broadcast_in_dim3A_42 = vector.broadcast %broadcast_in_dim3A : f32 to vector<16xf32>
      %swap3A = arith.index_cast %scan3A_40 : i32 to index
      %swap3A_43 = arith.constant 0 : index
      %swap3A_44 = tpu.vector_load %arg5[%swap3A, %swap3A_43] {strides = array<i32>} : memref<128x128xf32, #tpu.memory_space<vmem>>, vector<1x16xf32>,
      %swap3A_45 = vector.shape_cast %swap3A_44 : vector<1x16xf32> to vector<16xf32>
      %swap3A_46 = vector.shape_cast %broadcast_in_dim3A_42 : vector<16xf32> to vector<1x16xf32>
      tpu.vector_store %arg5[%swap3A, %swap3A_43], %swap3A_46 {strides = array<i32>} : memref<128x128xf32, #tpu.memory_space<vmem>>, vector<1x16xf32>,
      %broadcast_in_dim3A_47 = arith.constant 1.000000e+00 : f32
      %broadcast_in_dim3A_48 = vector.broadcast %broadcast_in_dim3A_47 : f32 to vector<16xf32>
      %swap3A_49 = arith.index_cast %scan3A_40 : i32 to index
      %swap3A_50 = arith.constant 16 : index
      %swap3A_51 = tpu.vector_load %arg5[%swap3A_49, %swap3A_50] {strides = array<i32>} : memref<128x128xf32, #tpu.memory_space<vmem>>, vector<1x16xf32>,
      %swap3A_52 = vector.shape_cast %swap3A_51 : vector<1x16xf32> to vector<16xf32>
      %swap3A_53 = vector.shape_cast %broadcast_in_dim3A_48 : vector<16xf32> to vector<1x16xf32>
      tpu.vector_store %arg5[%swap3A_49, %swap3A_50], %swap3A_53 {strides = array<i32>} : memref<128x128xf32, #tpu.memory_space<vmem>>, vector<1x16xf32>,
      %broadcast_in_dim3A_54 = arith.constant 1.000000e+00 : f32
      %broadcast_in_dim3A_55 = vector.broadcast %broadcast_in_dim3A_54 : f32 to vector<16xf32>
      %swap3A_56 = arith.index_cast %scan3A_40 : i32 to index
      %swap3A_57 = arith.constant 32 : index
      %swap3A_58 = tpu.vector_load %arg5[%swap3A_56, %swap3A_57] {strides = array<i32>} : memref<128x128xf32, #tpu.memory_space<vmem>>, vector<1x16xf32>,
      %swap3A_59 = vector.shape_cast %swap3A_58 : vector<1x16xf32> to vector<16xf32>
      %swap3A_60 = vector.shape_cast %broadcast_in_dim3A_55 : vector<16xf32> to vector<1x16xf32>
      tpu.vector_store %arg5[%swap3A_56, %swap3A_57], %swap3A_60 {strides = array<i32>} : memref<128x128xf32, #tpu.memory_space<vmem>>, vector<1x16xf32>,
      %broadcast_in_dim3A_61 = arith.constant 1.000000e+00 : f32
      %broadcast_in_dim3A_62 = vector.broadcast %broadcast_in_dim3A_61 : f32 to vector<16xf32>
      %swap3A_63 = arith.index_cast %scan3A_40 : i32 to index
      %swap3A_64 = arith.constant 48 : index
      %swap3A_65 = tpu.vector_load %arg5[%swap3A_63, %swap3A_64] {strides = array<i32>} : memref<128x128xf32, #tpu.memory_space<vmem>>, vector<1x16xf32>,
      %swap3A_66 = vector.shape_cast %swap3A_65 : vector<1x16xf32> to vector<16xf32>
      %swap3A_67 = vector.shape_cast %broadcast_in_dim3A_62 : vector<16xf32> to vector<1x16xf32>
      tpu.vector_store %arg5[%swap3A_63, %swap3A_64], %swap3A_67 {strides = array<i32>} : memref<128x128xf32, #tpu.memory_space<vmem>>, vector<1x16xf32>,
      %broadcast_in_dim3A_68 = arith.constant 1.000000e+00 : f32
      %broadcast_in_dim3A_69 = vector.broadcast %broadcast_in_dim3A_68 : f32 to vector<16xf32>
      %swap3A_70 = arith.index_cast %scan3A_40 : i32 to index
      %swap3A_71 = arith.constant 64 : index
      %swap3A_72 = tpu.vector_load %arg5[%swap3A_70, %swap3A_71] {strides = array<i32>} : memref<128x128xf32, #tpu.memory_space<vmem>>, vector<1x16xf32>,
      %swap3A_73 = vector.shape_cast %swap3A_72 : vector<1x16xf32> to vector<16xf32>
      %swap3A_74 = vector.shape_cast %broadcast_in_dim3A_69 : vector<16xf32> to vector<1x16xf32>
      tpu.vector_store %arg5[%swap3A_70, %swap3A_71], %swap3A_74 {strides = array<i32>} : memref<128x128xf32, #tpu.memory_space<vmem>>, vector<1x16xf32>,
      %broadcast_in_dim3A_75 = arith.constant 1.000000e+00 : f32
      %broadcast_in_dim3A_76 = vector.broadcast %broadcast_in_dim3A_75 : f32 to vector<16xf32>
      %swap3A_77 = arith.index_cast %scan3A_40 : i32 to index
      %swap3A_78 = arith.constant 80 : index
      %swap3A_79 = tpu.vector_load %arg5[%swap3A_77, %swap3A_78] {strides = array<i32>} : memref<128x128xf32, #tpu.memory_space<vmem>>, vector<1x16xf32>,
      %swap3A_80 = vector.shape_cast %swap3A_79 : vector<1x16xf32> to vector<16xf32>
      %swap3A_81 = vector.shape_cast %broadcast_in_dim3A_76 : vector<16xf32> to vector<1x16xf32>
      tpu.vector_store %arg5[%swap3A_77, %swap3A_78], %swap3A_81 {strides = array<i32>} : memref<128x128xf32, #tpu.memory_space<vmem>>, vector<1x16xf32>,
      %broadcast_in_dim3A_82 = arith.constant 1.000000e+00 : f32
      %broadcast_in_dim3A_83 = vector.broadcast %broadcast_in_dim3A_82 : f32 to vector<16xf32>
      %swap3A_84 = arith.index_cast %scan3A_40 : i32 to index
      %swap3A_85 = arith.constant 96 : index
      %swap3A_86 = tpu.vector_load %arg5[%swap3A_84, %swap3A_85] {strides = array<i32>} : memref<128x128xf32, #tpu.memory_space<vmem>>, vector<1x16xf32>,
      %swap3A_87 = vector.shape_cast %swap3A_86 : vector<1x16xf32> to vector<16xf32>
      %swap3A_88 = vector.shape_cast %broadcast_in_dim3A_83 : vector<16xf32> to vector<1x16xf32>
      tpu.vector_store %arg5[%swap3A_84, %swap3A_85], %swap3A_88 {strides = array<i32>} : memref<128x128xf32, #tpu.memory_space<vmem>>, vector<1x16xf32>,
      %broadcast_in_dim3A_89 = arith.constant 1.000000e+00 : f32
      %broadcast_in_dim3A_90 = vector.broadcast %broadcast_in_dim3A_89 : f32 to vector<16xf32>
      %swap3A_91 = arith.index_cast %scan3A_40 : i32 to index
      %swap3A_92 = arith.constant 112 : index
      %swap3A_93 = tpu.vector_load %arg5[%swap3A_91, %swap3A_92] {strides = array<i32>} : memref<128x128xf32, #tpu.memory_space<vmem>>, vector<1x16xf32>,
      %swap3A_94 = vector.shape_cast %swap3A_93 : vector<1x16xf32> to vector<16xf32>
      %swap3A_95 = vector.shape_cast %broadcast_in_dim3A_90 : vector<16xf32> to vector<1x16xf32>
      tpu.vector_store %arg5[%swap3A_91, %swap3A_92], %swap3A_95 {strides = array<i32>} : memref<128x128xf32, #tpu.memory_space<vmem>>, vector<1x16xf32>,
      %scan3A_96 = arith.constant 0 : i32
      scf.yield %scan3A_96 : i32
    }
    %scan3A_27 = arith.constant 128 : i32
    %barrier3A = arith.constant 0 : index
    tpu.barrier barrier_id(%barrier3A)
    %while3A = arith.constant 0 : i32
    %while3A_28 = arith.constant 0 : i32
    %while3A_29 = arith.subi %select_n3A, %while3A : i32
    %while3A_30 = arith.addi %while3A, %while3A_29 : i32
    %while3A_31 = arith.constant 1 : i32
    %while3A_32 = arith.divsi %while3A_29, %while3A_31 : i32
    %while3A_33 = arith.muli %while3A_32, %while3A_31 : i32
    %while3A_34 = arith.addi %while3A, %while3A_33 : i32
    %while3A_35 = arith.constant 1 : i32
    %while3A_36 = scf.for %while3A_40 = %while3A to %while3A_34 step %while3A_35 iter_args(%while3A_41 = %while3A_28) -> (i32)  : i32 {
      %mul3A_42 = arith.constant 8 : i32
      %mul3A_43 = arith.muli %while3A_40, %mul3A_42 : i32
      "tpu.region"() ({
        %run_scoped3A_52 = tpu.sem_alloc : memref<!tpu.dma_semaphore, #tpu.memory_space<semaphore_mem>>
        %dma_start3A = arith.constant 0 : i32
        %dma_start3A_53 = tpu.memref_slice %arg2[%add3A, %mul3A_43, %dma_start3A] : memref<32x120x128xi32, #tpu.memory_space<hbm>> -> memref<1x8x128xi32, #tpu.memory_space<hbm>>
        %dma_start3A_54 = tpu.memref_squeeze %dma_start3A_53 : memref<1x8x128xi32, #tpu.memory_space<hbm>> -> memref<8x128xi32, #tpu.memory_space<hbm>>
        %dma_start3A_55 = arith.constant 0 : i32
        %dma_start3A_56 = tpu.memref_slice %arg2[%add3A, %mul3A_43, %dma_start3A_55] : memref<32x120x128xi32, #tpu.memory_space<hbm>> -> memref<1x8x128xi32, #tpu.memory_space<hbm>>
        %dma_start3A_57 = tpu.memref_squeeze %dma_start3A_56 : memref<1x8x128xi32, #tpu.memory_space<hbm>> -> memref<8x128xi32, #tpu.memory_space<hbm>>
        tpu.enqueue_dma source(%dma_start3A_57 : memref<8x128xi32, #tpu.memory_space<hbm>>) target(%arg4 : memref<8x128xi32, #tpu.memory_space<vmem>>) target_semaphore(%run_scoped3A_52 : memref<!tpu.dma_semaphore, #tpu.memory_space<semaphore_mem>>)
        %dma_wait3A = arith.constant 0 : i32
        %dma_wait3A_58 = tpu.memref_slice %arg2[%add3A, %mul3A_43, %dma_wait3A] : memref<32x120x128xi32, #tpu.memory_space<hbm>> -> memref<1x8x128xi32, #tpu.memory_space<hbm>>
        %dma_wait3A_59 = tpu.memref_squeeze %dma_wait3A_58 : memref<1x8x128xi32, #tpu.memory_space<hbm>> -> memref<8x128xi32, #tpu.memory_space<hbm>>
        %dma_wait3A_60 = arith.constant 0 : i32
        %dma_wait3A_61 = tpu.memref_slice %arg2[%add3A, %mul3A_43, %dma_wait3A_60] : memref<32x120x128xi32, #tpu.memory_space<hbm>> -> memref<1x8x128xi32, #tpu.memory_space<hbm>>
        %dma_wait3A_62 = tpu.memref_squeeze %dma_wait3A_61 : memref<1x8x128xi32, #tpu.memory_space<hbm>> -> memref<8x128xi32, #tpu.memory_space<hbm>>
        tpu.wait_dma2 semaphore(%run_scoped3A_52 : memref<!tpu.dma_semaphore, #tpu.memory_space<semaphore_mem>>) src(%dma_wait3A_62 : memref<8x128xi32, #tpu.memory_space<hbm>>) dst(%arg4 : memref<8x128xi32, #tpu.memory_space<vmem>>)
        tpu.yield
      }) : () -> ()
      %run_scoped3A = arith.constant 0 : i32
      "tpu.region"() ({
        %run_scoped3A_52 = tpu.sem_alloc : memref<!tpu.dma_semaphore, #tpu.memory_space<semaphore_mem>>
        %dma_start3A = arith.constant 0 : i32
        %dma_start3A_53 = tpu.memref_slice %arg4[%run_scoped3A, %dma_start3A] : memref<8x128xi32, #tpu.memory_space<vmem>> -> memref<1x128xi32, #tpu.memory_space<vmem>>
        %dma_start3A_54 = tpu.memref_squeeze %dma_start3A_53 : memref<1x128xi32, #tpu.memory_space<vmem>> -> memref<128xi32, #tpu.memory_space<vmem>>
        %dma_start3A_55 = arith.constant 0 : i32
        %dma_start3A_56 = arith.constant 0 : i32
        %dma_start3A_57 = tpu.memref_slice %arg6[%dma_start3A_55, %dma_start3A_56] : memref<10240x128xf32, #tpu.memory_space<vmem_shared>> -> memref<10240x128xf32, #tpu.memory_space<vmem_shared>>
        tpu.enqueue_indirect_dma source(%arg5 : memref<128x128xf32, #tpu.memory_space<vmem>>) target(%dma_start3A_57 : memref<10240x128xf32, #tpu.memory_space<vmem_shared>>) offsets(%dma_start3A_54 : memref<128xi32, #tpu.memory_space<vmem>>) semaphore(%run_scoped3A_52 : memref<!tpu.dma_semaphore, #tpu.memory_space<semaphore_mem>>) {add = true}
        %dma_wait3A = arith.constant 0 : i32
        %dma_wait3A_58 = tpu.memref_slice %arg4[%run_scoped3A, %dma_wait3A] : memref<8x128xi32, #tpu.memory_space<vmem>> -> memref<1x128xi32, #tpu.memory_space<vmem>>
        %dma_wait3A_59 = tpu.memref_squeeze %dma_wait3A_58 : memref<1x128xi32, #tpu.memory_space<vmem>> -> memref<128xi32, #tpu.memory_space<vmem>>
        %dma_wait3A_60 = arith.constant 0 : i32
        %dma_wait3A_61 = arith.constant 0 : i32
        %dma_wait3A_62 = tpu.memref_slice %arg6[%dma_wait3A_60, %dma_wait3A_61] : memref<10240x128xf32, #tpu.memory_space<vmem_shared>> -> memref<10240x128xf32, #tpu.memory_space<vmem_shared>>
        tpu.wait_indirect_dma semaphore(%run_scoped3A_52 : memref<!tpu.dma_semaphore, #tpu.memory_space<semaphore_mem>>) src(%arg5 : memref<128x128xf32, #tpu.memory_space<vmem>>) dst(%dma_wait3A_62 : memref<10240x128xf32, #tpu.memory_space<vmem_shared>>)
        tpu.yield
      }) : () -> ()
      %run_scoped3A_44 = arith.constant 1 : i32
      "tpu.region"() ({
        %run_scoped3A_52 = tpu.sem_alloc : memref<!tpu.dma_semaphore, #tpu.memory_space<semaphore_mem>>
        %dma_start3A = arith.constant 0 : i32
        %dma_start3A_53 = tpu.memref_slice %arg4[%run_scoped3A_44, %dma_start3A] : memref<8x128xi32, #tpu.memory_space<vmem>> -> memref<1x128xi32, #tpu.memory_space<vmem>>
        %dma_start3A_54 = tpu.memref_squeeze %dma_start3A_53 : memref<1x128xi32, #tpu.memory_space<vmem>> -> memref<128xi32, #tpu.memory_space<vmem>>
        %dma_start3A_55 = arith.constant 0 : i32
        %dma_start3A_56 = arith.constant 0 : i32
        %dma_start3A_57 = tpu.memref_slice %arg6[%dma_start3A_55, %dma_start3A_56] : memref<10240x128xf32, #tpu.memory_space<vmem_shared>> -> memref<10240x128xf32, #tpu.memory_space<vmem_shared>>
        tpu.enqueue_indirect_dma source(%arg5 : memref<128x128xf32, #tpu.memory_space<vmem>>) target(%dma_start3A_57 : memref<10240x128xf32, #tpu.memory_space<vmem_shared>>) offsets(%dma_start3A_54 : memref<128xi32, #tpu.memory_space<vmem>>) semaphore(%run_scoped3A_52 : memref<!tpu.dma_semaphore, #tpu.memory_space<semaphore_mem>>) {add = true}
        %dma_wait3A = arith.constant 0 : i32
        %dma_wait3A_58 = tpu.memref_slice %arg4[%run_scoped3A_44, %dma_wait3A] : memref<8x128xi32, #tpu.memory_space<vmem>> -> memref<1x128xi32, #tpu.memory_space<vmem>>
        %dma_wait3A_59 = tpu.memref_squeeze %dma_wait3A_58 : memref<1x128xi32, #tpu.memory_space<vmem>> -> memref<128xi32, #tpu.memory_space<vmem>>
        %dma_wait3A_60 = arith.constant 0 : i32
        %dma_wait3A_61 = arith.constant 0 : i32
        %dma_wait3A_62 = tpu.memref_slice %arg6[%dma_wait3A_60, %dma_wait3A_61] : memref<10240x128xf32, #tpu.memory_space<vmem_shared>> -> memref<10240x128xf32, #tpu.memory_space<vmem_shared>>
        tpu.wait_indirect_dma semaphore(%run_scoped3A_52 : memref<!tpu.dma_semaphore, #tpu.memory_space<semaphore_mem>>) src(%arg5 : memref<128x128xf32, #tpu.memory_space<vmem>>) dst(%dma_wait3A_62 : memref<10240x128xf32, #tpu.memory_space<vmem_shared>>)
        tpu.yield
      }) : () -> ()
      %run_scoped3A_45 = arith.constant 2 : i32
      "tpu.region"() ({
        %run_scoped3A_52 = tpu.sem_alloc : memref<!tpu.dma_semaphore, #tpu.memory_space<semaphore_mem>>
        %dma_start3A = arith.constant 0 : i32
        %dma_start3A_53 = tpu.memref_slice %arg4[%run_scoped3A_45, %dma_start3A] : memref<8x128xi32, #tpu.memory_space<vmem>> -> memref<1x128xi32, #tpu.memory_space<vmem>>
        %dma_start3A_54 = tpu.memref_squeeze %dma_start3A_53 : memref<1x128xi32, #tpu.memory_space<vmem>> -> memref<128xi32, #tpu.memory_space<vmem>>
        %dma_start3A_55 = arith.constant 0 : i32
        %dma_start3A_56 = arith.constant 0 : i32
        %dma_start3A_57 = tpu.memref_slice %arg6[%dma_start3A_55, %dma_start3A_56] : memref<10240x128xf32, #tpu.memory_space<vmem_shared>> -> memref<10240x128xf32, #tpu.memory_space<vmem_shared>>
        tpu.enqueue_indirect_dma source(%arg5 : memref<128x128xf32, #tpu.memory_space<vmem>>) target(%dma_start3A_57 : memref<10240x128xf32, #tpu.memory_space<vmem_shared>>) offsets(%dma_start3A_54 : memref<128xi32, #tpu.memory_space<vmem>>) semaphore(%run_scoped3A_52 : memref<!tpu.dma_semaphore, #tpu.memory_space<semaphore_mem>>) {add = true}
        %dma_wait3A = arith.constant 0 : i32
        %dma_wait3A_58 = tpu.memref_slice %arg4[%run_scoped3A_45, %dma_wait3A] : memref<8x128xi32, #tpu.memory_space<vmem>> -> memref<1x128xi32, #tpu.memory_space<vmem>>
        %dma_wait3A_59 = tpu.memref_squeeze %dma_wait3A_58 : memref<1x128xi32, #tpu.memory_space<vmem>> -> memref<128xi32, #tpu.memory_space<vmem>>
        %dma_wait3A_60 = arith.constant 0 : i32
        %dma_wait3A_61 = arith.constant 0 : i32
        %dma_wait3A_62 = tpu.memref_slice %arg6[%dma_wait3A_60, %dma_wait3A_61] : memref<10240x128xf32, #tpu.memory_space<vmem_shared>> -> memref<10240x128xf32, #tpu.memory_space<vmem_shared>>
        tpu.wait_indirect_dma semaphore(%run_scoped3A_52 : memref<!tpu.dma_semaphore, #tpu.memory_space<semaphore_mem>>) src(%arg5 : memref<128x128xf32, #tpu.memory_space<vmem>>) dst(%dma_wait3A_62 : memref<10240x128xf32, #tpu.memory_space<vmem_shared>>)
        tpu.yield
      }) : () -> ()
      %run_scoped3A_46 = arith.constant 3 : i32
      "tpu.region"() ({
        %run_scoped3A_52 = tpu.sem_alloc : memref<!tpu.dma_semaphore, #tpu.memory_space<semaphore_mem>>
        %dma_start3A = arith.constant 0 : i32
        %dma_start3A_53 = tpu.memref_slice %arg4[%run_scoped3A_46, %dma_start3A] : memref<8x128xi32, #tpu.memory_space<vmem>> -> memref<1x128xi32, #tpu.memory_space<vmem>>
        %dma_start3A_54 = tpu.memref_squeeze %dma_start3A_53 : memref<1x128xi32, #tpu.memory_space<vmem>> -> memref<128xi32, #tpu.memory_space<vmem>>
        %dma_start3A_55 = arith.constant 0 : i32
        %dma_start3A_56 = arith.constant 0 : i32
        %dma_start3A_57 = tpu.memref_slice %arg6[%dma_start3A_55, %dma_start3A_56] : memref<10240x128xf32, #tpu.memory_space<vmem_shared>> -> memref<10240x128xf32, #tpu.memory_space<vmem_shared>>
        tpu.enqueue_indirect_dma source(%arg5 : memref<128x128xf32, #tpu.memory_space<vmem>>) target(%dma_start3A_57 : memref<10240x128xf32, #tpu.memory_space<vmem_shared>>) offsets(%dma_start3A_54 : memref<128xi32, #tpu.memory_space<vmem>>) semaphore(%run_scoped3A_52 : memref<!tpu.dma_semaphore, #tpu.memory_space<semaphore_mem>>) {add = true}
        %dma_wait3A = arith.constant 0 : i32
        %dma_wait3A_58 = tpu.memref_slice %arg4[%run_scoped3A_46, %dma_wait3A] : memref<8x128xi32, #tpu.memory_space<vmem>> -> memref<1x128xi32, #tpu.memory_space<vmem>>
        %dma_wait3A_59 = tpu.memref_squeeze %dma_wait3A_58 : memref<1x128xi32, #tpu.memory_space<vmem>> -> memref<128xi32, #tpu.memory_space<vmem>>
        %dma_wait3A_60 = arith.constant 0 : i32
        %dma_wait3A_61 = arith.constant 0 : i32
        %dma_wait3A_62 = tpu.memref_slice %arg6[%dma_wait3A_60, %dma_wait3A_61] : memref<10240x128xf32, #tpu.memory_space<vmem_shared>> -> memref<10240x128xf32, #tpu.memory_space<vmem_shared>>
        tpu.wait_indirect_dma semaphore(%run_scoped3A_52 : memref<!tpu.dma_semaphore, #tpu.memory_space<semaphore_mem>>) src(%arg5 : memref<128x128xf32, #tpu.memory_space<vmem>>) dst(%dma_wait3A_62 : memref<10240x128xf32, #tpu.memory_space<vmem_shared>>)
        tpu.yield
      }) : () -> ()
      %run_scoped3A_47 = arith.constant 4 : i32
      "tpu.region"() ({
        %run_scoped3A_52 = tpu.sem_alloc : memref<!tpu.dma_semaphore, #tpu.memory_space<semaphore_mem>>
        %dma_start3A = arith.constant 0 : i32
        %dma_start3A_53 = tpu.memref_slice %arg4[%run_scoped3A_47, %dma_start3A] : memref<8x128xi32, #tpu.memory_space<vmem>> -> memref<1x128xi32, #tpu.memory_space<vmem>>
        %dma_start3A_54 = tpu.memref_squeeze %dma_start3A_53 : memref<1x128xi32, #tpu.memory_space<vmem>> -> memref<128xi32, #tpu.memory_space<vmem>>
        %dma_start3A_55 = arith.constant 0 : i32
        %dma_start3A_56 = arith.constant 0 : i32
        %dma_start3A_57 = tpu.memref_slice %arg6[%dma_start3A_55, %dma_start3A_56] : memref<10240x128xf32, #tpu.memory_space<vmem_shared>> -> memref<10240x128xf32, #tpu.memory_space<vmem_shared>>
        tpu.enqueue_indirect_dma source(%arg5 : memref<128x128xf32, #tpu.memory_space<vmem>>) target(%dma_start3A_57 : memref<10240x128xf32, #tpu.memory_space<vmem_shared>>) offsets(%dma_start3A_54 : memref<128xi32, #tpu.memory_space<vmem>>) semaphore(%run_scoped3A_52 : memref<!tpu.dma_semaphore, #tpu.memory_space<semaphore_mem>>) {add = true}
        %dma_wait3A = arith.constant 0 : i32
        %dma_wait3A_58 = tpu.memref_slice %arg4[%run_scoped3A_47, %dma_wait3A] : memref<8x128xi32, #tpu.memory_space<vmem>> -> memref<1x128xi32, #tpu.memory_space<vmem>>
        %dma_wait3A_59 = tpu.memref_squeeze %dma_wait3A_58 : memref<1x128xi32, #tpu.memory_space<vmem>> -> memref<128xi32, #tpu.memory_space<vmem>>
        %dma_wait3A_60 = arith.constant 0 : i32
        %dma_wait3A_61 = arith.constant 0 : i32
        %dma_wait3A_62 = tpu.memref_slice %arg6[%dma_wait3A_60, %dma_wait3A_61] : memref<10240x128xf32, #tpu.memory_space<vmem_shared>> -> memref<10240x128xf32, #tpu.memory_space<vmem_shared>>
        tpu.wait_indirect_dma semaphore(%run_scoped3A_52 : memref<!tpu.dma_semaphore, #tpu.memory_space<semaphore_mem>>) src(%arg5 : memref<128x128xf32, #tpu.memory_space<vmem>>) dst(%dma_wait3A_62 : memref<10240x128xf32, #tpu.memory_space<vmem_shared>>)
        tpu.yield
      }) : () -> ()
      %run_scoped3A_48 = arith.constant 5 : i32
      "tpu.region"() ({
        %run_scoped3A_52 = tpu.sem_alloc : memref<!tpu.dma_semaphore, #tpu.memory_space<semaphore_mem>>
        %dma_start3A = arith.constant 0 : i32
        %dma_start3A_53 = tpu.memref_slice %arg4[%run_scoped3A_48, %dma_start3A] : memref<8x128xi32, #tpu.memory_space<vmem>> -> memref<1x128xi32, #tpu.memory_space<vmem>>
        %dma_start3A_54 = tpu.memref_squeeze %dma_start3A_53 : memref<1x128xi32, #tpu.memory_space<vmem>> -> memref<128xi32, #tpu.memory_space<vmem>>
        %dma_start3A_55 = arith.constant 0 : i32
        %dma_start3A_56 = arith.constant 0 : i32
        %dma_start3A_57 = tpu.memref_slice %arg6[%dma_start3A_55, %dma_start3A_56] : memref<10240x128xf32, #tpu.memory_space<vmem_shared>> -> memref<10240x128xf32, #tpu.memory_space<vmem_shared>>
        tpu.enqueue_indirect_dma source(%arg5 : memref<128x128xf32, #tpu.memory_space<vmem>>) target(%dma_start3A_57 : memref<10240x128xf32, #tpu.memory_space<vmem_shared>>) offsets(%dma_start3A_54 : memref<128xi32, #tpu.memory_space<vmem>>) semaphore(%run_scoped3A_52 : memref<!tpu.dma_semaphore, #tpu.memory_space<semaphore_mem>>) {add = true}
        %dma_wait3A = arith.constant 0 : i32
        %dma_wait3A_58 = tpu.memref_slice %arg4[%run_scoped3A_48, %dma_wait3A] : memref<8x128xi32, #tpu.memory_space<vmem>> -> memref<1x128xi32, #tpu.memory_space<vmem>>
        %dma_wait3A_59 = tpu.memref_squeeze %dma_wait3A_58 : memref<1x128xi32, #tpu.memory_space<vmem>> -> memref<128xi32, #tpu.memory_space<vmem>>
        %dma_wait3A_60 = arith.constant 0 : i32
        %dma_wait3A_61 = arith.constant 0 : i32
        %dma_wait3A_62 = tpu.memref_slice %arg6[%dma_wait3A_60, %dma_wait3A_61] : memref<10240x128xf32, #tpu.memory_space<vmem_shared>> -> memref<10240x128xf32, #tpu.memory_space<vmem_shared>>
        tpu.wait_indirect_dma semaphore(%run_scoped3A_52 : memref<!tpu.dma_semaphore, #tpu.memory_space<semaphore_mem>>) src(%arg5 : memref<128x128xf32, #tpu.memory_space<vmem>>) dst(%dma_wait3A_62 : memref<10240x128xf32, #tpu.memory_space<vmem_shared>>)
        tpu.yield
      }) : () -> ()
      %run_scoped3A_49 = arith.constant 6 : i32
      "tpu.region"() ({
        %run_scoped3A_52 = tpu.sem_alloc : memref<!tpu.dma_semaphore, #tpu.memory_space<semaphore_mem>>
        %dma_start3A = arith.constant 0 : i32
        %dma_start3A_53 = tpu.memref_slice %arg4[%run_scoped3A_49, %dma_start3A] : memref<8x128xi32, #tpu.memory_space<vmem>> -> memref<1x128xi32, #tpu.memory_space<vmem>>
        %dma_start3A_54 = tpu.memref_squeeze %dma_start3A_53 : memref<1x128xi32, #tpu.memory_space<vmem>> -> memref<128xi32, #tpu.memory_space<vmem>>
        %dma_start3A_55 = arith.constant 0 : i32
        %dma_start3A_56 = arith.constant 0 : i32
        %dma_start3A_57 = tpu.memref_slice %arg6[%dma_start3A_55, %dma_start3A_56] : memref<10240x128xf32, #tpu.memory_space<vmem_shared>> -> memref<10240x128xf32, #tpu.memory_space<vmem_shared>>
        tpu.enqueue_indirect_dma source(%arg5 : memref<128x128xf32, #tpu.memory_space<vmem>>) target(%dma_start3A_57 : memref<10240x128xf32, #tpu.memory_space<vmem_shared>>) offsets(%dma_start3A_54 : memref<128xi32, #tpu.memory_space<vmem>>) semaphore(%run_scoped3A_52 : memref<!tpu.dma_semaphore, #tpu.memory_space<semaphore_mem>>) {add = true}
        %dma_wait3A = arith.constant 0 : i32
        %dma_wait3A_58 = tpu.memref_slice %arg4[%run_scoped3A_49, %dma_wait3A] : memref<8x128xi32, #tpu.memory_space<vmem>> -> memref<1x128xi32, #tpu.memory_space<vmem>>
        %dma_wait3A_59 = tpu.memref_squeeze %dma_wait3A_58 : memref<1x128xi32, #tpu.memory_space<vmem>> -> memref<128xi32, #tpu.memory_space<vmem>>
        %dma_wait3A_60 = arith.constant 0 : i32
        %dma_wait3A_61 = arith.constant 0 : i32
        %dma_wait3A_62 = tpu.memref_slice %arg6[%dma_wait3A_60, %dma_wait3A_61] : memref<10240x128xf32, #tpu.memory_space<vmem_shared>> -> memref<10240x128xf32, #tpu.memory_space<vmem_shared>>
        tpu.wait_indirect_dma semaphore(%run_scoped3A_52 : memref<!tpu.dma_semaphore, #tpu.memory_space<semaphore_mem>>) src(%arg5 : memref<128x128xf32, #tpu.memory_space<vmem>>) dst(%dma_wait3A_62 : memref<10240x128xf32, #tpu.memory_space<vmem_shared>>)
        tpu.yield
      }) : () -> ()
      %run_scoped3A_50 = arith.constant 7 : i32
      "tpu.region"() ({
        %run_scoped3A_52 = tpu.sem_alloc : memref<!tpu.dma_semaphore, #tpu.memory_space<semaphore_mem>>
        %dma_start3A = arith.constant 0 : i32
        %dma_start3A_53 = tpu.memref_slice %arg4[%run_scoped3A_50, %dma_start3A] : memref<8x128xi32, #tpu.memory_space<vmem>> -> memref<1x128xi32, #tpu.memory_space<vmem>>
        %dma_start3A_54 = tpu.memref_squeeze %dma_start3A_53 : memref<1x128xi32, #tpu.memory_space<vmem>> -> memref<128xi32, #tpu.memory_space<vmem>>
        %dma_start3A_55 = arith.constant 0 : i32
        %dma_start3A_56 = arith.constant 0 : i32
        %dma_start3A_57 = tpu.memref_slice %arg6[%dma_start3A_55, %dma_start3A_56] : memref<10240x128xf32, #tpu.memory_space<vmem_shared>> -> memref<10240x128xf32, #tpu.memory_space<vmem_shared>>
        tpu.enqueue_indirect_dma source(%arg5 : memref<128x128xf32, #tpu.memory_space<vmem>>) target(%dma_start3A_57 : memref<10240x128xf32, #tpu.memory_space<vmem_shared>>) offsets(%dma_start3A_54 : memref<128xi32, #tpu.memory_space<vmem>>) semaphore(%run_scoped3A_52 : memref<!tpu.dma_semaphore, #tpu.memory_space<semaphore_mem>>) {add = true}
        %dma_wait3A = arith.constant 0 : i32
        %dma_wait3A_58 = tpu.memref_slice %arg4[%run_scoped3A_50, %dma_wait3A] : memref<8x128xi32, #tpu.memory_space<vmem>> -> memref<1x128xi32, #tpu.memory_space<vmem>>
        %dma_wait3A_59 = tpu.memref_squeeze %dma_wait3A_58 : memref<1x128xi32, #tpu.memory_space<vmem>> -> memref<128xi32, #tpu.memory_space<vmem>>
        %dma_wait3A_60 = arith.constant 0 : i32
        %dma_wait3A_61 = arith.constant 0 : i32
        %dma_wait3A_62 = tpu.memref_slice %arg6[%dma_wait3A_60, %dma_wait3A_61] : memref<10240x128xf32, #tpu.memory_space<vmem_shared>> -> memref<10240x128xf32, #tpu.memory_space<vmem_shared>>
        tpu.wait_indirect_dma semaphore(%run_scoped3A_52 : memref<!tpu.dma_semaphore, #tpu.memory_space<semaphore_mem>>) src(%arg5 : memref<128x128xf32, #tpu.memory_space<vmem>>) dst(%dma_wait3A_62 : memref<10240x128xf32, #tpu.memory_space<vmem_shared>>)
        tpu.yield
      }) : () -> ()
      %while3A_51 = arith.constant 0 : i32
      scf.yield %while3A_51 : i32
    }
    %while3A_37 = arith.constant 1 : i32
    %while3A_38 = scf.for %while3A_40 = %while3A_34 to %while3A_30 step %while3A_37 iter_args(%while3A_41 = %while3A_36) -> (i32)  : i32 {
      %mul3A_42 = arith.constant 8 : i32
      %mul3A_43 = arith.muli %while3A_40, %mul3A_42 : i32
      "tpu.region"() ({
        %run_scoped3A_52 = tpu.sem_alloc : memref<!tpu.dma_semaphore, #tpu.memory_space<semaphore_mem>>
        %dma_start3A = arith.constant 0 : i32
        %dma_start3A_53 = tpu.memref_slice %arg2[%add3A, %mul3A_43, %dma_start3A] : memref<32x120x128xi32, #tpu.memory_space<hbm>> -> memref<1x8x128xi32, #tpu.memory_space<hbm>>
        %dma_start3A_54 = tpu.memref_squeeze %dma_start3A_53 : memref<1x8x128xi32, #tpu.memory_space<hbm>> -> memref<8x128xi32, #tpu.memory_space<hbm>>
        %dma_start3A_55 = arith.constant 0 : i32
        %dma_start3A_56 = tpu.memref_slice %arg2[%add3A, %mul3A_43, %dma_start3A_55] : memref<32x120x128xi32, #tpu.memory_space<hbm>> -> memref<1x8x128xi32, #tpu.memory_space<hbm>>
        %dma_start3A_57 = tpu.memref_squeeze %dma_start3A_56 : memref<1x8x128xi32, #tpu.memory_space<hbm>> -> memref<8x128xi32, #tpu.memory_space<hbm>>
        tpu.enqueue_dma source(%dma_start3A_57 : memref<8x128xi32, #tpu.memory_space<hbm>>) target(%arg4 : memref<8x128xi32, #tpu.memory_space<vmem>>) target_semaphore(%run_scoped3A_52 : memref<!tpu.dma_semaphore, #tpu.memory_space<semaphore_mem>>)
        %dma_wait3A = arith.constant 0 : i32
        %dma_wait3A_58 = tpu.memref_slice %arg2[%add3A, %mul3A_43, %dma_wait3A] : memref<32x120x128xi32, #tpu.memory_space<hbm>> -> memref<1x8x128xi32, #tpu.memory_space<hbm>>
        %dma_wait3A_59 = tpu.memref_squeeze %dma_wait3A_58 : memref<1x8x128xi32, #tpu.memory_space<hbm>> -> memref<8x128xi32, #tpu.memory_space<hbm>>
        %dma_wait3A_60 = arith.constant 0 : i32
        %dma_wait3A_61 = tpu.memref_slice %arg2[%add3A, %mul3A_43, %dma_wait3A_60] : memref<32x120x128xi32, #tpu.memory_space<hbm>> -> memref<1x8x128xi32, #tpu.memory_space<hbm>>
        %dma_wait3A_62 = tpu.memref_squeeze %dma_wait3A_61 : memref<1x8x128xi32, #tpu.memory_space<hbm>> -> memref<8x128xi32, #tpu.memory_space<hbm>>
        tpu.wait_dma2 semaphore(%run_scoped3A_52 : memref<!tpu.dma_semaphore, #tpu.memory_space<semaphore_mem>>) src(%dma_wait3A_62 : memref<8x128xi32, #tpu.memory_space<hbm>>) dst(%arg4 : memref<8x128xi32, #tpu.memory_space<vmem>>)
        tpu.yield
      }) : () -> ()
      %run_scoped3A = arith.constant 0 : i32
      "tpu.region"() ({
        %run_scoped3A_52 = tpu.sem_alloc : memref<!tpu.dma_semaphore, #tpu.memory_space<semaphore_mem>>
        %dma_start3A = arith.constant 0 : i32
        %dma_start3A_53 = tpu.memref_slice %arg4[%run_scoped3A, %dma_start3A] : memref<8x128xi32, #tpu.memory_space<vmem>> -> memref<1x128xi32, #tpu.memory_space<vmem>>
        %dma_start3A_54 = tpu.memref_squeeze %dma_start3A_53 : memref<1x128xi32, #tpu.memory_space<vmem>> -> memref<128xi32, #tpu.memory_space<vmem>>
        %dma_start3A_55 = arith.constant 0 : i32
        %dma_start3A_56 = arith.constant 0 : i32
        %dma_start3A_57 = tpu.memref_slice %arg6[%dma_start3A_55, %dma_start3A_56] : memref<10240x128xf32, #tpu.memory_space<vmem_shared>> -> memref<10240x128xf32, #tpu.memory_space<vmem_shared>>
        tpu.enqueue_indirect_dma source(%arg5 : memref<128x128xf32, #tpu.memory_space<vmem>>) target(%dma_start3A_57 : memref<10240x128xf32, #tpu.memory_space<vmem_shared>>) offsets(%dma_start3A_54 : memref<128xi32, #tpu.memory_space<vmem>>) semaphore(%run_scoped3A_52 : memref<!tpu.dma_semaphore, #tpu.memory_space<semaphore_mem>>) {add = true}
        %dma_wait3A = arith.constant 0 : i32
        %dma_wait3A_58 = tpu.memref_slice %arg4[%run_scoped3A, %dma_wait3A] : memref<8x128xi32, #tpu.memory_space<vmem>> -> memref<1x128xi32, #tpu.memory_space<vmem>>
        %dma_wait3A_59 = tpu.memref_squeeze %dma_wait3A_58 : memref<1x128xi32, #tpu.memory_space<vmem>> -> memref<128xi32, #tpu.memory_space<vmem>>
        %dma_wait3A_60 = arith.constant 0 : i32
        %dma_wait3A_61 = arith.constant 0 : i32
        %dma_wait3A_62 = tpu.memref_slice %arg6[%dma_wait3A_60, %dma_wait3A_61] : memref<10240x128xf32, #tpu.memory_space<vmem_shared>> -> memref<10240x128xf32, #tpu.memory_space<vmem_shared>>
        tpu.wait_indirect_dma semaphore(%run_scoped3A_52 : memref<!tpu.dma_semaphore, #tpu.memory_space<semaphore_mem>>) src(%arg5 : memref<128x128xf32, #tpu.memory_space<vmem>>) dst(%dma_wait3A_62 : memref<10240x128xf32, #tpu.memory_space<vmem_shared>>)
        tpu.yield
      }) : () -> ()
      %run_scoped3A_44 = arith.constant 1 : i32
      "tpu.region"() ({
        %run_scoped3A_52 = tpu.sem_alloc : memref<!tpu.dma_semaphore, #tpu.memory_space<semaphore_mem>>
        %dma_start3A = arith.constant 0 : i32
        %dma_start3A_53 = tpu.memref_slice %arg4[%run_scoped3A_44, %dma_start3A] : memref<8x128xi32, #tpu.memory_space<vmem>> -> memref<1x128xi32, #tpu.memory_space<vmem>>
        %dma_start3A_54 = tpu.memref_squeeze %dma_start3A_53 : memref<1x128xi32, #tpu.memory_space<vmem>> -> memref<128xi32, #tpu.memory_space<vmem>>
        %dma_start3A_55 = arith.constant 0 : i32
        %dma_start3A_56 = arith.constant 0 : i32
        %dma_start3A_57 = tpu.memref_slice %arg6[%dma_start3A_55, %dma_start3A_56] : memref<10240x128xf32, #tpu.memory_space<vmem_shared>> -> memref<10240x128xf32, #tpu.memory_space<vmem_shared>>
        tpu.enqueue_indirect_dma source(%arg5 : memref<128x128xf32, #tpu.memory_space<vmem>>) target(%dma_start3A_57 : memref<10240x128xf32, #tpu.memory_space<vmem_shared>>) offsets(%dma_start3A_54 : memref<128xi32, #tpu.memory_space<vmem>>) semaphore(%run_scoped3A_52 : memref<!tpu.dma_semaphore, #tpu.memory_space<semaphore_mem>>) {add = true}
        %dma_wait3A = arith.constant 0 : i32
        %dma_wait3A_58 = tpu.memref_slice %arg4[%run_scoped3A_44, %dma_wait3A] : memref<8x128xi32, #tpu.memory_space<vmem>> -> memref<1x128xi32, #tpu.memory_space<vmem>>
        %dma_wait3A_59 = tpu.memref_squeeze %dma_wait3A_58 : memref<1x128xi32, #tpu.memory_space<vmem>> -> memref<128xi32, #tpu.memory_space<vmem>>
        %dma_wait3A_60 = arith.constant 0 : i32
        %dma_wait3A_61 = arith.constant 0 : i32
        %dma_wait3A_62 = tpu.memref_slice %arg6[%dma_wait3A_60, %dma_wait3A_61] : memref<10240x128xf32, #tpu.memory_space<vmem_shared>> -> memref<10240x128xf32, #tpu.memory_space<vmem_shared>>
        tpu.wait_indirect_dma semaphore(%run_scoped3A_52 : memref<!tpu.dma_semaphore, #tpu.memory_space<semaphore_mem>>) src(%arg5 : memref<128x128xf32, #tpu.memory_space<vmem>>) dst(%dma_wait3A_62 : memref<10240x128xf32, #tpu.memory_space<vmem_shared>>)
        tpu.yield
      }) : () -> ()
      %run_scoped3A_45 = arith.constant 2 : i32
      "tpu.region"() ({
        %run_scoped3A_52 = tpu.sem_alloc : memref<!tpu.dma_semaphore, #tpu.memory_space<semaphore_mem>>
        %dma_start3A = arith.constant 0 : i32
        %dma_start3A_53 = tpu.memref_slice %arg4[%run_scoped3A_45, %dma_start3A] : memref<8x128xi32, #tpu.memory_space<vmem>> -> memref<1x128xi32, #tpu.memory_space<vmem>>
        %dma_start3A_54 = tpu.memref_squeeze %dma_start3A_53 : memref<1x128xi32, #tpu.memory_space<vmem>> -> memref<128xi32, #tpu.memory_space<vmem>>
        %dma_start3A_55 = arith.constant 0 : i32
        %dma_start3A_56 = arith.constant 0 : i32
        %dma_start3A_57 = tpu.memref_slice %arg6[%dma_start3A_55, %dma_start3A_56] : memref<10240x128xf32, #tpu.memory_space<vmem_shared>> -> memref<10240x128xf32, #tpu.memory_space<vmem_shared>>
        tpu.enqueue_indirect_dma source(%arg5 : memref<128x128xf32, #tpu.memory_space<vmem>>) target(%dma_start3A_57 : memref<10240x128xf32, #tpu.memory_space<vmem_shared>>) offsets(%dma_start3A_54 : memref<128xi32, #tpu.memory_space<vmem>>) semaphore(%run_scoped3A_52 : memref<!tpu.dma_semaphore, #tpu.memory_space<semaphore_mem>>) {add = true}
        %dma_wait3A = arith.constant 0 : i32
        %dma_wait3A_58 = tpu.memref_slice %arg4[%run_scoped3A_45, %dma_wait3A] : memref<8x128xi32, #tpu.memory_space<vmem>> -> memref<1x128xi32, #tpu.memory_space<vmem>>
        %dma_wait3A_59 = tpu.memref_squeeze %dma_wait3A_58 : memref<1x128xi32, #tpu.memory_space<vmem>> -> memref<128xi32, #tpu.memory_space<vmem>>
        %dma_wait3A_60 = arith.constant 0 : i32
        %dma_wait3A_61 = arith.constant 0 : i32
        %dma_wait3A_62 = tpu.memref_slice %arg6[%dma_wait3A_60, %dma_wait3A_61] : memref<10240x128xf32, #tpu.memory_space<vmem_shared>> -> memref<10240x128xf32, #tpu.memory_space<vmem_shared>>
        tpu.wait_indirect_dma semaphore(%run_scoped3A_52 : memref<!tpu.dma_semaphore, #tpu.memory_space<semaphore_mem>>) src(%arg5 : memref<128x128xf32, #tpu.memory_space<vmem>>) dst(%dma_wait3A_62 : memref<10240x128xf32, #tpu.memory_space<vmem_shared>>)
        tpu.yield
      }) : () -> ()
      %run_scoped3A_46 = arith.constant 3 : i32
      "tpu.region"() ({
        %run_scoped3A_52 = tpu.sem_alloc : memref<!tpu.dma_semaphore, #tpu.memory_space<semaphore_mem>>
        %dma_start3A = arith.constant 0 : i32
        %dma_start3A_53 = tpu.memref_slice %arg4[%run_scoped3A_46, %dma_start3A] : memref<8x128xi32, #tpu.memory_space<vmem>> -> memref<1x128xi32, #tpu.memory_space<vmem>>
        %dma_start3A_54 = tpu.memref_squeeze %dma_start3A_53 : memref<1x128xi32, #tpu.memory_space<vmem>> -> memref<128xi32, #tpu.memory_space<vmem>>
        %dma_start3A_55 = arith.constant 0 : i32
        %dma_start3A_56 = arith.constant 0 : i32
        %dma_start3A_57 = tpu.memref_slice %arg6[%dma_start3A_55, %dma_start3A_56] : memref<10240x128xf32, #tpu.memory_space<vmem_shared>> -> memref<10240x128xf32, #tpu.memory_space<vmem_shared>>
        tpu.enqueue_indirect_dma source(%arg5 : memref<128x128xf32, #tpu.memory_space<vmem>>) target(%dma_start3A_57 : memref<10240x128xf32, #tpu.memory_space<vmem_shared>>) offsets(%dma_start3A_54 : memref<128xi32, #tpu.memory_space<vmem>>) semaphore(%run_scoped3A_52 : memref<!tpu.dma_semaphore, #tpu.memory_space<semaphore_mem>>) {add = true}
        %dma_wait3A = arith.constant 0 : i32
        %dma_wait3A_58 = tpu.memref_slice %arg4[%run_scoped3A_46, %dma_wait3A] : memref<8x128xi32, #tpu.memory_space<vmem>> -> memref<1x128xi32, #tpu.memory_space<vmem>>
        %dma_wait3A_59 = tpu.memref_squeeze %dma_wait3A_58 : memref<1x128xi32, #tpu.memory_space<vmem>> -> memref<128xi32, #tpu.memory_space<vmem>>
        %dma_wait3A_60 = arith.constant 0 : i32
        %dma_wait3A_61 = arith.constant 0 : i32
        %dma_wait3A_62 = tpu.memref_slice %arg6[%dma_wait3A_60, %dma_wait3A_61] : memref<10240x128xf32, #tpu.memory_space<vmem_shared>> -> memref<10240x128xf32, #tpu.memory_space<vmem_shared>>
        tpu.wait_indirect_dma semaphore(%run_scoped3A_52 : memref<!tpu.dma_semaphore, #tpu.memory_space<semaphore_mem>>) src(%arg5 : memref<128x128xf32, #tpu.memory_space<vmem>>) dst(%dma_wait3A_62 : memref<10240x128xf32, #tpu.memory_space<vmem_shared>>)
        tpu.yield
      }) : () -> ()
      %run_scoped3A_47 = arith.constant 4 : i32
      "tpu.region"() ({
        %run_scoped3A_52 = tpu.sem_alloc : memref<!tpu.dma_semaphore, #tpu.memory_space<semaphore_mem>>
        %dma_start3A = arith.constant 0 : i32
        %dma_start3A_53 = tpu.memref_slice %arg4[%run_scoped3A_47, %dma_start3A] : memref<8x128xi32, #tpu.memory_space<vmem>> -> memref<1x128xi32, #tpu.memory_space<vmem>>
        %dma_start3A_54 = tpu.memref_squeeze %dma_start3A_53 : memref<1x128xi32, #tpu.memory_space<vmem>> -> memref<128xi32, #tpu.memory_space<vmem>>
        %dma_start3A_55 = arith.constant 0 : i32
        %dma_start3A_56 = arith.constant 0 : i32
        %dma_start3A_57 = tpu.memref_slice %arg6[%dma_start3A_55, %dma_start3A_56] : memref<10240x128xf32, #tpu.memory_space<vmem_shared>> -> memref<10240x128xf32, #tpu.memory_space<vmem_shared>>
        tpu.enqueue_indirect_dma source(%arg5 : memref<128x128xf32, #tpu.memory_space<vmem>>) target(%dma_start3A_57 : memref<10240x128xf32, #tpu.memory_space<vmem_shared>>) offsets(%dma_start3A_54 : memref<128xi32, #tpu.memory_space<vmem>>) semaphore(%run_scoped3A_52 : memref<!tpu.dma_semaphore, #tpu.memory_space<semaphore_mem>>) {add = true}
        %dma_wait3A = arith.constant 0 : i32
        %dma_wait3A_58 = tpu.memref_slice %arg4[%run_scoped3A_47, %dma_wait3A] : memref<8x128xi32, #tpu.memory_space<vmem>> -> memref<1x128xi32, #tpu.memory_space<vmem>>
        %dma_wait3A_59 = tpu.memref_squeeze %dma_wait3A_58 : memref<1x128xi32, #tpu.memory_space<vmem>> -> memref<128xi32, #tpu.memory_space<vmem>>
        %dma_wait3A_60 = arith.constant 0 : i32
        %dma_wait3A_61 = arith.constant 0 : i32
        %dma_wait3A_62 = tpu.memref_slice %arg6[%dma_wait3A_60, %dma_wait3A_61] : memref<10240x128xf32, #tpu.memory_space<vmem_shared>> -> memref<10240x128xf32, #tpu.memory_space<vmem_shared>>
        tpu.wait_indirect_dma semaphore(%run_scoped3A_52 : memref<!tpu.dma_semaphore, #tpu.memory_space<semaphore_mem>>) src(%arg5 : memref<128x128xf32, #tpu.memory_space<vmem>>) dst(%dma_wait3A_62 : memref<10240x128xf32, #tpu.memory_space<vmem_shared>>)
        tpu.yield
      }) : () -> ()
      %run_scoped3A_48 = arith.constant 5 : i32
      "tpu.region"() ({
        %run_scoped3A_52 = tpu.sem_alloc : memref<!tpu.dma_semaphore, #tpu.memory_space<semaphore_mem>>
        %dma_start3A = arith.constant 0 : i32
        %dma_start3A_53 = tpu.memref_slice %arg4[%run_scoped3A_48, %dma_start3A] : memref<8x128xi32, #tpu.memory_space<vmem>> -> memref<1x128xi32, #tpu.memory_space<vmem>>
        %dma_start3A_54 = tpu.memref_squeeze %dma_start3A_53 : memref<1x128xi32, #tpu.memory_space<vmem>> -> memref<128xi32, #tpu.memory_space<vmem>>
        %dma_start3A_55 = arith.constant 0 : i32
        %dma_start3A_56 = arith.constant 0 : i32
        %dma_start3A_57 = tpu.memref_slice %arg6[%dma_start3A_55, %dma_start3A_56] : memref<10240x128xf32, #tpu.memory_space<vmem_shared>> -> memref<10240x128xf32, #tpu.memory_space<vmem_shared>>
        tpu.enqueue_indirect_dma source(%arg5 : memref<128x128xf32, #tpu.memory_space<vmem>>) target(%dma_start3A_57 : memref<10240x128xf32, #tpu.memory_space<vmem_shared>>) offsets(%dma_start3A_54 : memref<128xi32, #tpu.memory_space<vmem>>) semaphore(%run_scoped3A_52 : memref<!tpu.dma_semaphore, #tpu.memory_space<semaphore_mem>>) {add = true}
        %dma_wait3A = arith.constant 0 : i32
        %dma_wait3A_58 = tpu.memref_slice %arg4[%run_scoped3A_48, %dma_wait3A] : memref<8x128xi32, #tpu.memory_space<vmem>> -> memref<1x128xi32, #tpu.memory_space<vmem>>
        %dma_wait3A_59 = tpu.memref_squeeze %dma_wait3A_58 : memref<1x128xi32, #tpu.memory_space<vmem>> -> memref<128xi32, #tpu.memory_space<vmem>>
        %dma_wait3A_60 = arith.constant 0 : i32
        %dma_wait3A_61 = arith.constant 0 : i32
        %dma_wait3A_62 = tpu.memref_slice %arg6[%dma_wait3A_60, %dma_wait3A_61] : memref<10240x128xf32, #tpu.memory_space<vmem_shared>> -> memref<10240x128xf32, #tpu.memory_space<vmem_shared>>
        tpu.wait_indirect_dma semaphore(%run_scoped3A_52 : memref<!tpu.dma_semaphore, #tpu.memory_space<semaphore_mem>>) src(%arg5 : memref<128x128xf32, #tpu.memory_space<vmem>>) dst(%dma_wait3A_62 : memref<10240x128xf32, #tpu.memory_space<vmem_shared>>)
        tpu.yield
      }) : () -> ()
      %run_scoped3A_49 = arith.constant 6 : i32
      "tpu.region"() ({
        %run_scoped3A_52 = tpu.sem_alloc : memref<!tpu.dma_semaphore, #tpu.memory_space<semaphore_mem>>
        %dma_start3A = arith.constant 0 : i32
        %dma_start3A_53 = tpu.memref_slice %arg4[%run_scoped3A_49, %dma_start3A] : memref<8x128xi32, #tpu.memory_space<vmem>> -> memref<1x128xi32, #tpu.memory_space<vmem>>
        %dma_start3A_54 = tpu.memref_squeeze %dma_start3A_53 : memref<1x128xi32, #tpu.memory_space<vmem>> -> memref<128xi32, #tpu.memory_space<vmem>>
        %dma_start3A_55 = arith.constant 0 : i32
        %dma_start3A_56 = arith.constant 0 : i32
        %dma_start3A_57 = tpu.memref_slice %arg6[%dma_start3A_55, %dma_start3A_56] : memref<10240x128xf32, #tpu.memory_space<vmem_shared>> -> memref<10240x128xf32, #tpu.memory_space<vmem_shared>>
        tpu.enqueue_indirect_dma source(%arg5 : memref<128x128xf32, #tpu.memory_space<vmem>>) target(%dma_start3A_57 : memref<10240x128xf32, #tpu.memory_space<vmem_shared>>) offsets(%dma_start3A_54 : memref<128xi32, #tpu.memory_space<vmem>>) semaphore(%run_scoped3A_52 : memref<!tpu.dma_semaphore, #tpu.memory_space<semaphore_mem>>) {add = true}
        %dma_wait3A = arith.constant 0 : i32
        %dma_wait3A_58 = tpu.memref_slice %arg4[%run_scoped3A_49, %dma_wait3A] : memref<8x128xi32, #tpu.memory_space<vmem>> -> memref<1x128xi32, #tpu.memory_space<vmem>>
        %dma_wait3A_59 = tpu.memref_squeeze %dma_wait3A_58 : memref<1x128xi32, #tpu.memory_space<vmem>> -> memref<128xi32, #tpu.memory_space<vmem>>
        %dma_wait3A_60 = arith.constant 0 : i32
        %dma_wait3A_61 = arith.constant 0 : i32
        %dma_wait3A_62 = tpu.memref_slice %arg6[%dma_wait3A_60, %dma_wait3A_61] : memref<10240x128xf32, #tpu.memory_space<vmem_shared>> -> memref<10240x128xf32, #tpu.memory_space<vmem_shared>>
        tpu.wait_indirect_dma semaphore(%run_scoped3A_52 : memref<!tpu.dma_semaphore, #tpu.memory_space<semaphore_mem>>) src(%arg5 : memref<128x128xf32, #tpu.memory_space<vmem>>) dst(%dma_wait3A_62 : memref<10240x128xf32, #tpu.memory_space<vmem_shared>>)
        tpu.yield
      }) : () -> ()
      %run_scoped3A_50 = arith.constant 7 : i32
      "tpu.region"() ({
        %run_scoped3A_52 = tpu.sem_alloc : memref<!tpu.dma_semaphore, #tpu.memory_space<semaphore_mem>>
        %dma_start3A = arith.constant 0 : i32
        %dma_start3A_53 = tpu.memref_slice %arg4[%run_scoped3A_50, %dma_start3A] : memref<8x128xi32, #tpu.memory_space<vmem>> -> memref<1x128xi32, #tpu.memory_space<vmem>>
        %dma_start3A_54 = tpu.memref_squeeze %dma_start3A_53 : memref<1x128xi32, #tpu.memory_space<vmem>> -> memref<128xi32, #tpu.memory_space<vmem>>
        %dma_start3A_55 = arith.constant 0 : i32
        %dma_start3A_56 = arith.constant 0 : i32
        %dma_start3A_57 = tpu.memref_slice %arg6[%dma_start3A_55, %dma_start3A_56] : memref<10240x128xf32, #tpu.memory_space<vmem_shared>> -> memref<10240x128xf32, #tpu.memory_space<vmem_shared>>
        tpu.enqueue_indirect_dma source(%arg5 : memref<128x128xf32, #tpu.memory_space<vmem>>) target(%dma_start3A_57 : memref<10240x128xf32, #tpu.memory_space<vmem_shared>>) offsets(%dma_start3A_54 : memref<128xi32, #tpu.memory_space<vmem>>) semaphore(%run_scoped3A_52 : memref<!tpu.dma_semaphore, #tpu.memory_space<semaphore_mem>>) {add = true}
        %dma_wait3A = arith.constant 0 : i32
        %dma_wait3A_58 = tpu.memref_slice %arg4[%run_scoped3A_50, %dma_wait3A] : memref<8x128xi32, #tpu.memory_space<vmem>> -> memref<1x128xi32, #tpu.memory_space<vmem>>
        %dma_wait3A_59 = tpu.memref_squeeze %dma_wait3A_58 : memref<1x128xi32, #tpu.memory_space<vmem>> -> memref<128xi32, #tpu.memory_space<vmem>>
        %dma_wait3A_60 = arith.constant 0 : i32
        %dma_wait3A_61 = arith.constant 0 : i32
        %dma_wait3A_62 = tpu.memref_slice %arg6[%dma_wait3A_60, %dma_wait3A_61] : memref<10240x128xf32, #tpu.memory_space<vmem_shared>> -> memref<10240x128xf32, #tpu.memory_space<vmem_shared>>
        tpu.wait_indirect_dma semaphore(%run_scoped3A_52 : memref<!tpu.dma_semaphore, #tpu.memory_space<semaphore_mem>>) src(%arg5 : memref<128x128xf32, #tpu.memory_space<vmem>>) dst(%dma_wait3A_62 : memref<10240x128xf32, #tpu.memory_space<vmem_shared>>)
        tpu.yield
      }) : () -> ()
      %while3A_51 = arith.constant 0 : i32
      scf.yield %while3A_51 : i32
    }
    %barrier3A_39 = arith.constant 0 : index
    tpu.barrier barrier_id(%barrier3A_39)
    "tpu.region"() ({
      %run_scoped3A = tpu.sem_alloc : memref<!tpu.dma_semaphore, #tpu.memory_space<semaphore_mem>>
      %dma_start3A = arith.constant 0 : i32
      %dma_start3A_40 = tpu.memref_slice %arg3[%arg0, %mul3A_2, %dma_start3A] : memref<2x10240x128xf32, #tpu.memory_space<hbm>> -> memref<1x640x128xf32, #tpu.memory_space<hbm>>
      %dma_start3A_41 = tpu.memref_squeeze %dma_start3A_40 : memref<1x640x128xf32, #tpu.memory_space<hbm>> -> memref<640x128xf32, #tpu.memory_space<hbm>>
      %dma_start3A_42 = arith.constant 0 : i32
      %dma_start3A_43 = tpu.memref_slice %arg6[%mul3A_2, %dma_start3A_42] : memref<10240x128xf32, #tpu.memory_space<vmem_shared>> -> memref<640x128xf32, #tpu.memory_space<vmem_shared>>
      tpu.enqueue_dma source(%dma_start3A_43 : memref<640x128xf32, #tpu.memory_space<vmem_shared>>) target(%dma_start3A_41 : memref<640x128xf32, #tpu.memory_space<hbm>>) target_semaphore(%run_scoped3A : memref<!tpu.dma_semaphore, #tpu.memory_space<semaphore_mem>>)
      %dma_wait3A = arith.constant 0 : i32
      %dma_wait3A_44 = tpu.memref_slice %arg3[%arg0, %mul3A_2, %dma_wait3A] : memref<2x10240x128xf32, #tpu.memory_space<hbm>> -> memref<1x640x128xf32, #tpu.memory_space<hbm>>
      %dma_wait3A_45 = tpu.memref_squeeze %dma_wait3A_44 : memref<1x640x128xf32, #tpu.memory_space<hbm>> -> memref<640x128xf32, #tpu.memory_space<hbm>>
      %dma_wait3A_46 = arith.constant 0 : i32
      %dma_wait3A_47 = tpu.memref_slice %arg6[%mul3A_2, %dma_wait3A_46] : memref<10240x128xf32, #tpu.memory_space<vmem_shared>> -> memref<640x128xf32, #tpu.memory_space<vmem_shared>>
      tpu.wait_dma2 semaphore(%run_scoped3A : memref<!tpu.dma_semaphore, #tpu.memory_space<semaphore_mem>>) src(%dma_wait3A_47 : memref<640x128xf32, #tpu.memory_space<vmem_shared>>) dst(%dma_wait3A_45 : memref<640x128xf32, #tpu.memory_space<hbm>>)
      tpu.yield
    }) : () -> ()
    return
  }
}

#map = affine_map<(d0, d1) -> (0, 0)>
#map1 = affine_map<(d0, d1) -> (0, 0, 0)>
module attributes {stable_mosaic.version = 14 : i64} {
  func.func @_agg_body(%arg0: i32, %arg1: i32, %arg2: memref<10000x128xf32, #tpu.memory_space<hbm>>, %arg3: memref<32x120x128xi32, #tpu.memory_space<hbm>>, %arg4: memref<32x120x128xi32, #tpu.memory_space<hbm>>, %arg5: memref<2x10240x128xf32, #tpu.memory_space<hbm>>, %arg6: memref<8x128xi32, #tpu.memory_space<vmem>>, %arg7: memref<8x128xi32, #tpu.memory_space<vmem>>, %arg8: memref<128x128xf32, #tpu.memory_space<vmem>>, %arg9: memref<128x128xf32, #tpu.memory_space<vmem>>, %arg10: memref<10240x128xf32, #tpu.memory_space<vmem_shared>>, %arg11: memref<!tpu.dma_semaphore, #tpu.memory_space<semaphore_mem>>, %arg12: memref<!tpu.dma_semaphore, #tpu.memory_space<semaphore_mem>>) attributes {dimension_semantics = [#tpu.dimension_semantics<core_parallel>, #tpu.dimension_semantics<subcore_parallel>], iteration_bounds = array<i64: 2, 16>, scalar_prefetch = 0 : i64, scratch_operands = 7 : i64, tpu.core_type = #tpu.core_type<sc_vector_subcore>, window_params = [{transform_indices = #map}, {transform_indices = #map1}, {transform_indices = #map1}, {transform_indices = #map1}]} {
    %mul3A = arith.constant 16 : i32
    %mul3A_0 = arith.muli %arg0, %mul3A : i32
    %add3A = arith.addi %mul3A_0, %arg1 : i32
    %mul3A_1 = arith.constant 640 : i32
    %mul3A_2 = arith.muli %arg1, %mul3A_1 : i32
    %eq3A = arith.constant 0 : i32
    %eq3A_3 = arith.cmpi eq, %arg0, %eq3A : i32
    %jit3A = arith.constant 15 : i32
    %jit3A_4 = arith.constant 5 : i32
    %select_n3A = arith.select %eq3A_3, %jit3A, %jit3A_4 : i32
    %scan3A = arith.constant 0 : i32
    %scan3A_5 = arith.constant 0 : i32
    %scan3A_6 = arith.constant 128 : i32
    %scan3A_7 = arith.addi %scan3A_5, %scan3A_6 : i32
    %scan3A_8 = arith.constant 1 : i32
    %scan3A_9 = scf.for %scan3A_33 = %scan3A_5 to %scan3A_7 step %scan3A_8 iter_args(%scan3A_34 = %scan3A) -> (i32)  : i32 {
      %broadcast_in_dim3A = arith.constant 0.000000e+00 : f32
      %broadcast_in_dim3A_35 = vector.broadcast %broadcast_in_dim3A : f32 to vector<16xf32>
      %swap3A = arith.index_cast %scan3A_33 : i32 to index
      %swap3A_36 = arith.constant 0 : index
      %swap3A_37 = tpu.vector_load %arg8[%swap3A, %swap3A_36] {strides = array<i32>} : memref<128x128xf32, #tpu.memory_space<vmem>>, vector<1x16xf32>,
      %swap3A_38 = vector.shape_cast %swap3A_37 : vector<1x16xf32> to vector<16xf32>
      %swap3A_39 = vector.shape_cast %broadcast_in_dim3A_35 : vector<16xf32> to vector<1x16xf32>
      tpu.vector_store %arg8[%swap3A, %swap3A_36], %swap3A_39 {strides = array<i32>} : memref<128x128xf32, #tpu.memory_space<vmem>>, vector<1x16xf32>,
      %broadcast_in_dim3A_40 = arith.constant 0.000000e+00 : f32
      %broadcast_in_dim3A_41 = vector.broadcast %broadcast_in_dim3A_40 : f32 to vector<16xf32>
      %swap3A_42 = arith.index_cast %scan3A_33 : i32 to index
      %swap3A_43 = arith.constant 16 : index
      %swap3A_44 = tpu.vector_load %arg8[%swap3A_42, %swap3A_43] {strides = array<i32>} : memref<128x128xf32, #tpu.memory_space<vmem>>, vector<1x16xf32>,
      %swap3A_45 = vector.shape_cast %swap3A_44 : vector<1x16xf32> to vector<16xf32>
      %swap3A_46 = vector.shape_cast %broadcast_in_dim3A_41 : vector<16xf32> to vector<1x16xf32>
      tpu.vector_store %arg8[%swap3A_42, %swap3A_43], %swap3A_46 {strides = array<i32>} : memref<128x128xf32, #tpu.memory_space<vmem>>, vector<1x16xf32>,
      %broadcast_in_dim3A_47 = arith.constant 0.000000e+00 : f32
      %broadcast_in_dim3A_48 = vector.broadcast %broadcast_in_dim3A_47 : f32 to vector<16xf32>
      %swap3A_49 = arith.index_cast %scan3A_33 : i32 to index
      %swap3A_50 = arith.constant 32 : index
      %swap3A_51 = tpu.vector_load %arg8[%swap3A_49, %swap3A_50] {strides = array<i32>} : memref<128x128xf32, #tpu.memory_space<vmem>>, vector<1x16xf32>,
      %swap3A_52 = vector.shape_cast %swap3A_51 : vector<1x16xf32> to vector<16xf32>
      %swap3A_53 = vector.shape_cast %broadcast_in_dim3A_48 : vector<16xf32> to vector<1x16xf32>
      tpu.vector_store %arg8[%swap3A_49, %swap3A_50], %swap3A_53 {strides = array<i32>} : memref<128x128xf32, #tpu.memory_space<vmem>>, vector<1x16xf32>,
      %broadcast_in_dim3A_54 = arith.constant 0.000000e+00 : f32
      %broadcast_in_dim3A_55 = vector.broadcast %broadcast_in_dim3A_54 : f32 to vector<16xf32>
      %swap3A_56 = arith.index_cast %scan3A_33 : i32 to index
      %swap3A_57 = arith.constant 48 : index
      %swap3A_58 = tpu.vector_load %arg8[%swap3A_56, %swap3A_57] {strides = array<i32>} : memref<128x128xf32, #tpu.memory_space<vmem>>, vector<1x16xf32>,
      %swap3A_59 = vector.shape_cast %swap3A_58 : vector<1x16xf32> to vector<16xf32>
      %swap3A_60 = vector.shape_cast %broadcast_in_dim3A_55 : vector<16xf32> to vector<1x16xf32>
      tpu.vector_store %arg8[%swap3A_56, %swap3A_57], %swap3A_60 {strides = array<i32>} : memref<128x128xf32, #tpu.memory_space<vmem>>, vector<1x16xf32>,
      %broadcast_in_dim3A_61 = arith.constant 0.000000e+00 : f32
      %broadcast_in_dim3A_62 = vector.broadcast %broadcast_in_dim3A_61 : f32 to vector<16xf32>
      %swap3A_63 = arith.index_cast %scan3A_33 : i32 to index
      %swap3A_64 = arith.constant 64 : index
      %swap3A_65 = tpu.vector_load %arg8[%swap3A_63, %swap3A_64] {strides = array<i32>} : memref<128x128xf32, #tpu.memory_space<vmem>>, vector<1x16xf32>,
      %swap3A_66 = vector.shape_cast %swap3A_65 : vector<1x16xf32> to vector<16xf32>
      %swap3A_67 = vector.shape_cast %broadcast_in_dim3A_62 : vector<16xf32> to vector<1x16xf32>
      tpu.vector_store %arg8[%swap3A_63, %swap3A_64], %swap3A_67 {strides = array<i32>} : memref<128x128xf32, #tpu.memory_space<vmem>>, vector<1x16xf32>,
      %broadcast_in_dim3A_68 = arith.constant 0.000000e+00 : f32
      %broadcast_in_dim3A_69 = vector.broadcast %broadcast_in_dim3A_68 : f32 to vector<16xf32>
      %swap3A_70 = arith.index_cast %scan3A_33 : i32 to index
      %swap3A_71 = arith.constant 80 : index
      %swap3A_72 = tpu.vector_load %arg8[%swap3A_70, %swap3A_71] {strides = array<i32>} : memref<128x128xf32, #tpu.memory_space<vmem>>, vector<1x16xf32>,
      %swap3A_73 = vector.shape_cast %swap3A_72 : vector<1x16xf32> to vector<16xf32>
      %swap3A_74 = vector.shape_cast %broadcast_in_dim3A_69 : vector<16xf32> to vector<1x16xf32>
      tpu.vector_store %arg8[%swap3A_70, %swap3A_71], %swap3A_74 {strides = array<i32>} : memref<128x128xf32, #tpu.memory_space<vmem>>, vector<1x16xf32>,
      %broadcast_in_dim3A_75 = arith.constant 0.000000e+00 : f32
      %broadcast_in_dim3A_76 = vector.broadcast %broadcast_in_dim3A_75 : f32 to vector<16xf32>
      %swap3A_77 = arith.index_cast %scan3A_33 : i32 to index
      %swap3A_78 = arith.constant 96 : index
      %swap3A_79 = tpu.vector_load %arg8[%swap3A_77, %swap3A_78] {strides = array<i32>} : memref<128x128xf32, #tpu.memory_space<vmem>>, vector<1x16xf32>,
      %swap3A_80 = vector.shape_cast %swap3A_79 : vector<1x16xf32> to vector<16xf32>
      %swap3A_81 = vector.shape_cast %broadcast_in_dim3A_76 : vector<16xf32> to vector<1x16xf32>
      tpu.vector_store %arg8[%swap3A_77, %swap3A_78], %swap3A_81 {strides = array<i32>} : memref<128x128xf32, #tpu.memory_space<vmem>>, vector<1x16xf32>,
      %broadcast_in_dim3A_82 = arith.constant 0.000000e+00 : f32
      %broadcast_in_dim3A_83 = vector.broadcast %broadcast_in_dim3A_82 : f32 to vector<16xf32>
      %swap3A_84 = arith.index_cast %scan3A_33 : i32 to index
      %swap3A_85 = arith.constant 112 : index
      %swap3A_86 = tpu.vector_load %arg8[%swap3A_84, %swap3A_85] {strides = array<i32>} : memref<128x128xf32, #tpu.memory_space<vmem>>, vector<1x16xf32>,
      %swap3A_87 = vector.shape_cast %swap3A_86 : vector<1x16xf32> to vector<16xf32>
      %swap3A_88 = vector.shape_cast %broadcast_in_dim3A_83 : vector<16xf32> to vector<1x16xf32>
      tpu.vector_store %arg8[%swap3A_84, %swap3A_85], %swap3A_88 {strides = array<i32>} : memref<128x128xf32, #tpu.memory_space<vmem>>, vector<1x16xf32>,
      %scan3A_89 = arith.constant 0 : i32
      scf.yield %scan3A_89 : i32
    }
    %scan3A_10 = arith.constant 128 : i32
    %add3A_11 = arith.constant 0 : i32
    %add3A_12 = arith.addi %mul3A_2, %add3A_11 : i32
    "tpu.region"() ({
      %run_scoped3A = tpu.sem_alloc : memref<!tpu.dma_semaphore, #tpu.memory_space<semaphore_mem>>
      %dma_start3A = arith.constant 0 : i32
      %dma_start3A_33 = tpu.memref_slice %arg10[%add3A_12, %dma_start3A] : memref<10240x128xf32, #tpu.memory_space<vmem_shared>> -> memref<128x128xf32, #tpu.memory_space<vmem_shared>>
      %dma_start3A_34 = arith.constant 0 : i32
      %dma_start3A_35 = tpu.memref_slice %arg10[%add3A_12, %dma_start3A_34] : memref<10240x128xf32, #tpu.memory_space<vmem_shared>> -> memref<128x128xf32, #tpu.memory_space<vmem_shared>>
      tpu.enqueue_dma source(%arg8 : memref<128x128xf32, #tpu.memory_space<vmem>>) target(%dma_start3A_35 : memref<128x128xf32, #tpu.memory_space<vmem_shared>>) target_semaphore(%run_scoped3A : memref<!tpu.dma_semaphore, #tpu.memory_space<semaphore_mem>>)
      %dma_wait3A = arith.constant 0 : i32
      %dma_wait3A_36 = tpu.memref_slice %arg10[%add3A_12, %dma_wait3A] : memref<10240x128xf32, #tpu.memory_space<vmem_shared>> -> memref<128x128xf32, #tpu.memory_space<vmem_shared>>
      %dma_wait3A_37 = arith.constant 0 : i32
      %dma_wait3A_38 = tpu.memref_slice %arg10[%add3A_12, %dma_wait3A_37] : memref<10240x128xf32, #tpu.memory_space<vmem_shared>> -> memref<128x128xf32, #tpu.memory_space<vmem_shared>>
      tpu.wait_dma2 semaphore(%run_scoped3A : memref<!tpu.dma_semaphore, #tpu.memory_space<semaphore_mem>>) src(%arg8 : memref<128x128xf32, #tpu.memory_space<vmem>>) dst(%dma_wait3A_38 : memref<128x128xf32, #tpu.memory_space<vmem_shared>>)
      tpu.yield
    }) : () -> ()
    %add3A_13 = arith.constant 128 : i32
    %add3A_14 = arith.addi %mul3A_2, %add3A_13 : i32
    "tpu.region"() ({
      %run_scoped3A = tpu.sem_alloc : memref<!tpu.dma_semaphore, #tpu.memory_space<semaphore_mem>>
      %dma_start3A = arith.constant 0 : i32
      %dma_start3A_33 = tpu.memref_slice %arg10[%add3A_14, %dma_start3A] : memref<10240x128xf32, #tpu.memory_space<vmem_shared>> -> memref<128x128xf32, #tpu.memory_space<vmem_shared>>
      %dma_start3A_34 = arith.constant 0 : i32
      %dma_start3A_35 = tpu.memref_slice %arg10[%add3A_14, %dma_start3A_34] : memref<10240x128xf32, #tpu.memory_space<vmem_shared>> -> memref<128x128xf32, #tpu.memory_space<vmem_shared>>
      tpu.enqueue_dma source(%arg8 : memref<128x128xf32, #tpu.memory_space<vmem>>) target(%dma_start3A_35 : memref<128x128xf32, #tpu.memory_space<vmem_shared>>) target_semaphore(%run_scoped3A : memref<!tpu.dma_semaphore, #tpu.memory_space<semaphore_mem>>)
      %dma_wait3A = arith.constant 0 : i32
      %dma_wait3A_36 = tpu.memref_slice %arg10[%add3A_14, %dma_wait3A] : memref<10240x128xf32, #tpu.memory_space<vmem_shared>> -> memref<128x128xf32, #tpu.memory_space<vmem_shared>>
      %dma_wait3A_37 = arith.constant 0 : i32
      %dma_wait3A_38 = tpu.memref_slice %arg10[%add3A_14, %dma_wait3A_37] : memref<10240x128xf32, #tpu.memory_space<vmem_shared>> -> memref<128x128xf32, #tpu.memory_space<vmem_shared>>
      tpu.wait_dma2 semaphore(%run_scoped3A : memref<!tpu.dma_semaphore, #tpu.memory_space<semaphore_mem>>) src(%arg8 : memref<128x128xf32, #tpu.memory_space<vmem>>) dst(%dma_wait3A_38 : memref<128x128xf32, #tpu.memory_space<vmem_shared>>)
      tpu.yield
    }) : () -> ()
    %add3A_15 = arith.constant 256 : i32
    %add3A_16 = arith.addi %mul3A_2, %add3A_15 : i32
    "tpu.region"() ({
      %run_scoped3A = tpu.sem_alloc : memref<!tpu.dma_semaphore, #tpu.memory_space<semaphore_mem>>
      %dma_start3A = arith.constant 0 : i32
      %dma_start3A_33 = tpu.memref_slice %arg10[%add3A_16, %dma_start3A] : memref<10240x128xf32, #tpu.memory_space<vmem_shared>> -> memref<128x128xf32, #tpu.memory_space<vmem_shared>>
      %dma_start3A_34 = arith.constant 0 : i32
      %dma_start3A_35 = tpu.memref_slice %arg10[%add3A_16, %dma_start3A_34] : memref<10240x128xf32, #tpu.memory_space<vmem_shared>> -> memref<128x128xf32, #tpu.memory_space<vmem_shared>>
      tpu.enqueue_dma source(%arg8 : memref<128x128xf32, #tpu.memory_space<vmem>>) target(%dma_start3A_35 : memref<128x128xf32, #tpu.memory_space<vmem_shared>>) target_semaphore(%run_scoped3A : memref<!tpu.dma_semaphore, #tpu.memory_space<semaphore_mem>>)
      %dma_wait3A = arith.constant 0 : i32
      %dma_wait3A_36 = tpu.memref_slice %arg10[%add3A_16, %dma_wait3A] : memref<10240x128xf32, #tpu.memory_space<vmem_shared>> -> memref<128x128xf32, #tpu.memory_space<vmem_shared>>
      %dma_wait3A_37 = arith.constant 0 : i32
      %dma_wait3A_38 = tpu.memref_slice %arg10[%add3A_16, %dma_wait3A_37] : memref<10240x128xf32, #tpu.memory_space<vmem_shared>> -> memref<128x128xf32, #tpu.memory_space<vmem_shared>>
      tpu.wait_dma2 semaphore(%run_scoped3A : memref<!tpu.dma_semaphore, #tpu.memory_space<semaphore_mem>>) src(%arg8 : memref<128x128xf32, #tpu.memory_space<vmem>>) dst(%dma_wait3A_38 : memref<128x128xf32, #tpu.memory_space<vmem_shared>>)
      tpu.yield
    }) : () -> ()
    %add3A_17 = arith.constant 384 : i32
    %add3A_18 = arith.addi %mul3A_2, %add3A_17 : i32
    "tpu.region"() ({
      %run_scoped3A = tpu.sem_alloc : memref<!tpu.dma_semaphore, #tpu.memory_space<semaphore_mem>>
      %dma_start3A = arith.constant 0 : i32
      %dma_start3A_33 = tpu.memref_slice %arg10[%add3A_18, %dma_start3A] : memref<10240x128xf32, #tpu.memory_space<vmem_shared>> -> memref<128x128xf32, #tpu.memory_space<vmem_shared>>
      %dma_start3A_34 = arith.constant 0 : i32
      %dma_start3A_35 = tpu.memref_slice %arg10[%add3A_18, %dma_start3A_34] : memref<10240x128xf32, #tpu.memory_space<vmem_shared>> -> memref<128x128xf32, #tpu.memory_space<vmem_shared>>
      tpu.enqueue_dma source(%arg8 : memref<128x128xf32, #tpu.memory_space<vmem>>) target(%dma_start3A_35 : memref<128x128xf32, #tpu.memory_space<vmem_shared>>) target_semaphore(%run_scoped3A : memref<!tpu.dma_semaphore, #tpu.memory_space<semaphore_mem>>)
      %dma_wait3A = arith.constant 0 : i32
      %dma_wait3A_36 = tpu.memref_slice %arg10[%add3A_18, %dma_wait3A] : memref<10240x128xf32, #tpu.memory_space<vmem_shared>> -> memref<128x128xf32, #tpu.memory_space<vmem_shared>>
      %dma_wait3A_37 = arith.constant 0 : i32
      %dma_wait3A_38 = tpu.memref_slice %arg10[%add3A_18, %dma_wait3A_37] : memref<10240x128xf32, #tpu.memory_space<vmem_shared>> -> memref<128x128xf32, #tpu.memory_space<vmem_shared>>
      tpu.wait_dma2 semaphore(%run_scoped3A : memref<!tpu.dma_semaphore, #tpu.memory_space<semaphore_mem>>) src(%arg8 : memref<128x128xf32, #tpu.memory_space<vmem>>) dst(%dma_wait3A_38 : memref<128x128xf32, #tpu.memory_space<vmem_shared>>)
      tpu.yield
    }) : () -> ()
    %add3A_19 = arith.constant 512 : i32
    %add3A_20 = arith.addi %mul3A_2, %add3A_19 : i32
    "tpu.region"() ({
      %run_scoped3A = tpu.sem_alloc : memref<!tpu.dma_semaphore, #tpu.memory_space<semaphore_mem>>
      %dma_start3A = arith.constant 0 : i32
      %dma_start3A_33 = tpu.memref_slice %arg10[%add3A_20, %dma_start3A] : memref<10240x128xf32, #tpu.memory_space<vmem_shared>> -> memref<128x128xf32, #tpu.memory_space<vmem_shared>>
      %dma_start3A_34 = arith.constant 0 : i32
      %dma_start3A_35 = tpu.memref_slice %arg10[%add3A_20, %dma_start3A_34] : memref<10240x128xf32, #tpu.memory_space<vmem_shared>> -> memref<128x128xf32, #tpu.memory_space<vmem_shared>>
      tpu.enqueue_dma source(%arg8 : memref<128x128xf32, #tpu.memory_space<vmem>>) target(%dma_start3A_35 : memref<128x128xf32, #tpu.memory_space<vmem_shared>>) target_semaphore(%run_scoped3A : memref<!tpu.dma_semaphore, #tpu.memory_space<semaphore_mem>>)
      %dma_wait3A = arith.constant 0 : i32
      %dma_wait3A_36 = tpu.memref_slice %arg10[%add3A_20, %dma_wait3A] : memref<10240x128xf32, #tpu.memory_space<vmem_shared>> -> memref<128x128xf32, #tpu.memory_space<vmem_shared>>
      %dma_wait3A_37 = arith.constant 0 : i32
      %dma_wait3A_38 = tpu.memref_slice %arg10[%add3A_20, %dma_wait3A_37] : memref<10240x128xf32, #tpu.memory_space<vmem_shared>> -> memref<128x128xf32, #tpu.memory_space<vmem_shared>>
      tpu.wait_dma2 semaphore(%run_scoped3A : memref<!tpu.dma_semaphore, #tpu.memory_space<semaphore_mem>>) src(%arg8 : memref<128x128xf32, #tpu.memory_space<vmem>>) dst(%dma_wait3A_38 : memref<128x128xf32, #tpu.memory_space<vmem_shared>>)
      tpu.yield
    }) : () -> ()
    %barrier3A = arith.constant 0 : index
    tpu.barrier barrier_id(%barrier3A)
    %while3A = arith.constant 0 : i32
    %while3A_21 = arith.constant 0 : i32
    %while3A_22 = arith.subi %select_n3A, %while3A : i32
    %while3A_23 = arith.addi %while3A, %while3A_22 : i32
    %while3A_24 = arith.constant 1 : i32
    %while3A_25 = arith.divsi %while3A_22, %while3A_24 : i32
    %while3A_26 = arith.muli %while3A_25, %while3A_24 : i32
    %while3A_27 = arith.addi %while3A, %while3A_26 : i32
    %while3A_28 = arith.constant 1 : i32
    %while3A_29 = scf.for %while3A_33 = %while3A to %while3A_27 step %while3A_28 iter_args(%while3A_34 = %while3A_21) -> (i32)  : i32 {
      %mul3A_35 = arith.constant 8 : i32
      %mul3A_36 = arith.muli %while3A_33, %mul3A_35 : i32
      "tpu.region"() ({
        %run_scoped3A_155 = tpu.sem_alloc : memref<!tpu.dma_semaphore, #tpu.memory_space<semaphore_mem>>
        %dma_start3A_156 = arith.constant 0 : i32
        %dma_start3A_157 = tpu.memref_slice %arg3[%add3A, %mul3A_36, %dma_start3A_156] : memref<32x120x128xi32, #tpu.memory_space<hbm>> -> memref<1x8x128xi32, #tpu.memory_space<hbm>>
        %dma_start3A_158 = tpu.memref_squeeze %dma_start3A_157 : memref<1x8x128xi32, #tpu.memory_space<hbm>> -> memref<8x128xi32, #tpu.memory_space<hbm>>
        %dma_start3A_159 = arith.constant 0 : i32
        %dma_start3A_160 = tpu.memref_slice %arg3[%add3A, %mul3A_36, %dma_start3A_159] : memref<32x120x128xi32, #tpu.memory_space<hbm>> -> memref<1x8x128xi32, #tpu.memory_space<hbm>>
        %dma_start3A_161 = tpu.memref_squeeze %dma_start3A_160 : memref<1x8x128xi32, #tpu.memory_space<hbm>> -> memref<8x128xi32, #tpu.memory_space<hbm>>
        tpu.enqueue_dma source(%dma_start3A_161 : memref<8x128xi32, #tpu.memory_space<hbm>>) target(%arg6 : memref<8x128xi32, #tpu.memory_space<vmem>>) target_semaphore(%run_scoped3A_155 : memref<!tpu.dma_semaphore, #tpu.memory_space<semaphore_mem>>)
        %dma_wait3A_162 = arith.constant 0 : i32
        %dma_wait3A_163 = tpu.memref_slice %arg3[%add3A, %mul3A_36, %dma_wait3A_162] : memref<32x120x128xi32, #tpu.memory_space<hbm>> -> memref<1x8x128xi32, #tpu.memory_space<hbm>>
        %dma_wait3A_164 = tpu.memref_squeeze %dma_wait3A_163 : memref<1x8x128xi32, #tpu.memory_space<hbm>> -> memref<8x128xi32, #tpu.memory_space<hbm>>
        %dma_wait3A_165 = arith.constant 0 : i32
        %dma_wait3A_166 = tpu.memref_slice %arg3[%add3A, %mul3A_36, %dma_wait3A_165] : memref<32x120x128xi32, #tpu.memory_space<hbm>> -> memref<1x8x128xi32, #tpu.memory_space<hbm>>
        %dma_wait3A_167 = tpu.memref_squeeze %dma_wait3A_166 : memref<1x8x128xi32, #tpu.memory_space<hbm>> -> memref<8x128xi32, #tpu.memory_space<hbm>>
        tpu.wait_dma2 semaphore(%run_scoped3A_155 : memref<!tpu.dma_semaphore, #tpu.memory_space<semaphore_mem>>) src(%dma_wait3A_167 : memref<8x128xi32, #tpu.memory_space<hbm>>) dst(%arg6 : memref<8x128xi32, #tpu.memory_space<vmem>>)
        tpu.yield
      }) : () -> ()
      "tpu.region"() ({
        %run_scoped3A_155 = tpu.sem_alloc : memref<!tpu.dma_semaphore, #tpu.memory_space<semaphore_mem>>
        %dma_start3A_156 = arith.constant 0 : i32
        %dma_start3A_157 = tpu.memref_slice %arg4[%add3A, %mul3A_36, %dma_start3A_156] : memref<32x120x128xi32, #tpu.memory_space<hbm>> -> memref<1x8x128xi32, #tpu.memory_space<hbm>>
        %dma_start3A_158 = tpu.memref_squeeze %dma_start3A_157 : memref<1x8x128xi32, #tpu.memory_space<hbm>> -> memref<8x128xi32, #tpu.memory_space<hbm>>
        %dma_start3A_159 = arith.constant 0 : i32
        %dma_start3A_160 = tpu.memref_slice %arg4[%add3A, %mul3A_36, %dma_start3A_159] : memref<32x120x128xi32, #tpu.memory_space<hbm>> -> memref<1x8x128xi32, #tpu.memory_space<hbm>>
        %dma_start3A_161 = tpu.memref_squeeze %dma_start3A_160 : memref<1x8x128xi32, #tpu.memory_space<hbm>> -> memref<8x128xi32, #tpu.memory_space<hbm>>
        tpu.enqueue_dma source(%dma_start3A_161 : memref<8x128xi32, #tpu.memory_space<hbm>>) target(%arg7 : memref<8x128xi32, #tpu.memory_space<vmem>>) target_semaphore(%run_scoped3A_155 : memref<!tpu.dma_semaphore, #tpu.memory_space<semaphore_mem>>)
        %dma_wait3A_162 = arith.constant 0 : i32
        %dma_wait3A_163 = tpu.memref_slice %arg4[%add3A, %mul3A_36, %dma_wait3A_162] : memref<32x120x128xi32, #tpu.memory_space<hbm>> -> memref<1x8x128xi32, #tpu.memory_space<hbm>>
        %dma_wait3A_164 = tpu.memref_squeeze %dma_wait3A_163 : memref<1x8x128xi32, #tpu.memory_space<hbm>> -> memref<8x128xi32, #tpu.memory_space<hbm>>
        %dma_wait3A_165 = arith.constant 0 : i32
        %dma_wait3A_166 = tpu.memref_slice %arg4[%add3A, %mul3A_36, %dma_wait3A_165] : memref<32x120x128xi32, #tpu.memory_space<hbm>> -> memref<1x8x128xi32, #tpu.memory_space<hbm>>
        %dma_wait3A_167 = tpu.memref_squeeze %dma_wait3A_166 : memref<1x8x128xi32, #tpu.memory_space<hbm>> -> memref<8x128xi32, #tpu.memory_space<hbm>>
        tpu.wait_dma2 semaphore(%run_scoped3A_155 : memref<!tpu.dma_semaphore, #tpu.memory_space<semaphore_mem>>) src(%dma_wait3A_167 : memref<8x128xi32, #tpu.memory_space<hbm>>) dst(%arg7 : memref<8x128xi32, #tpu.memory_space<vmem>>)
        tpu.yield
      }) : () -> ()
      %dma_start3A = arith.constant 0 : i32
      %dma_start3A_37 = arith.constant 0 : i32
      %dma_start3A_38 = tpu.memref_slice %arg6[%dma_start3A, %dma_start3A_37] : memref<8x128xi32, #tpu.memory_space<vmem>> -> memref<1x128xi32, #tpu.memory_space<vmem>>
      %dma_start3A_39 = tpu.memref_squeeze %dma_start3A_38 : memref<1x128xi32, #tpu.memory_space<vmem>> -> memref<128xi32, #tpu.memory_space<vmem>>
      %dma_start3A_40 = arith.constant 0 : i32
      %dma_start3A_41 = arith.constant 0 : i32
      %dma_start3A_42 = tpu.memref_slice %arg2[%dma_start3A_40, %dma_start3A_41] : memref<10000x128xf32, #tpu.memory_space<hbm>> -> memref<10000x128xf32, #tpu.memory_space<hbm>>
      tpu.enqueue_indirect_dma source(%dma_start3A_42 : memref<10000x128xf32, #tpu.memory_space<hbm>>) target(%arg8 : memref<128x128xf32, #tpu.memory_space<vmem>>) offsets(%dma_start3A_39 : memref<128xi32, #tpu.memory_space<vmem>>) semaphore(%arg11 : memref<!tpu.dma_semaphore, #tpu.memory_space<semaphore_mem>>)
      %dma_wait3A = arith.constant 0 : i32
      %dma_wait3A_43 = arith.constant 0 : i32
      %dma_wait3A_44 = tpu.memref_slice %arg6[%dma_wait3A, %dma_wait3A_43] : memref<8x128xi32, #tpu.memory_space<vmem>> -> memref<1x128xi32, #tpu.memory_space<vmem>>
      %dma_wait3A_45 = tpu.memref_squeeze %dma_wait3A_44 : memref<1x128xi32, #tpu.memory_space<vmem>> -> memref<128xi32, #tpu.memory_space<vmem>>
      %dma_wait3A_46 = arith.constant 0 : i32
      %dma_wait3A_47 = arith.constant 0 : i32
      %dma_wait3A_48 = tpu.memref_slice %arg2[%dma_wait3A_46, %dma_wait3A_47] : memref<10000x128xf32, #tpu.memory_space<hbm>> -> memref<10000x128xf32, #tpu.memory_space<hbm>>
      tpu.wait_indirect_dma semaphore(%arg11 : memref<!tpu.dma_semaphore, #tpu.memory_space<semaphore_mem>>) src(%dma_wait3A_48 : memref<10000x128xf32, #tpu.memory_space<hbm>>) dst(%arg8 : memref<128x128xf32, #tpu.memory_space<vmem>>)
      %dma_start3A_49 = arith.constant 1 : i32
      %dma_start3A_50 = arith.constant 0 : i32
      %dma_start3A_51 = tpu.memref_slice %arg6[%dma_start3A_49, %dma_start3A_50] : memref<8x128xi32, #tpu.memory_space<vmem>> -> memref<1x128xi32, #tpu.memory_space<vmem>>
      %dma_start3A_52 = tpu.memref_squeeze %dma_start3A_51 : memref<1x128xi32, #tpu.memory_space<vmem>> -> memref<128xi32, #tpu.memory_space<vmem>>
      %dma_start3A_53 = arith.constant 0 : i32
      %dma_start3A_54 = arith.constant 0 : i32
      %dma_start3A_55 = tpu.memref_slice %arg2[%dma_start3A_53, %dma_start3A_54] : memref<10000x128xf32, #tpu.memory_space<hbm>> -> memref<10000x128xf32, #tpu.memory_space<hbm>>
      tpu.enqueue_indirect_dma source(%dma_start3A_55 : memref<10000x128xf32, #tpu.memory_space<hbm>>) target(%arg9 : memref<128x128xf32, #tpu.memory_space<vmem>>) offsets(%dma_start3A_52 : memref<128xi32, #tpu.memory_space<vmem>>) semaphore(%arg12 : memref<!tpu.dma_semaphore, #tpu.memory_space<semaphore_mem>>)
      %run_scoped3A = arith.constant 0 : i32
      "tpu.region"() ({
        %run_scoped3A_155 = tpu.sem_alloc : memref<!tpu.dma_semaphore, #tpu.memory_space<semaphore_mem>>
        %dma_start3A_156 = arith.constant 0 : i32
        %dma_start3A_157 = tpu.memref_slice %arg7[%run_scoped3A, %dma_start3A_156] : memref<8x128xi32, #tpu.memory_space<vmem>> -> memref<1x128xi32, #tpu.memory_space<vmem>>
        %dma_start3A_158 = tpu.memref_squeeze %dma_start3A_157 : memref<1x128xi32, #tpu.memory_space<vmem>> -> memref<128xi32, #tpu.memory_space<vmem>>
        %dma_start3A_159 = arith.constant 0 : i32
        %dma_start3A_160 = arith.constant 0 : i32
        %dma_start3A_161 = tpu.memref_slice %arg10[%dma_start3A_159, %dma_start3A_160] : memref<10240x128xf32, #tpu.memory_space<vmem_shared>> -> memref<10240x128xf32, #tpu.memory_space<vmem_shared>>
        tpu.enqueue_indirect_dma source(%arg8 : memref<128x128xf32, #tpu.memory_space<vmem>>) target(%dma_start3A_161 : memref<10240x128xf32, #tpu.memory_space<vmem_shared>>) offsets(%dma_start3A_158 : memref<128xi32, #tpu.memory_space<vmem>>) semaphore(%run_scoped3A_155 : memref<!tpu.dma_semaphore, #tpu.memory_space<semaphore_mem>>) {add = true}
        %dma_wait3A_162 = arith.constant 0 : i32
        %dma_wait3A_163 = tpu.memref_slice %arg7[%run_scoped3A, %dma_wait3A_162] : memref<8x128xi32, #tpu.memory_space<vmem>> -> memref<1x128xi32, #tpu.memory_space<vmem>>
        %dma_wait3A_164 = tpu.memref_squeeze %dma_wait3A_163 : memref<1x128xi32, #tpu.memory_space<vmem>> -> memref<128xi32, #tpu.memory_space<vmem>>
        %dma_wait3A_165 = arith.constant 0 : i32
        %dma_wait3A_166 = arith.constant 0 : i32
        %dma_wait3A_167 = tpu.memref_slice %arg10[%dma_wait3A_165, %dma_wait3A_166] : memref<10240x128xf32, #tpu.memory_space<vmem_shared>> -> memref<10240x128xf32, #tpu.memory_space<vmem_shared>>
        tpu.wait_indirect_dma semaphore(%run_scoped3A_155 : memref<!tpu.dma_semaphore, #tpu.memory_space<semaphore_mem>>) src(%arg8 : memref<128x128xf32, #tpu.memory_space<vmem>>) dst(%dma_wait3A_167 : memref<10240x128xf32, #tpu.memory_space<vmem_shared>>)
        tpu.yield
      }) : () -> ()
      %dma_wait3A_56 = arith.constant 1 : i32
      %dma_wait3A_57 = arith.constant 0 : i32
      %dma_wait3A_58 = tpu.memref_slice %arg6[%dma_wait3A_56, %dma_wait3A_57] : memref<8x128xi32, #tpu.memory_space<vmem>> -> memref<1x128xi32, #tpu.memory_space<vmem>>
      %dma_wait3A_59 = tpu.memref_squeeze %dma_wait3A_58 : memref<1x128xi32, #tpu.memory_space<vmem>> -> memref<128xi32, #tpu.memory_space<vmem>>
      %dma_wait3A_60 = arith.constant 0 : i32
      %dma_wait3A_61 = arith.constant 0 : i32
      %dma_wait3A_62 = tpu.memref_slice %arg2[%dma_wait3A_60, %dma_wait3A_61] : memref<10000x128xf32, #tpu.memory_space<hbm>> -> memref<10000x128xf32, #tpu.memory_space<hbm>>
      tpu.wait_indirect_dma semaphore(%arg12 : memref<!tpu.dma_semaphore, #tpu.memory_space<semaphore_mem>>) src(%dma_wait3A_62 : memref<10000x128xf32, #tpu.memory_space<hbm>>) dst(%arg9 : memref<128x128xf32, #tpu.memory_space<vmem>>)
      %dma_start3A_63 = arith.constant 2 : i32
      %dma_start3A_64 = arith.constant 0 : i32
      %dma_start3A_65 = tpu.memref_slice %arg6[%dma_start3A_63, %dma_start3A_64] : memref<8x128xi32, #tpu.memory_space<vmem>> -> memref<1x128xi32, #tpu.memory_space<vmem>>
      %dma_start3A_66 = tpu.memref_squeeze %dma_start3A_65 : memref<1x128xi32, #tpu.memory_space<vmem>> -> memref<128xi32, #tpu.memory_space<vmem>>
      %dma_start3A_67 = arith.constant 0 : i32
      %dma_start3A_68 = arith.constant 0 : i32
      %dma_start3A_69 = tpu.memref_slice %arg2[%dma_start3A_67, %dma_start3A_68] : memref<10000x128xf32, #tpu.memory_space<hbm>> -> memref<10000x128xf32, #tpu.memory_space<hbm>>
      tpu.enqueue_indirect_dma source(%dma_start3A_69 : memref<10000x128xf32, #tpu.memory_space<hbm>>) target(%arg8 : memref<128x128xf32, #tpu.memory_space<vmem>>) offsets(%dma_start3A_66 : memref<128xi32, #tpu.memory_space<vmem>>) semaphore(%arg11 : memref<!tpu.dma_semaphore, #tpu.memory_space<semaphore_mem>>)
      %run_scoped3A_70 = arith.constant 1 : i32
      "tpu.region"() ({
        %run_scoped3A_155 = tpu.sem_alloc : memref<!tpu.dma_semaphore, #tpu.memory_space<semaphore_mem>>
        %dma_start3A_156 = arith.constant 0 : i32
        %dma_start3A_157 = tpu.memref_slice %arg7[%run_scoped3A_70, %dma_start3A_156] : memref<8x128xi32, #tpu.memory_space<vmem>> -> memref<1x128xi32, #tpu.memory_space<vmem>>
        %dma_start3A_158 = tpu.memref_squeeze %dma_start3A_157 : memref<1x128xi32, #tpu.memory_space<vmem>> -> memref<128xi32, #tpu.memory_space<vmem>>
        %dma_start3A_159 = arith.constant 0 : i32
        %dma_start3A_160 = arith.constant 0 : i32
        %dma_start3A_161 = tpu.memref_slice %arg10[%dma_start3A_159, %dma_start3A_160] : memref<10240x128xf32, #tpu.memory_space<vmem_shared>> -> memref<10240x128xf32, #tpu.memory_space<vmem_shared>>
        tpu.enqueue_indirect_dma source(%arg9 : memref<128x128xf32, #tpu.memory_space<vmem>>) target(%dma_start3A_161 : memref<10240x128xf32, #tpu.memory_space<vmem_shared>>) offsets(%dma_start3A_158 : memref<128xi32, #tpu.memory_space<vmem>>) semaphore(%run_scoped3A_155 : memref<!tpu.dma_semaphore, #tpu.memory_space<semaphore_mem>>) {add = true}
        %dma_wait3A_162 = arith.constant 0 : i32
        %dma_wait3A_163 = tpu.memref_slice %arg7[%run_scoped3A_70, %dma_wait3A_162] : memref<8x128xi32, #tpu.memory_space<vmem>> -> memref<1x128xi32, #tpu.memory_space<vmem>>
        %dma_wait3A_164 = tpu.memref_squeeze %dma_wait3A_163 : memref<1x128xi32, #tpu.memory_space<vmem>> -> memref<128xi32, #tpu.memory_space<vmem>>
        %dma_wait3A_165 = arith.constant 0 : i32
        %dma_wait3A_166 = arith.constant 0 : i32
        %dma_wait3A_167 = tpu.memref_slice %arg10[%dma_wait3A_165, %dma_wait3A_166] : memref<10240x128xf32, #tpu.memory_space<vmem_shared>> -> memref<10240x128xf32, #tpu.memory_space<vmem_shared>>
        tpu.wait_indirect_dma semaphore(%run_scoped3A_155 : memref<!tpu.dma_semaphore, #tpu.memory_space<semaphore_mem>>) src(%arg9 : memref<128x128xf32, #tpu.memory_space<vmem>>) dst(%dma_wait3A_167 : memref<10240x128xf32, #tpu.memory_space<vmem_shared>>)
        tpu.yield
      }) : () -> ()
      %dma_wait3A_71 = arith.constant 2 : i32
      %dma_wait3A_72 = arith.constant 0 : i32
      %dma_wait3A_73 = tpu.memref_slice %arg6[%dma_wait3A_71, %dma_wait3A_72] : memref<8x128xi32, #tpu.memory_space<vmem>> -> memref<1x128xi32, #tpu.memory_space<vmem>>
      %dma_wait3A_74 = tpu.memref_squeeze %dma_wait3A_73 : memref<1x128xi32, #tpu.memory_space<vmem>> -> memref<128xi32, #tpu.memory_space<vmem>>
      %dma_wait3A_75 = arith.constant 0 : i32
      %dma_wait3A_76 = arith.constant 0 : i32
      %dma_wait3A_77 = tpu.memref_slice %arg2[%dma_wait3A_75, %dma_wait3A_76] : memref<10000x128xf32, #tpu.memory_space<hbm>> -> memref<10000x128xf32, #tpu.memory_space<hbm>>
      tpu.wait_indirect_dma semaphore(%arg11 : memref<!tpu.dma_semaphore, #tpu.memory_space<semaphore_mem>>) src(%dma_wait3A_77 : memref<10000x128xf32, #tpu.memory_space<hbm>>) dst(%arg8 : memref<128x128xf32, #tpu.memory_space<vmem>>)
      %dma_start3A_78 = arith.constant 3 : i32
      %dma_start3A_79 = arith.constant 0 : i32
      %dma_start3A_80 = tpu.memref_slice %arg6[%dma_start3A_78, %dma_start3A_79] : memref<8x128xi32, #tpu.memory_space<vmem>> -> memref<1x128xi32, #tpu.memory_space<vmem>>
      %dma_start3A_81 = tpu.memref_squeeze %dma_start3A_80 : memref<1x128xi32, #tpu.memory_space<vmem>> -> memref<128xi32, #tpu.memory_space<vmem>>
      %dma_start3A_82 = arith.constant 0 : i32
      %dma_start3A_83 = arith.constant 0 : i32
      %dma_start3A_84 = tpu.memref_slice %arg2[%dma_start3A_82, %dma_start3A_83] : memref<10000x128xf32, #tpu.memory_space<hbm>> -> memref<10000x128xf32, #tpu.memory_space<hbm>>
      tpu.enqueue_indirect_dma source(%dma_start3A_84 : memref<10000x128xf32, #tpu.memory_space<hbm>>) target(%arg9 : memref<128x128xf32, #tpu.memory_space<vmem>>) offsets(%dma_start3A_81 : memref<128xi32, #tpu.memory_space<vmem>>) semaphore(%arg12 : memref<!tpu.dma_semaphore, #tpu.memory_space<semaphore_mem>>)
      %run_scoped3A_85 = arith.constant 2 : i32
      "tpu.region"() ({
        %run_scoped3A_155 = tpu.sem_alloc : memref<!tpu.dma_semaphore, #tpu.memory_space<semaphore_mem>>
        %dma_start3A_156 = arith.constant 0 : i32
        %dma_start3A_157 = tpu.memref_slice %arg7[%run_scoped3A_85, %dma_start3A_156] : memref<8x128xi32, #tpu.memory_space<vmem>> -> memref<1x128xi32, #tpu.memory_space<vmem>>
        %dma_start3A_158 = tpu.memref_squeeze %dma_start3A_157 : memref<1x128xi32, #tpu.memory_space<vmem>> -> memref<128xi32, #tpu.memory_space<vmem>>
        %dma_start3A_159 = arith.constant 0 : i32
        %dma_start3A_160 = arith.constant 0 : i32
        %dma_start3A_161 = tpu.memref_slice %arg10[%dma_start3A_159, %dma_start3A_160] : memref<10240x128xf32, #tpu.memory_space<vmem_shared>> -> memref<10240x128xf32, #tpu.memory_space<vmem_shared>>
        tpu.enqueue_indirect_dma source(%arg8 : memref<128x128xf32, #tpu.memory_space<vmem>>) target(%dma_start3A_161 : memref<10240x128xf32, #tpu.memory_space<vmem_shared>>) offsets(%dma_start3A_158 : memref<128xi32, #tpu.memory_space<vmem>>) semaphore(%run_scoped3A_155 : memref<!tpu.dma_semaphore, #tpu.memory_space<semaphore_mem>>) {add = true}
        %dma_wait3A_162 = arith.constant 0 : i32
        %dma_wait3A_163 = tpu.memref_slice %arg7[%run_scoped3A_85, %dma_wait3A_162] : memref<8x128xi32, #tpu.memory_space<vmem>> -> memref<1x128xi32, #tpu.memory_space<vmem>>
        %dma_wait3A_164 = tpu.memref_squeeze %dma_wait3A_163 : memref<1x128xi32, #tpu.memory_space<vmem>> -> memref<128xi32, #tpu.memory_space<vmem>>
        %dma_wait3A_165 = arith.constant 0 : i32
        %dma_wait3A_166 = arith.constant 0 : i32
        %dma_wait3A_167 = tpu.memref_slice %arg10[%dma_wait3A_165, %dma_wait3A_166] : memref<10240x128xf32, #tpu.memory_space<vmem_shared>> -> memref<10240x128xf32, #tpu.memory_space<vmem_shared>>
        tpu.wait_indirect_dma semaphore(%run_scoped3A_155 : memref<!tpu.dma_semaphore, #tpu.memory_space<semaphore_mem>>) src(%arg8 : memref<128x128xf32, #tpu.memory_space<vmem>>) dst(%dma_wait3A_167 : memref<10240x128xf32, #tpu.memory_space<vmem_shared>>)
        tpu.yield
      }) : () -> ()
      %dma_wait3A_86 = arith.constant 3 : i32
      %dma_wait3A_87 = arith.constant 0 : i32
      %dma_wait3A_88 = tpu.memref_slice %arg6[%dma_wait3A_86, %dma_wait3A_87] : memref<8x128xi32, #tpu.memory_space<vmem>> -> memref<1x128xi32, #tpu.memory_space<vmem>>
      %dma_wait3A_89 = tpu.memref_squeeze %dma_wait3A_88 : memref<1x128xi32, #tpu.memory_space<vmem>> -> memref<128xi32, #tpu.memory_space<vmem>>
      %dma_wait3A_90 = arith.constant 0 : i32
      %dma_wait3A_91 = arith.constant 0 : i32
      %dma_wait3A_92 = tpu.memref_slice %arg2[%dma_wait3A_90, %dma_wait3A_91] : memref<10000x128xf32, #tpu.memory_space<hbm>> -> memref<10000x128xf32, #tpu.memory_space<hbm>>
      tpu.wait_indirect_dma semaphore(%arg12 : memref<!tpu.dma_semaphore, #tpu.memory_space<semaphore_mem>>) src(%dma_wait3A_92 : memref<10000x128xf32, #tpu.memory_space<hbm>>) dst(%arg9 : memref<128x128xf32, #tpu.memory_space<vmem>>)
      %dma_start3A_93 = arith.constant 4 : i32
      %dma_start3A_94 = arith.constant 0 : i32
      %dma_start3A_95 = tpu.memref_slice %arg6[%dma_start3A_93, %dma_start3A_94] : memref<8x128xi32, #tpu.memory_space<vmem>> -> memref<1x128xi32, #tpu.memory_space<vmem>>
      %dma_start3A_96 = tpu.memref_squeeze %dma_start3A_95 : memref<1x128xi32, #tpu.memory_space<vmem>> -> memref<128xi32, #tpu.memory_space<vmem>>
      %dma_start3A_97 = arith.constant 0 : i32
      %dma_start3A_98 = arith.constant 0 : i32
      %dma_start3A_99 = tpu.memref_slice %arg2[%dma_start3A_97, %dma_start3A_98] : memref<10000x128xf32, #tpu.memory_space<hbm>> -> memref<10000x128xf32, #tpu.memory_space<hbm>>
      tpu.enqueue_indirect_dma source(%dma_start3A_99 : memref<10000x128xf32, #tpu.memory_space<hbm>>) target(%arg8 : memref<128x128xf32, #tpu.memory_space<vmem>>) offsets(%dma_start3A_96 : memref<128xi32, #tpu.memory_space<vmem>>) semaphore(%arg11 : memref<!tpu.dma_semaphore, #tpu.memory_space<semaphore_mem>>)
      %run_scoped3A_100 = arith.constant 3 : i32
      "tpu.region"() ({
        %run_scoped3A_155 = tpu.sem_alloc : memref<!tpu.dma_semaphore, #tpu.memory_space<semaphore_mem>>
        %dma_start3A_156 = arith.constant 0 : i32
        %dma_start3A_157 = tpu.memref_slice %arg7[%run_scoped3A_100, %dma_start3A_156] : memref<8x128xi32, #tpu.memory_space<vmem>> -> memref<1x128xi32, #tpu.memory_space<vmem>>
        %dma_start3A_158 = tpu.memref_squeeze %dma_start3A_157 : memref<1x128xi32, #tpu.memory_space<vmem>> -> memref<128xi32, #tpu.memory_space<vmem>>
        %dma_start3A_159 = arith.constant 0 : i32
        %dma_start3A_160 = arith.constant 0 : i32
        %dma_start3A_161 = tpu.memref_slice %arg10[%dma_start3A_159, %dma_start3A_160] : memref<10240x128xf32, #tpu.memory_space<vmem_shared>> -> memref<10240x128xf32, #tpu.memory_space<vmem_shared>>
        tpu.enqueue_indirect_dma source(%arg9 : memref<128x128xf32, #tpu.memory_space<vmem>>) target(%dma_start3A_161 : memref<10240x128xf32, #tpu.memory_space<vmem_shared>>) offsets(%dma_start3A_158 : memref<128xi32, #tpu.memory_space<vmem>>) semaphore(%run_scoped3A_155 : memref<!tpu.dma_semaphore, #tpu.memory_space<semaphore_mem>>) {add = true}
        %dma_wait3A_162 = arith.constant 0 : i32
        %dma_wait3A_163 = tpu.memref_slice %arg7[%run_scoped3A_100, %dma_wait3A_162] : memref<8x128xi32, #tpu.memory_space<vmem>> -> memref<1x128xi32, #tpu.memory_space<vmem>>
        %dma_wait3A_164 = tpu.memref_squeeze %dma_wait3A_163 : memref<1x128xi32, #tpu.memory_space<vmem>> -> memref<128xi32, #tpu.memory_space<vmem>>
        %dma_wait3A_165 = arith.constant 0 : i32
        %dma_wait3A_166 = arith.constant 0 : i32
        %dma_wait3A_167 = tpu.memref_slice %arg10[%dma_wait3A_165, %dma_wait3A_166] : memref<10240x128xf32, #tpu.memory_space<vmem_shared>> -> memref<10240x128xf32, #tpu.memory_space<vmem_shared>>
        tpu.wait_indirect_dma semaphore(%run_scoped3A_155 : memref<!tpu.dma_semaphore, #tpu.memory_space<semaphore_mem>>) src(%arg9 : memref<128x128xf32, #tpu.memory_space<vmem>>) dst(%dma_wait3A_167 : memref<10240x128xf32, #tpu.memory_space<vmem_shared>>)
        tpu.yield
      }) : () -> ()
      %dma_wait3A_101 = arith.constant 4 : i32
      %dma_wait3A_102 = arith.constant 0 : i32
      %dma_wait3A_103 = tpu.memref_slice %arg6[%dma_wait3A_101, %dma_wait3A_102] : memref<8x128xi32, #tpu.memory_space<vmem>> -> memref<1x128xi32, #tpu.memory_space<vmem>>
      %dma_wait3A_104 = tpu.memref_squeeze %dma_wait3A_103 : memref<1x128xi32, #tpu.memory_space<vmem>> -> memref<128xi32, #tpu.memory_space<vmem>>
      %dma_wait3A_105 = arith.constant 0 : i32
      %dma_wait3A_106 = arith.constant 0 : i32
      %dma_wait3A_107 = tpu.memref_slice %arg2[%dma_wait3A_105, %dma_wait3A_106] : memref<10000x128xf32, #tpu.memory_space<hbm>> -> memref<10000x128xf32, #tpu.memory_space<hbm>>
      tpu.wait_indirect_dma semaphore(%arg11 : memref<!tpu.dma_semaphore, #tpu.memory_space<semaphore_mem>>) src(%dma_wait3A_107 : memref<10000x128xf32, #tpu.memory_space<hbm>>) dst(%arg8 : memref<128x128xf32, #tpu.memory_space<vmem>>)
      %dma_start3A_108 = arith.constant 5 : i32
      %dma_start3A_109 = arith.constant 0 : i32
      %dma_start3A_110 = tpu.memref_slice %arg6[%dma_start3A_108, %dma_start3A_109] : memref<8x128xi32, #tpu.memory_space<vmem>> -> memref<1x128xi32, #tpu.memory_space<vmem>>
      %dma_start3A_111 = tpu.memref_squeeze %dma_start3A_110 : memref<1x128xi32, #tpu.memory_space<vmem>> -> memref<128xi32, #tpu.memory_space<vmem>>
      %dma_start3A_112 = arith.constant 0 : i32
      %dma_start3A_113 = arith.constant 0 : i32
      %dma_start3A_114 = tpu.memref_slice %arg2[%dma_start3A_112, %dma_start3A_113] : memref<10000x128xf32, #tpu.memory_space<hbm>> -> memref<10000x128xf32, #tpu.memory_space<hbm>>
      tpu.enqueue_indirect_dma source(%dma_start3A_114 : memref<10000x128xf32, #tpu.memory_space<hbm>>) target(%arg9 : memref<128x128xf32, #tpu.memory_space<vmem>>) offsets(%dma_start3A_111 : memref<128xi32, #tpu.memory_space<vmem>>) semaphore(%arg12 : memref<!tpu.dma_semaphore, #tpu.memory_space<semaphore_mem>>)
      %run_scoped3A_115 = arith.constant 4 : i32
      "tpu.region"() ({
        %run_scoped3A_155 = tpu.sem_alloc : memref<!tpu.dma_semaphore, #tpu.memory_space<semaphore_mem>>
        %dma_start3A_156 = arith.constant 0 : i32
        %dma_start3A_157 = tpu.memref_slice %arg7[%run_scoped3A_115, %dma_start3A_156] : memref<8x128xi32, #tpu.memory_space<vmem>> -> memref<1x128xi32, #tpu.memory_space<vmem>>
        %dma_start3A_158 = tpu.memref_squeeze %dma_start3A_157 : memref<1x128xi32, #tpu.memory_space<vmem>> -> memref<128xi32, #tpu.memory_space<vmem>>
        %dma_start3A_159 = arith.constant 0 : i32
        %dma_start3A_160 = arith.constant 0 : i32
        %dma_start3A_161 = tpu.memref_slice %arg10[%dma_start3A_159, %dma_start3A_160] : memref<10240x128xf32, #tpu.memory_space<vmem_shared>> -> memref<10240x128xf32, #tpu.memory_space<vmem_shared>>
        tpu.enqueue_indirect_dma source(%arg8 : memref<128x128xf32, #tpu.memory_space<vmem>>) target(%dma_start3A_161 : memref<10240x128xf32, #tpu.memory_space<vmem_shared>>) offsets(%dma_start3A_158 : memref<128xi32, #tpu.memory_space<vmem>>) semaphore(%run_scoped3A_155 : memref<!tpu.dma_semaphore, #tpu.memory_space<semaphore_mem>>) {add = true}
        %dma_wait3A_162 = arith.constant 0 : i32
        %dma_wait3A_163 = tpu.memref_slice %arg7[%run_scoped3A_115, %dma_wait3A_162] : memref<8x128xi32, #tpu.memory_space<vmem>> -> memref<1x128xi32, #tpu.memory_space<vmem>>
        %dma_wait3A_164 = tpu.memref_squeeze %dma_wait3A_163 : memref<1x128xi32, #tpu.memory_space<vmem>> -> memref<128xi32, #tpu.memory_space<vmem>>
        %dma_wait3A_165 = arith.constant 0 : i32
        %dma_wait3A_166 = arith.constant 0 : i32
        %dma_wait3A_167 = tpu.memref_slice %arg10[%dma_wait3A_165, %dma_wait3A_166] : memref<10240x128xf32, #tpu.memory_space<vmem_shared>> -> memref<10240x128xf32, #tpu.memory_space<vmem_shared>>
        tpu.wait_indirect_dma semaphore(%run_scoped3A_155 : memref<!tpu.dma_semaphore, #tpu.memory_space<semaphore_mem>>) src(%arg8 : memref<128x128xf32, #tpu.memory_space<vmem>>) dst(%dma_wait3A_167 : memref<10240x128xf32, #tpu.memory_space<vmem_shared>>)
        tpu.yield
      }) : () -> ()
      %dma_wait3A_116 = arith.constant 5 : i32
      %dma_wait3A_117 = arith.constant 0 : i32
      %dma_wait3A_118 = tpu.memref_slice %arg6[%dma_wait3A_116, %dma_wait3A_117] : memref<8x128xi32, #tpu.memory_space<vmem>> -> memref<1x128xi32, #tpu.memory_space<vmem>>
      %dma_wait3A_119 = tpu.memref_squeeze %dma_wait3A_118 : memref<1x128xi32, #tpu.memory_space<vmem>> -> memref<128xi32, #tpu.memory_space<vmem>>
      %dma_wait3A_120 = arith.constant 0 : i32
      %dma_wait3A_121 = arith.constant 0 : i32
      %dma_wait3A_122 = tpu.memref_slice %arg2[%dma_wait3A_120, %dma_wait3A_121] : memref<10000x128xf32, #tpu.memory_space<hbm>> -> memref<10000x128xf32, #tpu.memory_space<hbm>>
      tpu.wait_indirect_dma semaphore(%arg12 : memref<!tpu.dma_semaphore, #tpu.memory_space<semaphore_mem>>) src(%dma_wait3A_122 : memref<10000x128xf32, #tpu.memory_space<hbm>>) dst(%arg9 : memref<128x128xf32, #tpu.memory_space<vmem>>)
      %dma_start3A_123 = arith.constant 6 : i32
      %dma_start3A_124 = arith.constant 0 : i32
      %dma_start3A_125 = tpu.memref_slice %arg6[%dma_start3A_123, %dma_start3A_124] : memref<8x128xi32, #tpu.memory_space<vmem>> -> memref<1x128xi32, #tpu.memory_space<vmem>>
      %dma_start3A_126 = tpu.memref_squeeze %dma_start3A_125 : memref<1x128xi32, #tpu.memory_space<vmem>> -> memref<128xi32, #tpu.memory_space<vmem>>
      %dma_start3A_127 = arith.constant 0 : i32
      %dma_start3A_128 = arith.constant 0 : i32
      %dma_start3A_129 = tpu.memref_slice %arg2[%dma_start3A_127, %dma_start3A_128] : memref<10000x128xf32, #tpu.memory_space<hbm>> -> memref<10000x128xf32, #tpu.memory_space<hbm>>
      tpu.enqueue_indirect_dma source(%dma_start3A_129 : memref<10000x128xf32, #tpu.memory_space<hbm>>) target(%arg8 : memref<128x128xf32, #tpu.memory_space<vmem>>) offsets(%dma_start3A_126 : memref<128xi32, #tpu.memory_space<vmem>>) semaphore(%arg11 : memref<!tpu.dma_semaphore, #tpu.memory_space<semaphore_mem>>)
      %run_scoped3A_130 = arith.constant 5 : i32
      "tpu.region"() ({
        %run_scoped3A_155 = tpu.sem_alloc : memref<!tpu.dma_semaphore, #tpu.memory_space<semaphore_mem>>
        %dma_start3A_156 = arith.constant 0 : i32
        %dma_start3A_157 = tpu.memref_slice %arg7[%run_scoped3A_130, %dma_start3A_156] : memref<8x128xi32, #tpu.memory_space<vmem>> -> memref<1x128xi32, #tpu.memory_space<vmem>>
        %dma_start3A_158 = tpu.memref_squeeze %dma_start3A_157 : memref<1x128xi32, #tpu.memory_space<vmem>> -> memref<128xi32, #tpu.memory_space<vmem>>
        %dma_start3A_159 = arith.constant 0 : i32
        %dma_start3A_160 = arith.constant 0 : i32
        %dma_start3A_161 = tpu.memref_slice %arg10[%dma_start3A_159, %dma_start3A_160] : memref<10240x128xf32, #tpu.memory_space<vmem_shared>> -> memref<10240x128xf32, #tpu.memory_space<vmem_shared>>
        tpu.enqueue_indirect_dma source(%arg9 : memref<128x128xf32, #tpu.memory_space<vmem>>) target(%dma_start3A_161 : memref<10240x128xf32, #tpu.memory_space<vmem_shared>>) offsets(%dma_start3A_158 : memref<128xi32, #tpu.memory_space<vmem>>) semaphore(%run_scoped3A_155 : memref<!tpu.dma_semaphore, #tpu.memory_space<semaphore_mem>>) {add = true}
        %dma_wait3A_162 = arith.constant 0 : i32
        %dma_wait3A_163 = tpu.memref_slice %arg7[%run_scoped3A_130, %dma_wait3A_162] : memref<8x128xi32, #tpu.memory_space<vmem>> -> memref<1x128xi32, #tpu.memory_space<vmem>>
        %dma_wait3A_164 = tpu.memref_squeeze %dma_wait3A_163 : memref<1x128xi32, #tpu.memory_space<vmem>> -> memref<128xi32, #tpu.memory_space<vmem>>
        %dma_wait3A_165 = arith.constant 0 : i32
        %dma_wait3A_166 = arith.constant 0 : i32
        %dma_wait3A_167 = tpu.memref_slice %arg10[%dma_wait3A_165, %dma_wait3A_166] : memref<10240x128xf32, #tpu.memory_space<vmem_shared>> -> memref<10240x128xf32, #tpu.memory_space<vmem_shared>>
        tpu.wait_indirect_dma semaphore(%run_scoped3A_155 : memref<!tpu.dma_semaphore, #tpu.memory_space<semaphore_mem>>) src(%arg9 : memref<128x128xf32, #tpu.memory_space<vmem>>) dst(%dma_wait3A_167 : memref<10240x128xf32, #tpu.memory_space<vmem_shared>>)
        tpu.yield
      }) : () -> ()
      %dma_wait3A_131 = arith.constant 6 : i32
      %dma_wait3A_132 = arith.constant 0 : i32
      %dma_wait3A_133 = tpu.memref_slice %arg6[%dma_wait3A_131, %dma_wait3A_132] : memref<8x128xi32, #tpu.memory_space<vmem>> -> memref<1x128xi32, #tpu.memory_space<vmem>>
      %dma_wait3A_134 = tpu.memref_squeeze %dma_wait3A_133 : memref<1x128xi32, #tpu.memory_space<vmem>> -> memref<128xi32, #tpu.memory_space<vmem>>
      %dma_wait3A_135 = arith.constant 0 : i32
      %dma_wait3A_136 = arith.constant 0 : i32
      %dma_wait3A_137 = tpu.memref_slice %arg2[%dma_wait3A_135, %dma_wait3A_136] : memref<10000x128xf32, #tpu.memory_space<hbm>> -> memref<10000x128xf32, #tpu.memory_space<hbm>>
      tpu.wait_indirect_dma semaphore(%arg11 : memref<!tpu.dma_semaphore, #tpu.memory_space<semaphore_mem>>) src(%dma_wait3A_137 : memref<10000x128xf32, #tpu.memory_space<hbm>>) dst(%arg8 : memref<128x128xf32, #tpu.memory_space<vmem>>)
      %dma_start3A_138 = arith.constant 7 : i32
      %dma_start3A_139 = arith.constant 0 : i32
      %dma_start3A_140 = tpu.memref_slice %arg6[%dma_start3A_138, %dma_start3A_139] : memref<8x128xi32, #tpu.memory_space<vmem>> -> memref<1x128xi32, #tpu.memory_space<vmem>>
      %dma_start3A_141 = tpu.memref_squeeze %dma_start3A_140 : memref<1x128xi32, #tpu.memory_space<vmem>> -> memref<128xi32, #tpu.memory_space<vmem>>
      %dma_start3A_142 = arith.constant 0 : i32
      %dma_start3A_143 = arith.constant 0 : i32
      %dma_start3A_144 = tpu.memref_slice %arg2[%dma_start3A_142, %dma_start3A_143] : memref<10000x128xf32, #tpu.memory_space<hbm>> -> memref<10000x128xf32, #tpu.memory_space<hbm>>
      tpu.enqueue_indirect_dma source(%dma_start3A_144 : memref<10000x128xf32, #tpu.memory_space<hbm>>) target(%arg9 : memref<128x128xf32, #tpu.memory_space<vmem>>) offsets(%dma_start3A_141 : memref<128xi32, #tpu.memory_space<vmem>>) semaphore(%arg12 : memref<!tpu.dma_semaphore, #tpu.memory_space<semaphore_mem>>)
      %run_scoped3A_145 = arith.constant 6 : i32
      "tpu.region"() ({
        %run_scoped3A_155 = tpu.sem_alloc : memref<!tpu.dma_semaphore, #tpu.memory_space<semaphore_mem>>
        %dma_start3A_156 = arith.constant 0 : i32
        %dma_start3A_157 = tpu.memref_slice %arg7[%run_scoped3A_145, %dma_start3A_156] : memref<8x128xi32, #tpu.memory_space<vmem>> -> memref<1x128xi32, #tpu.memory_space<vmem>>
        %dma_start3A_158 = tpu.memref_squeeze %dma_start3A_157 : memref<1x128xi32, #tpu.memory_space<vmem>> -> memref<128xi32, #tpu.memory_space<vmem>>
        %dma_start3A_159 = arith.constant 0 : i32
        %dma_start3A_160 = arith.constant 0 : i32
        %dma_start3A_161 = tpu.memref_slice %arg10[%dma_start3A_159, %dma_start3A_160] : memref<10240x128xf32, #tpu.memory_space<vmem_shared>> -> memref<10240x128xf32, #tpu.memory_space<vmem_shared>>
        tpu.enqueue_indirect_dma source(%arg8 : memref<128x128xf32, #tpu.memory_space<vmem>>) target(%dma_start3A_161 : memref<10240x128xf32, #tpu.memory_space<vmem_shared>>) offsets(%dma_start3A_158 : memref<128xi32, #tpu.memory_space<vmem>>) semaphore(%run_scoped3A_155 : memref<!tpu.dma_semaphore, #tpu.memory_space<semaphore_mem>>) {add = true}
        %dma_wait3A_162 = arith.constant 0 : i32
        %dma_wait3A_163 = tpu.memref_slice %arg7[%run_scoped3A_145, %dma_wait3A_162] : memref<8x128xi32, #tpu.memory_space<vmem>> -> memref<1x128xi32, #tpu.memory_space<vmem>>
        %dma_wait3A_164 = tpu.memref_squeeze %dma_wait3A_163 : memref<1x128xi32, #tpu.memory_space<vmem>> -> memref<128xi32, #tpu.memory_space<vmem>>
        %dma_wait3A_165 = arith.constant 0 : i32
        %dma_wait3A_166 = arith.constant 0 : i32
        %dma_wait3A_167 = tpu.memref_slice %arg10[%dma_wait3A_165, %dma_wait3A_166] : memref<10240x128xf32, #tpu.memory_space<vmem_shared>> -> memref<10240x128xf32, #tpu.memory_space<vmem_shared>>
        tpu.wait_indirect_dma semaphore(%run_scoped3A_155 : memref<!tpu.dma_semaphore, #tpu.memory_space<semaphore_mem>>) src(%arg8 : memref<128x128xf32, #tpu.memory_space<vmem>>) dst(%dma_wait3A_167 : memref<10240x128xf32, #tpu.memory_space<vmem_shared>>)
        tpu.yield
      }) : () -> ()
      %dma_wait3A_146 = arith.constant 7 : i32
      %dma_wait3A_147 = arith.constant 0 : i32
      %dma_wait3A_148 = tpu.memref_slice %arg6[%dma_wait3A_146, %dma_wait3A_147] : memref<8x128xi32, #tpu.memory_space<vmem>> -> memref<1x128xi32, #tpu.memory_space<vmem>>
      %dma_wait3A_149 = tpu.memref_squeeze %dma_wait3A_148 : memref<1x128xi32, #tpu.memory_space<vmem>> -> memref<128xi32, #tpu.memory_space<vmem>>
      %dma_wait3A_150 = arith.constant 0 : i32
      %dma_wait3A_151 = arith.constant 0 : i32
      %dma_wait3A_152 = tpu.memref_slice %arg2[%dma_wait3A_150, %dma_wait3A_151] : memref<10000x128xf32, #tpu.memory_space<hbm>> -> memref<10000x128xf32, #tpu.memory_space<hbm>>
      tpu.wait_indirect_dma semaphore(%arg12 : memref<!tpu.dma_semaphore, #tpu.memory_space<semaphore_mem>>) src(%dma_wait3A_152 : memref<10000x128xf32, #tpu.memory_space<hbm>>) dst(%arg9 : memref<128x128xf32, #tpu.memory_space<vmem>>)
      %run_scoped3A_153 = arith.constant 7 : i32
      "tpu.region"() ({
        %run_scoped3A_155 = tpu.sem_alloc : memref<!tpu.dma_semaphore, #tpu.memory_space<semaphore_mem>>
        %dma_start3A_156 = arith.constant 0 : i32
        %dma_start3A_157 = tpu.memref_slice %arg7[%run_scoped3A_153, %dma_start3A_156] : memref<8x128xi32, #tpu.memory_space<vmem>> -> memref<1x128xi32, #tpu.memory_space<vmem>>
        %dma_start3A_158 = tpu.memref_squeeze %dma_start3A_157 : memref<1x128xi32, #tpu.memory_space<vmem>> -> memref<128xi32, #tpu.memory_space<vmem>>
        %dma_start3A_159 = arith.constant 0 : i32
        %dma_start3A_160 = arith.constant 0 : i32
        %dma_start3A_161 = tpu.memref_slice %arg10[%dma_start3A_159, %dma_start3A_160] : memref<10240x128xf32, #tpu.memory_space<vmem_shared>> -> memref<10240x128xf32, #tpu.memory_space<vmem_shared>>
        tpu.enqueue_indirect_dma source(%arg9 : memref<128x128xf32, #tpu.memory_space<vmem>>) target(%dma_start3A_161 : memref<10240x128xf32, #tpu.memory_space<vmem_shared>>) offsets(%dma_start3A_158 : memref<128xi32, #tpu.memory_space<vmem>>) semaphore(%run_scoped3A_155 : memref<!tpu.dma_semaphore, #tpu.memory_space<semaphore_mem>>) {add = true}
        %dma_wait3A_162 = arith.constant 0 : i32
        %dma_wait3A_163 = tpu.memref_slice %arg7[%run_scoped3A_153, %dma_wait3A_162] : memref<8x128xi32, #tpu.memory_space<vmem>> -> memref<1x128xi32, #tpu.memory_space<vmem>>
        %dma_wait3A_164 = tpu.memref_squeeze %dma_wait3A_163 : memref<1x128xi32, #tpu.memory_space<vmem>> -> memref<128xi32, #tpu.memory_space<vmem>>
        %dma_wait3A_165 = arith.constant 0 : i32
        %dma_wait3A_166 = arith.constant 0 : i32
        %dma_wait3A_167 = tpu.memref_slice %arg10[%dma_wait3A_165, %dma_wait3A_166] : memref<10240x128xf32, #tpu.memory_space<vmem_shared>> -> memref<10240x128xf32, #tpu.memory_space<vmem_shared>>
        tpu.wait_indirect_dma semaphore(%run_scoped3A_155 : memref<!tpu.dma_semaphore, #tpu.memory_space<semaphore_mem>>) src(%arg9 : memref<128x128xf32, #tpu.memory_space<vmem>>) dst(%dma_wait3A_167 : memref<10240x128xf32, #tpu.memory_space<vmem_shared>>)
        tpu.yield
      }) : () -> ()
      %while3A_154 = arith.constant 0 : i32
      scf.yield %while3A_154 : i32
    }
    %while3A_30 = arith.constant 1 : i32
    %while3A_31 = scf.for %while3A_33 = %while3A_27 to %while3A_23 step %while3A_30 iter_args(%while3A_34 = %while3A_29) -> (i32)  : i32 {
      %mul3A_35 = arith.constant 8 : i32
      %mul3A_36 = arith.muli %while3A_33, %mul3A_35 : i32
      "tpu.region"() ({
        %run_scoped3A_155 = tpu.sem_alloc : memref<!tpu.dma_semaphore, #tpu.memory_space<semaphore_mem>>
        %dma_start3A_156 = arith.constant 0 : i32
        %dma_start3A_157 = tpu.memref_slice %arg3[%add3A, %mul3A_36, %dma_start3A_156] : memref<32x120x128xi32, #tpu.memory_space<hbm>> -> memref<1x8x128xi32, #tpu.memory_space<hbm>>
        %dma_start3A_158 = tpu.memref_squeeze %dma_start3A_157 : memref<1x8x128xi32, #tpu.memory_space<hbm>> -> memref<8x128xi32, #tpu.memory_space<hbm>>
        %dma_start3A_159 = arith.constant 0 : i32
        %dma_start3A_160 = tpu.memref_slice %arg3[%add3A, %mul3A_36, %dma_start3A_159] : memref<32x120x128xi32, #tpu.memory_space<hbm>> -> memref<1x8x128xi32, #tpu.memory_space<hbm>>
        %dma_start3A_161 = tpu.memref_squeeze %dma_start3A_160 : memref<1x8x128xi32, #tpu.memory_space<hbm>> -> memref<8x128xi32, #tpu.memory_space<hbm>>
        tpu.enqueue_dma source(%dma_start3A_161 : memref<8x128xi32, #tpu.memory_space<hbm>>) target(%arg6 : memref<8x128xi32, #tpu.memory_space<vmem>>) target_semaphore(%run_scoped3A_155 : memref<!tpu.dma_semaphore, #tpu.memory_space<semaphore_mem>>)
        %dma_wait3A_162 = arith.constant 0 : i32
        %dma_wait3A_163 = tpu.memref_slice %arg3[%add3A, %mul3A_36, %dma_wait3A_162] : memref<32x120x128xi32, #tpu.memory_space<hbm>> -> memref<1x8x128xi32, #tpu.memory_space<hbm>>
        %dma_wait3A_164 = tpu.memref_squeeze %dma_wait3A_163 : memref<1x8x128xi32, #tpu.memory_space<hbm>> -> memref<8x128xi32, #tpu.memory_space<hbm>>
        %dma_wait3A_165 = arith.constant 0 : i32
        %dma_wait3A_166 = tpu.memref_slice %arg3[%add3A, %mul3A_36, %dma_wait3A_165] : memref<32x120x128xi32, #tpu.memory_space<hbm>> -> memref<1x8x128xi32, #tpu.memory_space<hbm>>
        %dma_wait3A_167 = tpu.memref_squeeze %dma_wait3A_166 : memref<1x8x128xi32, #tpu.memory_space<hbm>> -> memref<8x128xi32, #tpu.memory_space<hbm>>
        tpu.wait_dma2 semaphore(%run_scoped3A_155 : memref<!tpu.dma_semaphore, #tpu.memory_space<semaphore_mem>>) src(%dma_wait3A_167 : memref<8x128xi32, #tpu.memory_space<hbm>>) dst(%arg6 : memref<8x128xi32, #tpu.memory_space<vmem>>)
        tpu.yield
      }) : () -> ()
      "tpu.region"() ({
        %run_scoped3A_155 = tpu.sem_alloc : memref<!tpu.dma_semaphore, #tpu.memory_space<semaphore_mem>>
        %dma_start3A_156 = arith.constant 0 : i32
        %dma_start3A_157 = tpu.memref_slice %arg4[%add3A, %mul3A_36, %dma_start3A_156] : memref<32x120x128xi32, #tpu.memory_space<hbm>> -> memref<1x8x128xi32, #tpu.memory_space<hbm>>
        %dma_start3A_158 = tpu.memref_squeeze %dma_start3A_157 : memref<1x8x128xi32, #tpu.memory_space<hbm>> -> memref<8x128xi32, #tpu.memory_space<hbm>>
        %dma_start3A_159 = arith.constant 0 : i32
        %dma_start3A_160 = tpu.memref_slice %arg4[%add3A, %mul3A_36, %dma_start3A_159] : memref<32x120x128xi32, #tpu.memory_space<hbm>> -> memref<1x8x128xi32, #tpu.memory_space<hbm>>
        %dma_start3A_161 = tpu.memref_squeeze %dma_start3A_160 : memref<1x8x128xi32, #tpu.memory_space<hbm>> -> memref<8x128xi32, #tpu.memory_space<hbm>>
        tpu.enqueue_dma source(%dma_start3A_161 : memref<8x128xi32, #tpu.memory_space<hbm>>) target(%arg7 : memref<8x128xi32, #tpu.memory_space<vmem>>) target_semaphore(%run_scoped3A_155 : memref<!tpu.dma_semaphore, #tpu.memory_space<semaphore_mem>>)
        %dma_wait3A_162 = arith.constant 0 : i32
        %dma_wait3A_163 = tpu.memref_slice %arg4[%add3A, %mul3A_36, %dma_wait3A_162] : memref<32x120x128xi32, #tpu.memory_space<hbm>> -> memref<1x8x128xi32, #tpu.memory_space<hbm>>
        %dma_wait3A_164 = tpu.memref_squeeze %dma_wait3A_163 : memref<1x8x128xi32, #tpu.memory_space<hbm>> -> memref<8x128xi32, #tpu.memory_space<hbm>>
        %dma_wait3A_165 = arith.constant 0 : i32
        %dma_wait3A_166 = tpu.memref_slice %arg4[%add3A, %mul3A_36, %dma_wait3A_165] : memref<32x120x128xi32, #tpu.memory_space<hbm>> -> memref<1x8x128xi32, #tpu.memory_space<hbm>>
        %dma_wait3A_167 = tpu.memref_squeeze %dma_wait3A_166 : memref<1x8x128xi32, #tpu.memory_space<hbm>> -> memref<8x128xi32, #tpu.memory_space<hbm>>
        tpu.wait_dma2 semaphore(%run_scoped3A_155 : memref<!tpu.dma_semaphore, #tpu.memory_space<semaphore_mem>>) src(%dma_wait3A_167 : memref<8x128xi32, #tpu.memory_space<hbm>>) dst(%arg7 : memref<8x128xi32, #tpu.memory_space<vmem>>)
        tpu.yield
      }) : () -> ()
      %dma_start3A = arith.constant 0 : i32
      %dma_start3A_37 = arith.constant 0 : i32
      %dma_start3A_38 = tpu.memref_slice %arg6[%dma_start3A, %dma_start3A_37] : memref<8x128xi32, #tpu.memory_space<vmem>> -> memref<1x128xi32, #tpu.memory_space<vmem>>
      %dma_start3A_39 = tpu.memref_squeeze %dma_start3A_38 : memref<1x128xi32, #tpu.memory_space<vmem>> -> memref<128xi32, #tpu.memory_space<vmem>>
      %dma_start3A_40 = arith.constant 0 : i32
      %dma_start3A_41 = arith.constant 0 : i32
      %dma_start3A_42 = tpu.memref_slice %arg2[%dma_start3A_40, %dma_start3A_41] : memref<10000x128xf32, #tpu.memory_space<hbm>> -> memref<10000x128xf32, #tpu.memory_space<hbm>>
      tpu.enqueue_indirect_dma source(%dma_start3A_42 : memref<10000x128xf32, #tpu.memory_space<hbm>>) target(%arg8 : memref<128x128xf32, #tpu.memory_space<vmem>>) offsets(%dma_start3A_39 : memref<128xi32, #tpu.memory_space<vmem>>) semaphore(%arg11 : memref<!tpu.dma_semaphore, #tpu.memory_space<semaphore_mem>>)
      %dma_wait3A = arith.constant 0 : i32
      %dma_wait3A_43 = arith.constant 0 : i32
      %dma_wait3A_44 = tpu.memref_slice %arg6[%dma_wait3A, %dma_wait3A_43] : memref<8x128xi32, #tpu.memory_space<vmem>> -> memref<1x128xi32, #tpu.memory_space<vmem>>
      %dma_wait3A_45 = tpu.memref_squeeze %dma_wait3A_44 : memref<1x128xi32, #tpu.memory_space<vmem>> -> memref<128xi32, #tpu.memory_space<vmem>>
      %dma_wait3A_46 = arith.constant 0 : i32
      %dma_wait3A_47 = arith.constant 0 : i32
      %dma_wait3A_48 = tpu.memref_slice %arg2[%dma_wait3A_46, %dma_wait3A_47] : memref<10000x128xf32, #tpu.memory_space<hbm>> -> memref<10000x128xf32, #tpu.memory_space<hbm>>
      tpu.wait_indirect_dma semaphore(%arg11 : memref<!tpu.dma_semaphore, #tpu.memory_space<semaphore_mem>>) src(%dma_wait3A_48 : memref<10000x128xf32, #tpu.memory_space<hbm>>) dst(%arg8 : memref<128x128xf32, #tpu.memory_space<vmem>>)
      %dma_start3A_49 = arith.constant 1 : i32
      %dma_start3A_50 = arith.constant 0 : i32
      %dma_start3A_51 = tpu.memref_slice %arg6[%dma_start3A_49, %dma_start3A_50] : memref<8x128xi32, #tpu.memory_space<vmem>> -> memref<1x128xi32, #tpu.memory_space<vmem>>
      %dma_start3A_52 = tpu.memref_squeeze %dma_start3A_51 : memref<1x128xi32, #tpu.memory_space<vmem>> -> memref<128xi32, #tpu.memory_space<vmem>>
      %dma_start3A_53 = arith.constant 0 : i32
      %dma_start3A_54 = arith.constant 0 : i32
      %dma_start3A_55 = tpu.memref_slice %arg2[%dma_start3A_53, %dma_start3A_54] : memref<10000x128xf32, #tpu.memory_space<hbm>> -> memref<10000x128xf32, #tpu.memory_space<hbm>>
      tpu.enqueue_indirect_dma source(%dma_start3A_55 : memref<10000x128xf32, #tpu.memory_space<hbm>>) target(%arg9 : memref<128x128xf32, #tpu.memory_space<vmem>>) offsets(%dma_start3A_52 : memref<128xi32, #tpu.memory_space<vmem>>) semaphore(%arg12 : memref<!tpu.dma_semaphore, #tpu.memory_space<semaphore_mem>>)
      %run_scoped3A = arith.constant 0 : i32
      "tpu.region"() ({
        %run_scoped3A_155 = tpu.sem_alloc : memref<!tpu.dma_semaphore, #tpu.memory_space<semaphore_mem>>
        %dma_start3A_156 = arith.constant 0 : i32
        %dma_start3A_157 = tpu.memref_slice %arg7[%run_scoped3A, %dma_start3A_156] : memref<8x128xi32, #tpu.memory_space<vmem>> -> memref<1x128xi32, #tpu.memory_space<vmem>>
        %dma_start3A_158 = tpu.memref_squeeze %dma_start3A_157 : memref<1x128xi32, #tpu.memory_space<vmem>> -> memref<128xi32, #tpu.memory_space<vmem>>
        %dma_start3A_159 = arith.constant 0 : i32
        %dma_start3A_160 = arith.constant 0 : i32
        %dma_start3A_161 = tpu.memref_slice %arg10[%dma_start3A_159, %dma_start3A_160] : memref<10240x128xf32, #tpu.memory_space<vmem_shared>> -> memref<10240x128xf32, #tpu.memory_space<vmem_shared>>
        tpu.enqueue_indirect_dma source(%arg8 : memref<128x128xf32, #tpu.memory_space<vmem>>) target(%dma_start3A_161 : memref<10240x128xf32, #tpu.memory_space<vmem_shared>>) offsets(%dma_start3A_158 : memref<128xi32, #tpu.memory_space<vmem>>) semaphore(%run_scoped3A_155 : memref<!tpu.dma_semaphore, #tpu.memory_space<semaphore_mem>>) {add = true}
        %dma_wait3A_162 = arith.constant 0 : i32
        %dma_wait3A_163 = tpu.memref_slice %arg7[%run_scoped3A, %dma_wait3A_162] : memref<8x128xi32, #tpu.memory_space<vmem>> -> memref<1x128xi32, #tpu.memory_space<vmem>>
        %dma_wait3A_164 = tpu.memref_squeeze %dma_wait3A_163 : memref<1x128xi32, #tpu.memory_space<vmem>> -> memref<128xi32, #tpu.memory_space<vmem>>
        %dma_wait3A_165 = arith.constant 0 : i32
        %dma_wait3A_166 = arith.constant 0 : i32
        %dma_wait3A_167 = tpu.memref_slice %arg10[%dma_wait3A_165, %dma_wait3A_166] : memref<10240x128xf32, #tpu.memory_space<vmem_shared>> -> memref<10240x128xf32, #tpu.memory_space<vmem_shared>>
        tpu.wait_indirect_dma semaphore(%run_scoped3A_155 : memref<!tpu.dma_semaphore, #tpu.memory_space<semaphore_mem>>) src(%arg8 : memref<128x128xf32, #tpu.memory_space<vmem>>) dst(%dma_wait3A_167 : memref<10240x128xf32, #tpu.memory_space<vmem_shared>>)
        tpu.yield
      }) : () -> ()
      %dma_wait3A_56 = arith.constant 1 : i32
      %dma_wait3A_57 = arith.constant 0 : i32
      %dma_wait3A_58 = tpu.memref_slice %arg6[%dma_wait3A_56, %dma_wait3A_57] : memref<8x128xi32, #tpu.memory_space<vmem>> -> memref<1x128xi32, #tpu.memory_space<vmem>>
      %dma_wait3A_59 = tpu.memref_squeeze %dma_wait3A_58 : memref<1x128xi32, #tpu.memory_space<vmem>> -> memref<128xi32, #tpu.memory_space<vmem>>
      %dma_wait3A_60 = arith.constant 0 : i32
      %dma_wait3A_61 = arith.constant 0 : i32
      %dma_wait3A_62 = tpu.memref_slice %arg2[%dma_wait3A_60, %dma_wait3A_61] : memref<10000x128xf32, #tpu.memory_space<hbm>> -> memref<10000x128xf32, #tpu.memory_space<hbm>>
      tpu.wait_indirect_dma semaphore(%arg12 : memref<!tpu.dma_semaphore, #tpu.memory_space<semaphore_mem>>) src(%dma_wait3A_62 : memref<10000x128xf32, #tpu.memory_space<hbm>>) dst(%arg9 : memref<128x128xf32, #tpu.memory_space<vmem>>)
      %dma_start3A_63 = arith.constant 2 : i32
      %dma_start3A_64 = arith.constant 0 : i32
      %dma_start3A_65 = tpu.memref_slice %arg6[%dma_start3A_63, %dma_start3A_64] : memref<8x128xi32, #tpu.memory_space<vmem>> -> memref<1x128xi32, #tpu.memory_space<vmem>>
      %dma_start3A_66 = tpu.memref_squeeze %dma_start3A_65 : memref<1x128xi32, #tpu.memory_space<vmem>> -> memref<128xi32, #tpu.memory_space<vmem>>
      %dma_start3A_67 = arith.constant 0 : i32
      %dma_start3A_68 = arith.constant 0 : i32
      %dma_start3A_69 = tpu.memref_slice %arg2[%dma_start3A_67, %dma_start3A_68] : memref<10000x128xf32, #tpu.memory_space<hbm>> -> memref<10000x128xf32, #tpu.memory_space<hbm>>
      tpu.enqueue_indirect_dma source(%dma_start3A_69 : memref<10000x128xf32, #tpu.memory_space<hbm>>) target(%arg8 : memref<128x128xf32, #tpu.memory_space<vmem>>) offsets(%dma_start3A_66 : memref<128xi32, #tpu.memory_space<vmem>>) semaphore(%arg11 : memref<!tpu.dma_semaphore, #tpu.memory_space<semaphore_mem>>)
      %run_scoped3A_70 = arith.constant 1 : i32
      "tpu.region"() ({
        %run_scoped3A_155 = tpu.sem_alloc : memref<!tpu.dma_semaphore, #tpu.memory_space<semaphore_mem>>
        %dma_start3A_156 = arith.constant 0 : i32
        %dma_start3A_157 = tpu.memref_slice %arg7[%run_scoped3A_70, %dma_start3A_156] : memref<8x128xi32, #tpu.memory_space<vmem>> -> memref<1x128xi32, #tpu.memory_space<vmem>>
        %dma_start3A_158 = tpu.memref_squeeze %dma_start3A_157 : memref<1x128xi32, #tpu.memory_space<vmem>> -> memref<128xi32, #tpu.memory_space<vmem>>
        %dma_start3A_159 = arith.constant 0 : i32
        %dma_start3A_160 = arith.constant 0 : i32
        %dma_start3A_161 = tpu.memref_slice %arg10[%dma_start3A_159, %dma_start3A_160] : memref<10240x128xf32, #tpu.memory_space<vmem_shared>> -> memref<10240x128xf32, #tpu.memory_space<vmem_shared>>
        tpu.enqueue_indirect_dma source(%arg9 : memref<128x128xf32, #tpu.memory_space<vmem>>) target(%dma_start3A_161 : memref<10240x128xf32, #tpu.memory_space<vmem_shared>>) offsets(%dma_start3A_158 : memref<128xi32, #tpu.memory_space<vmem>>) semaphore(%run_scoped3A_155 : memref<!tpu.dma_semaphore, #tpu.memory_space<semaphore_mem>>) {add = true}
        %dma_wait3A_162 = arith.constant 0 : i32
        %dma_wait3A_163 = tpu.memref_slice %arg7[%run_scoped3A_70, %dma_wait3A_162] : memref<8x128xi32, #tpu.memory_space<vmem>> -> memref<1x128xi32, #tpu.memory_space<vmem>>
        %dma_wait3A_164 = tpu.memref_squeeze %dma_wait3A_163 : memref<1x128xi32, #tpu.memory_space<vmem>> -> memref<128xi32, #tpu.memory_space<vmem>>
        %dma_wait3A_165 = arith.constant 0 : i32
        %dma_wait3A_166 = arith.constant 0 : i32
        %dma_wait3A_167 = tpu.memref_slice %arg10[%dma_wait3A_165, %dma_wait3A_166] : memref<10240x128xf32, #tpu.memory_space<vmem_shared>> -> memref<10240x128xf32, #tpu.memory_space<vmem_shared>>
        tpu.wait_indirect_dma semaphore(%run_scoped3A_155 : memref<!tpu.dma_semaphore, #tpu.memory_space<semaphore_mem>>) src(%arg9 : memref<128x128xf32, #tpu.memory_space<vmem>>) dst(%dma_wait3A_167 : memref<10240x128xf32, #tpu.memory_space<vmem_shared>>)
        tpu.yield
      }) : () -> ()
      %dma_wait3A_71 = arith.constant 2 : i32
      %dma_wait3A_72 = arith.constant 0 : i32
      %dma_wait3A_73 = tpu.memref_slice %arg6[%dma_wait3A_71, %dma_wait3A_72] : memref<8x128xi32, #tpu.memory_space<vmem>> -> memref<1x128xi32, #tpu.memory_space<vmem>>
      %dma_wait3A_74 = tpu.memref_squeeze %dma_wait3A_73 : memref<1x128xi32, #tpu.memory_space<vmem>> -> memref<128xi32, #tpu.memory_space<vmem>>
      %dma_wait3A_75 = arith.constant 0 : i32
      %dma_wait3A_76 = arith.constant 0 : i32
      %dma_wait3A_77 = tpu.memref_slice %arg2[%dma_wait3A_75, %dma_wait3A_76] : memref<10000x128xf32, #tpu.memory_space<hbm>> -> memref<10000x128xf32, #tpu.memory_space<hbm>>
      tpu.wait_indirect_dma semaphore(%arg11 : memref<!tpu.dma_semaphore, #tpu.memory_space<semaphore_mem>>) src(%dma_wait3A_77 : memref<10000x128xf32, #tpu.memory_space<hbm>>) dst(%arg8 : memref<128x128xf32, #tpu.memory_space<vmem>>)
      %dma_start3A_78 = arith.constant 3 : i32
      %dma_start3A_79 = arith.constant 0 : i32
      %dma_start3A_80 = tpu.memref_slice %arg6[%dma_start3A_78, %dma_start3A_79] : memref<8x128xi32, #tpu.memory_space<vmem>> -> memref<1x128xi32, #tpu.memory_space<vmem>>
      %dma_start3A_81 = tpu.memref_squeeze %dma_start3A_80 : memref<1x128xi32, #tpu.memory_space<vmem>> -> memref<128xi32, #tpu.memory_space<vmem>>
      %dma_start3A_82 = arith.constant 0 : i32
      %dma_start3A_83 = arith.constant 0 : i32
      %dma_start3A_84 = tpu.memref_slice %arg2[%dma_start3A_82, %dma_start3A_83] : memref<10000x128xf32, #tpu.memory_space<hbm>> -> memref<10000x128xf32, #tpu.memory_space<hbm>>
      tpu.enqueue_indirect_dma source(%dma_start3A_84 : memref<10000x128xf32, #tpu.memory_space<hbm>>) target(%arg9 : memref<128x128xf32, #tpu.memory_space<vmem>>) offsets(%dma_start3A_81 : memref<128xi32, #tpu.memory_space<vmem>>) semaphore(%arg12 : memref<!tpu.dma_semaphore, #tpu.memory_space<semaphore_mem>>)
      %run_scoped3A_85 = arith.constant 2 : i32
      "tpu.region"() ({
        %run_scoped3A_155 = tpu.sem_alloc : memref<!tpu.dma_semaphore, #tpu.memory_space<semaphore_mem>>
        %dma_start3A_156 = arith.constant 0 : i32
        %dma_start3A_157 = tpu.memref_slice %arg7[%run_scoped3A_85, %dma_start3A_156] : memref<8x128xi32, #tpu.memory_space<vmem>> -> memref<1x128xi32, #tpu.memory_space<vmem>>
        %dma_start3A_158 = tpu.memref_squeeze %dma_start3A_157 : memref<1x128xi32, #tpu.memory_space<vmem>> -> memref<128xi32, #tpu.memory_space<vmem>>
        %dma_start3A_159 = arith.constant 0 : i32
        %dma_start3A_160 = arith.constant 0 : i32
        %dma_start3A_161 = tpu.memref_slice %arg10[%dma_start3A_159, %dma_start3A_160] : memref<10240x128xf32, #tpu.memory_space<vmem_shared>> -> memref<10240x128xf32, #tpu.memory_space<vmem_shared>>
        tpu.enqueue_indirect_dma source(%arg8 : memref<128x128xf32, #tpu.memory_space<vmem>>) target(%dma_start3A_161 : memref<10240x128xf32, #tpu.memory_space<vmem_shared>>) offsets(%dma_start3A_158 : memref<128xi32, #tpu.memory_space<vmem>>) semaphore(%run_scoped3A_155 : memref<!tpu.dma_semaphore, #tpu.memory_space<semaphore_mem>>) {add = true}
        %dma_wait3A_162 = arith.constant 0 : i32
        %dma_wait3A_163 = tpu.memref_slice %arg7[%run_scoped3A_85, %dma_wait3A_162] : memref<8x128xi32, #tpu.memory_space<vmem>> -> memref<1x128xi32, #tpu.memory_space<vmem>>
        %dma_wait3A_164 = tpu.memref_squeeze %dma_wait3A_163 : memref<1x128xi32, #tpu.memory_space<vmem>> -> memref<128xi32, #tpu.memory_space<vmem>>
        %dma_wait3A_165 = arith.constant 0 : i32
        %dma_wait3A_166 = arith.constant 0 : i32
        %dma_wait3A_167 = tpu.memref_slice %arg10[%dma_wait3A_165, %dma_wait3A_166] : memref<10240x128xf32, #tpu.memory_space<vmem_shared>> -> memref<10240x128xf32, #tpu.memory_space<vmem_shared>>
        tpu.wait_indirect_dma semaphore(%run_scoped3A_155 : memref<!tpu.dma_semaphore, #tpu.memory_space<semaphore_mem>>) src(%arg8 : memref<128x128xf32, #tpu.memory_space<vmem>>) dst(%dma_wait3A_167 : memref<10240x128xf32, #tpu.memory_space<vmem_shared>>)
        tpu.yield
      }) : () -> ()
      %dma_wait3A_86 = arith.constant 3 : i32
      %dma_wait3A_87 = arith.constant 0 : i32
      %dma_wait3A_88 = tpu.memref_slice %arg6[%dma_wait3A_86, %dma_wait3A_87] : memref<8x128xi32, #tpu.memory_space<vmem>> -> memref<1x128xi32, #tpu.memory_space<vmem>>
      %dma_wait3A_89 = tpu.memref_squeeze %dma_wait3A_88 : memref<1x128xi32, #tpu.memory_space<vmem>> -> memref<128xi32, #tpu.memory_space<vmem>>
      %dma_wait3A_90 = arith.constant 0 : i32
      %dma_wait3A_91 = arith.constant 0 : i32
      %dma_wait3A_92 = tpu.memref_slice %arg2[%dma_wait3A_90, %dma_wait3A_91] : memref<10000x128xf32, #tpu.memory_space<hbm>> -> memref<10000x128xf32, #tpu.memory_space<hbm>>
      tpu.wait_indirect_dma semaphore(%arg12 : memref<!tpu.dma_semaphore, #tpu.memory_space<semaphore_mem>>) src(%dma_wait3A_92 : memref<10000x128xf32, #tpu.memory_space<hbm>>) dst(%arg9 : memref<128x128xf32, #tpu.memory_space<vmem>>)
      %dma_start3A_93 = arith.constant 4 : i32
      %dma_start3A_94 = arith.constant 0 : i32
      %dma_start3A_95 = tpu.memref_slice %arg6[%dma_start3A_93, %dma_start3A_94] : memref<8x128xi32, #tpu.memory_space<vmem>> -> memref<1x128xi32, #tpu.memory_space<vmem>>
      %dma_start3A_96 = tpu.memref_squeeze %dma_start3A_95 : memref<1x128xi32, #tpu.memory_space<vmem>> -> memref<128xi32, #tpu.memory_space<vmem>>
      %dma_start3A_97 = arith.constant 0 : i32
      %dma_start3A_98 = arith.constant 0 : i32
      %dma_start3A_99 = tpu.memref_slice %arg2[%dma_start3A_97, %dma_start3A_98] : memref<10000x128xf32, #tpu.memory_space<hbm>> -> memref<10000x128xf32, #tpu.memory_space<hbm>>
      tpu.enqueue_indirect_dma source(%dma_start3A_99 : memref<10000x128xf32, #tpu.memory_space<hbm>>) target(%arg8 : memref<128x128xf32, #tpu.memory_space<vmem>>) offsets(%dma_start3A_96 : memref<128xi32, #tpu.memory_space<vmem>>) semaphore(%arg11 : memref<!tpu.dma_semaphore, #tpu.memory_space<semaphore_mem>>)
      %run_scoped3A_100 = arith.constant 3 : i32
      "tpu.region"() ({
        %run_scoped3A_155 = tpu.sem_alloc : memref<!tpu.dma_semaphore, #tpu.memory_space<semaphore_mem>>
        %dma_start3A_156 = arith.constant 0 : i32
        %dma_start3A_157 = tpu.memref_slice %arg7[%run_scoped3A_100, %dma_start3A_156] : memref<8x128xi32, #tpu.memory_space<vmem>> -> memref<1x128xi32, #tpu.memory_space<vmem>>
        %dma_start3A_158 = tpu.memref_squeeze %dma_start3A_157 : memref<1x128xi32, #tpu.memory_space<vmem>> -> memref<128xi32, #tpu.memory_space<vmem>>
        %dma_start3A_159 = arith.constant 0 : i32
        %dma_start3A_160 = arith.constant 0 : i32
        %dma_start3A_161 = tpu.memref_slice %arg10[%dma_start3A_159, %dma_start3A_160] : memref<10240x128xf32, #tpu.memory_space<vmem_shared>> -> memref<10240x128xf32, #tpu.memory_space<vmem_shared>>
        tpu.enqueue_indirect_dma source(%arg9 : memref<128x128xf32, #tpu.memory_space<vmem>>) target(%dma_start3A_161 : memref<10240x128xf32, #tpu.memory_space<vmem_shared>>) offsets(%dma_start3A_158 : memref<128xi32, #tpu.memory_space<vmem>>) semaphore(%run_scoped3A_155 : memref<!tpu.dma_semaphore, #tpu.memory_space<semaphore_mem>>) {add = true}
        %dma_wait3A_162 = arith.constant 0 : i32
        %dma_wait3A_163 = tpu.memref_slice %arg7[%run_scoped3A_100, %dma_wait3A_162] : memref<8x128xi32, #tpu.memory_space<vmem>> -> memref<1x128xi32, #tpu.memory_space<vmem>>
        %dma_wait3A_164 = tpu.memref_squeeze %dma_wait3A_163 : memref<1x128xi32, #tpu.memory_space<vmem>> -> memref<128xi32, #tpu.memory_space<vmem>>
        %dma_wait3A_165 = arith.constant 0 : i32
        %dma_wait3A_166 = arith.constant 0 : i32
        %dma_wait3A_167 = tpu.memref_slice %arg10[%dma_wait3A_165, %dma_wait3A_166] : memref<10240x128xf32, #tpu.memory_space<vmem_shared>> -> memref<10240x128xf32, #tpu.memory_space<vmem_shared>>
        tpu.wait_indirect_dma semaphore(%run_scoped3A_155 : memref<!tpu.dma_semaphore, #tpu.memory_space<semaphore_mem>>) src(%arg9 : memref<128x128xf32, #tpu.memory_space<vmem>>) dst(%dma_wait3A_167 : memref<10240x128xf32, #tpu.memory_space<vmem_shared>>)
        tpu.yield
      }) : () -> ()
      %dma_wait3A_101 = arith.constant 4 : i32
      %dma_wait3A_102 = arith.constant 0 : i32
      %dma_wait3A_103 = tpu.memref_slice %arg6[%dma_wait3A_101, %dma_wait3A_102] : memref<8x128xi32, #tpu.memory_space<vmem>> -> memref<1x128xi32, #tpu.memory_space<vmem>>
      %dma_wait3A_104 = tpu.memref_squeeze %dma_wait3A_103 : memref<1x128xi32, #tpu.memory_space<vmem>> -> memref<128xi32, #tpu.memory_space<vmem>>
      %dma_wait3A_105 = arith.constant 0 : i32
      %dma_wait3A_106 = arith.constant 0 : i32
      %dma_wait3A_107 = tpu.memref_slice %arg2[%dma_wait3A_105, %dma_wait3A_106] : memref<10000x128xf32, #tpu.memory_space<hbm>> -> memref<10000x128xf32, #tpu.memory_space<hbm>>
      tpu.wait_indirect_dma semaphore(%arg11 : memref<!tpu.dma_semaphore, #tpu.memory_space<semaphore_mem>>) src(%dma_wait3A_107 : memref<10000x128xf32, #tpu.memory_space<hbm>>) dst(%arg8 : memref<128x128xf32, #tpu.memory_space<vmem>>)
      %dma_start3A_108 = arith.constant 5 : i32
      %dma_start3A_109 = arith.constant 0 : i32
      %dma_start3A_110 = tpu.memref_slice %arg6[%dma_start3A_108, %dma_start3A_109] : memref<8x128xi32, #tpu.memory_space<vmem>> -> memref<1x128xi32, #tpu.memory_space<vmem>>
      %dma_start3A_111 = tpu.memref_squeeze %dma_start3A_110 : memref<1x128xi32, #tpu.memory_space<vmem>> -> memref<128xi32, #tpu.memory_space<vmem>>
      %dma_start3A_112 = arith.constant 0 : i32
      %dma_start3A_113 = arith.constant 0 : i32
      %dma_start3A_114 = tpu.memref_slice %arg2[%dma_start3A_112, %dma_start3A_113] : memref<10000x128xf32, #tpu.memory_space<hbm>> -> memref<10000x128xf32, #tpu.memory_space<hbm>>
      tpu.enqueue_indirect_dma source(%dma_start3A_114 : memref<10000x128xf32, #tpu.memory_space<hbm>>) target(%arg9 : memref<128x128xf32, #tpu.memory_space<vmem>>) offsets(%dma_start3A_111 : memref<128xi32, #tpu.memory_space<vmem>>) semaphore(%arg12 : memref<!tpu.dma_semaphore, #tpu.memory_space<semaphore_mem>>)
      %run_scoped3A_115 = arith.constant 4 : i32
      "tpu.region"() ({
        %run_scoped3A_155 = tpu.sem_alloc : memref<!tpu.dma_semaphore, #tpu.memory_space<semaphore_mem>>
        %dma_start3A_156 = arith.constant 0 : i32
        %dma_start3A_157 = tpu.memref_slice %arg7[%run_scoped3A_115, %dma_start3A_156] : memref<8x128xi32, #tpu.memory_space<vmem>> -> memref<1x128xi32, #tpu.memory_space<vmem>>
        %dma_start3A_158 = tpu.memref_squeeze %dma_start3A_157 : memref<1x128xi32, #tpu.memory_space<vmem>> -> memref<128xi32, #tpu.memory_space<vmem>>
        %dma_start3A_159 = arith.constant 0 : i32
        %dma_start3A_160 = arith.constant 0 : i32
        %dma_start3A_161 = tpu.memref_slice %arg10[%dma_start3A_159, %dma_start3A_160] : memref<10240x128xf32, #tpu.memory_space<vmem_shared>> -> memref<10240x128xf32, #tpu.memory_space<vmem_shared>>
        tpu.enqueue_indirect_dma source(%arg8 : memref<128x128xf32, #tpu.memory_space<vmem>>) target(%dma_start3A_161 : memref<10240x128xf32, #tpu.memory_space<vmem_shared>>) offsets(%dma_start3A_158 : memref<128xi32, #tpu.memory_space<vmem>>) semaphore(%run_scoped3A_155 : memref<!tpu.dma_semaphore, #tpu.memory_space<semaphore_mem>>) {add = true}
        %dma_wait3A_162 = arith.constant 0 : i32
        %dma_wait3A_163 = tpu.memref_slice %arg7[%run_scoped3A_115, %dma_wait3A_162] : memref<8x128xi32, #tpu.memory_space<vmem>> -> memref<1x128xi32, #tpu.memory_space<vmem>>
        %dma_wait3A_164 = tpu.memref_squeeze %dma_wait3A_163 : memref<1x128xi32, #tpu.memory_space<vmem>> -> memref<128xi32, #tpu.memory_space<vmem>>
        %dma_wait3A_165 = arith.constant 0 : i32
        %dma_wait3A_166 = arith.constant 0 : i32
        %dma_wait3A_167 = tpu.memref_slice %arg10[%dma_wait3A_165, %dma_wait3A_166] : memref<10240x128xf32, #tpu.memory_space<vmem_shared>> -> memref<10240x128xf32, #tpu.memory_space<vmem_shared>>
        tpu.wait_indirect_dma semaphore(%run_scoped3A_155 : memref<!tpu.dma_semaphore, #tpu.memory_space<semaphore_mem>>) src(%arg8 : memref<128x128xf32, #tpu.memory_space<vmem>>) dst(%dma_wait3A_167 : memref<10240x128xf32, #tpu.memory_space<vmem_shared>>)
        tpu.yield
      }) : () -> ()
      %dma_wait3A_116 = arith.constant 5 : i32
      %dma_wait3A_117 = arith.constant 0 : i32
      %dma_wait3A_118 = tpu.memref_slice %arg6[%dma_wait3A_116, %dma_wait3A_117] : memref<8x128xi32, #tpu.memory_space<vmem>> -> memref<1x128xi32, #tpu.memory_space<vmem>>
      %dma_wait3A_119 = tpu.memref_squeeze %dma_wait3A_118 : memref<1x128xi32, #tpu.memory_space<vmem>> -> memref<128xi32, #tpu.memory_space<vmem>>
      %dma_wait3A_120 = arith.constant 0 : i32
      %dma_wait3A_121 = arith.constant 0 : i32
      %dma_wait3A_122 = tpu.memref_slice %arg2[%dma_wait3A_120, %dma_wait3A_121] : memref<10000x128xf32, #tpu.memory_space<hbm>> -> memref<10000x128xf32, #tpu.memory_space<hbm>>
      tpu.wait_indirect_dma semaphore(%arg12 : memref<!tpu.dma_semaphore, #tpu.memory_space<semaphore_mem>>) src(%dma_wait3A_122 : memref<10000x128xf32, #tpu.memory_space<hbm>>) dst(%arg9 : memref<128x128xf32, #tpu.memory_space<vmem>>)
      %dma_start3A_123 = arith.constant 6 : i32
      %dma_start3A_124 = arith.constant 0 : i32
      %dma_start3A_125 = tpu.memref_slice %arg6[%dma_start3A_123, %dma_start3A_124] : memref<8x128xi32, #tpu.memory_space<vmem>> -> memref<1x128xi32, #tpu.memory_space<vmem>>
      %dma_start3A_126 = tpu.memref_squeeze %dma_start3A_125 : memref<1x128xi32, #tpu.memory_space<vmem>> -> memref<128xi32, #tpu.memory_space<vmem>>
      %dma_start3A_127 = arith.constant 0 : i32
      %dma_start3A_128 = arith.constant 0 : i32
      %dma_start3A_129 = tpu.memref_slice %arg2[%dma_start3A_127, %dma_start3A_128] : memref<10000x128xf32, #tpu.memory_space<hbm>> -> memref<10000x128xf32, #tpu.memory_space<hbm>>
      tpu.enqueue_indirect_dma source(%dma_start3A_129 : memref<10000x128xf32, #tpu.memory_space<hbm>>) target(%arg8 : memref<128x128xf32, #tpu.memory_space<vmem>>) offsets(%dma_start3A_126 : memref<128xi32, #tpu.memory_space<vmem>>) semaphore(%arg11 : memref<!tpu.dma_semaphore, #tpu.memory_space<semaphore_mem>>)
      %run_scoped3A_130 = arith.constant 5 : i32
      "tpu.region"() ({
        %run_scoped3A_155 = tpu.sem_alloc : memref<!tpu.dma_semaphore, #tpu.memory_space<semaphore_mem>>
        %dma_start3A_156 = arith.constant 0 : i32
        %dma_start3A_157 = tpu.memref_slice %arg7[%run_scoped3A_130, %dma_start3A_156] : memref<8x128xi32, #tpu.memory_space<vmem>> -> memref<1x128xi32, #tpu.memory_space<vmem>>
        %dma_start3A_158 = tpu.memref_squeeze %dma_start3A_157 : memref<1x128xi32, #tpu.memory_space<vmem>> -> memref<128xi32, #tpu.memory_space<vmem>>
        %dma_start3A_159 = arith.constant 0 : i32
        %dma_start3A_160 = arith.constant 0 : i32
        %dma_start3A_161 = tpu.memref_slice %arg10[%dma_start3A_159, %dma_start3A_160] : memref<10240x128xf32, #tpu.memory_space<vmem_shared>> -> memref<10240x128xf32, #tpu.memory_space<vmem_shared>>
        tpu.enqueue_indirect_dma source(%arg9 : memref<128x128xf32, #tpu.memory_space<vmem>>) target(%dma_start3A_161 : memref<10240x128xf32, #tpu.memory_space<vmem_shared>>) offsets(%dma_start3A_158 : memref<128xi32, #tpu.memory_space<vmem>>) semaphore(%run_scoped3A_155 : memref<!tpu.dma_semaphore, #tpu.memory_space<semaphore_mem>>) {add = true}
        %dma_wait3A_162 = arith.constant 0 : i32
        %dma_wait3A_163 = tpu.memref_slice %arg7[%run_scoped3A_130, %dma_wait3A_162] : memref<8x128xi32, #tpu.memory_space<vmem>> -> memref<1x128xi32, #tpu.memory_space<vmem>>
        %dma_wait3A_164 = tpu.memref_squeeze %dma_wait3A_163 : memref<1x128xi32, #tpu.memory_space<vmem>> -> memref<128xi32, #tpu.memory_space<vmem>>
        %dma_wait3A_165 = arith.constant 0 : i32
        %dma_wait3A_166 = arith.constant 0 : i32
        %dma_wait3A_167 = tpu.memref_slice %arg10[%dma_wait3A_165, %dma_wait3A_166] : memref<10240x128xf32, #tpu.memory_space<vmem_shared>> -> memref<10240x128xf32, #tpu.memory_space<vmem_shared>>
        tpu.wait_indirect_dma semaphore(%run_scoped3A_155 : memref<!tpu.dma_semaphore, #tpu.memory_space<semaphore_mem>>) src(%arg9 : memref<128x128xf32, #tpu.memory_space<vmem>>) dst(%dma_wait3A_167 : memref<10240x128xf32, #tpu.memory_space<vmem_shared>>)
        tpu.yield
      }) : () -> ()
      %dma_wait3A_131 = arith.constant 6 : i32
      %dma_wait3A_132 = arith.constant 0 : i32
      %dma_wait3A_133 = tpu.memref_slice %arg6[%dma_wait3A_131, %dma_wait3A_132] : memref<8x128xi32, #tpu.memory_space<vmem>> -> memref<1x128xi32, #tpu.memory_space<vmem>>
      %dma_wait3A_134 = tpu.memref_squeeze %dma_wait3A_133 : memref<1x128xi32, #tpu.memory_space<vmem>> -> memref<128xi32, #tpu.memory_space<vmem>>
      %dma_wait3A_135 = arith.constant 0 : i32
      %dma_wait3A_136 = arith.constant 0 : i32
      %dma_wait3A_137 = tpu.memref_slice %arg2[%dma_wait3A_135, %dma_wait3A_136] : memref<10000x128xf32, #tpu.memory_space<hbm>> -> memref<10000x128xf32, #tpu.memory_space<hbm>>
      tpu.wait_indirect_dma semaphore(%arg11 : memref<!tpu.dma_semaphore, #tpu.memory_space<semaphore_mem>>) src(%dma_wait3A_137 : memref<10000x128xf32, #tpu.memory_space<hbm>>) dst(%arg8 : memref<128x128xf32, #tpu.memory_space<vmem>>)
      %dma_start3A_138 = arith.constant 7 : i32
      %dma_start3A_139 = arith.constant 0 : i32
      %dma_start3A_140 = tpu.memref_slice %arg6[%dma_start3A_138, %dma_start3A_139] : memref<8x128xi32, #tpu.memory_space<vmem>> -> memref<1x128xi32, #tpu.memory_space<vmem>>
      %dma_start3A_141 = tpu.memref_squeeze %dma_start3A_140 : memref<1x128xi32, #tpu.memory_space<vmem>> -> memref<128xi32, #tpu.memory_space<vmem>>
      %dma_start3A_142 = arith.constant 0 : i32
      %dma_start3A_143 = arith.constant 0 : i32
      %dma_start3A_144 = tpu.memref_slice %arg2[%dma_start3A_142, %dma_start3A_143] : memref<10000x128xf32, #tpu.memory_space<hbm>> -> memref<10000x128xf32, #tpu.memory_space<hbm>>
      tpu.enqueue_indirect_dma source(%dma_start3A_144 : memref<10000x128xf32, #tpu.memory_space<hbm>>) target(%arg9 : memref<128x128xf32, #tpu.memory_space<vmem>>) offsets(%dma_start3A_141 : memref<128xi32, #tpu.memory_space<vmem>>) semaphore(%arg12 : memref<!tpu.dma_semaphore, #tpu.memory_space<semaphore_mem>>)
      %run_scoped3A_145 = arith.constant 6 : i32
      "tpu.region"() ({
        %run_scoped3A_155 = tpu.sem_alloc : memref<!tpu.dma_semaphore, #tpu.memory_space<semaphore_mem>>
        %dma_start3A_156 = arith.constant 0 : i32
        %dma_start3A_157 = tpu.memref_slice %arg7[%run_scoped3A_145, %dma_start3A_156] : memref<8x128xi32, #tpu.memory_space<vmem>> -> memref<1x128xi32, #tpu.memory_space<vmem>>
        %dma_start3A_158 = tpu.memref_squeeze %dma_start3A_157 : memref<1x128xi32, #tpu.memory_space<vmem>> -> memref<128xi32, #tpu.memory_space<vmem>>
        %dma_start3A_159 = arith.constant 0 : i32
        %dma_start3A_160 = arith.constant 0 : i32
        %dma_start3A_161 = tpu.memref_slice %arg10[%dma_start3A_159, %dma_start3A_160] : memref<10240x128xf32, #tpu.memory_space<vmem_shared>> -> memref<10240x128xf32, #tpu.memory_space<vmem_shared>>
        tpu.enqueue_indirect_dma source(%arg8 : memref<128x128xf32, #tpu.memory_space<vmem>>) target(%dma_start3A_161 : memref<10240x128xf32, #tpu.memory_space<vmem_shared>>) offsets(%dma_start3A_158 : memref<128xi32, #tpu.memory_space<vmem>>) semaphore(%run_scoped3A_155 : memref<!tpu.dma_semaphore, #tpu.memory_space<semaphore_mem>>) {add = true}
        %dma_wait3A_162 = arith.constant 0 : i32
        %dma_wait3A_163 = tpu.memref_slice %arg7[%run_scoped3A_145, %dma_wait3A_162] : memref<8x128xi32, #tpu.memory_space<vmem>> -> memref<1x128xi32, #tpu.memory_space<vmem>>
        %dma_wait3A_164 = tpu.memref_squeeze %dma_wait3A_163 : memref<1x128xi32, #tpu.memory_space<vmem>> -> memref<128xi32, #tpu.memory_space<vmem>>
        %dma_wait3A_165 = arith.constant 0 : i32
        %dma_wait3A_166 = arith.constant 0 : i32
        %dma_wait3A_167 = tpu.memref_slice %arg10[%dma_wait3A_165, %dma_wait3A_166] : memref<10240x128xf32, #tpu.memory_space<vmem_shared>> -> memref<10240x128xf32, #tpu.memory_space<vmem_shared>>
        tpu.wait_indirect_dma semaphore(%run_scoped3A_155 : memref<!tpu.dma_semaphore, #tpu.memory_space<semaphore_mem>>) src(%arg8 : memref<128x128xf32, #tpu.memory_space<vmem>>) dst(%dma_wait3A_167 : memref<10240x128xf32, #tpu.memory_space<vmem_shared>>)
        tpu.yield
      }) : () -> ()
      %dma_wait3A_146 = arith.constant 7 : i32
      %dma_wait3A_147 = arith.constant 0 : i32
      %dma_wait3A_148 = tpu.memref_slice %arg6[%dma_wait3A_146, %dma_wait3A_147] : memref<8x128xi32, #tpu.memory_space<vmem>> -> memref<1x128xi32, #tpu.memory_space<vmem>>
      %dma_wait3A_149 = tpu.memref_squeeze %dma_wait3A_148 : memref<1x128xi32, #tpu.memory_space<vmem>> -> memref<128xi32, #tpu.memory_space<vmem>>
      %dma_wait3A_150 = arith.constant 0 : i32
      %dma_wait3A_151 = arith.constant 0 : i32
      %dma_wait3A_152 = tpu.memref_slice %arg2[%dma_wait3A_150, %dma_wait3A_151] : memref<10000x128xf32, #tpu.memory_space<hbm>> -> memref<10000x128xf32, #tpu.memory_space<hbm>>
      tpu.wait_indirect_dma semaphore(%arg12 : memref<!tpu.dma_semaphore, #tpu.memory_space<semaphore_mem>>) src(%dma_wait3A_152 : memref<10000x128xf32, #tpu.memory_space<hbm>>) dst(%arg9 : memref<128x128xf32, #tpu.memory_space<vmem>>)
      %run_scoped3A_153 = arith.constant 7 : i32
      "tpu.region"() ({
        %run_scoped3A_155 = tpu.sem_alloc : memref<!tpu.dma_semaphore, #tpu.memory_space<semaphore_mem>>
        %dma_start3A_156 = arith.constant 0 : i32
        %dma_start3A_157 = tpu.memref_slice %arg7[%run_scoped3A_153, %dma_start3A_156] : memref<8x128xi32, #tpu.memory_space<vmem>> -> memref<1x128xi32, #tpu.memory_space<vmem>>
        %dma_start3A_158 = tpu.memref_squeeze %dma_start3A_157 : memref<1x128xi32, #tpu.memory_space<vmem>> -> memref<128xi32, #tpu.memory_space<vmem>>
        %dma_start3A_159 = arith.constant 0 : i32
        %dma_start3A_160 = arith.constant 0 : i32
        %dma_start3A_161 = tpu.memref_slice %arg10[%dma_start3A_159, %dma_start3A_160] : memref<10240x128xf32, #tpu.memory_space<vmem_shared>> -> memref<10240x128xf32, #tpu.memory_space<vmem_shared>>
        tpu.enqueue_indirect_dma source(%arg9 : memref<128x128xf32, #tpu.memory_space<vmem>>) target(%dma_start3A_161 : memref<10240x128xf32, #tpu.memory_space<vmem_shared>>) offsets(%dma_start3A_158 : memref<128xi32, #tpu.memory_space<vmem>>) semaphore(%run_scoped3A_155 : memref<!tpu.dma_semaphore, #tpu.memory_space<semaphore_mem>>) {add = true}
        %dma_wait3A_162 = arith.constant 0 : i32
        %dma_wait3A_163 = tpu.memref_slice %arg7[%run_scoped3A_153, %dma_wait3A_162] : memref<8x128xi32, #tpu.memory_space<vmem>> -> memref<1x128xi32, #tpu.memory_space<vmem>>
        %dma_wait3A_164 = tpu.memref_squeeze %dma_wait3A_163 : memref<1x128xi32, #tpu.memory_space<vmem>> -> memref<128xi32, #tpu.memory_space<vmem>>
        %dma_wait3A_165 = arith.constant 0 : i32
        %dma_wait3A_166 = arith.constant 0 : i32
        %dma_wait3A_167 = tpu.memref_slice %arg10[%dma_wait3A_165, %dma_wait3A_166] : memref<10240x128xf32, #tpu.memory_space<vmem_shared>> -> memref<10240x128xf32, #tpu.memory_space<vmem_shared>>
        tpu.wait_indirect_dma semaphore(%run_scoped3A_155 : memref<!tpu.dma_semaphore, #tpu.memory_space<semaphore_mem>>) src(%arg9 : memref<128x128xf32, #tpu.memory_space<vmem>>) dst(%dma_wait3A_167 : memref<10240x128xf32, #tpu.memory_space<vmem_shared>>)
        tpu.yield
      }) : () -> ()
      %while3A_154 = arith.constant 0 : i32
      scf.yield %while3A_154 : i32
    }
    %barrier3A_32 = arith.constant 0 : index
    tpu.barrier barrier_id(%barrier3A_32)
    "tpu.region"() ({
      %run_scoped3A = tpu.sem_alloc : memref<!tpu.dma_semaphore, #tpu.memory_space<semaphore_mem>>
      %dma_start3A = arith.constant 0 : i32
      %dma_start3A_33 = tpu.memref_slice %arg5[%arg0, %mul3A_2, %dma_start3A] : memref<2x10240x128xf32, #tpu.memory_space<hbm>> -> memref<1x640x128xf32, #tpu.memory_space<hbm>>
      %dma_start3A_34 = tpu.memref_squeeze %dma_start3A_33 : memref<1x640x128xf32, #tpu.memory_space<hbm>> -> memref<640x128xf32, #tpu.memory_space<hbm>>
      %dma_start3A_35 = arith.constant 0 : i32
      %dma_start3A_36 = tpu.memref_slice %arg10[%mul3A_2, %dma_start3A_35] : memref<10240x128xf32, #tpu.memory_space<vmem_shared>> -> memref<640x128xf32, #tpu.memory_space<vmem_shared>>
      tpu.enqueue_dma source(%dma_start3A_36 : memref<640x128xf32, #tpu.memory_space<vmem_shared>>) target(%dma_start3A_34 : memref<640x128xf32, #tpu.memory_space<hbm>>) target_semaphore(%run_scoped3A : memref<!tpu.dma_semaphore, #tpu.memory_space<semaphore_mem>>)
      %dma_wait3A = arith.constant 0 : i32
      %dma_wait3A_37 = tpu.memref_slice %arg5[%arg0, %mul3A_2, %dma_wait3A] : memref<2x10240x128xf32, #tpu.memory_space<hbm>> -> memref<1x640x128xf32, #tpu.memory_space<hbm>>
      %dma_wait3A_38 = tpu.memref_squeeze %dma_wait3A_37 : memref<1x640x128xf32, #tpu.memory_space<hbm>> -> memref<640x128xf32, #tpu.memory_space<hbm>>
      %dma_wait3A_39 = arith.constant 0 : i32
      %dma_wait3A_40 = tpu.memref_slice %arg10[%mul3A_2, %dma_wait3A_39] : memref<10240x128xf32, #tpu.memory_space<vmem_shared>> -> memref<640x128xf32, #tpu.memory_space<vmem_shared>>
      tpu.wait_dma2 semaphore(%run_scoped3A : memref<!tpu.dma_semaphore, #tpu.memory_space<semaphore_mem>>) src(%dma_wait3A_40 : memref<640x128xf32, #tpu.memory_space<vmem_shared>>) dst(%dma_wait3A_38 : memref<640x128xf32, #tpu.memory_space<hbm>>)
      tpu.yield
    }) : () -> ()
    return
  }
}

#map = affine_map<(d0, d1) -> (0, 0)>
#map1 = affine_map<(d0, d1) -> (0, 0, 0)>
module attributes {stable_mosaic.version = 14 : i64} {
  func.func @_agg_body(%arg0: i32, %arg1: i32, %arg2: memref<10000x128xf32, #tpu.memory_space<hbm>>, %arg3: memref<32x120x128xi32, #tpu.memory_space<hbm>>, %arg4: memref<32x120x128xi32, #tpu.memory_space<hbm>>, %arg5: memref<2x10240x128xf32, #tpu.memory_space<hbm>>, %arg6: memref<8x128xi32, #tpu.memory_space<vmem>>, %arg7: memref<8x128xi32, #tpu.memory_space<vmem>>, %arg8: memref<128x128xf32, #tpu.memory_space<vmem>>, %arg9: memref<128x128xf32, #tpu.memory_space<vmem>>, %arg10: memref<10240x128xf32, #tpu.memory_space<vmem_shared>>, %arg11: memref<!tpu.dma_semaphore, #tpu.memory_space<semaphore_mem>>, %arg12: memref<!tpu.dma_semaphore, #tpu.memory_space<semaphore_mem>>) attributes {dimension_semantics = [#tpu.dimension_semantics<core_parallel>, #tpu.dimension_semantics<subcore_parallel>], iteration_bounds = array<i64: 2, 16>, scalar_prefetch = 0 : i64, scratch_operands = 7 : i64, tpu.core_type = #tpu.core_type<sc_vector_subcore>, window_params = [{transform_indices = #map}, {transform_indices = #map1}, {transform_indices = #map1}, {transform_indices = #map1}]} {
    %mul3A = arith.constant 16 : i32
    %mul3A_0 = arith.muli %arg0, %mul3A : i32
    %add3A = arith.addi %mul3A_0, %arg1 : i32
    %mul3A_1 = arith.constant 640 : i32
    %mul3A_2 = arith.muli %arg1, %mul3A_1 : i32
    %eq3A = arith.constant 0 : i32
    %eq3A_3 = arith.cmpi eq, %arg0, %eq3A : i32
    %jit3A = arith.constant 15 : i32
    %jit3A_4 = arith.constant 5 : i32
    %select_n3A = arith.select %eq3A_3, %jit3A, %jit3A_4 : i32
    %scan3A = arith.constant 0 : i32
    %scan3A_5 = arith.constant 0 : i32
    %scan3A_6 = arith.constant 128 : i32
    %scan3A_7 = arith.addi %scan3A_5, %scan3A_6 : i32
    %scan3A_8 = arith.constant 1 : i32
    %scan3A_9 = scf.for %scan3A_33 = %scan3A_5 to %scan3A_7 step %scan3A_8 iter_args(%scan3A_34 = %scan3A) -> (i32)  : i32 {
      %broadcast_in_dim3A = arith.constant 0.000000e+00 : f32
      %broadcast_in_dim3A_35 = vector.broadcast %broadcast_in_dim3A : f32 to vector<16xf32>
      %swap3A = arith.index_cast %scan3A_33 : i32 to index
      %swap3A_36 = arith.constant 0 : index
      %swap3A_37 = tpu.vector_load %arg8[%swap3A, %swap3A_36] {strides = array<i32>} : memref<128x128xf32, #tpu.memory_space<vmem>>, vector<1x16xf32>,
      %swap3A_38 = vector.shape_cast %swap3A_37 : vector<1x16xf32> to vector<16xf32>
      %swap3A_39 = vector.shape_cast %broadcast_in_dim3A_35 : vector<16xf32> to vector<1x16xf32>
      tpu.vector_store %arg8[%swap3A, %swap3A_36], %swap3A_39 {strides = array<i32>} : memref<128x128xf32, #tpu.memory_space<vmem>>, vector<1x16xf32>,
      %broadcast_in_dim3A_40 = arith.constant 0.000000e+00 : f32
      %broadcast_in_dim3A_41 = vector.broadcast %broadcast_in_dim3A_40 : f32 to vector<16xf32>
      %swap3A_42 = arith.index_cast %scan3A_33 : i32 to index
      %swap3A_43 = arith.constant 16 : index
      %swap3A_44 = tpu.vector_load %arg8[%swap3A_42, %swap3A_43] {strides = array<i32>} : memref<128x128xf32, #tpu.memory_space<vmem>>, vector<1x16xf32>,
      %swap3A_45 = vector.shape_cast %swap3A_44 : vector<1x16xf32> to vector<16xf32>
      %swap3A_46 = vector.shape_cast %broadcast_in_dim3A_41 : vector<16xf32> to vector<1x16xf32>
      tpu.vector_store %arg8[%swap3A_42, %swap3A_43], %swap3A_46 {strides = array<i32>} : memref<128x128xf32, #tpu.memory_space<vmem>>, vector<1x16xf32>,
      %broadcast_in_dim3A_47 = arith.constant 0.000000e+00 : f32
      %broadcast_in_dim3A_48 = vector.broadcast %broadcast_in_dim3A_47 : f32 to vector<16xf32>
      %swap3A_49 = arith.index_cast %scan3A_33 : i32 to index
      %swap3A_50 = arith.constant 32 : index
      %swap3A_51 = tpu.vector_load %arg8[%swap3A_49, %swap3A_50] {strides = array<i32>} : memref<128x128xf32, #tpu.memory_space<vmem>>, vector<1x16xf32>,
      %swap3A_52 = vector.shape_cast %swap3A_51 : vector<1x16xf32> to vector<16xf32>
      %swap3A_53 = vector.shape_cast %broadcast_in_dim3A_48 : vector<16xf32> to vector<1x16xf32>
      tpu.vector_store %arg8[%swap3A_49, %swap3A_50], %swap3A_53 {strides = array<i32>} : memref<128x128xf32, #tpu.memory_space<vmem>>, vector<1x16xf32>,
      %broadcast_in_dim3A_54 = arith.constant 0.000000e+00 : f32
      %broadcast_in_dim3A_55 = vector.broadcast %broadcast_in_dim3A_54 : f32 to vector<16xf32>
      %swap3A_56 = arith.index_cast %scan3A_33 : i32 to index
      %swap3A_57 = arith.constant 48 : index
      %swap3A_58 = tpu.vector_load %arg8[%swap3A_56, %swap3A_57] {strides = array<i32>} : memref<128x128xf32, #tpu.memory_space<vmem>>, vector<1x16xf32>,
      %swap3A_59 = vector.shape_cast %swap3A_58 : vector<1x16xf32> to vector<16xf32>
      %swap3A_60 = vector.shape_cast %broadcast_in_dim3A_55 : vector<16xf32> to vector<1x16xf32>
      tpu.vector_store %arg8[%swap3A_56, %swap3A_57], %swap3A_60 {strides = array<i32>} : memref<128x128xf32, #tpu.memory_space<vmem>>, vector<1x16xf32>,
      %broadcast_in_dim3A_61 = arith.constant 0.000000e+00 : f32
      %broadcast_in_dim3A_62 = vector.broadcast %broadcast_in_dim3A_61 : f32 to vector<16xf32>
      %swap3A_63 = arith.index_cast %scan3A_33 : i32 to index
      %swap3A_64 = arith.constant 64 : index
      %swap3A_65 = tpu.vector_load %arg8[%swap3A_63, %swap3A_64] {strides = array<i32>} : memref<128x128xf32, #tpu.memory_space<vmem>>, vector<1x16xf32>,
      %swap3A_66 = vector.shape_cast %swap3A_65 : vector<1x16xf32> to vector<16xf32>
      %swap3A_67 = vector.shape_cast %broadcast_in_dim3A_62 : vector<16xf32> to vector<1x16xf32>
      tpu.vector_store %arg8[%swap3A_63, %swap3A_64], %swap3A_67 {strides = array<i32>} : memref<128x128xf32, #tpu.memory_space<vmem>>, vector<1x16xf32>,
      %broadcast_in_dim3A_68 = arith.constant 0.000000e+00 : f32
      %broadcast_in_dim3A_69 = vector.broadcast %broadcast_in_dim3A_68 : f32 to vector<16xf32>
      %swap3A_70 = arith.index_cast %scan3A_33 : i32 to index
      %swap3A_71 = arith.constant 80 : index
      %swap3A_72 = tpu.vector_load %arg8[%swap3A_70, %swap3A_71] {strides = array<i32>} : memref<128x128xf32, #tpu.memory_space<vmem>>, vector<1x16xf32>,
      %swap3A_73 = vector.shape_cast %swap3A_72 : vector<1x16xf32> to vector<16xf32>
      %swap3A_74 = vector.shape_cast %broadcast_in_dim3A_69 : vector<16xf32> to vector<1x16xf32>
      tpu.vector_store %arg8[%swap3A_70, %swap3A_71], %swap3A_74 {strides = array<i32>} : memref<128x128xf32, #tpu.memory_space<vmem>>, vector<1x16xf32>,
      %broadcast_in_dim3A_75 = arith.constant 0.000000e+00 : f32
      %broadcast_in_dim3A_76 = vector.broadcast %broadcast_in_dim3A_75 : f32 to vector<16xf32>
      %swap3A_77 = arith.index_cast %scan3A_33 : i32 to index
      %swap3A_78 = arith.constant 96 : index
      %swap3A_79 = tpu.vector_load %arg8[%swap3A_77, %swap3A_78] {strides = array<i32>} : memref<128x128xf32, #tpu.memory_space<vmem>>, vector<1x16xf32>,
      %swap3A_80 = vector.shape_cast %swap3A_79 : vector<1x16xf32> to vector<16xf32>
      %swap3A_81 = vector.shape_cast %broadcast_in_dim3A_76 : vector<16xf32> to vector<1x16xf32>
      tpu.vector_store %arg8[%swap3A_77, %swap3A_78], %swap3A_81 {strides = array<i32>} : memref<128x128xf32, #tpu.memory_space<vmem>>, vector<1x16xf32>,
      %broadcast_in_dim3A_82 = arith.constant 0.000000e+00 : f32
      %broadcast_in_dim3A_83 = vector.broadcast %broadcast_in_dim3A_82 : f32 to vector<16xf32>
      %swap3A_84 = arith.index_cast %scan3A_33 : i32 to index
      %swap3A_85 = arith.constant 112 : index
      %swap3A_86 = tpu.vector_load %arg8[%swap3A_84, %swap3A_85] {strides = array<i32>} : memref<128x128xf32, #tpu.memory_space<vmem>>, vector<1x16xf32>,
      %swap3A_87 = vector.shape_cast %swap3A_86 : vector<1x16xf32> to vector<16xf32>
      %swap3A_88 = vector.shape_cast %broadcast_in_dim3A_83 : vector<16xf32> to vector<1x16xf32>
      tpu.vector_store %arg8[%swap3A_84, %swap3A_85], %swap3A_88 {strides = array<i32>} : memref<128x128xf32, #tpu.memory_space<vmem>>, vector<1x16xf32>,
      %scan3A_89 = arith.constant 0 : i32
      scf.yield %scan3A_89 : i32
    }
    %scan3A_10 = arith.constant 128 : i32
    %add3A_11 = arith.constant 0 : i32
    %add3A_12 = arith.addi %mul3A_2, %add3A_11 : i32
    "tpu.region"() ({
      %run_scoped3A = tpu.sem_alloc : memref<!tpu.dma_semaphore, #tpu.memory_space<semaphore_mem>>
      %dma_start3A = arith.constant 0 : i32
      %dma_start3A_33 = tpu.memref_slice %arg10[%add3A_12, %dma_start3A] : memref<10240x128xf32, #tpu.memory_space<vmem_shared>> -> memref<128x128xf32, #tpu.memory_space<vmem_shared>>
      %dma_start3A_34 = arith.constant 0 : i32
      %dma_start3A_35 = tpu.memref_slice %arg10[%add3A_12, %dma_start3A_34] : memref<10240x128xf32, #tpu.memory_space<vmem_shared>> -> memref<128x128xf32, #tpu.memory_space<vmem_shared>>
      tpu.enqueue_dma source(%arg8 : memref<128x128xf32, #tpu.memory_space<vmem>>) target(%dma_start3A_35 : memref<128x128xf32, #tpu.memory_space<vmem_shared>>) target_semaphore(%run_scoped3A : memref<!tpu.dma_semaphore, #tpu.memory_space<semaphore_mem>>)
      %dma_wait3A = arith.constant 0 : i32
      %dma_wait3A_36 = tpu.memref_slice %arg10[%add3A_12, %dma_wait3A] : memref<10240x128xf32, #tpu.memory_space<vmem_shared>> -> memref<128x128xf32, #tpu.memory_space<vmem_shared>>
      %dma_wait3A_37 = arith.constant 0 : i32
      %dma_wait3A_38 = tpu.memref_slice %arg10[%add3A_12, %dma_wait3A_37] : memref<10240x128xf32, #tpu.memory_space<vmem_shared>> -> memref<128x128xf32, #tpu.memory_space<vmem_shared>>
      tpu.wait_dma2 semaphore(%run_scoped3A : memref<!tpu.dma_semaphore, #tpu.memory_space<semaphore_mem>>) src(%arg8 : memref<128x128xf32, #tpu.memory_space<vmem>>) dst(%dma_wait3A_38 : memref<128x128xf32, #tpu.memory_space<vmem_shared>>)
      tpu.yield
    }) : () -> ()
    %add3A_13 = arith.constant 128 : i32
    %add3A_14 = arith.addi %mul3A_2, %add3A_13 : i32
    "tpu.region"() ({
      %run_scoped3A = tpu.sem_alloc : memref<!tpu.dma_semaphore, #tpu.memory_space<semaphore_mem>>
      %dma_start3A = arith.constant 0 : i32
      %dma_start3A_33 = tpu.memref_slice %arg10[%add3A_14, %dma_start3A] : memref<10240x128xf32, #tpu.memory_space<vmem_shared>> -> memref<128x128xf32, #tpu.memory_space<vmem_shared>>
      %dma_start3A_34 = arith.constant 0 : i32
      %dma_start3A_35 = tpu.memref_slice %arg10[%add3A_14, %dma_start3A_34] : memref<10240x128xf32, #tpu.memory_space<vmem_shared>> -> memref<128x128xf32, #tpu.memory_space<vmem_shared>>
      tpu.enqueue_dma source(%arg8 : memref<128x128xf32, #tpu.memory_space<vmem>>) target(%dma_start3A_35 : memref<128x128xf32, #tpu.memory_space<vmem_shared>>) target_semaphore(%run_scoped3A : memref<!tpu.dma_semaphore, #tpu.memory_space<semaphore_mem>>)
      %dma_wait3A = arith.constant 0 : i32
      %dma_wait3A_36 = tpu.memref_slice %arg10[%add3A_14, %dma_wait3A] : memref<10240x128xf32, #tpu.memory_space<vmem_shared>> -> memref<128x128xf32, #tpu.memory_space<vmem_shared>>
      %dma_wait3A_37 = arith.constant 0 : i32
      %dma_wait3A_38 = tpu.memref_slice %arg10[%add3A_14, %dma_wait3A_37] : memref<10240x128xf32, #tpu.memory_space<vmem_shared>> -> memref<128x128xf32, #tpu.memory_space<vmem_shared>>
      tpu.wait_dma2 semaphore(%run_scoped3A : memref<!tpu.dma_semaphore, #tpu.memory_space<semaphore_mem>>) src(%arg8 : memref<128x128xf32, #tpu.memory_space<vmem>>) dst(%dma_wait3A_38 : memref<128x128xf32, #tpu.memory_space<vmem_shared>>)
      tpu.yield
    }) : () -> ()
    %add3A_15 = arith.constant 256 : i32
    %add3A_16 = arith.addi %mul3A_2, %add3A_15 : i32
    "tpu.region"() ({
      %run_scoped3A = tpu.sem_alloc : memref<!tpu.dma_semaphore, #tpu.memory_space<semaphore_mem>>
      %dma_start3A = arith.constant 0 : i32
      %dma_start3A_33 = tpu.memref_slice %arg10[%add3A_16, %dma_start3A] : memref<10240x128xf32, #tpu.memory_space<vmem_shared>> -> memref<128x128xf32, #tpu.memory_space<vmem_shared>>
      %dma_start3A_34 = arith.constant 0 : i32
      %dma_start3A_35 = tpu.memref_slice %arg10[%add3A_16, %dma_start3A_34] : memref<10240x128xf32, #tpu.memory_space<vmem_shared>> -> memref<128x128xf32, #tpu.memory_space<vmem_shared>>
      tpu.enqueue_dma source(%arg8 : memref<128x128xf32, #tpu.memory_space<vmem>>) target(%dma_start3A_35 : memref<128x128xf32, #tpu.memory_space<vmem_shared>>) target_semaphore(%run_scoped3A : memref<!tpu.dma_semaphore, #tpu.memory_space<semaphore_mem>>)
      %dma_wait3A = arith.constant 0 : i32
      %dma_wait3A_36 = tpu.memref_slice %arg10[%add3A_16, %dma_wait3A] : memref<10240x128xf32, #tpu.memory_space<vmem_shared>> -> memref<128x128xf32, #tpu.memory_space<vmem_shared>>
      %dma_wait3A_37 = arith.constant 0 : i32
      %dma_wait3A_38 = tpu.memref_slice %arg10[%add3A_16, %dma_wait3A_37] : memref<10240x128xf32, #tpu.memory_space<vmem_shared>> -> memref<128x128xf32, #tpu.memory_space<vmem_shared>>
      tpu.wait_dma2 semaphore(%run_scoped3A : memref<!tpu.dma_semaphore, #tpu.memory_space<semaphore_mem>>) src(%arg8 : memref<128x128xf32, #tpu.memory_space<vmem>>) dst(%dma_wait3A_38 : memref<128x128xf32, #tpu.memory_space<vmem_shared>>)
      tpu.yield
    }) : () -> ()
    %add3A_17 = arith.constant 384 : i32
    %add3A_18 = arith.addi %mul3A_2, %add3A_17 : i32
    "tpu.region"() ({
      %run_scoped3A = tpu.sem_alloc : memref<!tpu.dma_semaphore, #tpu.memory_space<semaphore_mem>>
      %dma_start3A = arith.constant 0 : i32
      %dma_start3A_33 = tpu.memref_slice %arg10[%add3A_18, %dma_start3A] : memref<10240x128xf32, #tpu.memory_space<vmem_shared>> -> memref<128x128xf32, #tpu.memory_space<vmem_shared>>
      %dma_start3A_34 = arith.constant 0 : i32
      %dma_start3A_35 = tpu.memref_slice %arg10[%add3A_18, %dma_start3A_34] : memref<10240x128xf32, #tpu.memory_space<vmem_shared>> -> memref<128x128xf32, #tpu.memory_space<vmem_shared>>
      tpu.enqueue_dma source(%arg8 : memref<128x128xf32, #tpu.memory_space<vmem>>) target(%dma_start3A_35 : memref<128x128xf32, #tpu.memory_space<vmem_shared>>) target_semaphore(%run_scoped3A : memref<!tpu.dma_semaphore, #tpu.memory_space<semaphore_mem>>)
      %dma_wait3A = arith.constant 0 : i32
      %dma_wait3A_36 = tpu.memref_slice %arg10[%add3A_18, %dma_wait3A] : memref<10240x128xf32, #tpu.memory_space<vmem_shared>> -> memref<128x128xf32, #tpu.memory_space<vmem_shared>>
      %dma_wait3A_37 = arith.constant 0 : i32
      %dma_wait3A_38 = tpu.memref_slice %arg10[%add3A_18, %dma_wait3A_37] : memref<10240x128xf32, #tpu.memory_space<vmem_shared>> -> memref<128x128xf32, #tpu.memory_space<vmem_shared>>
      tpu.wait_dma2 semaphore(%run_scoped3A : memref<!tpu.dma_semaphore, #tpu.memory_space<semaphore_mem>>) src(%arg8 : memref<128x128xf32, #tpu.memory_space<vmem>>) dst(%dma_wait3A_38 : memref<128x128xf32, #tpu.memory_space<vmem_shared>>)
      tpu.yield
    }) : () -> ()
    %add3A_19 = arith.constant 512 : i32
    %add3A_20 = arith.addi %mul3A_2, %add3A_19 : i32
    "tpu.region"() ({
      %run_scoped3A = tpu.sem_alloc : memref<!tpu.dma_semaphore, #tpu.memory_space<semaphore_mem>>
      %dma_start3A = arith.constant 0 : i32
      %dma_start3A_33 = tpu.memref_slice %arg10[%add3A_20, %dma_start3A] : memref<10240x128xf32, #tpu.memory_space<vmem_shared>> -> memref<128x128xf32, #tpu.memory_space<vmem_shared>>
      %dma_start3A_34 = arith.constant 0 : i32
      %dma_start3A_35 = tpu.memref_slice %arg10[%add3A_20, %dma_start3A_34] : memref<10240x128xf32, #tpu.memory_space<vmem_shared>> -> memref<128x128xf32, #tpu.memory_space<vmem_shared>>
      tpu.enqueue_dma source(%arg8 : memref<128x128xf32, #tpu.memory_space<vmem>>) target(%dma_start3A_35 : memref<128x128xf32, #tpu.memory_space<vmem_shared>>) target_semaphore(%run_scoped3A : memref<!tpu.dma_semaphore, #tpu.memory_space<semaphore_mem>>)
      %dma_wait3A = arith.constant 0 : i32
      %dma_wait3A_36 = tpu.memref_slice %arg10[%add3A_20, %dma_wait3A] : memref<10240x128xf32, #tpu.memory_space<vmem_shared>> -> memref<128x128xf32, #tpu.memory_space<vmem_shared>>
      %dma_wait3A_37 = arith.constant 0 : i32
      %dma_wait3A_38 = tpu.memref_slice %arg10[%add3A_20, %dma_wait3A_37] : memref<10240x128xf32, #tpu.memory_space<vmem_shared>> -> memref<128x128xf32, #tpu.memory_space<vmem_shared>>
      tpu.wait_dma2 semaphore(%run_scoped3A : memref<!tpu.dma_semaphore, #tpu.memory_space<semaphore_mem>>) src(%arg8 : memref<128x128xf32, #tpu.memory_space<vmem>>) dst(%dma_wait3A_38 : memref<128x128xf32, #tpu.memory_space<vmem_shared>>)
      tpu.yield
    }) : () -> ()
    %barrier3A = arith.constant 0 : index
    tpu.barrier barrier_id(%barrier3A)
    %while3A = arith.constant 0 : i32
    %while3A_21 = arith.constant 0 : i32
    %while3A_22 = arith.subi %select_n3A, %while3A : i32
    %while3A_23 = arith.addi %while3A, %while3A_22 : i32
    %while3A_24 = arith.constant 1 : i32
    %while3A_25 = arith.divsi %while3A_22, %while3A_24 : i32
    %while3A_26 = arith.muli %while3A_25, %while3A_24 : i32
    %while3A_27 = arith.addi %while3A, %while3A_26 : i32
    %while3A_28 = arith.constant 1 : i32
    %while3A_29 = scf.for %while3A_33 = %while3A to %while3A_27 step %while3A_28 iter_args(%while3A_34 = %while3A_21) -> (i32)  : i32 {
      %mul3A_35 = arith.constant 8 : i32
      %mul3A_36 = arith.muli %while3A_33, %mul3A_35 : i32
      "tpu.region"() ({
        %run_scoped3A_155 = tpu.sem_alloc : memref<!tpu.dma_semaphore, #tpu.memory_space<semaphore_mem>>
        %dma_start3A_156 = arith.constant 0 : i32
        %dma_start3A_157 = tpu.memref_slice %arg3[%add3A, %mul3A_36, %dma_start3A_156] : memref<32x120x128xi32, #tpu.memory_space<hbm>> -> memref<1x8x128xi32, #tpu.memory_space<hbm>>
        %dma_start3A_158 = tpu.memref_squeeze %dma_start3A_157 : memref<1x8x128xi32, #tpu.memory_space<hbm>> -> memref<8x128xi32, #tpu.memory_space<hbm>>
        %dma_start3A_159 = arith.constant 0 : i32
        %dma_start3A_160 = tpu.memref_slice %arg3[%add3A, %mul3A_36, %dma_start3A_159] : memref<32x120x128xi32, #tpu.memory_space<hbm>> -> memref<1x8x128xi32, #tpu.memory_space<hbm>>
        %dma_start3A_161 = tpu.memref_squeeze %dma_start3A_160 : memref<1x8x128xi32, #tpu.memory_space<hbm>> -> memref<8x128xi32, #tpu.memory_space<hbm>>
        tpu.enqueue_dma source(%dma_start3A_161 : memref<8x128xi32, #tpu.memory_space<hbm>>) target(%arg6 : memref<8x128xi32, #tpu.memory_space<vmem>>) target_semaphore(%run_scoped3A_155 : memref<!tpu.dma_semaphore, #tpu.memory_space<semaphore_mem>>)
        %dma_wait3A_162 = arith.constant 0 : i32
        %dma_wait3A_163 = tpu.memref_slice %arg3[%add3A, %mul3A_36, %dma_wait3A_162] : memref<32x120x128xi32, #tpu.memory_space<hbm>> -> memref<1x8x128xi32, #tpu.memory_space<hbm>>
        %dma_wait3A_164 = tpu.memref_squeeze %dma_wait3A_163 : memref<1x8x128xi32, #tpu.memory_space<hbm>> -> memref<8x128xi32, #tpu.memory_space<hbm>>
        %dma_wait3A_165 = arith.constant 0 : i32
        %dma_wait3A_166 = tpu.memref_slice %arg3[%add3A, %mul3A_36, %dma_wait3A_165] : memref<32x120x128xi32, #tpu.memory_space<hbm>> -> memref<1x8x128xi32, #tpu.memory_space<hbm>>
        %dma_wait3A_167 = tpu.memref_squeeze %dma_wait3A_166 : memref<1x8x128xi32, #tpu.memory_space<hbm>> -> memref<8x128xi32, #tpu.memory_space<hbm>>
        tpu.wait_dma2 semaphore(%run_scoped3A_155 : memref<!tpu.dma_semaphore, #tpu.memory_space<semaphore_mem>>) src(%dma_wait3A_167 : memref<8x128xi32, #tpu.memory_space<hbm>>) dst(%arg6 : memref<8x128xi32, #tpu.memory_space<vmem>>)
        tpu.yield
      }) : () -> ()
      "tpu.region"() ({
        %run_scoped3A_155 = tpu.sem_alloc : memref<!tpu.dma_semaphore, #tpu.memory_space<semaphore_mem>>
        %dma_start3A_156 = arith.constant 0 : i32
        %dma_start3A_157 = tpu.memref_slice %arg4[%add3A, %mul3A_36, %dma_start3A_156] : memref<32x120x128xi32, #tpu.memory_space<hbm>> -> memref<1x8x128xi32, #tpu.memory_space<hbm>>
        %dma_start3A_158 = tpu.memref_squeeze %dma_start3A_157 : memref<1x8x128xi32, #tpu.memory_space<hbm>> -> memref<8x128xi32, #tpu.memory_space<hbm>>
        %dma_start3A_159 = arith.constant 0 : i32
        %dma_start3A_160 = tpu.memref_slice %arg4[%add3A, %mul3A_36, %dma_start3A_159] : memref<32x120x128xi32, #tpu.memory_space<hbm>> -> memref<1x8x128xi32, #tpu.memory_space<hbm>>
        %dma_start3A_161 = tpu.memref_squeeze %dma_start3A_160 : memref<1x8x128xi32, #tpu.memory_space<hbm>> -> memref<8x128xi32, #tpu.memory_space<hbm>>
        tpu.enqueue_dma source(%dma_start3A_161 : memref<8x128xi32, #tpu.memory_space<hbm>>) target(%arg7 : memref<8x128xi32, #tpu.memory_space<vmem>>) target_semaphore(%run_scoped3A_155 : memref<!tpu.dma_semaphore, #tpu.memory_space<semaphore_mem>>)
        %dma_wait3A_162 = arith.constant 0 : i32
        %dma_wait3A_163 = tpu.memref_slice %arg4[%add3A, %mul3A_36, %dma_wait3A_162] : memref<32x120x128xi32, #tpu.memory_space<hbm>> -> memref<1x8x128xi32, #tpu.memory_space<hbm>>
        %dma_wait3A_164 = tpu.memref_squeeze %dma_wait3A_163 : memref<1x8x128xi32, #tpu.memory_space<hbm>> -> memref<8x128xi32, #tpu.memory_space<hbm>>
        %dma_wait3A_165 = arith.constant 0 : i32
        %dma_wait3A_166 = tpu.memref_slice %arg4[%add3A, %mul3A_36, %dma_wait3A_165] : memref<32x120x128xi32, #tpu.memory_space<hbm>> -> memref<1x8x128xi32, #tpu.memory_space<hbm>>
        %dma_wait3A_167 = tpu.memref_squeeze %dma_wait3A_166 : memref<1x8x128xi32, #tpu.memory_space<hbm>> -> memref<8x128xi32, #tpu.memory_space<hbm>>
        tpu.wait_dma2 semaphore(%run_scoped3A_155 : memref<!tpu.dma_semaphore, #tpu.memory_space<semaphore_mem>>) src(%dma_wait3A_167 : memref<8x128xi32, #tpu.memory_space<hbm>>) dst(%arg7 : memref<8x128xi32, #tpu.memory_space<vmem>>)
        tpu.yield
      }) : () -> ()
      %dma_start3A = arith.constant 0 : i32
      %dma_start3A_37 = arith.constant 0 : i32
      %dma_start3A_38 = tpu.memref_slice %arg6[%dma_start3A, %dma_start3A_37] : memref<8x128xi32, #tpu.memory_space<vmem>> -> memref<1x128xi32, #tpu.memory_space<vmem>>
      %dma_start3A_39 = tpu.memref_squeeze %dma_start3A_38 : memref<1x128xi32, #tpu.memory_space<vmem>> -> memref<128xi32, #tpu.memory_space<vmem>>
      %dma_start3A_40 = arith.constant 0 : i32
      %dma_start3A_41 = arith.constant 0 : i32
      %dma_start3A_42 = tpu.memref_slice %arg2[%dma_start3A_40, %dma_start3A_41] : memref<10000x128xf32, #tpu.memory_space<hbm>> -> memref<10000x128xf32, #tpu.memory_space<hbm>>
      tpu.enqueue_indirect_dma source(%dma_start3A_42 : memref<10000x128xf32, #tpu.memory_space<hbm>>) target(%arg8 : memref<128x128xf32, #tpu.memory_space<vmem>>) offsets(%dma_start3A_39 : memref<128xi32, #tpu.memory_space<vmem>>) semaphore(%arg11 : memref<!tpu.dma_semaphore, #tpu.memory_space<semaphore_mem>>)
      %dma_wait3A = arith.constant 0 : i32
      %dma_wait3A_43 = arith.constant 0 : i32
      %dma_wait3A_44 = tpu.memref_slice %arg6[%dma_wait3A, %dma_wait3A_43] : memref<8x128xi32, #tpu.memory_space<vmem>> -> memref<1x128xi32, #tpu.memory_space<vmem>>
      %dma_wait3A_45 = tpu.memref_squeeze %dma_wait3A_44 : memref<1x128xi32, #tpu.memory_space<vmem>> -> memref<128xi32, #tpu.memory_space<vmem>>
      %dma_wait3A_46 = arith.constant 0 : i32
      %dma_wait3A_47 = arith.constant 0 : i32
      %dma_wait3A_48 = tpu.memref_slice %arg2[%dma_wait3A_46, %dma_wait3A_47] : memref<10000x128xf32, #tpu.memory_space<hbm>> -> memref<10000x128xf32, #tpu.memory_space<hbm>>
      tpu.wait_indirect_dma semaphore(%arg11 : memref<!tpu.dma_semaphore, #tpu.memory_space<semaphore_mem>>) src(%dma_wait3A_48 : memref<10000x128xf32, #tpu.memory_space<hbm>>) dst(%arg8 : memref<128x128xf32, #tpu.memory_space<vmem>>)
      %dma_start3A_49 = arith.constant 1 : i32
      %dma_start3A_50 = arith.constant 0 : i32
      %dma_start3A_51 = tpu.memref_slice %arg6[%dma_start3A_49, %dma_start3A_50] : memref<8x128xi32, #tpu.memory_space<vmem>> -> memref<1x128xi32, #tpu.memory_space<vmem>>
      %dma_start3A_52 = tpu.memref_squeeze %dma_start3A_51 : memref<1x128xi32, #tpu.memory_space<vmem>> -> memref<128xi32, #tpu.memory_space<vmem>>
      %dma_start3A_53 = arith.constant 0 : i32
      %dma_start3A_54 = arith.constant 0 : i32
      %dma_start3A_55 = tpu.memref_slice %arg2[%dma_start3A_53, %dma_start3A_54] : memref<10000x128xf32, #tpu.memory_space<hbm>> -> memref<10000x128xf32, #tpu.memory_space<hbm>>
      tpu.enqueue_indirect_dma source(%dma_start3A_55 : memref<10000x128xf32, #tpu.memory_space<hbm>>) target(%arg9 : memref<128x128xf32, #tpu.memory_space<vmem>>) offsets(%dma_start3A_52 : memref<128xi32, #tpu.memory_space<vmem>>) semaphore(%arg12 : memref<!tpu.dma_semaphore, #tpu.memory_space<semaphore_mem>>)
      %run_scoped3A = arith.constant 0 : i32
      "tpu.region"() ({
        %run_scoped3A_155 = tpu.sem_alloc : memref<!tpu.dma_semaphore, #tpu.memory_space<semaphore_mem>>
        %dma_start3A_156 = arith.constant 0 : i32
        %dma_start3A_157 = tpu.memref_slice %arg7[%run_scoped3A, %dma_start3A_156] : memref<8x128xi32, #tpu.memory_space<vmem>> -> memref<1x128xi32, #tpu.memory_space<vmem>>
        %dma_start3A_158 = tpu.memref_squeeze %dma_start3A_157 : memref<1x128xi32, #tpu.memory_space<vmem>> -> memref<128xi32, #tpu.memory_space<vmem>>
        %dma_start3A_159 = arith.constant 0 : i32
        %dma_start3A_160 = arith.constant 0 : i32
        %dma_start3A_161 = tpu.memref_slice %arg10[%dma_start3A_159, %dma_start3A_160] : memref<10240x128xf32, #tpu.memory_space<vmem_shared>> -> memref<10240x128xf32, #tpu.memory_space<vmem_shared>>
        tpu.enqueue_indirect_dma source(%arg8 : memref<128x128xf32, #tpu.memory_space<vmem>>) target(%dma_start3A_161 : memref<10240x128xf32, #tpu.memory_space<vmem_shared>>) offsets(%dma_start3A_158 : memref<128xi32, #tpu.memory_space<vmem>>) semaphore(%run_scoped3A_155 : memref<!tpu.dma_semaphore, #tpu.memory_space<semaphore_mem>>) {add = true}
        %dma_wait3A_162 = arith.constant 0 : i32
        %dma_wait3A_163 = tpu.memref_slice %arg7[%run_scoped3A, %dma_wait3A_162] : memref<8x128xi32, #tpu.memory_space<vmem>> -> memref<1x128xi32, #tpu.memory_space<vmem>>
        %dma_wait3A_164 = tpu.memref_squeeze %dma_wait3A_163 : memref<1x128xi32, #tpu.memory_space<vmem>> -> memref<128xi32, #tpu.memory_space<vmem>>
        %dma_wait3A_165 = arith.constant 0 : i32
        %dma_wait3A_166 = arith.constant 0 : i32
        %dma_wait3A_167 = tpu.memref_slice %arg10[%dma_wait3A_165, %dma_wait3A_166] : memref<10240x128xf32, #tpu.memory_space<vmem_shared>> -> memref<10240x128xf32, #tpu.memory_space<vmem_shared>>
        tpu.wait_indirect_dma semaphore(%run_scoped3A_155 : memref<!tpu.dma_semaphore, #tpu.memory_space<semaphore_mem>>) src(%arg8 : memref<128x128xf32, #tpu.memory_space<vmem>>) dst(%dma_wait3A_167 : memref<10240x128xf32, #tpu.memory_space<vmem_shared>>)
        tpu.yield
      }) : () -> ()
      %dma_wait3A_56 = arith.constant 1 : i32
      %dma_wait3A_57 = arith.constant 0 : i32
      %dma_wait3A_58 = tpu.memref_slice %arg6[%dma_wait3A_56, %dma_wait3A_57] : memref<8x128xi32, #tpu.memory_space<vmem>> -> memref<1x128xi32, #tpu.memory_space<vmem>>
      %dma_wait3A_59 = tpu.memref_squeeze %dma_wait3A_58 : memref<1x128xi32, #tpu.memory_space<vmem>> -> memref<128xi32, #tpu.memory_space<vmem>>
      %dma_wait3A_60 = arith.constant 0 : i32
      %dma_wait3A_61 = arith.constant 0 : i32
      %dma_wait3A_62 = tpu.memref_slice %arg2[%dma_wait3A_60, %dma_wait3A_61] : memref<10000x128xf32, #tpu.memory_space<hbm>> -> memref<10000x128xf32, #tpu.memory_space<hbm>>
      tpu.wait_indirect_dma semaphore(%arg12 : memref<!tpu.dma_semaphore, #tpu.memory_space<semaphore_mem>>) src(%dma_wait3A_62 : memref<10000x128xf32, #tpu.memory_space<hbm>>) dst(%arg9 : memref<128x128xf32, #tpu.memory_space<vmem>>)
      %dma_start3A_63 = arith.constant 2 : i32
      %dma_start3A_64 = arith.constant 0 : i32
      %dma_start3A_65 = tpu.memref_slice %arg6[%dma_start3A_63, %dma_start3A_64] : memref<8x128xi32, #tpu.memory_space<vmem>> -> memref<1x128xi32, #tpu.memory_space<vmem>>
      %dma_start3A_66 = tpu.memref_squeeze %dma_start3A_65 : memref<1x128xi32, #tpu.memory_space<vmem>> -> memref<128xi32, #tpu.memory_space<vmem>>
      %dma_start3A_67 = arith.constant 0 : i32
      %dma_start3A_68 = arith.constant 0 : i32
      %dma_start3A_69 = tpu.memref_slice %arg2[%dma_start3A_67, %dma_start3A_68] : memref<10000x128xf32, #tpu.memory_space<hbm>> -> memref<10000x128xf32, #tpu.memory_space<hbm>>
      tpu.enqueue_indirect_dma source(%dma_start3A_69 : memref<10000x128xf32, #tpu.memory_space<hbm>>) target(%arg8 : memref<128x128xf32, #tpu.memory_space<vmem>>) offsets(%dma_start3A_66 : memref<128xi32, #tpu.memory_space<vmem>>) semaphore(%arg11 : memref<!tpu.dma_semaphore, #tpu.memory_space<semaphore_mem>>)
      %run_scoped3A_70 = arith.constant 1 : i32
      "tpu.region"() ({
        %run_scoped3A_155 = tpu.sem_alloc : memref<!tpu.dma_semaphore, #tpu.memory_space<semaphore_mem>>
        %dma_start3A_156 = arith.constant 0 : i32
        %dma_start3A_157 = tpu.memref_slice %arg7[%run_scoped3A_70, %dma_start3A_156] : memref<8x128xi32, #tpu.memory_space<vmem>> -> memref<1x128xi32, #tpu.memory_space<vmem>>
        %dma_start3A_158 = tpu.memref_squeeze %dma_start3A_157 : memref<1x128xi32, #tpu.memory_space<vmem>> -> memref<128xi32, #tpu.memory_space<vmem>>
        %dma_start3A_159 = arith.constant 0 : i32
        %dma_start3A_160 = arith.constant 0 : i32
        %dma_start3A_161 = tpu.memref_slice %arg10[%dma_start3A_159, %dma_start3A_160] : memref<10240x128xf32, #tpu.memory_space<vmem_shared>> -> memref<10240x128xf32, #tpu.memory_space<vmem_shared>>
        tpu.enqueue_indirect_dma source(%arg9 : memref<128x128xf32, #tpu.memory_space<vmem>>) target(%dma_start3A_161 : memref<10240x128xf32, #tpu.memory_space<vmem_shared>>) offsets(%dma_start3A_158 : memref<128xi32, #tpu.memory_space<vmem>>) semaphore(%run_scoped3A_155 : memref<!tpu.dma_semaphore, #tpu.memory_space<semaphore_mem>>) {add = true}
        %dma_wait3A_162 = arith.constant 0 : i32
        %dma_wait3A_163 = tpu.memref_slice %arg7[%run_scoped3A_70, %dma_wait3A_162] : memref<8x128xi32, #tpu.memory_space<vmem>> -> memref<1x128xi32, #tpu.memory_space<vmem>>
        %dma_wait3A_164 = tpu.memref_squeeze %dma_wait3A_163 : memref<1x128xi32, #tpu.memory_space<vmem>> -> memref<128xi32, #tpu.memory_space<vmem>>
        %dma_wait3A_165 = arith.constant 0 : i32
        %dma_wait3A_166 = arith.constant 0 : i32
        %dma_wait3A_167 = tpu.memref_slice %arg10[%dma_wait3A_165, %dma_wait3A_166] : memref<10240x128xf32, #tpu.memory_space<vmem_shared>> -> memref<10240x128xf32, #tpu.memory_space<vmem_shared>>
        tpu.wait_indirect_dma semaphore(%run_scoped3A_155 : memref<!tpu.dma_semaphore, #tpu.memory_space<semaphore_mem>>) src(%arg9 : memref<128x128xf32, #tpu.memory_space<vmem>>) dst(%dma_wait3A_167 : memref<10240x128xf32, #tpu.memory_space<vmem_shared>>)
        tpu.yield
      }) : () -> ()
      %dma_wait3A_71 = arith.constant 2 : i32
      %dma_wait3A_72 = arith.constant 0 : i32
      %dma_wait3A_73 = tpu.memref_slice %arg6[%dma_wait3A_71, %dma_wait3A_72] : memref<8x128xi32, #tpu.memory_space<vmem>> -> memref<1x128xi32, #tpu.memory_space<vmem>>
      %dma_wait3A_74 = tpu.memref_squeeze %dma_wait3A_73 : memref<1x128xi32, #tpu.memory_space<vmem>> -> memref<128xi32, #tpu.memory_space<vmem>>
      %dma_wait3A_75 = arith.constant 0 : i32
      %dma_wait3A_76 = arith.constant 0 : i32
      %dma_wait3A_77 = tpu.memref_slice %arg2[%dma_wait3A_75, %dma_wait3A_76] : memref<10000x128xf32, #tpu.memory_space<hbm>> -> memref<10000x128xf32, #tpu.memory_space<hbm>>
      tpu.wait_indirect_dma semaphore(%arg11 : memref<!tpu.dma_semaphore, #tpu.memory_space<semaphore_mem>>) src(%dma_wait3A_77 : memref<10000x128xf32, #tpu.memory_space<hbm>>) dst(%arg8 : memref<128x128xf32, #tpu.memory_space<vmem>>)
      %dma_start3A_78 = arith.constant 3 : i32
      %dma_start3A_79 = arith.constant 0 : i32
      %dma_start3A_80 = tpu.memref_slice %arg6[%dma_start3A_78, %dma_start3A_79] : memref<8x128xi32, #tpu.memory_space<vmem>> -> memref<1x128xi32, #tpu.memory_space<vmem>>
      %dma_start3A_81 = tpu.memref_squeeze %dma_start3A_80 : memref<1x128xi32, #tpu.memory_space<vmem>> -> memref<128xi32, #tpu.memory_space<vmem>>
      %dma_start3A_82 = arith.constant 0 : i32
      %dma_start3A_83 = arith.constant 0 : i32
      %dma_start3A_84 = tpu.memref_slice %arg2[%dma_start3A_82, %dma_start3A_83] : memref<10000x128xf32, #tpu.memory_space<hbm>> -> memref<10000x128xf32, #tpu.memory_space<hbm>>
      tpu.enqueue_indirect_dma source(%dma_start3A_84 : memref<10000x128xf32, #tpu.memory_space<hbm>>) target(%arg9 : memref<128x128xf32, #tpu.memory_space<vmem>>) offsets(%dma_start3A_81 : memref<128xi32, #tpu.memory_space<vmem>>) semaphore(%arg12 : memref<!tpu.dma_semaphore, #tpu.memory_space<semaphore_mem>>)
      %run_scoped3A_85 = arith.constant 2 : i32
      "tpu.region"() ({
        %run_scoped3A_155 = tpu.sem_alloc : memref<!tpu.dma_semaphore, #tpu.memory_space<semaphore_mem>>
        %dma_start3A_156 = arith.constant 0 : i32
        %dma_start3A_157 = tpu.memref_slice %arg7[%run_scoped3A_85, %dma_start3A_156] : memref<8x128xi32, #tpu.memory_space<vmem>> -> memref<1x128xi32, #tpu.memory_space<vmem>>
        %dma_start3A_158 = tpu.memref_squeeze %dma_start3A_157 : memref<1x128xi32, #tpu.memory_space<vmem>> -> memref<128xi32, #tpu.memory_space<vmem>>
        %dma_start3A_159 = arith.constant 0 : i32
        %dma_start3A_160 = arith.constant 0 : i32
        %dma_start3A_161 = tpu.memref_slice %arg10[%dma_start3A_159, %dma_start3A_160] : memref<10240x128xf32, #tpu.memory_space<vmem_shared>> -> memref<10240x128xf32, #tpu.memory_space<vmem_shared>>
        tpu.enqueue_indirect_dma source(%arg8 : memref<128x128xf32, #tpu.memory_space<vmem>>) target(%dma_start3A_161 : memref<10240x128xf32, #tpu.memory_space<vmem_shared>>) offsets(%dma_start3A_158 : memref<128xi32, #tpu.memory_space<vmem>>) semaphore(%run_scoped3A_155 : memref<!tpu.dma_semaphore, #tpu.memory_space<semaphore_mem>>) {add = true}
        %dma_wait3A_162 = arith.constant 0 : i32
        %dma_wait3A_163 = tpu.memref_slice %arg7[%run_scoped3A_85, %dma_wait3A_162] : memref<8x128xi32, #tpu.memory_space<vmem>> -> memref<1x128xi32, #tpu.memory_space<vmem>>
        %dma_wait3A_164 = tpu.memref_squeeze %dma_wait3A_163 : memref<1x128xi32, #tpu.memory_space<vmem>> -> memref<128xi32, #tpu.memory_space<vmem>>
        %dma_wait3A_165 = arith.constant 0 : i32
        %dma_wait3A_166 = arith.constant 0 : i32
        %dma_wait3A_167 = tpu.memref_slice %arg10[%dma_wait3A_165, %dma_wait3A_166] : memref<10240x128xf32, #tpu.memory_space<vmem_shared>> -> memref<10240x128xf32, #tpu.memory_space<vmem_shared>>
        tpu.wait_indirect_dma semaphore(%run_scoped3A_155 : memref<!tpu.dma_semaphore, #tpu.memory_space<semaphore_mem>>) src(%arg8 : memref<128x128xf32, #tpu.memory_space<vmem>>) dst(%dma_wait3A_167 : memref<10240x128xf32, #tpu.memory_space<vmem_shared>>)
        tpu.yield
      }) : () -> ()
      %dma_wait3A_86 = arith.constant 3 : i32
      %dma_wait3A_87 = arith.constant 0 : i32
      %dma_wait3A_88 = tpu.memref_slice %arg6[%dma_wait3A_86, %dma_wait3A_87] : memref<8x128xi32, #tpu.memory_space<vmem>> -> memref<1x128xi32, #tpu.memory_space<vmem>>
      %dma_wait3A_89 = tpu.memref_squeeze %dma_wait3A_88 : memref<1x128xi32, #tpu.memory_space<vmem>> -> memref<128xi32, #tpu.memory_space<vmem>>
      %dma_wait3A_90 = arith.constant 0 : i32
      %dma_wait3A_91 = arith.constant 0 : i32
      %dma_wait3A_92 = tpu.memref_slice %arg2[%dma_wait3A_90, %dma_wait3A_91] : memref<10000x128xf32, #tpu.memory_space<hbm>> -> memref<10000x128xf32, #tpu.memory_space<hbm>>
      tpu.wait_indirect_dma semaphore(%arg12 : memref<!tpu.dma_semaphore, #tpu.memory_space<semaphore_mem>>) src(%dma_wait3A_92 : memref<10000x128xf32, #tpu.memory_space<hbm>>) dst(%arg9 : memref<128x128xf32, #tpu.memory_space<vmem>>)
      %dma_start3A_93 = arith.constant 4 : i32
      %dma_start3A_94 = arith.constant 0 : i32
      %dma_start3A_95 = tpu.memref_slice %arg6[%dma_start3A_93, %dma_start3A_94] : memref<8x128xi32, #tpu.memory_space<vmem>> -> memref<1x128xi32, #tpu.memory_space<vmem>>
      %dma_start3A_96 = tpu.memref_squeeze %dma_start3A_95 : memref<1x128xi32, #tpu.memory_space<vmem>> -> memref<128xi32, #tpu.memory_space<vmem>>
      %dma_start3A_97 = arith.constant 0 : i32
      %dma_start3A_98 = arith.constant 0 : i32
      %dma_start3A_99 = tpu.memref_slice %arg2[%dma_start3A_97, %dma_start3A_98] : memref<10000x128xf32, #tpu.memory_space<hbm>> -> memref<10000x128xf32, #tpu.memory_space<hbm>>
      tpu.enqueue_indirect_dma source(%dma_start3A_99 : memref<10000x128xf32, #tpu.memory_space<hbm>>) target(%arg8 : memref<128x128xf32, #tpu.memory_space<vmem>>) offsets(%dma_start3A_96 : memref<128xi32, #tpu.memory_space<vmem>>) semaphore(%arg11 : memref<!tpu.dma_semaphore, #tpu.memory_space<semaphore_mem>>)
      %run_scoped3A_100 = arith.constant 3 : i32
      "tpu.region"() ({
        %run_scoped3A_155 = tpu.sem_alloc : memref<!tpu.dma_semaphore, #tpu.memory_space<semaphore_mem>>
        %dma_start3A_156 = arith.constant 0 : i32
        %dma_start3A_157 = tpu.memref_slice %arg7[%run_scoped3A_100, %dma_start3A_156] : memref<8x128xi32, #tpu.memory_space<vmem>> -> memref<1x128xi32, #tpu.memory_space<vmem>>
        %dma_start3A_158 = tpu.memref_squeeze %dma_start3A_157 : memref<1x128xi32, #tpu.memory_space<vmem>> -> memref<128xi32, #tpu.memory_space<vmem>>
        %dma_start3A_159 = arith.constant 0 : i32
        %dma_start3A_160 = arith.constant 0 : i32
        %dma_start3A_161 = tpu.memref_slice %arg10[%dma_start3A_159, %dma_start3A_160] : memref<10240x128xf32, #tpu.memory_space<vmem_shared>> -> memref<10240x128xf32, #tpu.memory_space<vmem_shared>>
        tpu.enqueue_indirect_dma source(%arg9 : memref<128x128xf32, #tpu.memory_space<vmem>>) target(%dma_start3A_161 : memref<10240x128xf32, #tpu.memory_space<vmem_shared>>) offsets(%dma_start3A_158 : memref<128xi32, #tpu.memory_space<vmem>>) semaphore(%run_scoped3A_155 : memref<!tpu.dma_semaphore, #tpu.memory_space<semaphore_mem>>) {add = true}
        %dma_wait3A_162 = arith.constant 0 : i32
        %dma_wait3A_163 = tpu.memref_slice %arg7[%run_scoped3A_100, %dma_wait3A_162] : memref<8x128xi32, #tpu.memory_space<vmem>> -> memref<1x128xi32, #tpu.memory_space<vmem>>
        %dma_wait3A_164 = tpu.memref_squeeze %dma_wait3A_163 : memref<1x128xi32, #tpu.memory_space<vmem>> -> memref<128xi32, #tpu.memory_space<vmem>>
        %dma_wait3A_165 = arith.constant 0 : i32
        %dma_wait3A_166 = arith.constant 0 : i32
        %dma_wait3A_167 = tpu.memref_slice %arg10[%dma_wait3A_165, %dma_wait3A_166] : memref<10240x128xf32, #tpu.memory_space<vmem_shared>> -> memref<10240x128xf32, #tpu.memory_space<vmem_shared>>
        tpu.wait_indirect_dma semaphore(%run_scoped3A_155 : memref<!tpu.dma_semaphore, #tpu.memory_space<semaphore_mem>>) src(%arg9 : memref<128x128xf32, #tpu.memory_space<vmem>>) dst(%dma_wait3A_167 : memref<10240x128xf32, #tpu.memory_space<vmem_shared>>)
        tpu.yield
      }) : () -> ()
      %dma_wait3A_101 = arith.constant 4 : i32
      %dma_wait3A_102 = arith.constant 0 : i32
      %dma_wait3A_103 = tpu.memref_slice %arg6[%dma_wait3A_101, %dma_wait3A_102] : memref<8x128xi32, #tpu.memory_space<vmem>> -> memref<1x128xi32, #tpu.memory_space<vmem>>
      %dma_wait3A_104 = tpu.memref_squeeze %dma_wait3A_103 : memref<1x128xi32, #tpu.memory_space<vmem>> -> memref<128xi32, #tpu.memory_space<vmem>>
      %dma_wait3A_105 = arith.constant 0 : i32
      %dma_wait3A_106 = arith.constant 0 : i32
      %dma_wait3A_107 = tpu.memref_slice %arg2[%dma_wait3A_105, %dma_wait3A_106] : memref<10000x128xf32, #tpu.memory_space<hbm>> -> memref<10000x128xf32, #tpu.memory_space<hbm>>
      tpu.wait_indirect_dma semaphore(%arg11 : memref<!tpu.dma_semaphore, #tpu.memory_space<semaphore_mem>>) src(%dma_wait3A_107 : memref<10000x128xf32, #tpu.memory_space<hbm>>) dst(%arg8 : memref<128x128xf32, #tpu.memory_space<vmem>>)
      %dma_start3A_108 = arith.constant 5 : i32
      %dma_start3A_109 = arith.constant 0 : i32
      %dma_start3A_110 = tpu.memref_slice %arg6[%dma_start3A_108, %dma_start3A_109] : memref<8x128xi32, #tpu.memory_space<vmem>> -> memref<1x128xi32, #tpu.memory_space<vmem>>
      %dma_start3A_111 = tpu.memref_squeeze %dma_start3A_110 : memref<1x128xi32, #tpu.memory_space<vmem>> -> memref<128xi32, #tpu.memory_space<vmem>>
      %dma_start3A_112 = arith.constant 0 : i32
      %dma_start3A_113 = arith.constant 0 : i32
      %dma_start3A_114 = tpu.memref_slice %arg2[%dma_start3A_112, %dma_start3A_113] : memref<10000x128xf32, #tpu.memory_space<hbm>> -> memref<10000x128xf32, #tpu.memory_space<hbm>>
      tpu.enqueue_indirect_dma source(%dma_start3A_114 : memref<10000x128xf32, #tpu.memory_space<hbm>>) target(%arg9 : memref<128x128xf32, #tpu.memory_space<vmem>>) offsets(%dma_start3A_111 : memref<128xi32, #tpu.memory_space<vmem>>) semaphore(%arg12 : memref<!tpu.dma_semaphore, #tpu.memory_space<semaphore_mem>>)
      %run_scoped3A_115 = arith.constant 4 : i32
      "tpu.region"() ({
        %run_scoped3A_155 = tpu.sem_alloc : memref<!tpu.dma_semaphore, #tpu.memory_space<semaphore_mem>>
        %dma_start3A_156 = arith.constant 0 : i32
        %dma_start3A_157 = tpu.memref_slice %arg7[%run_scoped3A_115, %dma_start3A_156] : memref<8x128xi32, #tpu.memory_space<vmem>> -> memref<1x128xi32, #tpu.memory_space<vmem>>
        %dma_start3A_158 = tpu.memref_squeeze %dma_start3A_157 : memref<1x128xi32, #tpu.memory_space<vmem>> -> memref<128xi32, #tpu.memory_space<vmem>>
        %dma_start3A_159 = arith.constant 0 : i32
        %dma_start3A_160 = arith.constant 0 : i32
        %dma_start3A_161 = tpu.memref_slice %arg10[%dma_start3A_159, %dma_start3A_160] : memref<10240x128xf32, #tpu.memory_space<vmem_shared>> -> memref<10240x128xf32, #tpu.memory_space<vmem_shared>>
        tpu.enqueue_indirect_dma source(%arg8 : memref<128x128xf32, #tpu.memory_space<vmem>>) target(%dma_start3A_161 : memref<10240x128xf32, #tpu.memory_space<vmem_shared>>) offsets(%dma_start3A_158 : memref<128xi32, #tpu.memory_space<vmem>>) semaphore(%run_scoped3A_155 : memref<!tpu.dma_semaphore, #tpu.memory_space<semaphore_mem>>) {add = true}
        %dma_wait3A_162 = arith.constant 0 : i32
        %dma_wait3A_163 = tpu.memref_slice %arg7[%run_scoped3A_115, %dma_wait3A_162] : memref<8x128xi32, #tpu.memory_space<vmem>> -> memref<1x128xi32, #tpu.memory_space<vmem>>
        %dma_wait3A_164 = tpu.memref_squeeze %dma_wait3A_163 : memref<1x128xi32, #tpu.memory_space<vmem>> -> memref<128xi32, #tpu.memory_space<vmem>>
        %dma_wait3A_165 = arith.constant 0 : i32
        %dma_wait3A_166 = arith.constant 0 : i32
        %dma_wait3A_167 = tpu.memref_slice %arg10[%dma_wait3A_165, %dma_wait3A_166] : memref<10240x128xf32, #tpu.memory_space<vmem_shared>> -> memref<10240x128xf32, #tpu.memory_space<vmem_shared>>
        tpu.wait_indirect_dma semaphore(%run_scoped3A_155 : memref<!tpu.dma_semaphore, #tpu.memory_space<semaphore_mem>>) src(%arg8 : memref<128x128xf32, #tpu.memory_space<vmem>>) dst(%dma_wait3A_167 : memref<10240x128xf32, #tpu.memory_space<vmem_shared>>)
        tpu.yield
      }) : () -> ()
      %dma_wait3A_116 = arith.constant 5 : i32
      %dma_wait3A_117 = arith.constant 0 : i32
      %dma_wait3A_118 = tpu.memref_slice %arg6[%dma_wait3A_116, %dma_wait3A_117] : memref<8x128xi32, #tpu.memory_space<vmem>> -> memref<1x128xi32, #tpu.memory_space<vmem>>
      %dma_wait3A_119 = tpu.memref_squeeze %dma_wait3A_118 : memref<1x128xi32, #tpu.memory_space<vmem>> -> memref<128xi32, #tpu.memory_space<vmem>>
      %dma_wait3A_120 = arith.constant 0 : i32
      %dma_wait3A_121 = arith.constant 0 : i32
      %dma_wait3A_122 = tpu.memref_slice %arg2[%dma_wait3A_120, %dma_wait3A_121] : memref<10000x128xf32, #tpu.memory_space<hbm>> -> memref<10000x128xf32, #tpu.memory_space<hbm>>
      tpu.wait_indirect_dma semaphore(%arg12 : memref<!tpu.dma_semaphore, #tpu.memory_space<semaphore_mem>>) src(%dma_wait3A_122 : memref<10000x128xf32, #tpu.memory_space<hbm>>) dst(%arg9 : memref<128x128xf32, #tpu.memory_space<vmem>>)
      %dma_start3A_123 = arith.constant 6 : i32
      %dma_start3A_124 = arith.constant 0 : i32
      %dma_start3A_125 = tpu.memref_slice %arg6[%dma_start3A_123, %dma_start3A_124] : memref<8x128xi32, #tpu.memory_space<vmem>> -> memref<1x128xi32, #tpu.memory_space<vmem>>
      %dma_start3A_126 = tpu.memref_squeeze %dma_start3A_125 : memref<1x128xi32, #tpu.memory_space<vmem>> -> memref<128xi32, #tpu.memory_space<vmem>>
      %dma_start3A_127 = arith.constant 0 : i32
      %dma_start3A_128 = arith.constant 0 : i32
      %dma_start3A_129 = tpu.memref_slice %arg2[%dma_start3A_127, %dma_start3A_128] : memref<10000x128xf32, #tpu.memory_space<hbm>> -> memref<10000x128xf32, #tpu.memory_space<hbm>>
      tpu.enqueue_indirect_dma source(%dma_start3A_129 : memref<10000x128xf32, #tpu.memory_space<hbm>>) target(%arg8 : memref<128x128xf32, #tpu.memory_space<vmem>>) offsets(%dma_start3A_126 : memref<128xi32, #tpu.memory_space<vmem>>) semaphore(%arg11 : memref<!tpu.dma_semaphore, #tpu.memory_space<semaphore_mem>>)
      %run_scoped3A_130 = arith.constant 5 : i32
      "tpu.region"() ({
        %run_scoped3A_155 = tpu.sem_alloc : memref<!tpu.dma_semaphore, #tpu.memory_space<semaphore_mem>>
        %dma_start3A_156 = arith.constant 0 : i32
        %dma_start3A_157 = tpu.memref_slice %arg7[%run_scoped3A_130, %dma_start3A_156] : memref<8x128xi32, #tpu.memory_space<vmem>> -> memref<1x128xi32, #tpu.memory_space<vmem>>
        %dma_start3A_158 = tpu.memref_squeeze %dma_start3A_157 : memref<1x128xi32, #tpu.memory_space<vmem>> -> memref<128xi32, #tpu.memory_space<vmem>>
        %dma_start3A_159 = arith.constant 0 : i32
        %dma_start3A_160 = arith.constant 0 : i32
        %dma_start3A_161 = tpu.memref_slice %arg10[%dma_start3A_159, %dma_start3A_160] : memref<10240x128xf32, #tpu.memory_space<vmem_shared>> -> memref<10240x128xf32, #tpu.memory_space<vmem_shared>>
        tpu.enqueue_indirect_dma source(%arg9 : memref<128x128xf32, #tpu.memory_space<vmem>>) target(%dma_start3A_161 : memref<10240x128xf32, #tpu.memory_space<vmem_shared>>) offsets(%dma_start3A_158 : memref<128xi32, #tpu.memory_space<vmem>>) semaphore(%run_scoped3A_155 : memref<!tpu.dma_semaphore, #tpu.memory_space<semaphore_mem>>) {add = true}
        %dma_wait3A_162 = arith.constant 0 : i32
        %dma_wait3A_163 = tpu.memref_slice %arg7[%run_scoped3A_130, %dma_wait3A_162] : memref<8x128xi32, #tpu.memory_space<vmem>> -> memref<1x128xi32, #tpu.memory_space<vmem>>
        %dma_wait3A_164 = tpu.memref_squeeze %dma_wait3A_163 : memref<1x128xi32, #tpu.memory_space<vmem>> -> memref<128xi32, #tpu.memory_space<vmem>>
        %dma_wait3A_165 = arith.constant 0 : i32
        %dma_wait3A_166 = arith.constant 0 : i32
        %dma_wait3A_167 = tpu.memref_slice %arg10[%dma_wait3A_165, %dma_wait3A_166] : memref<10240x128xf32, #tpu.memory_space<vmem_shared>> -> memref<10240x128xf32, #tpu.memory_space<vmem_shared>>
        tpu.wait_indirect_dma semaphore(%run_scoped3A_155 : memref<!tpu.dma_semaphore, #tpu.memory_space<semaphore_mem>>) src(%arg9 : memref<128x128xf32, #tpu.memory_space<vmem>>) dst(%dma_wait3A_167 : memref<10240x128xf32, #tpu.memory_space<vmem_shared>>)
        tpu.yield
      }) : () -> ()
      %dma_wait3A_131 = arith.constant 6 : i32
      %dma_wait3A_132 = arith.constant 0 : i32
      %dma_wait3A_133 = tpu.memref_slice %arg6[%dma_wait3A_131, %dma_wait3A_132] : memref<8x128xi32, #tpu.memory_space<vmem>> -> memref<1x128xi32, #tpu.memory_space<vmem>>
      %dma_wait3A_134 = tpu.memref_squeeze %dma_wait3A_133 : memref<1x128xi32, #tpu.memory_space<vmem>> -> memref<128xi32, #tpu.memory_space<vmem>>
      %dma_wait3A_135 = arith.constant 0 : i32
      %dma_wait3A_136 = arith.constant 0 : i32
      %dma_wait3A_137 = tpu.memref_slice %arg2[%dma_wait3A_135, %dma_wait3A_136] : memref<10000x128xf32, #tpu.memory_space<hbm>> -> memref<10000x128xf32, #tpu.memory_space<hbm>>
      tpu.wait_indirect_dma semaphore(%arg11 : memref<!tpu.dma_semaphore, #tpu.memory_space<semaphore_mem>>) src(%dma_wait3A_137 : memref<10000x128xf32, #tpu.memory_space<hbm>>) dst(%arg8 : memref<128x128xf32, #tpu.memory_space<vmem>>)
      %dma_start3A_138 = arith.constant 7 : i32
      %dma_start3A_139 = arith.constant 0 : i32
      %dma_start3A_140 = tpu.memref_slice %arg6[%dma_start3A_138, %dma_start3A_139] : memref<8x128xi32, #tpu.memory_space<vmem>> -> memref<1x128xi32, #tpu.memory_space<vmem>>
      %dma_start3A_141 = tpu.memref_squeeze %dma_start3A_140 : memref<1x128xi32, #tpu.memory_space<vmem>> -> memref<128xi32, #tpu.memory_space<vmem>>
      %dma_start3A_142 = arith.constant 0 : i32
      %dma_start3A_143 = arith.constant 0 : i32
      %dma_start3A_144 = tpu.memref_slice %arg2[%dma_start3A_142, %dma_start3A_143] : memref<10000x128xf32, #tpu.memory_space<hbm>> -> memref<10000x128xf32, #tpu.memory_space<hbm>>
      tpu.enqueue_indirect_dma source(%dma_start3A_144 : memref<10000x128xf32, #tpu.memory_space<hbm>>) target(%arg9 : memref<128x128xf32, #tpu.memory_space<vmem>>) offsets(%dma_start3A_141 : memref<128xi32, #tpu.memory_space<vmem>>) semaphore(%arg12 : memref<!tpu.dma_semaphore, #tpu.memory_space<semaphore_mem>>)
      %run_scoped3A_145 = arith.constant 6 : i32
      "tpu.region"() ({
        %run_scoped3A_155 = tpu.sem_alloc : memref<!tpu.dma_semaphore, #tpu.memory_space<semaphore_mem>>
        %dma_start3A_156 = arith.constant 0 : i32
        %dma_start3A_157 = tpu.memref_slice %arg7[%run_scoped3A_145, %dma_start3A_156] : memref<8x128xi32, #tpu.memory_space<vmem>> -> memref<1x128xi32, #tpu.memory_space<vmem>>
        %dma_start3A_158 = tpu.memref_squeeze %dma_start3A_157 : memref<1x128xi32, #tpu.memory_space<vmem>> -> memref<128xi32, #tpu.memory_space<vmem>>
        %dma_start3A_159 = arith.constant 0 : i32
        %dma_start3A_160 = arith.constant 0 : i32
        %dma_start3A_161 = tpu.memref_slice %arg10[%dma_start3A_159, %dma_start3A_160] : memref<10240x128xf32, #tpu.memory_space<vmem_shared>> -> memref<10240x128xf32, #tpu.memory_space<vmem_shared>>
        tpu.enqueue_indirect_dma source(%arg8 : memref<128x128xf32, #tpu.memory_space<vmem>>) target(%dma_start3A_161 : memref<10240x128xf32, #tpu.memory_space<vmem_shared>>) offsets(%dma_start3A_158 : memref<128xi32, #tpu.memory_space<vmem>>) semaphore(%run_scoped3A_155 : memref<!tpu.dma_semaphore, #tpu.memory_space<semaphore_mem>>) {add = true}
        %dma_wait3A_162 = arith.constant 0 : i32
        %dma_wait3A_163 = tpu.memref_slice %arg7[%run_scoped3A_145, %dma_wait3A_162] : memref<8x128xi32, #tpu.memory_space<vmem>> -> memref<1x128xi32, #tpu.memory_space<vmem>>
        %dma_wait3A_164 = tpu.memref_squeeze %dma_wait3A_163 : memref<1x128xi32, #tpu.memory_space<vmem>> -> memref<128xi32, #tpu.memory_space<vmem>>
        %dma_wait3A_165 = arith.constant 0 : i32
        %dma_wait3A_166 = arith.constant 0 : i32
        %dma_wait3A_167 = tpu.memref_slice %arg10[%dma_wait3A_165, %dma_wait3A_166] : memref<10240x128xf32, #tpu.memory_space<vmem_shared>> -> memref<10240x128xf32, #tpu.memory_space<vmem_shared>>
        tpu.wait_indirect_dma semaphore(%run_scoped3A_155 : memref<!tpu.dma_semaphore, #tpu.memory_space<semaphore_mem>>) src(%arg8 : memref<128x128xf32, #tpu.memory_space<vmem>>) dst(%dma_wait3A_167 : memref<10240x128xf32, #tpu.memory_space<vmem_shared>>)
        tpu.yield
      }) : () -> ()
      %dma_wait3A_146 = arith.constant 7 : i32
      %dma_wait3A_147 = arith.constant 0 : i32
      %dma_wait3A_148 = tpu.memref_slice %arg6[%dma_wait3A_146, %dma_wait3A_147] : memref<8x128xi32, #tpu.memory_space<vmem>> -> memref<1x128xi32, #tpu.memory_space<vmem>>
      %dma_wait3A_149 = tpu.memref_squeeze %dma_wait3A_148 : memref<1x128xi32, #tpu.memory_space<vmem>> -> memref<128xi32, #tpu.memory_space<vmem>>
      %dma_wait3A_150 = arith.constant 0 : i32
      %dma_wait3A_151 = arith.constant 0 : i32
      %dma_wait3A_152 = tpu.memref_slice %arg2[%dma_wait3A_150, %dma_wait3A_151] : memref<10000x128xf32, #tpu.memory_space<hbm>> -> memref<10000x128xf32, #tpu.memory_space<hbm>>
      tpu.wait_indirect_dma semaphore(%arg12 : memref<!tpu.dma_semaphore, #tpu.memory_space<semaphore_mem>>) src(%dma_wait3A_152 : memref<10000x128xf32, #tpu.memory_space<hbm>>) dst(%arg9 : memref<128x128xf32, #tpu.memory_space<vmem>>)
      %run_scoped3A_153 = arith.constant 7 : i32
      "tpu.region"() ({
        %run_scoped3A_155 = tpu.sem_alloc : memref<!tpu.dma_semaphore, #tpu.memory_space<semaphore_mem>>
        %dma_start3A_156 = arith.constant 0 : i32
        %dma_start3A_157 = tpu.memref_slice %arg7[%run_scoped3A_153, %dma_start3A_156] : memref<8x128xi32, #tpu.memory_space<vmem>> -> memref<1x128xi32, #tpu.memory_space<vmem>>
        %dma_start3A_158 = tpu.memref_squeeze %dma_start3A_157 : memref<1x128xi32, #tpu.memory_space<vmem>> -> memref<128xi32, #tpu.memory_space<vmem>>
        %dma_start3A_159 = arith.constant 0 : i32
        %dma_start3A_160 = arith.constant 0 : i32
        %dma_start3A_161 = tpu.memref_slice %arg10[%dma_start3A_159, %dma_start3A_160] : memref<10240x128xf32, #tpu.memory_space<vmem_shared>> -> memref<10240x128xf32, #tpu.memory_space<vmem_shared>>
        tpu.enqueue_indirect_dma source(%arg9 : memref<128x128xf32, #tpu.memory_space<vmem>>) target(%dma_start3A_161 : memref<10240x128xf32, #tpu.memory_space<vmem_shared>>) offsets(%dma_start3A_158 : memref<128xi32, #tpu.memory_space<vmem>>) semaphore(%run_scoped3A_155 : memref<!tpu.dma_semaphore, #tpu.memory_space<semaphore_mem>>) {add = true}
        %dma_wait3A_162 = arith.constant 0 : i32
        %dma_wait3A_163 = tpu.memref_slice %arg7[%run_scoped3A_153, %dma_wait3A_162] : memref<8x128xi32, #tpu.memory_space<vmem>> -> memref<1x128xi32, #tpu.memory_space<vmem>>
        %dma_wait3A_164 = tpu.memref_squeeze %dma_wait3A_163 : memref<1x128xi32, #tpu.memory_space<vmem>> -> memref<128xi32, #tpu.memory_space<vmem>>
        %dma_wait3A_165 = arith.constant 0 : i32
        %dma_wait3A_166 = arith.constant 0 : i32
        %dma_wait3A_167 = tpu.memref_slice %arg10[%dma_wait3A_165, %dma_wait3A_166] : memref<10240x128xf32, #tpu.memory_space<vmem_shared>> -> memref<10240x128xf32, #tpu.memory_space<vmem_shared>>
        tpu.wait_indirect_dma semaphore(%run_scoped3A_155 : memref<!tpu.dma_semaphore, #tpu.memory_space<semaphore_mem>>) src(%arg9 : memref<128x128xf32, #tpu.memory_space<vmem>>) dst(%dma_wait3A_167 : memref<10240x128xf32, #tpu.memory_space<vmem_shared>>)
        tpu.yield
      }) : () -> ()
      %while3A_154 = arith.constant 0 : i32
      scf.yield %while3A_154 : i32
    }
    %while3A_30 = arith.constant 1 : i32
    %while3A_31 = scf.for %while3A_33 = %while3A_27 to %while3A_23 step %while3A_30 iter_args(%while3A_34 = %while3A_29) -> (i32)  : i32 {
      %mul3A_35 = arith.constant 8 : i32
      %mul3A_36 = arith.muli %while3A_33, %mul3A_35 : i32
      "tpu.region"() ({
        %run_scoped3A_155 = tpu.sem_alloc : memref<!tpu.dma_semaphore, #tpu.memory_space<semaphore_mem>>
        %dma_start3A_156 = arith.constant 0 : i32
        %dma_start3A_157 = tpu.memref_slice %arg3[%add3A, %mul3A_36, %dma_start3A_156] : memref<32x120x128xi32, #tpu.memory_space<hbm>> -> memref<1x8x128xi32, #tpu.memory_space<hbm>>
        %dma_start3A_158 = tpu.memref_squeeze %dma_start3A_157 : memref<1x8x128xi32, #tpu.memory_space<hbm>> -> memref<8x128xi32, #tpu.memory_space<hbm>>
        %dma_start3A_159 = arith.constant 0 : i32
        %dma_start3A_160 = tpu.memref_slice %arg3[%add3A, %mul3A_36, %dma_start3A_159] : memref<32x120x128xi32, #tpu.memory_space<hbm>> -> memref<1x8x128xi32, #tpu.memory_space<hbm>>
        %dma_start3A_161 = tpu.memref_squeeze %dma_start3A_160 : memref<1x8x128xi32, #tpu.memory_space<hbm>> -> memref<8x128xi32, #tpu.memory_space<hbm>>
        tpu.enqueue_dma source(%dma_start3A_161 : memref<8x128xi32, #tpu.memory_space<hbm>>) target(%arg6 : memref<8x128xi32, #tpu.memory_space<vmem>>) target_semaphore(%run_scoped3A_155 : memref<!tpu.dma_semaphore, #tpu.memory_space<semaphore_mem>>)
        %dma_wait3A_162 = arith.constant 0 : i32
        %dma_wait3A_163 = tpu.memref_slice %arg3[%add3A, %mul3A_36, %dma_wait3A_162] : memref<32x120x128xi32, #tpu.memory_space<hbm>> -> memref<1x8x128xi32, #tpu.memory_space<hbm>>
        %dma_wait3A_164 = tpu.memref_squeeze %dma_wait3A_163 : memref<1x8x128xi32, #tpu.memory_space<hbm>> -> memref<8x128xi32, #tpu.memory_space<hbm>>
        %dma_wait3A_165 = arith.constant 0 : i32
        %dma_wait3A_166 = tpu.memref_slice %arg3[%add3A, %mul3A_36, %dma_wait3A_165] : memref<32x120x128xi32, #tpu.memory_space<hbm>> -> memref<1x8x128xi32, #tpu.memory_space<hbm>>
        %dma_wait3A_167 = tpu.memref_squeeze %dma_wait3A_166 : memref<1x8x128xi32, #tpu.memory_space<hbm>> -> memref<8x128xi32, #tpu.memory_space<hbm>>
        tpu.wait_dma2 semaphore(%run_scoped3A_155 : memref<!tpu.dma_semaphore, #tpu.memory_space<semaphore_mem>>) src(%dma_wait3A_167 : memref<8x128xi32, #tpu.memory_space<hbm>>) dst(%arg6 : memref<8x128xi32, #tpu.memory_space<vmem>>)
        tpu.yield
      }) : () -> ()
      "tpu.region"() ({
        %run_scoped3A_155 = tpu.sem_alloc : memref<!tpu.dma_semaphore, #tpu.memory_space<semaphore_mem>>
        %dma_start3A_156 = arith.constant 0 : i32
        %dma_start3A_157 = tpu.memref_slice %arg4[%add3A, %mul3A_36, %dma_start3A_156] : memref<32x120x128xi32, #tpu.memory_space<hbm>> -> memref<1x8x128xi32, #tpu.memory_space<hbm>>
        %dma_start3A_158 = tpu.memref_squeeze %dma_start3A_157 : memref<1x8x128xi32, #tpu.memory_space<hbm>> -> memref<8x128xi32, #tpu.memory_space<hbm>>
        %dma_start3A_159 = arith.constant 0 : i32
        %dma_start3A_160 = tpu.memref_slice %arg4[%add3A, %mul3A_36, %dma_start3A_159] : memref<32x120x128xi32, #tpu.memory_space<hbm>> -> memref<1x8x128xi32, #tpu.memory_space<hbm>>
        %dma_start3A_161 = tpu.memref_squeeze %dma_start3A_160 : memref<1x8x128xi32, #tpu.memory_space<hbm>> -> memref<8x128xi32, #tpu.memory_space<hbm>>
        tpu.enqueue_dma source(%dma_start3A_161 : memref<8x128xi32, #tpu.memory_space<hbm>>) target(%arg7 : memref<8x128xi32, #tpu.memory_space<vmem>>) target_semaphore(%run_scoped3A_155 : memref<!tpu.dma_semaphore, #tpu.memory_space<semaphore_mem>>)
        %dma_wait3A_162 = arith.constant 0 : i32
        %dma_wait3A_163 = tpu.memref_slice %arg4[%add3A, %mul3A_36, %dma_wait3A_162] : memref<32x120x128xi32, #tpu.memory_space<hbm>> -> memref<1x8x128xi32, #tpu.memory_space<hbm>>
        %dma_wait3A_164 = tpu.memref_squeeze %dma_wait3A_163 : memref<1x8x128xi32, #tpu.memory_space<hbm>> -> memref<8x128xi32, #tpu.memory_space<hbm>>
        %dma_wait3A_165 = arith.constant 0 : i32
        %dma_wait3A_166 = tpu.memref_slice %arg4[%add3A, %mul3A_36, %dma_wait3A_165] : memref<32x120x128xi32, #tpu.memory_space<hbm>> -> memref<1x8x128xi32, #tpu.memory_space<hbm>>
        %dma_wait3A_167 = tpu.memref_squeeze %dma_wait3A_166 : memref<1x8x128xi32, #tpu.memory_space<hbm>> -> memref<8x128xi32, #tpu.memory_space<hbm>>
        tpu.wait_dma2 semaphore(%run_scoped3A_155 : memref<!tpu.dma_semaphore, #tpu.memory_space<semaphore_mem>>) src(%dma_wait3A_167 : memref<8x128xi32, #tpu.memory_space<hbm>>) dst(%arg7 : memref<8x128xi32, #tpu.memory_space<vmem>>)
        tpu.yield
      }) : () -> ()
      %dma_start3A = arith.constant 0 : i32
      %dma_start3A_37 = arith.constant 0 : i32
      %dma_start3A_38 = tpu.memref_slice %arg6[%dma_start3A, %dma_start3A_37] : memref<8x128xi32, #tpu.memory_space<vmem>> -> memref<1x128xi32, #tpu.memory_space<vmem>>
      %dma_start3A_39 = tpu.memref_squeeze %dma_start3A_38 : memref<1x128xi32, #tpu.memory_space<vmem>> -> memref<128xi32, #tpu.memory_space<vmem>>
      %dma_start3A_40 = arith.constant 0 : i32
      %dma_start3A_41 = arith.constant 0 : i32
      %dma_start3A_42 = tpu.memref_slice %arg2[%dma_start3A_40, %dma_start3A_41] : memref<10000x128xf32, #tpu.memory_space<hbm>> -> memref<10000x128xf32, #tpu.memory_space<hbm>>
      tpu.enqueue_indirect_dma source(%dma_start3A_42 : memref<10000x128xf32, #tpu.memory_space<hbm>>) target(%arg8 : memref<128x128xf32, #tpu.memory_space<vmem>>) offsets(%dma_start3A_39 : memref<128xi32, #tpu.memory_space<vmem>>) semaphore(%arg11 : memref<!tpu.dma_semaphore, #tpu.memory_space<semaphore_mem>>)
      %dma_wait3A = arith.constant 0 : i32
      %dma_wait3A_43 = arith.constant 0 : i32
      %dma_wait3A_44 = tpu.memref_slice %arg6[%dma_wait3A, %dma_wait3A_43] : memref<8x128xi32, #tpu.memory_space<vmem>> -> memref<1x128xi32, #tpu.memory_space<vmem>>
      %dma_wait3A_45 = tpu.memref_squeeze %dma_wait3A_44 : memref<1x128xi32, #tpu.memory_space<vmem>> -> memref<128xi32, #tpu.memory_space<vmem>>
      %dma_wait3A_46 = arith.constant 0 : i32
      %dma_wait3A_47 = arith.constant 0 : i32
      %dma_wait3A_48 = tpu.memref_slice %arg2[%dma_wait3A_46, %dma_wait3A_47] : memref<10000x128xf32, #tpu.memory_space<hbm>> -> memref<10000x128xf32, #tpu.memory_space<hbm>>
      tpu.wait_indirect_dma semaphore(%arg11 : memref<!tpu.dma_semaphore, #tpu.memory_space<semaphore_mem>>) src(%dma_wait3A_48 : memref<10000x128xf32, #tpu.memory_space<hbm>>) dst(%arg8 : memref<128x128xf32, #tpu.memory_space<vmem>>)
      %dma_start3A_49 = arith.constant 1 : i32
      %dma_start3A_50 = arith.constant 0 : i32
      %dma_start3A_51 = tpu.memref_slice %arg6[%dma_start3A_49, %dma_start3A_50] : memref<8x128xi32, #tpu.memory_space<vmem>> -> memref<1x128xi32, #tpu.memory_space<vmem>>
      %dma_start3A_52 = tpu.memref_squeeze %dma_start3A_51 : memref<1x128xi32, #tpu.memory_space<vmem>> -> memref<128xi32, #tpu.memory_space<vmem>>
      %dma_start3A_53 = arith.constant 0 : i32
      %dma_start3A_54 = arith.constant 0 : i32
      %dma_start3A_55 = tpu.memref_slice %arg2[%dma_start3A_53, %dma_start3A_54] : memref<10000x128xf32, #tpu.memory_space<hbm>> -> memref<10000x128xf32, #tpu.memory_space<hbm>>
      tpu.enqueue_indirect_dma source(%dma_start3A_55 : memref<10000x128xf32, #tpu.memory_space<hbm>>) target(%arg9 : memref<128x128xf32, #tpu.memory_space<vmem>>) offsets(%dma_start3A_52 : memref<128xi32, #tpu.memory_space<vmem>>) semaphore(%arg12 : memref<!tpu.dma_semaphore, #tpu.memory_space<semaphore_mem>>)
      %run_scoped3A = arith.constant 0 : i32
      "tpu.region"() ({
        %run_scoped3A_155 = tpu.sem_alloc : memref<!tpu.dma_semaphore, #tpu.memory_space<semaphore_mem>>
        %dma_start3A_156 = arith.constant 0 : i32
        %dma_start3A_157 = tpu.memref_slice %arg7[%run_scoped3A, %dma_start3A_156] : memref<8x128xi32, #tpu.memory_space<vmem>> -> memref<1x128xi32, #tpu.memory_space<vmem>>
        %dma_start3A_158 = tpu.memref_squeeze %dma_start3A_157 : memref<1x128xi32, #tpu.memory_space<vmem>> -> memref<128xi32, #tpu.memory_space<vmem>>
        %dma_start3A_159 = arith.constant 0 : i32
        %dma_start3A_160 = arith.constant 0 : i32
        %dma_start3A_161 = tpu.memref_slice %arg10[%dma_start3A_159, %dma_start3A_160] : memref<10240x128xf32, #tpu.memory_space<vmem_shared>> -> memref<10240x128xf32, #tpu.memory_space<vmem_shared>>
        tpu.enqueue_indirect_dma source(%arg8 : memref<128x128xf32, #tpu.memory_space<vmem>>) target(%dma_start3A_161 : memref<10240x128xf32, #tpu.memory_space<vmem_shared>>) offsets(%dma_start3A_158 : memref<128xi32, #tpu.memory_space<vmem>>) semaphore(%run_scoped3A_155 : memref<!tpu.dma_semaphore, #tpu.memory_space<semaphore_mem>>) {add = true}
        %dma_wait3A_162 = arith.constant 0 : i32
        %dma_wait3A_163 = tpu.memref_slice %arg7[%run_scoped3A, %dma_wait3A_162] : memref<8x128xi32, #tpu.memory_space<vmem>> -> memref<1x128xi32, #tpu.memory_space<vmem>>
        %dma_wait3A_164 = tpu.memref_squeeze %dma_wait3A_163 : memref<1x128xi32, #tpu.memory_space<vmem>> -> memref<128xi32, #tpu.memory_space<vmem>>
        %dma_wait3A_165 = arith.constant 0 : i32
        %dma_wait3A_166 = arith.constant 0 : i32
        %dma_wait3A_167 = tpu.memref_slice %arg10[%dma_wait3A_165, %dma_wait3A_166] : memref<10240x128xf32, #tpu.memory_space<vmem_shared>> -> memref<10240x128xf32, #tpu.memory_space<vmem_shared>>
        tpu.wait_indirect_dma semaphore(%run_scoped3A_155 : memref<!tpu.dma_semaphore, #tpu.memory_space<semaphore_mem>>) src(%arg8 : memref<128x128xf32, #tpu.memory_space<vmem>>) dst(%dma_wait3A_167 : memref<10240x128xf32, #tpu.memory_space<vmem_shared>>)
        tpu.yield
      }) : () -> ()
      %dma_wait3A_56 = arith.constant 1 : i32
      %dma_wait3A_57 = arith.constant 0 : i32
      %dma_wait3A_58 = tpu.memref_slice %arg6[%dma_wait3A_56, %dma_wait3A_57] : memref<8x128xi32, #tpu.memory_space<vmem>> -> memref<1x128xi32, #tpu.memory_space<vmem>>
      %dma_wait3A_59 = tpu.memref_squeeze %dma_wait3A_58 : memref<1x128xi32, #tpu.memory_space<vmem>> -> memref<128xi32, #tpu.memory_space<vmem>>
      %dma_wait3A_60 = arith.constant 0 : i32
      %dma_wait3A_61 = arith.constant 0 : i32
      %dma_wait3A_62 = tpu.memref_slice %arg2[%dma_wait3A_60, %dma_wait3A_61] : memref<10000x128xf32, #tpu.memory_space<hbm>> -> memref<10000x128xf32, #tpu.memory_space<hbm>>
      tpu.wait_indirect_dma semaphore(%arg12 : memref<!tpu.dma_semaphore, #tpu.memory_space<semaphore_mem>>) src(%dma_wait3A_62 : memref<10000x128xf32, #tpu.memory_space<hbm>>) dst(%arg9 : memref<128x128xf32, #tpu.memory_space<vmem>>)
      %dma_start3A_63 = arith.constant 2 : i32
      %dma_start3A_64 = arith.constant 0 : i32
      %dma_start3A_65 = tpu.memref_slice %arg6[%dma_start3A_63, %dma_start3A_64] : memref<8x128xi32, #tpu.memory_space<vmem>> -> memref<1x128xi32, #tpu.memory_space<vmem>>
      %dma_start3A_66 = tpu.memref_squeeze %dma_start3A_65 : memref<1x128xi32, #tpu.memory_space<vmem>> -> memref<128xi32, #tpu.memory_space<vmem>>
      %dma_start3A_67 = arith.constant 0 : i32
      %dma_start3A_68 = arith.constant 0 : i32
      %dma_start3A_69 = tpu.memref_slice %arg2[%dma_start3A_67, %dma_start3A_68] : memref<10000x128xf32, #tpu.memory_space<hbm>> -> memref<10000x128xf32, #tpu.memory_space<hbm>>
      tpu.enqueue_indirect_dma source(%dma_start3A_69 : memref<10000x128xf32, #tpu.memory_space<hbm>>) target(%arg8 : memref<128x128xf32, #tpu.memory_space<vmem>>) offsets(%dma_start3A_66 : memref<128xi32, #tpu.memory_space<vmem>>) semaphore(%arg11 : memref<!tpu.dma_semaphore, #tpu.memory_space<semaphore_mem>>)
      %run_scoped3A_70 = arith.constant 1 : i32
      "tpu.region"() ({
        %run_scoped3A_155 = tpu.sem_alloc : memref<!tpu.dma_semaphore, #tpu.memory_space<semaphore_mem>>
        %dma_start3A_156 = arith.constant 0 : i32
        %dma_start3A_157 = tpu.memref_slice %arg7[%run_scoped3A_70, %dma_start3A_156] : memref<8x128xi32, #tpu.memory_space<vmem>> -> memref<1x128xi32, #tpu.memory_space<vmem>>
        %dma_start3A_158 = tpu.memref_squeeze %dma_start3A_157 : memref<1x128xi32, #tpu.memory_space<vmem>> -> memref<128xi32, #tpu.memory_space<vmem>>
        %dma_start3A_159 = arith.constant 0 : i32
        %dma_start3A_160 = arith.constant 0 : i32
        %dma_start3A_161 = tpu.memref_slice %arg10[%dma_start3A_159, %dma_start3A_160] : memref<10240x128xf32, #tpu.memory_space<vmem_shared>> -> memref<10240x128xf32, #tpu.memory_space<vmem_shared>>
        tpu.enqueue_indirect_dma source(%arg9 : memref<128x128xf32, #tpu.memory_space<vmem>>) target(%dma_start3A_161 : memref<10240x128xf32, #tpu.memory_space<vmem_shared>>) offsets(%dma_start3A_158 : memref<128xi32, #tpu.memory_space<vmem>>) semaphore(%run_scoped3A_155 : memref<!tpu.dma_semaphore, #tpu.memory_space<semaphore_mem>>) {add = true}
        %dma_wait3A_162 = arith.constant 0 : i32
        %dma_wait3A_163 = tpu.memref_slice %arg7[%run_scoped3A_70, %dma_wait3A_162] : memref<8x128xi32, #tpu.memory_space<vmem>> -> memref<1x128xi32, #tpu.memory_space<vmem>>
        %dma_wait3A_164 = tpu.memref_squeeze %dma_wait3A_163 : memref<1x128xi32, #tpu.memory_space<vmem>> -> memref<128xi32, #tpu.memory_space<vmem>>
        %dma_wait3A_165 = arith.constant 0 : i32
        %dma_wait3A_166 = arith.constant 0 : i32
        %dma_wait3A_167 = tpu.memref_slice %arg10[%dma_wait3A_165, %dma_wait3A_166] : memref<10240x128xf32, #tpu.memory_space<vmem_shared>> -> memref<10240x128xf32, #tpu.memory_space<vmem_shared>>
        tpu.wait_indirect_dma semaphore(%run_scoped3A_155 : memref<!tpu.dma_semaphore, #tpu.memory_space<semaphore_mem>>) src(%arg9 : memref<128x128xf32, #tpu.memory_space<vmem>>) dst(%dma_wait3A_167 : memref<10240x128xf32, #tpu.memory_space<vmem_shared>>)
        tpu.yield
      }) : () -> ()
      %dma_wait3A_71 = arith.constant 2 : i32
      %dma_wait3A_72 = arith.constant 0 : i32
      %dma_wait3A_73 = tpu.memref_slice %arg6[%dma_wait3A_71, %dma_wait3A_72] : memref<8x128xi32, #tpu.memory_space<vmem>> -> memref<1x128xi32, #tpu.memory_space<vmem>>
      %dma_wait3A_74 = tpu.memref_squeeze %dma_wait3A_73 : memref<1x128xi32, #tpu.memory_space<vmem>> -> memref<128xi32, #tpu.memory_space<vmem>>
      %dma_wait3A_75 = arith.constant 0 : i32
      %dma_wait3A_76 = arith.constant 0 : i32
      %dma_wait3A_77 = tpu.memref_slice %arg2[%dma_wait3A_75, %dma_wait3A_76] : memref<10000x128xf32, #tpu.memory_space<hbm>> -> memref<10000x128xf32, #tpu.memory_space<hbm>>
      tpu.wait_indirect_dma semaphore(%arg11 : memref<!tpu.dma_semaphore, #tpu.memory_space<semaphore_mem>>) src(%dma_wait3A_77 : memref<10000x128xf32, #tpu.memory_space<hbm>>) dst(%arg8 : memref<128x128xf32, #tpu.memory_space<vmem>>)
      %dma_start3A_78 = arith.constant 3 : i32
      %dma_start3A_79 = arith.constant 0 : i32
      %dma_start3A_80 = tpu.memref_slice %arg6[%dma_start3A_78, %dma_start3A_79] : memref<8x128xi32, #tpu.memory_space<vmem>> -> memref<1x128xi32, #tpu.memory_space<vmem>>
      %dma_start3A_81 = tpu.memref_squeeze %dma_start3A_80 : memref<1x128xi32, #tpu.memory_space<vmem>> -> memref<128xi32, #tpu.memory_space<vmem>>
      %dma_start3A_82 = arith.constant 0 : i32
      %dma_start3A_83 = arith.constant 0 : i32
      %dma_start3A_84 = tpu.memref_slice %arg2[%dma_start3A_82, %dma_start3A_83] : memref<10000x128xf32, #tpu.memory_space<hbm>> -> memref<10000x128xf32, #tpu.memory_space<hbm>>
      tpu.enqueue_indirect_dma source(%dma_start3A_84 : memref<10000x128xf32, #tpu.memory_space<hbm>>) target(%arg9 : memref<128x128xf32, #tpu.memory_space<vmem>>) offsets(%dma_start3A_81 : memref<128xi32, #tpu.memory_space<vmem>>) semaphore(%arg12 : memref<!tpu.dma_semaphore, #tpu.memory_space<semaphore_mem>>)
      %run_scoped3A_85 = arith.constant 2 : i32
      "tpu.region"() ({
        %run_scoped3A_155 = tpu.sem_alloc : memref<!tpu.dma_semaphore, #tpu.memory_space<semaphore_mem>>
        %dma_start3A_156 = arith.constant 0 : i32
        %dma_start3A_157 = tpu.memref_slice %arg7[%run_scoped3A_85, %dma_start3A_156] : memref<8x128xi32, #tpu.memory_space<vmem>> -> memref<1x128xi32, #tpu.memory_space<vmem>>
        %dma_start3A_158 = tpu.memref_squeeze %dma_start3A_157 : memref<1x128xi32, #tpu.memory_space<vmem>> -> memref<128xi32, #tpu.memory_space<vmem>>
        %dma_start3A_159 = arith.constant 0 : i32
        %dma_start3A_160 = arith.constant 0 : i32
        %dma_start3A_161 = tpu.memref_slice %arg10[%dma_start3A_159, %dma_start3A_160] : memref<10240x128xf32, #tpu.memory_space<vmem_shared>> -> memref<10240x128xf32, #tpu.memory_space<vmem_shared>>
        tpu.enqueue_indirect_dma source(%arg8 : memref<128x128xf32, #tpu.memory_space<vmem>>) target(%dma_start3A_161 : memref<10240x128xf32, #tpu.memory_space<vmem_shared>>) offsets(%dma_start3A_158 : memref<128xi32, #tpu.memory_space<vmem>>) semaphore(%run_scoped3A_155 : memref<!tpu.dma_semaphore, #tpu.memory_space<semaphore_mem>>) {add = true}
        %dma_wait3A_162 = arith.constant 0 : i32
        %dma_wait3A_163 = tpu.memref_slice %arg7[%run_scoped3A_85, %dma_wait3A_162] : memref<8x128xi32, #tpu.memory_space<vmem>> -> memref<1x128xi32, #tpu.memory_space<vmem>>
        %dma_wait3A_164 = tpu.memref_squeeze %dma_wait3A_163 : memref<1x128xi32, #tpu.memory_space<vmem>> -> memref<128xi32, #tpu.memory_space<vmem>>
        %dma_wait3A_165 = arith.constant 0 : i32
        %dma_wait3A_166 = arith.constant 0 : i32
        %dma_wait3A_167 = tpu.memref_slice %arg10[%dma_wait3A_165, %dma_wait3A_166] : memref<10240x128xf32, #tpu.memory_space<vmem_shared>> -> memref<10240x128xf32, #tpu.memory_space<vmem_shared>>
        tpu.wait_indirect_dma semaphore(%run_scoped3A_155 : memref<!tpu.dma_semaphore, #tpu.memory_space<semaphore_mem>>) src(%arg8 : memref<128x128xf32, #tpu.memory_space<vmem>>) dst(%dma_wait3A_167 : memref<10240x128xf32, #tpu.memory_space<vmem_shared>>)
        tpu.yield
      }) : () -> ()
      %dma_wait3A_86 = arith.constant 3 : i32
      %dma_wait3A_87 = arith.constant 0 : i32
      %dma_wait3A_88 = tpu.memref_slice %arg6[%dma_wait3A_86, %dma_wait3A_87] : memref<8x128xi32, #tpu.memory_space<vmem>> -> memref<1x128xi32, #tpu.memory_space<vmem>>
      %dma_wait3A_89 = tpu.memref_squeeze %dma_wait3A_88 : memref<1x128xi32, #tpu.memory_space<vmem>> -> memref<128xi32, #tpu.memory_space<vmem>>
      %dma_wait3A_90 = arith.constant 0 : i32
      %dma_wait3A_91 = arith.constant 0 : i32
      %dma_wait3A_92 = tpu.memref_slice %arg2[%dma_wait3A_90, %dma_wait3A_91] : memref<10000x128xf32, #tpu.memory_space<hbm>> -> memref<10000x128xf32, #tpu.memory_space<hbm>>
      tpu.wait_indirect_dma semaphore(%arg12 : memref<!tpu.dma_semaphore, #tpu.memory_space<semaphore_mem>>) src(%dma_wait3A_92 : memref<10000x128xf32, #tpu.memory_space<hbm>>) dst(%arg9 : memref<128x128xf32, #tpu.memory_space<vmem>>)
      %dma_start3A_93 = arith.constant 4 : i32
      %dma_start3A_94 = arith.constant 0 : i32
      %dma_start3A_95 = tpu.memref_slice %arg6[%dma_start3A_93, %dma_start3A_94] : memref<8x128xi32, #tpu.memory_space<vmem>> -> memref<1x128xi32, #tpu.memory_space<vmem>>
      %dma_start3A_96 = tpu.memref_squeeze %dma_start3A_95 : memref<1x128xi32, #tpu.memory_space<vmem>> -> memref<128xi32, #tpu.memory_space<vmem>>
      %dma_start3A_97 = arith.constant 0 : i32
      %dma_start3A_98 = arith.constant 0 : i32
      %dma_start3A_99 = tpu.memref_slice %arg2[%dma_start3A_97, %dma_start3A_98] : memref<10000x128xf32, #tpu.memory_space<hbm>> -> memref<10000x128xf32, #tpu.memory_space<hbm>>
      tpu.enqueue_indirect_dma source(%dma_start3A_99 : memref<10000x128xf32, #tpu.memory_space<hbm>>) target(%arg8 : memref<128x128xf32, #tpu.memory_space<vmem>>) offsets(%dma_start3A_96 : memref<128xi32, #tpu.memory_space<vmem>>) semaphore(%arg11 : memref<!tpu.dma_semaphore, #tpu.memory_space<semaphore_mem>>)
      %run_scoped3A_100 = arith.constant 3 : i32
      "tpu.region"() ({
        %run_scoped3A_155 = tpu.sem_alloc : memref<!tpu.dma_semaphore, #tpu.memory_space<semaphore_mem>>
        %dma_start3A_156 = arith.constant 0 : i32
        %dma_start3A_157 = tpu.memref_slice %arg7[%run_scoped3A_100, %dma_start3A_156] : memref<8x128xi32, #tpu.memory_space<vmem>> -> memref<1x128xi32, #tpu.memory_space<vmem>>
        %dma_start3A_158 = tpu.memref_squeeze %dma_start3A_157 : memref<1x128xi32, #tpu.memory_space<vmem>> -> memref<128xi32, #tpu.memory_space<vmem>>
        %dma_start3A_159 = arith.constant 0 : i32
        %dma_start3A_160 = arith.constant 0 : i32
        %dma_start3A_161 = tpu.memref_slice %arg10[%dma_start3A_159, %dma_start3A_160] : memref<10240x128xf32, #tpu.memory_space<vmem_shared>> -> memref<10240x128xf32, #tpu.memory_space<vmem_shared>>
        tpu.enqueue_indirect_dma source(%arg9 : memref<128x128xf32, #tpu.memory_space<vmem>>) target(%dma_start3A_161 : memref<10240x128xf32, #tpu.memory_space<vmem_shared>>) offsets(%dma_start3A_158 : memref<128xi32, #tpu.memory_space<vmem>>) semaphore(%run_scoped3A_155 : memref<!tpu.dma_semaphore, #tpu.memory_space<semaphore_mem>>) {add = true}
        %dma_wait3A_162 = arith.constant 0 : i32
        %dma_wait3A_163 = tpu.memref_slice %arg7[%run_scoped3A_100, %dma_wait3A_162] : memref<8x128xi32, #tpu.memory_space<vmem>> -> memref<1x128xi32, #tpu.memory_space<vmem>>
        %dma_wait3A_164 = tpu.memref_squeeze %dma_wait3A_163 : memref<1x128xi32, #tpu.memory_space<vmem>> -> memref<128xi32, #tpu.memory_space<vmem>>
        %dma_wait3A_165 = arith.constant 0 : i32
        %dma_wait3A_166 = arith.constant 0 : i32
        %dma_wait3A_167 = tpu.memref_slice %arg10[%dma_wait3A_165, %dma_wait3A_166] : memref<10240x128xf32, #tpu.memory_space<vmem_shared>> -> memref<10240x128xf32, #tpu.memory_space<vmem_shared>>
        tpu.wait_indirect_dma semaphore(%run_scoped3A_155 : memref<!tpu.dma_semaphore, #tpu.memory_space<semaphore_mem>>) src(%arg9 : memref<128x128xf32, #tpu.memory_space<vmem>>) dst(%dma_wait3A_167 : memref<10240x128xf32, #tpu.memory_space<vmem_shared>>)
        tpu.yield
      }) : () -> ()
      %dma_wait3A_101 = arith.constant 4 : i32
      %dma_wait3A_102 = arith.constant 0 : i32
      %dma_wait3A_103 = tpu.memref_slice %arg6[%dma_wait3A_101, %dma_wait3A_102] : memref<8x128xi32, #tpu.memory_space<vmem>> -> memref<1x128xi32, #tpu.memory_space<vmem>>
      %dma_wait3A_104 = tpu.memref_squeeze %dma_wait3A_103 : memref<1x128xi32, #tpu.memory_space<vmem>> -> memref<128xi32, #tpu.memory_space<vmem>>
      %dma_wait3A_105 = arith.constant 0 : i32
      %dma_wait3A_106 = arith.constant 0 : i32
      %dma_wait3A_107 = tpu.memref_slice %arg2[%dma_wait3A_105, %dma_wait3A_106] : memref<10000x128xf32, #tpu.memory_space<hbm>> -> memref<10000x128xf32, #tpu.memory_space<hbm>>
      tpu.wait_indirect_dma semaphore(%arg11 : memref<!tpu.dma_semaphore, #tpu.memory_space<semaphore_mem>>) src(%dma_wait3A_107 : memref<10000x128xf32, #tpu.memory_space<hbm>>) dst(%arg8 : memref<128x128xf32, #tpu.memory_space<vmem>>)
      %dma_start3A_108 = arith.constant 5 : i32
      %dma_start3A_109 = arith.constant 0 : i32
      %dma_start3A_110 = tpu.memref_slice %arg6[%dma_start3A_108, %dma_start3A_109] : memref<8x128xi32, #tpu.memory_space<vmem>> -> memref<1x128xi32, #tpu.memory_space<vmem>>
      %dma_start3A_111 = tpu.memref_squeeze %dma_start3A_110 : memref<1x128xi32, #tpu.memory_space<vmem>> -> memref<128xi32, #tpu.memory_space<vmem>>
      %dma_start3A_112 = arith.constant 0 : i32
      %dma_start3A_113 = arith.constant 0 : i32
      %dma_start3A_114 = tpu.memref_slice %arg2[%dma_start3A_112, %dma_start3A_113] : memref<10000x128xf32, #tpu.memory_space<hbm>> -> memref<10000x128xf32, #tpu.memory_space<hbm>>
      tpu.enqueue_indirect_dma source(%dma_start3A_114 : memref<10000x128xf32, #tpu.memory_space<hbm>>) target(%arg9 : memref<128x128xf32, #tpu.memory_space<vmem>>) offsets(%dma_start3A_111 : memref<128xi32, #tpu.memory_space<vmem>>) semaphore(%arg12 : memref<!tpu.dma_semaphore, #tpu.memory_space<semaphore_mem>>)
      %run_scoped3A_115 = arith.constant 4 : i32
      "tpu.region"() ({
        %run_scoped3A_155 = tpu.sem_alloc : memref<!tpu.dma_semaphore, #tpu.memory_space<semaphore_mem>>
        %dma_start3A_156 = arith.constant 0 : i32
        %dma_start3A_157 = tpu.memref_slice %arg7[%run_scoped3A_115, %dma_start3A_156] : memref<8x128xi32, #tpu.memory_space<vmem>> -> memref<1x128xi32, #tpu.memory_space<vmem>>
        %dma_start3A_158 = tpu.memref_squeeze %dma_start3A_157 : memref<1x128xi32, #tpu.memory_space<vmem>> -> memref<128xi32, #tpu.memory_space<vmem>>
        %dma_start3A_159 = arith.constant 0 : i32
        %dma_start3A_160 = arith.constant 0 : i32
        %dma_start3A_161 = tpu.memref_slice %arg10[%dma_start3A_159, %dma_start3A_160] : memref<10240x128xf32, #tpu.memory_space<vmem_shared>> -> memref<10240x128xf32, #tpu.memory_space<vmem_shared>>
        tpu.enqueue_indirect_dma source(%arg8 : memref<128x128xf32, #tpu.memory_space<vmem>>) target(%dma_start3A_161 : memref<10240x128xf32, #tpu.memory_space<vmem_shared>>) offsets(%dma_start3A_158 : memref<128xi32, #tpu.memory_space<vmem>>) semaphore(%run_scoped3A_155 : memref<!tpu.dma_semaphore, #tpu.memory_space<semaphore_mem>>) {add = true}
        %dma_wait3A_162 = arith.constant 0 : i32
        %dma_wait3A_163 = tpu.memref_slice %arg7[%run_scoped3A_115, %dma_wait3A_162] : memref<8x128xi32, #tpu.memory_space<vmem>> -> memref<1x128xi32, #tpu.memory_space<vmem>>
        %dma_wait3A_164 = tpu.memref_squeeze %dma_wait3A_163 : memref<1x128xi32, #tpu.memory_space<vmem>> -> memref<128xi32, #tpu.memory_space<vmem>>
        %dma_wait3A_165 = arith.constant 0 : i32
        %dma_wait3A_166 = arith.constant 0 : i32
        %dma_wait3A_167 = tpu.memref_slice %arg10[%dma_wait3A_165, %dma_wait3A_166] : memref<10240x128xf32, #tpu.memory_space<vmem_shared>> -> memref<10240x128xf32, #tpu.memory_space<vmem_shared>>
        tpu.wait_indirect_dma semaphore(%run_scoped3A_155 : memref<!tpu.dma_semaphore, #tpu.memory_space<semaphore_mem>>) src(%arg8 : memref<128x128xf32, #tpu.memory_space<vmem>>) dst(%dma_wait3A_167 : memref<10240x128xf32, #tpu.memory_space<vmem_shared>>)
        tpu.yield
      }) : () -> ()
      %dma_wait3A_116 = arith.constant 5 : i32
      %dma_wait3A_117 = arith.constant 0 : i32
      %dma_wait3A_118 = tpu.memref_slice %arg6[%dma_wait3A_116, %dma_wait3A_117] : memref<8x128xi32, #tpu.memory_space<vmem>> -> memref<1x128xi32, #tpu.memory_space<vmem>>
      %dma_wait3A_119 = tpu.memref_squeeze %dma_wait3A_118 : memref<1x128xi32, #tpu.memory_space<vmem>> -> memref<128xi32, #tpu.memory_space<vmem>>
      %dma_wait3A_120 = arith.constant 0 : i32
      %dma_wait3A_121 = arith.constant 0 : i32
      %dma_wait3A_122 = tpu.memref_slice %arg2[%dma_wait3A_120, %dma_wait3A_121] : memref<10000x128xf32, #tpu.memory_space<hbm>> -> memref<10000x128xf32, #tpu.memory_space<hbm>>
      tpu.wait_indirect_dma semaphore(%arg12 : memref<!tpu.dma_semaphore, #tpu.memory_space<semaphore_mem>>) src(%dma_wait3A_122 : memref<10000x128xf32, #tpu.memory_space<hbm>>) dst(%arg9 : memref<128x128xf32, #tpu.memory_space<vmem>>)
      %dma_start3A_123 = arith.constant 6 : i32
      %dma_start3A_124 = arith.constant 0 : i32
      %dma_start3A_125 = tpu.memref_slice %arg6[%dma_start3A_123, %dma_start3A_124] : memref<8x128xi32, #tpu.memory_space<vmem>> -> memref<1x128xi32, #tpu.memory_space<vmem>>
      %dma_start3A_126 = tpu.memref_squeeze %dma_start3A_125 : memref<1x128xi32, #tpu.memory_space<vmem>> -> memref<128xi32, #tpu.memory_space<vmem>>
      %dma_start3A_127 = arith.constant 0 : i32
      %dma_start3A_128 = arith.constant 0 : i32
      %dma_start3A_129 = tpu.memref_slice %arg2[%dma_start3A_127, %dma_start3A_128] : memref<10000x128xf32, #tpu.memory_space<hbm>> -> memref<10000x128xf32, #tpu.memory_space<hbm>>
      tpu.enqueue_indirect_dma source(%dma_start3A_129 : memref<10000x128xf32, #tpu.memory_space<hbm>>) target(%arg8 : memref<128x128xf32, #tpu.memory_space<vmem>>) offsets(%dma_start3A_126 : memref<128xi32, #tpu.memory_space<vmem>>) semaphore(%arg11 : memref<!tpu.dma_semaphore, #tpu.memory_space<semaphore_mem>>)
      %run_scoped3A_130 = arith.constant 5 : i32
      "tpu.region"() ({
        %run_scoped3A_155 = tpu.sem_alloc : memref<!tpu.dma_semaphore, #tpu.memory_space<semaphore_mem>>
        %dma_start3A_156 = arith.constant 0 : i32
        %dma_start3A_157 = tpu.memref_slice %arg7[%run_scoped3A_130, %dma_start3A_156] : memref<8x128xi32, #tpu.memory_space<vmem>> -> memref<1x128xi32, #tpu.memory_space<vmem>>
        %dma_start3A_158 = tpu.memref_squeeze %dma_start3A_157 : memref<1x128xi32, #tpu.memory_space<vmem>> -> memref<128xi32, #tpu.memory_space<vmem>>
        %dma_start3A_159 = arith.constant 0 : i32
        %dma_start3A_160 = arith.constant 0 : i32
        %dma_start3A_161 = tpu.memref_slice %arg10[%dma_start3A_159, %dma_start3A_160] : memref<10240x128xf32, #tpu.memory_space<vmem_shared>> -> memref<10240x128xf32, #tpu.memory_space<vmem_shared>>
        tpu.enqueue_indirect_dma source(%arg9 : memref<128x128xf32, #tpu.memory_space<vmem>>) target(%dma_start3A_161 : memref<10240x128xf32, #tpu.memory_space<vmem_shared>>) offsets(%dma_start3A_158 : memref<128xi32, #tpu.memory_space<vmem>>) semaphore(%run_scoped3A_155 : memref<!tpu.dma_semaphore, #tpu.memory_space<semaphore_mem>>) {add = true}
        %dma_wait3A_162 = arith.constant 0 : i32
        %dma_wait3A_163 = tpu.memref_slice %arg7[%run_scoped3A_130, %dma_wait3A_162] : memref<8x128xi32, #tpu.memory_space<vmem>> -> memref<1x128xi32, #tpu.memory_space<vmem>>
        %dma_wait3A_164 = tpu.memref_squeeze %dma_wait3A_163 : memref<1x128xi32, #tpu.memory_space<vmem>> -> memref<128xi32, #tpu.memory_space<vmem>>
        %dma_wait3A_165 = arith.constant 0 : i32
        %dma_wait3A_166 = arith.constant 0 : i32
        %dma_wait3A_167 = tpu.memref_slice %arg10[%dma_wait3A_165, %dma_wait3A_166] : memref<10240x128xf32, #tpu.memory_space<vmem_shared>> -> memref<10240x128xf32, #tpu.memory_space<vmem_shared>>
        tpu.wait_indirect_dma semaphore(%run_scoped3A_155 : memref<!tpu.dma_semaphore, #tpu.memory_space<semaphore_mem>>) src(%arg9 : memref<128x128xf32, #tpu.memory_space<vmem>>) dst(%dma_wait3A_167 : memref<10240x128xf32, #tpu.memory_space<vmem_shared>>)
        tpu.yield
      }) : () -> ()
      %dma_wait3A_131 = arith.constant 6 : i32
      %dma_wait3A_132 = arith.constant 0 : i32
      %dma_wait3A_133 = tpu.memref_slice %arg6[%dma_wait3A_131, %dma_wait3A_132] : memref<8x128xi32, #tpu.memory_space<vmem>> -> memref<1x128xi32, #tpu.memory_space<vmem>>
      %dma_wait3A_134 = tpu.memref_squeeze %dma_wait3A_133 : memref<1x128xi32, #tpu.memory_space<vmem>> -> memref<128xi32, #tpu.memory_space<vmem>>
      %dma_wait3A_135 = arith.constant 0 : i32
      %dma_wait3A_136 = arith.constant 0 : i32
      %dma_wait3A_137 = tpu.memref_slice %arg2[%dma_wait3A_135, %dma_wait3A_136] : memref<10000x128xf32, #tpu.memory_space<hbm>> -> memref<10000x128xf32, #tpu.memory_space<hbm>>
      tpu.wait_indirect_dma semaphore(%arg11 : memref<!tpu.dma_semaphore, #tpu.memory_space<semaphore_mem>>) src(%dma_wait3A_137 : memref<10000x128xf32, #tpu.memory_space<hbm>>) dst(%arg8 : memref<128x128xf32, #tpu.memory_space<vmem>>)
      %dma_start3A_138 = arith.constant 7 : i32
      %dma_start3A_139 = arith.constant 0 : i32
      %dma_start3A_140 = tpu.memref_slice %arg6[%dma_start3A_138, %dma_start3A_139] : memref<8x128xi32, #tpu.memory_space<vmem>> -> memref<1x128xi32, #tpu.memory_space<vmem>>
      %dma_start3A_141 = tpu.memref_squeeze %dma_start3A_140 : memref<1x128xi32, #tpu.memory_space<vmem>> -> memref<128xi32, #tpu.memory_space<vmem>>
      %dma_start3A_142 = arith.constant 0 : i32
      %dma_start3A_143 = arith.constant 0 : i32
      %dma_start3A_144 = tpu.memref_slice %arg2[%dma_start3A_142, %dma_start3A_143] : memref<10000x128xf32, #tpu.memory_space<hbm>> -> memref<10000x128xf32, #tpu.memory_space<hbm>>
      tpu.enqueue_indirect_dma source(%dma_start3A_144 : memref<10000x128xf32, #tpu.memory_space<hbm>>) target(%arg9 : memref<128x128xf32, #tpu.memory_space<vmem>>) offsets(%dma_start3A_141 : memref<128xi32, #tpu.memory_space<vmem>>) semaphore(%arg12 : memref<!tpu.dma_semaphore, #tpu.memory_space<semaphore_mem>>)
      %run_scoped3A_145 = arith.constant 6 : i32
      "tpu.region"() ({
        %run_scoped3A_155 = tpu.sem_alloc : memref<!tpu.dma_semaphore, #tpu.memory_space<semaphore_mem>>
        %dma_start3A_156 = arith.constant 0 : i32
        %dma_start3A_157 = tpu.memref_slice %arg7[%run_scoped3A_145, %dma_start3A_156] : memref<8x128xi32, #tpu.memory_space<vmem>> -> memref<1x128xi32, #tpu.memory_space<vmem>>
        %dma_start3A_158 = tpu.memref_squeeze %dma_start3A_157 : memref<1x128xi32, #tpu.memory_space<vmem>> -> memref<128xi32, #tpu.memory_space<vmem>>
        %dma_start3A_159 = arith.constant 0 : i32
        %dma_start3A_160 = arith.constant 0 : i32
        %dma_start3A_161 = tpu.memref_slice %arg10[%dma_start3A_159, %dma_start3A_160] : memref<10240x128xf32, #tpu.memory_space<vmem_shared>> -> memref<10240x128xf32, #tpu.memory_space<vmem_shared>>
        tpu.enqueue_indirect_dma source(%arg8 : memref<128x128xf32, #tpu.memory_space<vmem>>) target(%dma_start3A_161 : memref<10240x128xf32, #tpu.memory_space<vmem_shared>>) offsets(%dma_start3A_158 : memref<128xi32, #tpu.memory_space<vmem>>) semaphore(%run_scoped3A_155 : memref<!tpu.dma_semaphore, #tpu.memory_space<semaphore_mem>>) {add = true}
        %dma_wait3A_162 = arith.constant 0 : i32
        %dma_wait3A_163 = tpu.memref_slice %arg7[%run_scoped3A_145, %dma_wait3A_162] : memref<8x128xi32, #tpu.memory_space<vmem>> -> memref<1x128xi32, #tpu.memory_space<vmem>>
        %dma_wait3A_164 = tpu.memref_squeeze %dma_wait3A_163 : memref<1x128xi32, #tpu.memory_space<vmem>> -> memref<128xi32, #tpu.memory_space<vmem>>
        %dma_wait3A_165 = arith.constant 0 : i32
        %dma_wait3A_166 = arith.constant 0 : i32
        %dma_wait3A_167 = tpu.memref_slice %arg10[%dma_wait3A_165, %dma_wait3A_166] : memref<10240x128xf32, #tpu.memory_space<vmem_shared>> -> memref<10240x128xf32, #tpu.memory_space<vmem_shared>>
        tpu.wait_indirect_dma semaphore(%run_scoped3A_155 : memref<!tpu.dma_semaphore, #tpu.memory_space<semaphore_mem>>) src(%arg8 : memref<128x128xf32, #tpu.memory_space<vmem>>) dst(%dma_wait3A_167 : memref<10240x128xf32, #tpu.memory_space<vmem_shared>>)
        tpu.yield
      }) : () -> ()
      %dma_wait3A_146 = arith.constant 7 : i32
      %dma_wait3A_147 = arith.constant 0 : i32
      %dma_wait3A_148 = tpu.memref_slice %arg6[%dma_wait3A_146, %dma_wait3A_147] : memref<8x128xi32, #tpu.memory_space<vmem>> -> memref<1x128xi32, #tpu.memory_space<vmem>>
      %dma_wait3A_149 = tpu.memref_squeeze %dma_wait3A_148 : memref<1x128xi32, #tpu.memory_space<vmem>> -> memref<128xi32, #tpu.memory_space<vmem>>
      %dma_wait3A_150 = arith.constant 0 : i32
      %dma_wait3A_151 = arith.constant 0 : i32
      %dma_wait3A_152 = tpu.memref_slice %arg2[%dma_wait3A_150, %dma_wait3A_151] : memref<10000x128xf32, #tpu.memory_space<hbm>> -> memref<10000x128xf32, #tpu.memory_space<hbm>>
      tpu.wait_indirect_dma semaphore(%arg12 : memref<!tpu.dma_semaphore, #tpu.memory_space<semaphore_mem>>) src(%dma_wait3A_152 : memref<10000x128xf32, #tpu.memory_space<hbm>>) dst(%arg9 : memref<128x128xf32, #tpu.memory_space<vmem>>)
      %run_scoped3A_153 = arith.constant 7 : i32
      "tpu.region"() ({
        %run_scoped3A_155 = tpu.sem_alloc : memref<!tpu.dma_semaphore, #tpu.memory_space<semaphore_mem>>
        %dma_start3A_156 = arith.constant 0 : i32
        %dma_start3A_157 = tpu.memref_slice %arg7[%run_scoped3A_153, %dma_start3A_156] : memref<8x128xi32, #tpu.memory_space<vmem>> -> memref<1x128xi32, #tpu.memory_space<vmem>>
        %dma_start3A_158 = tpu.memref_squeeze %dma_start3A_157 : memref<1x128xi32, #tpu.memory_space<vmem>> -> memref<128xi32, #tpu.memory_space<vmem>>
        %dma_start3A_159 = arith.constant 0 : i32
        %dma_start3A_160 = arith.constant 0 : i32
        %dma_start3A_161 = tpu.memref_slice %arg10[%dma_start3A_159, %dma_start3A_160] : memref<10240x128xf32, #tpu.memory_space<vmem_shared>> -> memref<10240x128xf32, #tpu.memory_space<vmem_shared>>
        tpu.enqueue_indirect_dma source(%arg9 : memref<128x128xf32, #tpu.memory_space<vmem>>) target(%dma_start3A_161 : memref<10240x128xf32, #tpu.memory_space<vmem_shared>>) offsets(%dma_start3A_158 : memref<128xi32, #tpu.memory_space<vmem>>) semaphore(%run_scoped3A_155 : memref<!tpu.dma_semaphore, #tpu.memory_space<semaphore_mem>>) {add = true}
        %dma_wait3A_162 = arith.constant 0 : i32
        %dma_wait3A_163 = tpu.memref_slice %arg7[%run_scoped3A_153, %dma_wait3A_162] : memref<8x128xi32, #tpu.memory_space<vmem>> -> memref<1x128xi32, #tpu.memory_space<vmem>>
        %dma_wait3A_164 = tpu.memref_squeeze %dma_wait3A_163 : memref<1x128xi32, #tpu.memory_space<vmem>> -> memref<128xi32, #tpu.memory_space<vmem>>
        %dma_wait3A_165 = arith.constant 0 : i32
        %dma_wait3A_166 = arith.constant 0 : i32
        %dma_wait3A_167 = tpu.memref_slice %arg10[%dma_wait3A_165, %dma_wait3A_166] : memref<10240x128xf32, #tpu.memory_space<vmem_shared>> -> memref<10240x128xf32, #tpu.memory_space<vmem_shared>>
        tpu.wait_indirect_dma semaphore(%run_scoped3A_155 : memref<!tpu.dma_semaphore, #tpu.memory_space<semaphore_mem>>) src(%arg9 : memref<128x128xf32, #tpu.memory_space<vmem>>) dst(%dma_wait3A_167 : memref<10240x128xf32, #tpu.memory_space<vmem_shared>>)
        tpu.yield
      }) : () -> ()
      %while3A_154 = arith.constant 0 : i32
      scf.yield %while3A_154 : i32
    }
    %barrier3A_32 = arith.constant 0 : index
    tpu.barrier barrier_id(%barrier3A_32)
    "tpu.region"() ({
      %run_scoped3A = tpu.sem_alloc : memref<!tpu.dma_semaphore, #tpu.memory_space<semaphore_mem>>
      %dma_start3A = arith.constant 0 : i32
      %dma_start3A_33 = tpu.memref_slice %arg5[%arg0, %mul3A_2, %dma_start3A] : memref<2x10240x128xf32, #tpu.memory_space<hbm>> -> memref<1x640x128xf32, #tpu.memory_space<hbm>>
      %dma_start3A_34 = tpu.memref_squeeze %dma_start3A_33 : memref<1x640x128xf32, #tpu.memory_space<hbm>> -> memref<640x128xf32, #tpu.memory_space<hbm>>
      %dma_start3A_35 = arith.constant 0 : i32
      %dma_start3A_36 = tpu.memref_slice %arg10[%mul3A_2, %dma_start3A_35] : memref<10240x128xf32, #tpu.memory_space<vmem_shared>> -> memref<640x128xf32, #tpu.memory_space<vmem_shared>>
      tpu.enqueue_dma source(%dma_start3A_36 : memref<640x128xf32, #tpu.memory_space<vmem_shared>>) target(%dma_start3A_34 : memref<640x128xf32, #tpu.memory_space<hbm>>) target_semaphore(%run_scoped3A : memref<!tpu.dma_semaphore, #tpu.memory_space<semaphore_mem>>)
      %dma_wait3A = arith.constant 0 : i32
      %dma_wait3A_37 = tpu.memref_slice %arg5[%arg0, %mul3A_2, %dma_wait3A] : memref<2x10240x128xf32, #tpu.memory_space<hbm>> -> memref<1x640x128xf32, #tpu.memory_space<hbm>>
      %dma_wait3A_38 = tpu.memref_squeeze %dma_wait3A_37 : memref<1x640x128xf32, #tpu.memory_space<hbm>> -> memref<640x128xf32, #tpu.memory_space<hbm>>
      %dma_wait3A_39 = arith.constant 0 : i32
      %dma_wait3A_40 = tpu.memref_slice %arg10[%mul3A_2, %dma_wait3A_39] : memref<10240x128xf32, #tpu.memory_space<vmem_shared>> -> memref<640x128xf32, #tpu.memory_space<vmem_shared>>
      tpu.wait_dma2 semaphore(%run_scoped3A : memref<!tpu.dma_semaphore, #tpu.memory_space<semaphore_mem>>) src(%dma_wait3A_40 : memref<640x128xf32, #tpu.memory_space<vmem_shared>>) dst(%dma_wait3A_38 : memref<640x128xf32, #tpu.memory_space<hbm>>)
      tpu.yield
    }) : () -> ()
    return
  }
}

module attributes {stable_mosaic.version = 14 : i64} {
  func.func @_invdeg_body(%arg0: i32, %arg1: memref<1x10240x128xf32, #tpu.memory_space<vmem>>, %arg2: memref<1x10240x128xf32, #tpu.memory_space<vmem>>, %arg3: memref<10240x1xf32, #tpu.memory_space<vmem>>) attributes {dimension_semantics = [#tpu.dimension_semantics<arbitrary>], iteration_bounds = array<i64: 1>, scalar_prefetch = 0 : i64, scratch_operands = 0 : i64, tpu.core_type = #tpu.core_type<tc>, window_params = [{transform_indices = @transform_0, window_bounds = array<i64: 1, 10240, 128>}, {transform_indices = @transform_1, window_bounds = array<i64: 1, 10240, 128>}, {pipeline_mode = #tpu.pipeline_mode<synchronous>, transform_indices = @transform_2, window_bounds = array<i64: 10240, 1>}]} {
    %get3A = arith.constant 0 : index
    %get3A_0 = arith.constant 0 : index
    %get3A_1 = arith.constant 0 : index
    %get3A_2 = vector.load %arg1[%get3A, %get3A_0, %get3A_1] : memref<1x10240x128xf32, #tpu.memory_space<vmem>>, vector<1x10240x1xf32>
    %get3A_3 = vector.shape_cast %get3A_2 : vector<1x10240x1xf32> to vector<10240x1xf32>
    %get3A_4 = arith.constant 0 : index
    %get3A_5 = arith.constant 0 : index
    %get3A_6 = arith.constant 0 : index
    %get3A_7 = vector.load %arg2[%get3A_4, %get3A_5, %get3A_6] : memref<1x10240x128xf32, #tpu.memory_space<vmem>>, vector<1x10240x1xf32>
    %get3A_8 = vector.shape_cast %get3A_7 : vector<1x10240x1xf32> to vector<10240x1xf32>
    %add3A = arith.addf %get3A_3, %get3A_8 : vector<10240x1xf32>
    %max3A = arith.constant 1.000000e+00 : f32
    %max3A_9 = vector.broadcast %max3A : f32 to vector<10240x1xf32>
    %max3A_10 = arith.maximumf %add3A, %max3A_9 : vector<10240x1xf32>
    %div3A = arith.constant 1.000000e+00 : f32
    %div3A_11 = vector.broadcast %div3A : f32 to vector<10240x1xf32>
    %div3A_12 = arith.divf %div3A_11, %max3A_10 : vector<10240x1xf32>
    %swap3A = arith.constant 0 : index
    %swap3A_13 = arith.constant 0 : index
    %swap3A_14 = vector.load %arg3[%swap3A, %swap3A_13] : memref<10240x1xf32, #tpu.memory_space<vmem>>, vector<10240x1xf32>
    tpu.vector_store %arg3[%swap3A, %swap3A_13], %div3A_12 {strides = array<i32>} : memref<10240x1xf32, #tpu.memory_space<vmem>>, vector<10240x1xf32>,
    return
  }
  func.func @transform_0(%arg0: i32) -> (i32, i32, i32) {
    %c0_i32 = arith.constant 0 : i32
    %c0_i32_0 = arith.constant 0 : i32
    %c0_i32_1 = arith.constant 0 : i32
    %c0_i32_2 = arith.constant 0 : i32
    return %c0_i32, %c0_i32_0, %c0_i32_1 : i32, i32, i32
  }
  func.func @transform_1(%arg0: i32) -> (i32, i32, i32) {
    %c1_i32 = arith.constant 1 : i32
    %c0_i32 = arith.constant 0 : i32
    %c0_i32_0 = arith.constant 0 : i32
    %c0_i32_1 = arith.constant 0 : i32
    return %c1_i32, %c0_i32, %c0_i32_0 : i32, i32, i32
  }
  func.func @transform_2(%arg0: i32) -> (i32, i32) {
    %c0_i32 = arith.constant 0 : i32
    %c0_i32_0 = arith.constant 0 : i32
    %c0_i32_1 = arith.constant 0 : i32
    return %c0_i32, %c0_i32_0 : i32, i32
  }
}

module attributes {stable_mosaic.version = 14 : i64} {
  func.func @_dense_body(%arg0: i32, %arg1: memref<1x2000x128xf32, #tpu.memory_space<vmem>>, %arg2: memref<1x2000x128xf32, #tpu.memory_space<vmem>>, %arg3: memref<2000x1xf32, #tpu.memory_space<vmem>>, %arg4: memref<2000x128xf32, #tpu.memory_space<vmem>>, %arg5: memref<128x128xf32, #tpu.memory_space<vmem>>, %arg6: memref<1x128xf32, #tpu.memory_space<vmem>>, %arg7: memref<128x128xf32, #tpu.memory_space<vmem>>, %arg8: memref<2000x128xf32, #tpu.memory_space<vmem>>) attributes {dimension_semantics = [#tpu.dimension_semantics<arbitrary>], iteration_bounds = array<i64: 5>, scalar_prefetch = 0 : i64, scratch_operands = 0 : i64, tpu.core_type = #tpu.core_type<tc>, window_params = [{transform_indices = @transform_0, window_bounds = array<i64: 1, 2000, 128>}, {transform_indices = @transform_1, window_bounds = array<i64: 1, 2000, 128>}, {transform_indices = @transform_2, window_bounds = array<i64: 2000, 1>}, {transform_indices = @transform_3, window_bounds = array<i64: 2000, 128>}, {pipeline_mode = #tpu.pipeline_mode<synchronous>, transform_indices = @transform_4, window_bounds = array<i64: 128, 128>}, {pipeline_mode = #tpu.pipeline_mode<synchronous>, transform_indices = @transform_5, window_bounds = array<i64: 1, 128>}, {pipeline_mode = #tpu.pipeline_mode<synchronous>, transform_indices = @transform_6, window_bounds = array<i64: 128, 128>}, {transform_indices = @transform_7, window_bounds = array<i64: 2000, 128>}]} {
    %get3A = arith.constant 0 : index
    %get3A_0 = arith.constant 0 : index
    %get3A_1 = arith.constant 0 : index
    %get3A_2 = vector.load %arg1[%get3A, %get3A_0, %get3A_1] : memref<1x2000x128xf32, #tpu.memory_space<vmem>>, vector<1x2000x128xf32>
    %get3A_3 = vector.shape_cast %get3A_2 : vector<1x2000x128xf32> to vector<2000x128xf32>
    %get3A_4 = arith.constant 0 : index
    %get3A_5 = arith.constant 0 : index
    %get3A_6 = arith.constant 0 : index
    %get3A_7 = vector.load %arg2[%get3A_4, %get3A_5, %get3A_6] : memref<1x2000x128xf32, #tpu.memory_space<vmem>>, vector<1x2000x128xf32>
    %get3A_8 = vector.shape_cast %get3A_7 : vector<1x2000x128xf32> to vector<2000x128xf32>
    %add3A = arith.addf %get3A_3, %get3A_8 : vector<2000x128xf32>
    %get3A_9 = arith.constant 0 : index
    %get3A_10 = arith.constant 0 : index
    %get3A_11 = vector.load %arg3[%get3A_9, %get3A_10] : memref<2000x1xf32, #tpu.memory_space<vmem>>, vector<2000x1xf32>
    %mul3A = vector.broadcast %get3A_11 : vector<2000x1xf32> to vector<2000x128xf32>
    %mul3A_12 = arith.mulf %add3A, %mul3A : vector<2000x128xf32>
    %get3A_13 = arith.constant 0 : index
    %get3A_14 = arith.constant 0 : index
    %get3A_15 = vector.load %arg5[%get3A_13, %get3A_14] : memref<128x128xf32, #tpu.memory_space<vmem>>, vector<128x128xf32>
    %dot_general3A = arith.constant dense<0.000000e+00> : vector<2000x128xf32>
    %dot_general3A_16 = tpu.matmul %mul3A_12, %get3A_15, %dot_general3A {dimension_numbers = #tpu.dot_dimension_numbers<[1], [0], [0], [1], [0, 0, 1, 1], [], []>, transpose_lhs_hint = false} : vector<2000x128xf32>, vector<128x128xf32>, vector<2000x128xf32> -> vector<2000x128xf32>
    %get3A_17 = arith.constant 0 : index
    %get3A_18 = arith.constant 0 : index
    %get3A_19 = vector.load %arg6[%get3A_17, %get3A_18] : memref<1x128xf32, #tpu.memory_space<vmem>>, vector<1x128xf32>
    %add3A_20 = vector.broadcast %get3A_19 : vector<1x128xf32> to vector<2000x128xf32>
    %add3A_21 = arith.addf %dot_general3A_16, %add3A_20 : vector<2000x128xf32>
    %get3A_22 = arith.constant 0 : index
    %get3A_23 = arith.constant 0 : index
    %get3A_24 = vector.load %arg4[%get3A_22, %get3A_23] : memref<2000x128xf32, #tpu.memory_space<vmem>>, vector<2000x128xf32>
    %get3A_25 = arith.constant 0 : index
    %get3A_26 = arith.constant 0 : index
    %get3A_27 = vector.load %arg7[%get3A_25, %get3A_26] : memref<128x128xf32, #tpu.memory_space<vmem>>, vector<128x128xf32>
    %dot_general3A_28 = arith.constant dense<0.000000e+00> : vector<2000x128xf32>
    %dot_general3A_29 = tpu.matmul %get3A_24, %get3A_27, %dot_general3A_28 {dimension_numbers = #tpu.dot_dimension_numbers<[1], [0], [0], [1], [0, 0, 1, 1], [], []>, transpose_lhs_hint = false} : vector<2000x128xf32>, vector<128x128xf32>, vector<2000x128xf32> -> vector<2000x128xf32>
    %add3A_30 = arith.addf %add3A_21, %dot_general3A_29 : vector<2000x128xf32>
    %max3A = arith.constant 0.000000e+00 : f32
    %max3A_31 = vector.broadcast %max3A : f32 to vector<2000x128xf32>
    %max3A_32 = arith.maximumf %add3A_30, %max3A_31 : vector<2000x128xf32>
    %swap3A = arith.constant 0 : index
    %swap3A_33 = arith.constant 0 : index
    %swap3A_34 = vector.load %arg8[%swap3A, %swap3A_33] : memref<2000x128xf32, #tpu.memory_space<vmem>>, vector<2000x128xf32>
    tpu.vector_store %arg8[%swap3A, %swap3A_33], %max3A_32 {strides = array<i32>} : memref<2000x128xf32, #tpu.memory_space<vmem>>, vector<2000x128xf32>,
    return
  }
  func.func @transform_0(%arg0: i32) -> (i32, i32, i32) {
    %c0_i32 = arith.constant 0 : i32
    %c0_i32_0 = arith.constant 0 : i32
    %c0_i32_1 = arith.constant 0 : i32
    return %c0_i32, %arg0, %c0_i32_0 : i32, i32, i32
  }
  func.func @transform_1(%arg0: i32) -> (i32, i32, i32) {
    %c1_i32 = arith.constant 1 : i32
    %c0_i32 = arith.constant 0 : i32
    %c0_i32_0 = arith.constant 0 : i32
    return %c1_i32, %arg0, %c0_i32 : i32, i32, i32
  }
  func.func @transform_2(%arg0: i32) -> (i32, i32) {
    %c0_i32 = arith.constant 0 : i32
    %c0_i32_0 = arith.constant 0 : i32
    return %arg0, %c0_i32 : i32, i32
  }
  func.func @transform_3(%arg0: i32) -> (i32, i32) {
    %c0_i32 = arith.constant 0 : i32
    %c0_i32_0 = arith.constant 0 : i32
    return %arg0, %c0_i32 : i32, i32
  }
  func.func @transform_4(%arg0: i32) -> (i32, i32) {
    %c0_i32 = arith.constant 0 : i32
    %c0_i32_0 = arith.constant 0 : i32
    %c0_i32_1 = arith.constant 0 : i32
    return %c0_i32, %c0_i32_0 : i32, i32
  }
  func.func @transform_5(%arg0: i32) -> (i32, i32) {
    %c0_i32 = arith.constant 0 : i32
    %c0_i32_0 = arith.constant 0 : i32
    %c0_i32_1 = arith.constant 0 : i32
    return %c0_i32, %c0_i32_0 : i32, i32
  }
  func.func @transform_6(%arg0: i32) -> (i32, i32) {
    %c0_i32 = arith.constant 0 : i32
    %c0_i32_0 = arith.constant 0 : i32
    %c0_i32_1 = arith.constant 0 : i32
    return %c0_i32, %c0_i32_0 : i32, i32
  }
  func.func @transform_7(%arg0: i32) -> (i32, i32) {
    %c0_i32 = arith.constant 0 : i32
    %c0_i32_0 = arith.constant 0 : i32
    return %arg0, %c0_i32 : i32, i32
  }
}

module attributes {stable_mosaic.version = 14 : i64} {
  func.func @_final_body(%arg0: i32, %arg1: memref<1x2000x128xf32, #tpu.memory_space<vmem>>, %arg2: memref<1x2000x128xf32, #tpu.memory_space<vmem>>, %arg3: memref<2000x1xf32, #tpu.memory_space<vmem>>, %arg4: memref<2000x128xf32, #tpu.memory_space<vmem>>, %arg5: memref<128x128xf32, #tpu.memory_space<vmem>>, %arg6: memref<1x128xf32, #tpu.memory_space<vmem>>, %arg7: memref<128x128xf32, #tpu.memory_space<vmem>>, %arg8: memref<1x128xf32, #tpu.memory_space<vmem>>, %arg9: memref<1x1xf32, #tpu.memory_space<vmem>>, %arg10: memref<2000x1xf32, #tpu.memory_space<vmem>>) attributes {dimension_semantics = [#tpu.dimension_semantics<arbitrary>], iteration_bounds = array<i64: 5>, scalar_prefetch = 0 : i64, scratch_operands = 0 : i64, tpu.core_type = #tpu.core_type<tc>, window_params = [{transform_indices = @transform_0, window_bounds = array<i64: 1, 2000, 128>}, {transform_indices = @transform_1, window_bounds = array<i64: 1, 2000, 128>}, {transform_indices = @transform_2, window_bounds = array<i64: 2000, 1>}, {transform_indices = @transform_3, window_bounds = array<i64: 2000, 128>}, {pipeline_mode = #tpu.pipeline_mode<synchronous>, transform_indices = @transform_4, window_bounds = array<i64: 128, 128>}, {pipeline_mode = #tpu.pipeline_mode<synchronous>, transform_indices = @transform_5, window_bounds = array<i64: 1, 128>}, {pipeline_mode = #tpu.pipeline_mode<synchronous>, transform_indices = @transform_6, window_bounds = array<i64: 128, 128>}, {pipeline_mode = #tpu.pipeline_mode<synchronous>, transform_indices = @transform_7, window_bounds = array<i64: 1, 128>}, {pipeline_mode = #tpu.pipeline_mode<synchronous>, transform_indices = @transform_8, window_bounds = array<i64: 1, 1>}, {transform_indices = @transform_9, window_bounds = array<i64: 2000, 1>}]} {
    %get3A = arith.constant 0 : index
    %get3A_0 = arith.constant 0 : index
    %get3A_1 = arith.constant 0 : index
    %get3A_2 = vector.load %arg1[%get3A, %get3A_0, %get3A_1] : memref<1x2000x128xf32, #tpu.memory_space<vmem>>, vector<1x2000x128xf32>
    %get3A_3 = vector.shape_cast %get3A_2 : vector<1x2000x128xf32> to vector<2000x128xf32>
    %get3A_4 = arith.constant 0 : index
    %get3A_5 = arith.constant 0 : index
    %get3A_6 = arith.constant 0 : index
    %get3A_7 = vector.load %arg2[%get3A_4, %get3A_5, %get3A_6] : memref<1x2000x128xf32, #tpu.memory_space<vmem>>, vector<1x2000x128xf32>
    %get3A_8 = vector.shape_cast %get3A_7 : vector<1x2000x128xf32> to vector<2000x128xf32>
    %add3A = arith.addf %get3A_3, %get3A_8 : vector<2000x128xf32>
    %get3A_9 = arith.constant 0 : index
    %get3A_10 = arith.constant 0 : index
    %get3A_11 = vector.load %arg3[%get3A_9, %get3A_10] : memref<2000x1xf32, #tpu.memory_space<vmem>>, vector<2000x1xf32>
    %mul3A = vector.broadcast %get3A_11 : vector<2000x1xf32> to vector<2000x128xf32>
    %mul3A_12 = arith.mulf %add3A, %mul3A : vector<2000x128xf32>
    %get3A_13 = arith.constant 0 : index
    %get3A_14 = arith.constant 0 : index
    %get3A_15 = vector.load %arg5[%get3A_13, %get3A_14] : memref<128x128xf32, #tpu.memory_space<vmem>>, vector<128x128xf32>
    %dot_general3A = arith.constant dense<0.000000e+00> : vector<2000x128xf32>
    %dot_general3A_16 = tpu.matmul %mul3A_12, %get3A_15, %dot_general3A {dimension_numbers = #tpu.dot_dimension_numbers<[1], [0], [0], [1], [0, 0, 1, 1], [], []>, transpose_lhs_hint = false} : vector<2000x128xf32>, vector<128x128xf32>, vector<2000x128xf32> -> vector<2000x128xf32>
    %get3A_17 = arith.constant 0 : index
    %get3A_18 = arith.constant 0 : index
    %get3A_19 = vector.load %arg6[%get3A_17, %get3A_18] : memref<1x128xf32, #tpu.memory_space<vmem>>, vector<1x128xf32>
    %add3A_20 = vector.broadcast %get3A_19 : vector<1x128xf32> to vector<2000x128xf32>
    %add3A_21 = arith.addf %dot_general3A_16, %add3A_20 : vector<2000x128xf32>
    %get3A_22 = arith.constant 0 : index
    %get3A_23 = arith.constant 0 : index
    %get3A_24 = vector.load %arg4[%get3A_22, %get3A_23] : memref<2000x128xf32, #tpu.memory_space<vmem>>, vector<2000x128xf32>
    %get3A_25 = arith.constant 0 : index
    %get3A_26 = arith.constant 0 : index
    %get3A_27 = vector.load %arg7[%get3A_25, %get3A_26] : memref<128x128xf32, #tpu.memory_space<vmem>>, vector<128x128xf32>
    %dot_general3A_28 = arith.constant dense<0.000000e+00> : vector<2000x128xf32>
    %dot_general3A_29 = tpu.matmul %get3A_24, %get3A_27, %dot_general3A_28 {dimension_numbers = #tpu.dot_dimension_numbers<[1], [0], [0], [1], [0, 0, 1, 1], [], []>, transpose_lhs_hint = false} : vector<2000x128xf32>, vector<128x128xf32>, vector<2000x128xf32> -> vector<2000x128xf32>
    %add3A_30 = arith.addf %add3A_21, %dot_general3A_29 : vector<2000x128xf32>
    %max3A = arith.constant 0.000000e+00 : f32
    %max3A_31 = vector.broadcast %max3A : f32 to vector<2000x128xf32>
    %max3A_32 = arith.maximumf %add3A_30, %max3A_31 : vector<2000x128xf32>
    %get3A_33 = arith.constant 0 : index
    %get3A_34 = arith.constant 0 : index
    %get3A_35 = vector.load %arg8[%get3A_33, %get3A_34] : memref<1x128xf32, #tpu.memory_space<vmem>>, vector<1x128xf32>
    %mul3A_36 = vector.broadcast %get3A_35 : vector<1x128xf32> to vector<2000x128xf32>
    %mul3A_37 = arith.mulf %max3A_32, %mul3A_36 : vector<2000x128xf32>
    %reduce_sum3A = arith.constant dense<0.000000e+00> : vector<2000xf32>
    %reduce_sum3A_38 = vector.multi_reduction <add>, %mul3A_37, %reduce_sum3A [1] : vector<2000x128xf32> to vector<2000xf32>
    %broadcast_in_dim3A = vector.shape_cast %reduce_sum3A_38 : vector<2000xf32> to vector<2000x1xf32>
    %get3A_39 = arith.constant 0 : index
    %get3A_40 = arith.constant 0 : index
    %get3A_41 = vector.load %arg9[%get3A_39, %get3A_40] : memref<1x1xf32, #tpu.memory_space<vmem>>, vector<1x1xf32>
    %get3A_42 = vector.extract %get3A_41[0, 0] : f32 from vector<1x1xf32>
    %add3A_43 = vector.broadcast %get3A_42 : f32 to vector<2000x1xf32>
    %add3A_44 = arith.addf %broadcast_in_dim3A, %add3A_43 : vector<2000x1xf32>
    %swap3A = arith.constant 0 : index
    %swap3A_45 = arith.constant 0 : index
    %swap3A_46 = vector.load %arg10[%swap3A, %swap3A_45] : memref<2000x1xf32, #tpu.memory_space<vmem>>, vector<2000x1xf32>
    tpu.vector_store %arg10[%swap3A, %swap3A_45], %add3A_44 {strides = array<i32>} : memref<2000x1xf32, #tpu.memory_space<vmem>>, vector<2000x1xf32>,
    return
  }
  func.func @transform_0(%arg0: i32) -> (i32, i32, i32) {
    %c0_i32 = arith.constant 0 : i32
    %c0_i32_0 = arith.constant 0 : i32
    %c0_i32_1 = arith.constant 0 : i32
    return %c0_i32, %arg0, %c0_i32_0 : i32, i32, i32
  }
  func.func @transform_1(%arg0: i32) -> (i32, i32, i32) {
    %c1_i32 = arith.constant 1 : i32
    %c0_i32 = arith.constant 0 : i32
    %c0_i32_0 = arith.constant 0 : i32
    return %c1_i32, %arg0, %c0_i32 : i32, i32, i32
  }
  func.func @transform_2(%arg0: i32) -> (i32, i32) {
    %c0_i32 = arith.constant 0 : i32
    %c0_i32_0 = arith.constant 0 : i32
    return %arg0, %c0_i32 : i32, i32
  }
  func.func @transform_3(%arg0: i32) -> (i32, i32) {
    %c0_i32 = arith.constant 0 : i32
    %c0_i32_0 = arith.constant 0 : i32
    return %arg0, %c0_i32 : i32, i32
  }
  func.func @transform_4(%arg0: i32) -> (i32, i32) {
    %c0_i32 = arith.constant 0 : i32
    %c0_i32_0 = arith.constant 0 : i32
    %c0_i32_1 = arith.constant 0 : i32
    return %c0_i32, %c0_i32_0 : i32, i32
  }
  func.func @transform_5(%arg0: i32) -> (i32, i32) {
    %c0_i32 = arith.constant 0 : i32
    %c0_i32_0 = arith.constant 0 : i32
    %c0_i32_1 = arith.constant 0 : i32
    return %c0_i32, %c0_i32_0 : i32, i32
  }
  func.func @transform_6(%arg0: i32) -> (i32, i32) {
    %c0_i32 = arith.constant 0 : i32
    %c0_i32_0 = arith.constant 0 : i32
    %c0_i32_1 = arith.constant 0 : i32
    return %c0_i32, %c0_i32_0 : i32, i32
  }
  func.func @transform_7(%arg0: i32) -> (i32, i32) {
    %c0_i32 = arith.constant 0 : i32
    %c0_i32_0 = arith.constant 0 : i32
    %c0_i32_1 = arith.constant 0 : i32
    return %c0_i32, %c0_i32_0 : i32, i32
  }
  func.func @transform_8(%arg0: i32) -> (i32, i32) {
    %c0_i32 = arith.constant 0 : i32
    %c0_i32_0 = arith.constant 0 : i32
    %c0_i32_1 = arith.constant 0 : i32
    return %c0_i32, %c0_i32_0 : i32, i32
  }
  func.func @transform_9(%arg0: i32) -> (i32, i32) {
    %c0_i32 = arith.constant 0 : i32
    %c0_i32_0 = arith.constant 0 : i32
    return %arg0, %c0_i32 : i32, i32
  }
}

</mosaic_0001>

<sc_bundles>
// kernel: kernel.10.cloned.1.call-start
scs
__scs_entry_jumppad:
0x0: {  	(pc) =	sbr.rel $0x88, $3  }
0x1: {  	(tag) =	ssettag $0x0;
	lr =	simm.s32 $0x1  }
0x2: {  	[smem:$0x3F94] =	sst lr;
	_ =	strace $0xD0000000  }
0x3: {  	_ = 	snop  }
0x4: {  	_ = 	snop  }
0x5: {  	_ = 	snop  }
0x6: {  	_ = 	snop  }
0x7: {  	_ = 	snop  }
__scs_overlays_trampoline_lowered:
0x8: {  	[smem:$0x3FA3] =	sst s0  }
0x9: {  	[smem:$0x3FA4] =	sst s1  }
0xa: {  	[smem:$0x3FA5] =	sst s2  }
0xb: {  	[smem:$0x3FA6] =	sst s3  }
0xc: {  	[smem:$0x3FA7] =	sst s4  }
0xd: {  	[smem:$0x3FA8] =	sst s5  }
0xe: {  	[smem:$0x3FA9] =	sst s6  }
0xf: {  	[smem:$0x3FAA] =	sst s7  }
0x10: {  	[smem:$0x3FAB] =	sst s8  }
0x11: {  	[smem:$0x3FAC] =	sst s9;
	s0 =	simm.s32 @!p0 $0x0  }
0x12: {  	s1 =	sld [smem:$0x3F92];
	s0 =	simm.s32 @p0 $0x1  }
0x13: {  	[smem:$0x3FAD] =	sst s0;
	s0 =	simm.s32 @!p1 $0x0  }
0x14: {  	s2 =	sld [smem:$0x3F91];
	s0 =	simm.s32 @p1 $0x1  }
0x15: {  	[smem:$0x3FAE] =	sst s0;
	s0 =	simm.s32 @!p2 $0x0  }
0x16: {  	s3 =	sld [smem:$0x3FDB];
	s0 =	simm.s32 @p2 $0x1  }
0x17: {  	s4 =	simm.s32 $0x1BF5;
	[smem:$0x3FB0] =	sst s0  }
0x18: {  	s0 =	sld [smem:$0x3F93];
	_ =	swait.ge [sflag:s4], $0x0  }
0x19: {  	s7 =	sld [smem:$0x3F94]  }
0x1a: {  	s8 =	sadd.s32 $0xFFFFE003, lr  }
0x1b: {  	s9 =	sadd.s32 $0xFFFFFEF7, lr;
	s5 =	simm.s32 $0xFFFFFFFF;
	p2 =	slt.u32 s8, $0xFFFFF086  }
0x1c: {  	p1 =	slt.u32 s9, $0xF7A;
	s5 =	simm.s32 @!p2 $0x0  }
0x1d: {  	s5 =	simm.s32 @p1 $0x1;
	p0 =	seq.s32 s7, s2  }
0x1e: {  	s7 =	smul.u32 @!p0 $0xF7A, s2;
	p2 =	seq.s32 @!p0 s5, $0x0  }
0x1f: {  	s9 =	smul.u32 $0xF7A, s1;
	s8 =	simm.s32 @!p0 $0x1BF5;
	p2 =	por !p2, p0  }
0x20: {  	[sflag:s8] =	ssyncset.s32 @!p0 $0xFFFFF086;
	s6 =	sadd.s32 @!p0 s3, s7;
	s7 =	simm.s32 @!p0 $0x108  }
0x21: {  	s3 =	sadd.s32 s3, s9;
	s6 =	sadd.s32 @!p0 $0x88, s6;
	s7 =	simm.s32 @p2 $0x1082  }
0x22: {  	[simem:s7], [sflag:s8] =	dma.local @!p0 [hbm:s6], $0xF7A  }
0x23: {  	s9 =	sor.u32 $0xD0000000, s2;
	s6 =	simm.s32 $0x108;
	_ =	swait.ge @!p0 [sflag:s8], $0x0  }
0x24: {  	s3 =	sadd.s32 $0x88, s3;
	s6 =	simm.s32 @!p1 $0x1082;
	[sflag:s4] =	ssyncset.s32 $0xFFFFF086  }
0x25: {  	[simem:s6], [sflag:s4] =	dma.local [hbm:s3], $0xF7A  }
0x26: {  	[smem:$0x3F94] =	sst s1;
	(tag) =	ssettag s2;
	_ =	strace s9  }
0x27: {  	s1 =	sld [smem:$0x3FA4]  }
0x28: {  	s2 =	sld [smem:$0x3FA5]  }
0x29: {  	s4 =	sld [smem:$0x3FA7]  }
0x2a: {  	p0 =	seq.s32 s5, $0x0;
	s5 =	sld [smem:$0x3FA8]  }
0x2b: {  	s6 =	sld [smem:$0x3FA9]  }
0x2c: {  	s7 =	sld [smem:$0x3FAA]  }
0x2d: {  	s3 =	simm.s32 $0x108;
	s8 =	sld [smem:$0x3FAB]  }
0x2e: {  	s3 =	simm.s32 @!p0 $0x1082;
	s9 =	sld [smem:$0x3FAC]  }
0x2f: {  	lr =	sadd.s32 s0, s3;
	s0 =	sld [smem:$0x3FA3]  }
0x30: {  	s3 =	sld [smem:$0x3FA6]  }
0x31: {  	[smem:$0x3FAF] =	sst s10  }
0x32: {  	s10 =	sld [smem:$0x3FAD];
	_ =	sdelay $0x3  }
0x33: {  	p0 =	seq.s32 s10, $0x1;
	s10 =	sld [smem:$0x3FAF];
	_ =	sdelay $0x3  }
0x34: {  	[smem:$0x3FAF] =	sst s10  }
0x35: {  	s10 =	sld [smem:$0x3FAE];
	_ =	sdelay $0x3  }
0x36: {  	p1 =	seq.s32 s10, $0x1;
	s10 =	sld [smem:$0x3FAF];
	_ =	sdelay $0x3  }
0x37: {  	[smem:$0x3FAF] =	sst s10  }
0x38: {  	s10 =	sld [smem:$0x3FB0]  }
0x39: {  	_ = 	snop;
	(pc) =	sbr.ind lr, $3  }
0x3a: {  	_ = 	snop  }
0x3b: {  	_ = 	snop  }
0x3c: {  	p2 =	seq.s32 s10, $0x1;
	s10 =	sld [smem:$0x3FAF]  }
0x3d: {  	_ =	shalt  }
0x3e: {  	_ =	shalt  }
0x3f: {  	_ =	shalt  }
0x40: {  	_ =	shalt  }
0x41: {  	_ =	shalt  }
0x42: {  	_ =	shalt  }
0x43: {  	_ =	shalt  }
0x44: {  	_ =	shalt  }
0x45: {  	_ =	shalt  }
0x46: {  	_ =	shalt  }
0x47: {  	_ =	shalt  }
0x48: {  	_ =	shalt  }
0x49: {  	_ =	shalt  }
0x4a: {  	_ =	shalt  }
0x4b: {  	_ =	shalt  }
0x4c: {  	_ =	shalt  }
0x4d: {  	_ =	shalt  }
0x4e: {  	_ =	shalt  }
0x4f: {  	_ =	shalt  }
0x50: {  	_ =	shalt  }
0x51: {  	_ =	shalt  }
0x52: {  	_ =	shalt  }
0x53: {  	_ =	shalt  }
0x54: {  	_ =	shalt  }
0x55: {  	_ =	shalt  }
0x56: {  	_ =	shalt  }
0x57: {  	_ =	shalt  }
0x58: {  	_ =	shalt  }
0x59: {  	_ =	shalt  }
0x5a: {  	_ =	shalt  }
0x5b: {  	_ =	shalt  }
0x5c: {  	_ =	shalt  }
0x5d: {  	_ =	shalt  }
0x5e: {  	_ =	shalt  }
0x5f: {  	_ =	shalt  }
0x60: {  	_ =	shalt  }
0x61: {  	_ =	shalt  }
0x62: {  	_ =	shalt  }
0x63: {  	_ =	shalt  }
0x64: {  	_ =	shalt  }
0x65: {  	_ =	shalt  }
0x66: {  	_ =	shalt  }
0x67: {  	_ =	shalt  }
0x68: {  	_ =	shalt  }
0x69: {  	_ =	shalt  }
0x6a: {  	_ =	shalt  }
0x6b: {  	_ =	shalt  }
0x6c: {  	_ =	shalt  }
0x6d: {  	_ =	shalt  }
0x6e: {  	_ =	shalt  }
0x6f: {  	_ =	shalt  }
0x70: {  	_ =	shalt  }
0x71: {  	_ =	shalt  }
0x72: {  	_ =	shalt  }
0x73: {  	_ =	shalt  }
0x74: {  	_ =	shalt  }
0x75: {  	_ =	shalt  }
0x76: {  	_ =	shalt  }
0x77: {  	_ =	shalt  }
0x78: {  	_ =	shalt  }
0x79: {  	_ =	shalt  }
0x7a: {  	_ =	shalt  }
0x7b: {  	_ =	shalt  }
0x7c: {  	_ =	shalt  }
0x7d: {  	_ =	shalt  }
0x7e: {  	_ =	shalt  }
0x7f: {  	_ =	shalt  }
0x80: {  	_ =	shalt  }
0x81: {  	_ =	shalt  }
0x82: {  	_ =	shalt  }
0x83: {  	_ =	shalt  }
0x84: {  	_ =	shalt  }
0x85: {  	_ =	shalt  }
0x86: {  	_ =	shalt  }
0x87: {  	_ =	shalt  }
.Lfunc_end0:
.L_simem_size_0:
called_computation_lowered:
.L_overlay_start_0:
0x88: {  	s2 =	sld [smem:$0x3FD9]  }
0x89: {  	s3 =	sld [smem:$0x3FFE];
	_ =	sdelay $0x1  }
0x8a: {  	s1 =	srdreg.scid  }
0x8b: {  	s0 =	sand.u32 $0x1, s1  }
0x8c: {  	s16 =	sshll.u32 s0, $0xA;
	s2 =	sadd.s32 s3, s2  }
0x8d: {  	s2 =	sadd.s32 s2, s16  }
0x8e: {  	[smem:$0x3FBB] =	sst s2  }
0x8f: {  	_ = 	snop  }
0x90: {  	(tm) =	ssettm $0x1  }
0x91: {  	s17 =	sld [smem:$0x3FFB];
	_ =	sdelay $0x3  }
0x92: {  	_ =	strace s17  }
0x93: {  	s2 =	sld [smem:$0x3FFC];
	_ =	sdelay $0x3  }
0x94: {  	_ =	strace s2  }
0x95: {  	s2 =	sld [smem:$0x3FFD];
	_ =	sdelay $0x3  }
0x96: {  	_ =	strace s2  }
0x97: {  	_ =	strace $0x8FFFFFFF  }
0x98: {  	s18 =	sld [smem:$0x3FDB];
	_ =	sdelay $0x1  }
0x99: {  	s19 =	simm.s32 $_scs_section_size  }
0x9a: {  	s4 =	simm.s32 $_size__tile_overlayer_lowered;
	s5 =	simm.s32 $_tile_overlayer_lowered  }
0x9b: {  	s22 =	simm.s32 $0x1BFF;
	s21 =	sshll.u32 s5, $0x1;
	s2 =	sadd.s32 s19, s18  }
0x9c: {  	s6 =	simm.s32 $0x0;
	s20 =	sshll.u32 s4, $0x1;
	s4 =	sadd.s32 s21, s2  }
0x9d: {  	[timem:s6], [sflag:s22] =	dma.local [hbm:s4], s20  }
0x9e: {  	_ =	swait.ge [sflag:s22], s20  }
0x9f: {  	s3 =	ssub.s32 $0x0, s20;
	[sflag:s22] =	ssyncset.done $0x0  }
0xa0: {  	[sflag:s22] =	ssyncadd.s32 s3;
	_ =	sdelay $0x1  }
0xa1: {  	s23 =	simm.s32 $0x1B8B  }
0xa2: {  	_ =	swait.ge [sflag:s23], $0x1  }
0xa3: {  	[sflag:s23] =	ssyncset.done $0x0  }
0xa4: {  	s25 =	simm.s32 $0x1B8E;
	s24 =	sld [smem:$0x3FFE];
	[sflag:s23] =	ssyncadd.s32 $0xFFFFFFFF  }
0xa5: {  	s26 =	simm.s32 $execute0_lowered;
	[smem:$0x3FD2] =	sst s25  }
0xa6: {  	s4 =	sshll.u32 s26, $0x1;
	_ =	strace $0x80000046;
	[dreg:$0x1] =	wrdreg $0xFFFFFFFF  }
0xa7: {  	s28 =	simm.s32 $_size_execute0_lowered;
	s2 =	sadd.s32 s2, s4;
	[dreg:$0x0] =	wrdreg $0x0  }
0xa8: {  	s4 =	sshll.u32 s28, $0x1;
	[dreg:$0x2] =	wrdreg s2  }
0xa9: {  	[dreg:$0x3] =	wrdreg s4  }
0xaa: {  	[dreg:$0x4] =	wrdreg $0xC0  }
0xab: {  	_ =	task [dreg:s6], $0x5FFFF  }
0xac: {  	[dreg:$0x1] =	wrdreg $0xFFFFFFFF  }
0xad: {  	[dreg:$0x0] =	wrdreg $0x60  }
0xae: {  	[dreg:$0x2] =	wrdreg s24  }
0xaf: {  	[dreg:$0x3] =	wrdreg $0x44000  }
0xb0: {  	[dreg:$0x4] =	wrdreg $0x9  }
0xb1: {  	_ =	task.clear_ibuf [dreg:s6], $0x5FFFF;
	_ =	strace $0x90000046  }
0xb2: {  	s29 =	simm.s32 $0x9;
	_ =	strace $0x80000048  }
0xb3: {  	_ =	swait.ge [sflag:s29], $0x1  }
0xb4: {  	[sflag:s29] =	ssyncadd.s32 $0xFFFFFFFF  }
0xb5: {  	_ =	strace $0x90000048  }
0xb6: {  	_ =	sfence  }
0xb7: {  	s30 =	sld [smem:$0x0];
	_ =	sdelay $0x2  }
0xb8: {  	s31 =	sshll.u32 s1, $0xD;
	s1 =	sshrl.u32 s1, $0x2  }
0xb9: {  	s3 =	sand.u32 $0x4000, s31;
	s1 =	sadd.s32 s1, s30  }
0xba: {  	s0 =	sor.u32 s3, s0;
	s1 =	sshll.u32 s1, $0x11  }
0xbb: {  	s0 =	sor.u32 s1, s0  }
0xbc: {  	s0 =	sadd.s32 $0x8F2B, s0  }
0xbd: {  	[sflag:s0] =	ssyncadd.remote.s32 $0x1  }
0xbe: {  	_ =	sfence.sel $0xFFFF  }
0xbf: {  	[dreg:$0x0] =	wrdreg $0xFFFFFFFF;
	(pc) =	sbr.abs _section_cstart, $3  }
0xc0: {  	[dreg:$0x1] =	wrdreg $0xFFFFFFFF  }
0xc1: {  	_ =	task.clear_ibuf [dreg:s6], $0x2FFFF;
	_ =	strace $0x9FFFFFFF  }
0xc2: {  	(tm) =	ssettm $0x7FFFFFFF  }
0xc3: {  	_ =	shalt  }
tec
execute0_lowered:
.L_overlay_start_1:
0x0: {  	(tag) =	ssettag $0x1  }
0x1: {  	s4 =	rddreg [dreg:$0x0]  }
0x2: {  	s2 =	rddreg [dreg:$0x1]  }
0x3: {  	s0 =	srdreg.scid;
	s1 =	rddreg [dreg:$0x2];
	s3 =	simm.s32 $0x0  }
0x4: {  	s13 =	simm.s32 $0x400;
	s14 =	simm.s32 $0x1;
	s15 =	simm.s32 $0x80  }
0x5: {  	s16 =	simm.s32 $0x100;
	s17 =	simm.s32 $0x180;
	s5 =	sand.u32 $0x1, s0  }
0x6: {  	s18 =	simm.s32 $0x200;
	s0 =	stileid.u32;
	s6 =	smul.u32 $0x3C000, s5  }
0x7: {  	s19 =	simm.s32 $0x280;
	s20 =	simm.s32 $0x300;
	s7 =	smul.u32 $0x3C00, s0  }
0x8: {  	s21 =	simm.s32 $0x380;
	[smem:$0x7FF] =	sst s3;
	s8 =	smul.u32 $0x140000, s5  }
0x9: {  	s23 =	simm.s32 $0x0;
	s9 =	smul.u32 $0x14000, s0;
	_ =	strace $0x80000047  }
0xa: {  	s28 =	smul.u32 $0x50000, s0;
	s30 =	ssub.s32 $0x2, s5;
	s22 =	sshll.u32 s0, $0x6  }
0xb: {  	p0 =	seq.s32 s5, $0x0;
	s31 =	sshrl.u32 s30, $0x1;
	s22 =	sor.u32 $0x1C01, s22  }
0xc: {  	s6 =	sadd.s32 s7, s6;
	s26 =	sadd.s32 s9, s8;
	s8 =	sshrl.u32 s28, $0x2  }
0xd: {  	s11 =	ssub.s32 s30, s31;
	s6 =	sshrl.u32 s6, $0x3;
	s29 =	sshrl.u32 s26, $0x3  }
0xe: {  	s5 =	sadd.s32 s8, s2;
	s11 =	smax.u32 s11, $0x1;
	s12 =	sadd.s32 s6, s4  }
0xf: {  	s10 =	sadd.s32 s29, s4;
	s4 =	simm.s32 $0xF;
	s6 =	sadd.s32 $0x4000, s5  }
0x10: {  	s7 =	sadd.s32 $0x8000, s5;
	s8 =	sadd.s32 $0xC000, s5;
	s9 =	sadd.s32 $0x10000, s5  }
0x11: {  	v0 =	vimm.f32 $0.0e+00;
	v1 =	vimm.f32 $1.000000000e+00;
	s4 =	simm.s32 @!p0 $0x5;
	s10 =	sadd.s32 $0x20E00, s10;
	s12 =	sadd.s32 $0x2E00, s12  }
.LBB2_1:
0x12: {  	s24 =	simm.s32 $0x0;
	s25 =	simm.s32 $0x200  }
.LBB2_2:
0x13: {  	p0 =	sne.s32 s25, $0xFE00;
	[tilespmem:s24+$0x470] =	vst v0  }
0x14: {  	[tilespmem:s24+$0x400] =	vst v0  }
0x15: {  	[tilespmem:s24+$0x410] =	vst v0  }
.Ltmp0:
0x16: {  	[tilespmem:s24+$0x420] =	vst v0;
	(pc) =	sbr.rel @p0 .LBB2_2-.Ltmp0, $4  }
0x17: {  	[tilespmem:s24+$0x430] =	vst v0  }
0x18: {  	[tilespmem:s24+$0x440] =	vst v0  }
0x19: {  	[tilespmem:s24+$0x450] =	vst v0  }
0x1a: {  	[tilespmem:s24+$0x460] =	vst v0;
	s24 =	sshra.s32 s25, $0x2;
	s25 =	sadd.s32 $0x200, s25  }
0x1b: {  	[tilespmem:s24+$0x470] =	vst v0  }
0x1c: {  	[tilespmem:s24+$0x400] =	vst v0  }
0x1d: {  	[tilespmem:s24+$0x410] =	vst v0  }
0x1e: {  	[tilespmem:s24+$0x420] =	vst v0  }
0x1f: {  	[tilespmem:s24+$0x430] =	vst v0  }
0x20: {  	[tilespmem:s24+$0x440] =	vst v0  }
0x21: {  	[tilespmem:s24+$0x450] =	vst v0  }
0x22: {  	[tilespmem:s24+$0x460] =	vst v0  }
0x23: {  	[spmem:s5] =	stream.linear.scatter [tilespmem:s13], [sflag:$0x1], $0x4000, $0x38;
	[tilespmem:$0x18400] =	vst v63  }
0x24: {  	_ =	swait.ge [sflag:s14], $0x4000  }
0x25: {  	[sflag:s14] =	ssyncset.done $0x0  }
0x26: {  	[sflag:s14] =	ssyncadd.s32 $0xFFFFC000  }
0x27: {  	[spmem:s6] =	stream.linear.scatter [tilespmem:s13], [sflag:$0x1], $0x4000, $0x38;
	[tilespmem:$0x18400] =	vst v63  }
0x28: {  	_ =	swait.ge [sflag:s14], $0x4000  }
0x29: {  	[sflag:s14] =	ssyncset.done $0x0  }
0x2a: {  	[sflag:s14] =	ssyncadd.s32 $0xFFFFC000  }
0x2b: {  	[spmem:s7] =	stream.linear.scatter [tilespmem:s13], [sflag:$0x1], $0x4000, $0x38;
	[tilespmem:$0x18400] =	vst v63  }
0x2c: {  	_ =	swait.ge [sflag:s14], $0x4000  }
0x2d: {  	[sflag:s14] =	ssyncset.done $0x0  }
0x2e: {  	[sflag:s14] =	ssyncadd.s32 $0xFFFFC000  }
0x2f: {  	[spmem:s8] =	stream.linear.scatter [tilespmem:s13], [sflag:$0x1], $0x4000, $0x38;
	[tilespmem:$0x18400] =	vst v63  }
0x30: {  	_ =	swait.ge [sflag:s14], $0x4000  }
0x31: {  	[sflag:s14] =	ssyncset.done $0x0  }
0x32: {  	[sflag:s14] =	ssyncadd.s32 $0xFFFFC000  }
0x33: {  	[spmem:s9] =	stream.linear.scatter [tilespmem:s13], [sflag:$0x1], $0x4000, $0x38;
	[tilespmem:$0x18400] =	vst v63  }
0x34: {  	_ =	swait.ge [sflag:s14], $0x4000  }
0x35: {  	[sflag:s14] =	ssyncset.done $0x0  }
0x36: {  	s24 =	simm.s32 $0x0;
	s25 =	simm.s32 $0x200;
	[sflag:s14] =	ssyncadd.s32 $0xFFFFC000  }
.LBB2_4:
0x37: {  	p0 =	sne.s32 s25, $0xFE00;
	[tilespmem:s24+$0x470] =	vst v1  }
0x38: {  	[tilespmem:s24+$0x400] =	vst v1  }
0x39: {  	[tilespmem:s24+$0x410] =	vst v1  }
.Ltmp1:
0x3a: {  	[tilespmem:s24+$0x420] =	vst v1;
	(pc) =	sbr.rel @p0 .LBB2_4-.Ltmp1, $4  }
0x3b: {  	[tilespmem:s24+$0x430] =	vst v1  }
0x3c: {  	[tilespmem:s24+$0x440] =	vst v1  }
0x3d: {  	[tilespmem:s24+$0x450] =	vst v1  }
0x3e: {  	[tilespmem:s24+$0x460] =	vst v1;
	s24 =	sshra.s32 s25, $0x2;
	s25 =	sadd.s32 $0x200, s25  }
0x3f: {  	[tilespmem:s24+$0x470] =	vst v1  }
0x40: {  	[tilespmem:s24+$0x400] =	vst v1  }
0x41: {  	[tilespmem:s24+$0x410] =	vst v1  }
0x42: {  	[tilespmem:s24+$0x420] =	vst v1  }
0x43: {  	[tilespmem:s24+$0x430] =	vst v1  }
0x44: {  	[tilespmem:s24+$0x440] =	vst v1  }
0x45: {  	[tilespmem:s24+$0x450] =	vst v1  }
0x46: {  	[tilespmem:s24+$0x460] =	vst v1  }
0x47: {  	[bflag:$0x0] =	sbarrier.arrive $0xFFFF  }
0x48: {  	[tilespmem:s3], [sflag:$0x1] =	stream.linear.gather [hbm4b:s12+s3], $0x400, $0x38;
	[tilespmem:$0x18400] =	vst v63  }
0x49: {  	_ =	swait.ge [sflag:s14], $0x400  }
0x4a: {  	[sflag:s14] =	ssyncset.done $0x0  }
0x4b: {  	[sflag:s14] =	ssyncadd.s32 $0xFFFFFC00  }
0x4c: {  	[spmem:s2] =	stream.indirect.scatter.add.f32 [tilespmem:s13], [sflag:$0x1], $0x80, s3, s15, $0xb8;
	[tilespmem:$0x18400] =	vst v63  }
0x4d: {  	_ =	swait.ge [sflag:s14], $0x4000  }
0x4e: {  	[sflag:s14] =	ssyncset.done $0x0  }
0x4f: {  	[sflag:s14] =	ssyncadd.s32 $0xFFFFC000  }
0x50: {  	[spmem:s2] =	stream.indirect.scatter.add.f32 [tilespmem:s13], [sflag:$0x1], $0x80, s15, s15, $0xb8;
	[tilespmem:$0x18400] =	vst v63  }
0x51: {  	_ =	swait.ge [sflag:s14], $0x4000  }
0x52: {  	[sflag:s14] =	ssyncset.done $0x0  }
0x53: {  	[sflag:s14] =	ssyncadd.s32 $0xFFFFC000  }
0x54: {  	[spmem:s2] =	stream.indirect.scatter.add.f32 [tilespmem:s13], [sflag:$0x1], $0x80, s16, s15, $0xb8;
	[tilespmem:$0x18400] =	vst v63  }
0x55: {  	_ =	swait.ge [sflag:s14], $0x4000  }
0x56: {  	[sflag:s14] =	ssyncset.done $0x0  }
0x57: {  	[sflag:s14] =	ssyncadd.s32 $0xFFFFC000  }
0x58: {  	[spmem:s2] =	stream.indirect.scatter.add.f32 [tilespmem:s13], [sflag:$0x1], $0x80, s17, s15, $0xb8;
	[tilespmem:$0x18400] =	vst v63  }
0x59: {  	_ =	swait.ge [sflag:s14], $0x4000  }
0x5a: {  	[sflag:s14] =	ssyncset.done $0x0  }
0x5b: {  	[sflag:s14] =	ssyncadd.s32 $0xFFFFC000  }
0x5c: {  	[spmem:s2] =	stream.indirect.scatter.add.f32 [tilespmem:s13], [sflag:$0x1], $0x80, s18, s15, $0xb8;
	[tilespmem:$0x18400] =	vst v63  }
0x5d: {  	_ =	swait.ge [sflag:s14], $0x4000  }
0x5e: {  	[sflag:s14] =	ssyncset.done $0x0  }
0x5f: {  	[sflag:s14] =	ssyncadd.s32 $0xFFFFC000  }
0x60: {  	[spmem:s2] =	stream.indirect.scatter.add.f32 [tilespmem:s13], [sflag:$0x1], $0x80, s19, s15, $0xb8;
	[tilespmem:$0x18400] =	vst v63  }
0x61: {  	_ =	swait.ge [sflag:s14], $0x4000  }
0x62: {  	[sflag:s14] =	ssyncset.done $0x0  }
0x63: {  	[sflag:s14] =	ssyncadd.s32 $0xFFFFC000  }
0x64: {  	[spmem:s2] =	stream.indirect.scatter.add.f32 [tilespmem:s13], [sflag:$0x1], $0x80, s20, s15, $0xb8;
	[tilespmem:$0x18400] =	vst v63  }
0x65: {  	p0 =	sne.s32 s4, $0x1;
	_ =	swait.ge [sflag:s14], $0x4000  }
.Ltmp2:
0x66: {  	[sflag:s14] =	ssyncset.done $0x0;
	(pc) =	sbr.rel @!p0 .LBB2_7-.Ltmp2, $4  }
0x67: {  	[sflag:s14] =	ssyncadd.s32 $0xFFFFC000  }
0x68: {  	[spmem:s2] =	stream.indirect.scatter.add.f32 [tilespmem:s13], [sflag:$0x1], $0x80, s21, s15, $0xb8;
	[tilespmem:$0x18400] =	vst v63  }
0x69: {  	_ =	swait.ge [sflag:s14], $0x4000  }
0x6a: {  	s24 =	sadd.s32 $0xFFFFFFFF, s4;
	s25 =	smov.u32 s12;
	[sflag:s14] =	ssyncset.done $0x0  }
.LBB2_6:
0x6b: {  	p0 =	sne.s32 s24, $0x1;
	[sflag:s14] =	ssyncadd.s32 $0xFFFFC000;
	s25 =	sadd.s32 $0x80, s25  }
0x6c: {  	[tilespmem:s3], [sflag:$0x1] =	stream.linear.gather [hbm4b:s25+s3], $0x400, $0x38;
	[tilespmem:$0x18400] =	vst v63  }
0x6d: {  	s24 =	sadd.s32 $0xFFFFFFFF, s24;
	_ =	swait.ge [sflag:s14], $0x400  }
0x6e: {  	[sflag:s14] =	ssyncset.done $0x0  }
0x6f: {  	[sflag:s14] =	ssyncadd.s32 $0xFFFFFC00  }
0x70: {  	[spmem:s2] =	stream.indirect.scatter.add.f32 [tilespmem:s13], [sflag:$0x1], $0x80, s3, s15, $0xb8;
	[tilespmem:$0x18400] =	vst v63  }
0x71: {  	_ =	swait.ge [sflag:s14], $0x4000  }
0x72: {  	[sflag:s14] =	ssyncset.done $0x0  }
0x73: {  	[sflag:s14] =	ssyncadd.s32 $0xFFFFC000  }
0x74: {  	[spmem:s2] =	stream.indirect.scatter.add.f32 [tilespmem:s13], [sflag:$0x1], $0x80, s15, s15, $0xb8;
	[tilespmem:$0x18400] =	vst v63  }
0x75: {  	_ =	swait.ge [sflag:s14], $0x4000  }
0x76: {  	[sflag:s14] =	ssyncset.done $0x0  }
0x77: {  	[sflag:s14] =	ssyncadd.s32 $0xFFFFC000  }
0x78: {  	[spmem:s2] =	stream.indirect.scatter.add.f32 [tilespmem:s13], [sflag:$0x1], $0x80, s16, s15, $0xb8;
	[tilespmem:$0x18400] =	vst v63  }
0x79: {  	_ =	swait.ge [sflag:s14], $0x4000  }
0x7a: {  	[sflag:s14] =	ssyncset.done $0x0  }
0x7b: {  	[sflag:s14] =	ssyncadd.s32 $0xFFFFC000  }
0x7c: {  	[spmem:s2] =	stream.indirect.scatter.add.f32 [tilespmem:s13], [sflag:$0x1], $0x80, s17, s15, $0xb8;
	[tilespmem:$0x18400] =	vst v63  }
0x7d: {  	_ =	swait.ge [sflag:s14], $0x4000  }
0x7e: {  	[sflag:s14] =	ssyncset.done $0x0  }
0x7f: {  	[sflag:s14] =	ssyncadd.s32 $0xFFFFC000  }
0x80: {  	[spmem:s2] =	stream.indirect.scatter.add.f32 [tilespmem:s13], [sflag:$0x1], $0x80, s18, s15, $0xb8;
	[tilespmem:$0x18400] =	vst v63  }
0x81: {  	_ =	swait.ge [sflag:s14], $0x4000  }
0x82: {  	[sflag:s14] =	ssyncset.done $0x0  }
0x83: {  	[sflag:s14] =	ssyncadd.s32 $0xFFFFC000  }
0x84: {  	[spmem:s2] =	stream.indirect.scatter.add.f32 [tilespmem:s13], [sflag:$0x1], $0x80, s19, s15, $0xb8;
	[tilespmem:$0x18400] =	vst v63  }
0x85: {  	_ =	swait.ge [sflag:s14], $0x4000  }
0x86: {  	[sflag:s14] =	ssyncset.done $0x0  }
0x87: {  	[sflag:s14] =	ssyncadd.s32 $0xFFFFC000  }
0x88: {  	[spmem:s2] =	stream.indirect.scatter.add.f32 [tilespmem:s13], [sflag:$0x1], $0x80, s20, s15, $0xb8;
	[tilespmem:$0x18400] =	vst v63  }
0x89: {  	_ =	swait.ge [sflag:s14], $0x4000  }
.Ltmp3:
0x8a: {  	[sflag:s14] =	ssyncset.done $0x0;
	(pc) =	sbr.rel @p0 .LBB2_6-.Ltmp3, $4  }
0x8b: {  	[sflag:s14] =	ssyncadd.s32 $0xFFFFC000  }
0x8c: {  	[spmem:s2] =	stream.indirect.scatter.add.f32 [tilespmem:s13], [sflag:$0x1], $0x80, s21, s15, $0xb8;
	[tilespmem:$0x18400] =	vst v63  }
0x8d: {  	_ =	swait.ge [sflag:s14], $0x4000  }
0x8e: {  	[sflag:s14] =	ssyncset.done $0x0  }
.LBB2_7:
0x8f: {  	s23 =	sadd.s32 $0x1, s23  }
0x90: {  	[sflag:s14] =	ssyncadd.s32 $0xFFFFC000;
	p0 =	sne.s32 s23, s11  }
.Ltmp4:
0x91: {  	s24 =	sshrl.u32 s5, $0x3;
	[bflag:$0x0] =	sbarrier.arrive $0xFFFF;
	(pc) =	sbr.rel @p0 .LBB2_1-.Ltmp4, $4  }
0x92: {  	[hbm:s10], [sflag:s22] =	dma.local [spmem:s24], $0x2800  }
0x93: {  	_ =	swait.ge [sflag:s14], $0x2800  }
0x94: {  	[sflag:s14] =	ssyncset.done $0x0  }
0x95: {  	[sflag:s14] =	ssyncadd.s32 $0xFFFFD800  }
0x96: {  	_ =	sfence.sel $0x180000  }
0x97: {  	[bflag:$0x0] =	sbarrier.arrive $0xFFFF  }
0x98: {  	p0 =	sne.s32 s0, $0x0;
	_ =	strace $0x90000047  }
0x99: {  	s0 =	sadd.s32 @!p0 $0x100000, s1;
	[bflag:$0x2] =	sbarrier.arrive $0xFFFF  }
0x9a: {  	[sflag:s0] =	ssyncadd.tile.s32 @!p0 $0x1;
	_ =	shalt  }
.Lfunc_end2:
_tile_overlayer_lowered:
.L_overlay_start_2:
0x9b: {  	(tag) =	ssettag $0x2  }
0x9c: {  	s0 =	rddreg [dreg:$0x0];
	s2 =	stileid.u32  }
0x9d: {  	s1 =	rddreg [dreg:$0x1];
	p0 =	sne.s32 s2, $0x0  }
0x9e: {  	s3 =	rddreg [dreg:$0x2];
	[bflag:$0x3] =	sbarrier.arrive $0xFFFF;
	s2 =	simm.s32 @!p0 $0x1C01  }
0x9f: {  	[timem:s3], [sflag:s2] =	dma.local @!p0 [hbm:s0], s1  }
0xa0: {  	s0 =	simm.s32 @!p0 $0x1  }
0xa1: {  	_ =	swait.ge @!p0 [sflag:s0], s1  }
0xa2: {  	s1 =	ssub.s32 @!p0 $0x0, s1;
	[sflag:s0] =	ssyncset.done @!p0 $0x0  }
0xa3: {  	[sflag:s0] =	ssyncadd.s32 @!p0 s1  }
0xa4: {  	[bflag:$0x3] =	sbarrier.arrive $0xFFFF  }
0xa5: {  	_ =	shalt  }

// kernel: kernel.13.cloned.1.call-start
scs
__scs_entry_jumppad:
0x0: {  	(pc) =	sbr.rel $0x88, $3  }
0x1: {  	(tag) =	ssettag $0x0;
	lr =	simm.s32 $0x1  }
0x2: {  	[smem:$0x3F94] =	sst lr;
	_ =	strace $0xD0000000  }
0x3: {  	_ = 	snop  }
0x4: {  	_ = 	snop  }
0x5: {  	_ = 	snop  }
0x6: {  	_ = 	snop  }
0x7: {  	_ = 	snop  }
__scs_overlays_trampoline_lowered:
0x8: {  	[smem:$0x3FA3] =	sst s0  }
0x9: {  	[smem:$0x3FA4] =	sst s1  }
0xa: {  	[smem:$0x3FA5] =	sst s2  }
0xb: {  	[smem:$0x3FA6] =	sst s3  }
0xc: {  	[smem:$0x3FA7] =	sst s4  }
0xd: {  	[smem:$0x3FA8] =	sst s5  }
0xe: {  	[smem:$0x3FA9] =	sst s6  }
0xf: {  	[smem:$0x3FAA] =	sst s7  }
0x10: {  	[smem:$0x3FAB] =	sst s8  }
0x11: {  	[smem:$0x3FAC] =	sst s9;
	s0 =	simm.s32 @!p0 $0x0  }
0x12: {  	s1 =	sld [smem:$0x3F92];
	s0 =	simm.s32 @p0 $0x1  }
0x13: {  	[smem:$0x3FAD] =	sst s0;
	s0 =	simm.s32 @!p1 $0x0  }
0x14: {  	s2 =	sld [smem:$0x3F91];
	s0 =	simm.s32 @p1 $0x1  }
0x15: {  	[smem:$0x3FAE] =	sst s0;
	s0 =	simm.s32 @!p2 $0x0  }
0x16: {  	s3 =	sld [smem:$0x3FDB];
	s0 =	simm.s32 @p2 $0x1  }
0x17: {  	s4 =	simm.s32 $0x1BF5;
	[smem:$0x3FB0] =	sst s0  }
0x18: {  	s0 =	sld [smem:$0x3F93];
	_ =	swait.ge [sflag:s4], $0x0  }
0x19: {  	s7 =	sld [smem:$0x3F94]  }
0x1a: {  	s8 =	sadd.s32 $0xFFFFE003, lr  }
0x1b: {  	s9 =	sadd.s32 $0xFFFFFEF7, lr;
	s5 =	simm.s32 $0xFFFFFFFF;
	p2 =	slt.u32 s8, $0xFFFFF086  }
0x1c: {  	p1 =	slt.u32 s9, $0xF7A;
	s5 =	simm.s32 @!p2 $0x0  }
0x1d: {  	s5 =	simm.s32 @p1 $0x1;
	p0 =	seq.s32 s7, s2  }
0x1e: {  	s7 =	smul.u32 @!p0 $0xF7A, s2;
	p2 =	seq.s32 @!p0 s5, $0x0  }
0x1f: {  	s9 =	smul.u32 $0xF7A, s1;
	s8 =	simm.s32 @!p0 $0x1BF5;
	p2 =	por !p2, p0  }
0x20: {  	[sflag:s8] =	ssyncset.s32 @!p0 $0xFFFFF086;
	s6 =	sadd.s32 @!p0 s3, s7;
	s7 =	simm.s32 @!p0 $0x108  }
0x21: {  	s3 =	sadd.s32 s3, s9;
	s6 =	sadd.s32 @!p0 $0x88, s6;
	s7 =	simm.s32 @p2 $0x1082  }
0x22: {  	[simem:s7], [sflag:s8] =	dma.local @!p0 [hbm:s6], $0xF7A  }
0x23: {  	s9 =	sor.u32 $0xD0000000, s2;
	s6 =	simm.s32 $0x108;
	_ =	swait.ge @!p0 [sflag:s8], $0x0  }
0x24: {  	s3 =	sadd.s32 $0x88, s3;
	s6 =	simm.s32 @!p1 $0x1082;
	[sflag:s4] =	ssyncset.s32 $0xFFFFF086  }
0x25: {  	[simem:s6], [sflag:s4] =	dma.local [hbm:s3], $0xF7A  }
0x26: {  	[smem:$0x3F94] =	sst s1;
	(tag) =	ssettag s2;
	_ =	strace s9  }
0x27: {  	s1 =	sld [smem:$0x3FA4]  }
0x28: {  	s2 =	sld [smem:$0x3FA5]  }
0x29: {  	s4 =	sld [smem:$0x3FA7]  }
0x2a: {  	p0 =	seq.s32 s5, $0x0;
	s5 =	sld [smem:$0x3FA8]  }
0x2b: {  	s6 =	sld [smem:$0x3FA9]  }
0x2c: {  	s7 =	sld [smem:$0x3FAA]  }
0x2d: {  	s3 =	simm.s32 $0x108;
	s8 =	sld [smem:$0x3FAB]  }
0x2e: {  	s3 =	simm.s32 @!p0 $0x1082;
	s9 =	sld [smem:$0x3FAC]  }
0x2f: {  	lr =	sadd.s32 s0, s3;
	s0 =	sld [smem:$0x3FA3]  }
0x30: {  	s3 =	sld [smem:$0x3FA6]  }
0x31: {  	[smem:$0x3FAF] =	sst s10  }
0x32: {  	s10 =	sld [smem:$0x3FAD];
	_ =	sdelay $0x3  }
0x33: {  	p0 =	seq.s32 s10, $0x1;
	s10 =	sld [smem:$0x3FAF];
	_ =	sdelay $0x3  }
0x34: {  	[smem:$0x3FAF] =	sst s10  }
0x35: {  	s10 =	sld [smem:$0x3FAE];
	_ =	sdelay $0x3  }
0x36: {  	p1 =	seq.s32 s10, $0x1;
	s10 =	sld [smem:$0x3FAF];
	_ =	sdelay $0x3  }
0x37: {  	[smem:$0x3FAF] =	sst s10  }
0x38: {  	s10 =	sld [smem:$0x3FB0]  }
0x39: {  	_ = 	snop;
	(pc) =	sbr.ind lr, $3  }
0x3a: {  	_ = 	snop  }
0x3b: {  	_ = 	snop  }
0x3c: {  	p2 =	seq.s32 s10, $0x1;
	s10 =	sld [smem:$0x3FAF]  }
0x3d: {  	_ =	shalt  }
0x3e: {  	_ =	shalt  }
0x3f: {  	_ =	shalt  }
0x40: {  	_ =	shalt  }
0x41: {  	_ =	shalt  }
0x42: {  	_ =	shalt  }
0x43: {  	_ =	shalt  }
0x44: {  	_ =	shalt  }
0x45: {  	_ =	shalt  }
0x46: {  	_ =	shalt  }
0x47: {  	_ =	shalt  }
0x48: {  	_ =	shalt  }
0x49: {  	_ =	shalt  }
0x4a: {  	_ =	shalt  }
0x4b: {  	_ =	shalt  }
0x4c: {  	_ =	shalt  }
0x4d: {  	_ =	shalt  }
0x4e: {  	_ =	shalt  }
0x4f: {  	_ =	shalt  }
0x50: {  	_ =	shalt  }
0x51: {  	_ =	shalt  }
0x52: {  	_ =	shalt  }
0x53: {  	_ =	shalt  }
0x54: {  	_ =	shalt  }
0x55: {  	_ =	shalt  }
0x56: {  	_ =	shalt  }
0x57: {  	_ =	shalt  }
0x58: {  	_ =	shalt  }
0x59: {  	_ =	shalt  }
0x5a: {  	_ =	shalt  }
0x5b: {  	_ =	shalt  }
0x5c: {  	_ =	shalt  }
0x5d: {  	_ =	shalt  }
0x5e: {  	_ =	shalt  }
0x5f: {  	_ =	shalt  }
0x60: {  	_ =	shalt  }
0x61: {  	_ =	shalt  }
0x62: {  	_ =	shalt  }
0x63: {  	_ =	shalt  }
0x64: {  	_ =	shalt  }
0x65: {  	_ =	shalt  }
0x66: {  	_ =	shalt  }
0x67: {  	_ =	shalt  }
0x68: {  	_ =	shalt  }
0x69: {  	_ =	shalt  }
0x6a: {  	_ =	shalt  }
0x6b: {  	_ =	shalt  }
0x6c: {  	_ =	shalt  }
0x6d: {  	_ =	shalt  }
0x6e: {  	_ =	shalt  }
0x6f: {  	_ =	shalt  }
0x70: {  	_ =	shalt  }
0x71: {  	_ =	shalt  }
0x72: {  	_ =	shalt  }
0x73: {  	_ =	shalt  }
0x74: {  	_ =	shalt  }
0x75: {  	_ =	shalt  }
0x76: {  	_ =	shalt  }
0x77: {  	_ =	shalt  }
0x78: {  	_ =	shalt  }
0x79: {  	_ =	shalt  }
0x7a: {  	_ =	shalt  }
0x7b: {  	_ =	shalt  }
0x7c: {  	_ =	shalt  }
0x7d: {  	_ =	shalt  }
0x7e: {  	_ =	shalt  }
0x7f: {  	_ =	shalt  }
0x80: {  	_ =	shalt  }
0x81: {  	_ =	shalt  }
0x82: {  	_ =	shalt  }
0x83: {  	_ =	shalt  }
0x84: {  	_ =	shalt  }
0x85: {  	_ =	shalt  }
0x86: {  	_ =	shalt  }
0x87: {  	_ =	shalt  }
.Lfunc_end0:
.L_simem_size_0:
called_computation.1_lowered:
.L_overlay_start_0:
0x88: {  	s2 =	sld [smem:$0x3FD9]  }
0x89: {  	s3 =	sld [smem:$0x3FFE];
	_ =	sdelay $0x1  }
0x8a: {  	s1 =	srdreg.scid  }
0x8b: {  	s0 =	sand.u32 $0x1, s1  }
0x8c: {  	s17 =	sshll.u32 s0, $0xA;
	s2 =	sadd.s32 s3, s2  }
0x8d: {  	s2 =	sadd.s32 s2, s17  }
0x8e: {  	[smem:$0x3FBB] =	sst s2  }
0x8f: {  	_ = 	snop  }
0x90: {  	s18 =	sld [smem:$0x3FC9];
	(tm) =	ssettm $0x1  }
0x91: {  	s19 =	sld [smem:$0x3FFB];
	_ =	sdelay $0x3  }
0x92: {  	_ =	strace s19  }
0x93: {  	s2 =	sld [smem:$0x3FFC];
	_ =	sdelay $0x3  }
0x94: {  	_ =	strace s2  }
0x95: {  	s2 =	sld [smem:$0x3FFD];
	_ =	sdelay $0x3  }
0x96: {  	_ =	strace s2  }
0x97: {  	_ =	strace $0x8FFFFFFF  }
0x98: {  	s20 =	sld [smem:$0x3FDB];
	_ =	sdelay $0x1  }
0x99: {  	s4 =	simm.s32 $_scs_section_size  }
0x9a: {  	s5 =	simm.s32 $_size__tile_overlayer_lowered;
	s6 =	simm.s32 $_tile_overlayer_lowered  }
0x9b: {  	s7 =	simm.s32 $0x1BFF;
	s21 =	sshll.u32 s6, $0x1;
	s4 =	sadd.s32 s4, s20  }
0x9c: {  	s22 =	simm.s32 $0x0;
	s5 =	sshll.u32 s5, $0x1;
	s6 =	sadd.s32 s21, s4  }
0x9d: {  	[timem:s22], [sflag:s7] =	dma.local [hbm:s6], s5  }
0x9e: {  	_ =	swait.ge [sflag:s7], s5  }
0x9f: {  	s5 =	ssub.s32 $0x0, s5;
	[sflag:s7] =	ssyncset.done $0x0  }
0xa0: {  	[sflag:s7] =	ssyncadd.s32 s5;
	_ =	sdelay $0x1  }
0xa1: {  	s23 =	simm.s32 $0x1B8B  }
0xa2: {  	_ =	swait.ge [sflag:s23], $0x1  }
0xa3: {  	[sflag:s23] =	ssyncset.done $0x0  }
0xa4: {  	[sflag:s23] =	ssyncadd.s32 $0xFFFFFFFF  }
0xa5: {  	s5 =	sld [smem:$0x0]  }
0xa6: {  	s6 =	sand.u32 $0xFFFFFFFE, s1  }
0xa7: {  	p0 =	sne.s32 s1, s6  }
0xa8: {  	s6 =	sshll.u32 @p0 s6, $0xE  }
0xa9: {  	s6 =	sadd.s32 @p0 $0x11B8D, s6;
	s7 =	sshll.u32 @p0 s5, $0x11  }
0xaa: {  	s6 =	sor.u32 @p0 s7, s6  }
0xab: {  	[sflag:s6] =	ssyncadd.remote.s32 @p0 $0x1;
	_ =	sdelay $0x1  }
0xac: {  	s6 =	simm.s32 @p0 $0x1B8D  }
0xad: {  	_ =	swait.eq @p0 [sflag:s6], $0x1  }
0xae: {  	[sflag:s6] =	ssyncadd.s32 @p0 $0xFFFFFFFF  }
0xaf: {  	s7 =	sshll.u32 @!p0 s1, $0xE  }
0xb0: {  	s7 =	sor.u32 @!p0 $0x4000, s7;
	s6 =	simm.s32 @!p0 $0x1B8D  }
0xb1: {  	s5 =	sshll.u32 @!p0 s5, $0x11;
	s7 =	sadd.s32 @!p0 $0x11B8D, s7;
	_ =	swait.eq @!p0 [sflag:s6], $0x1  }
0xb2: {  	s5 =	sor.u32 @!p0 s5, s7;
	[sflag:s6] =	ssyncadd.s32 @!p0 $0xFFFFFFFF  }
0xb3: {  	s25 =	simm.s32 $0x1B8E;
	s24 =	sld [smem:$0x3FFE];
	[sflag:s5] =	ssyncadd.remote.s32 @!p0 $0x1  }
0xb4: {  	s26 =	simm.s32 $execute0_lowered;
	[smem:$0x3FD2] =	sst s25  }
0xb5: {  	s6 =	sshll.u32 s26, $0x1;
	_ =	strace $0x80000049;
	[dreg:$0x1] =	wrdreg $0xFFFFFFFF  }
0xb6: {  	s28 =	simm.s32 $_size_execute0_lowered;
	s4 =	sadd.s32 s4, s6;
	[dreg:$0x0] =	wrdreg $0x0  }
0xb7: {  	s6 =	sshll.u32 s28, $0x1;
	[dreg:$0x2] =	wrdreg s4  }
0xb8: {  	[dreg:$0x3] =	wrdreg s6  }
0xb9: {  	[dreg:$0x4] =	wrdreg $0xC0  }
0xba: {  	_ =	task [dreg:s22], $0x5FFFF  }
0xbb: {  	[dreg:$0x1] =	wrdreg $0xFFFFFFFF  }
0xbc: {  	[dreg:$0x0] =	wrdreg $0x60  }
0xbd: {  	[dreg:$0x2] =	wrdreg s18  }
0xbe: {  	[dreg:$0x3] =	wrdreg s24  }
0xbf: {  	[dreg:$0x4] =	wrdreg $0x88000  }
0xc0: {  	[dreg:$0x5] =	wrdreg $0xA  }
0xc1: {  	_ =	task.clear_ibuf [dreg:s22], $0x6FFFF;
	_ =	strace $0x90000049  }
0xc2: {  	s29 =	simm.s32 $0xA;
	_ =	strace $0x8000004B  }
0xc3: {  	_ =	swait.ge [sflag:s29], $0x1  }
0xc4: {  	[sflag:s29] =	ssyncadd.s32 $0xFFFFFFFF  }
0xc5: {  	_ =	strace $0x9000004B  }
0xc6: {  	_ =	sfence  }
0xc7: {  	s30 =	sld [smem:$0x0];
	_ =	sdelay $0x2  }
0xc8: {  	s31 =	sshll.u32 s1, $0xD;
	s1 =	sshrl.u32 s1, $0x2  }
0xc9: {  	s4 =	sand.u32 $0x4000, s31;
	s1 =	sadd.s32 s1, s30  }
0xca: {  	s0 =	sor.u32 s4, s0;
	s1 =	sshll.u32 s1, $0x11  }
0xcb: {  	s0 =	sor.u32 s1, s0  }
0xcc: {  	s0 =	sadd.s32 $0x8F2B, s0  }
0xcd: {  	[sflag:s0] =	ssyncadd.remote.s32 $0x1  }
0xce: {  	_ =	sfence.sel $0xFFFF  }
0xcf: {  	[dreg:$0x0] =	wrdreg $0xFFFFFFFF;
	(pc) =	sbr.abs _section_cstart, $3  }
0xd0: {  	[dreg:$0x1] =	wrdreg $0xFFFFFFFF  }
0xd1: {  	_ =	task.clear_ibuf [dreg:s22], $0x2FFFF;
	_ =	strace $0x9FFFFFFF  }
0xd2: {  	(tm) =	ssettm $0x7FFFFFFF  }
0xd3: {  	_ =	shalt  }
tec
execute0_lowered:
.L_overlay_start_1:
0x0: {  	(tag) =	ssettag $0x1  }
0x1: {  	s1 =	rddreg [dreg:$0x0];
	s0 =	srdreg.scid  }
0x2: {  	s2 =	rddreg [dreg:$0x1];
	s8 =	stileid.u32  }
0x3: {  	s3 =	rddreg [dreg:$0x2];
	s6 =	smul.u32 $0x3C00, s8  }
0x4: {  	s4 =	simm.s32 $0x0;
	s15 =	simm.s32 $0x800;
	s16 =	smul.u32 $0x14000, s8  }
0x5: {  	s28 =	simm.s32 $0x580;
	s0 =	sand.u32 $0x1, s0;
	s8 =	smul.u32 $0x50000, s8  }
0x6: {  	s29 =	simm.s32 $0x280;
	s30 =	simm.s32 $0x600;
	s5 =	smul.u32 $0x3C000, s0  }
0x7: {  	s31 =	simm.s32 $0x300;
	[smem:$0x7FF] =	sst s4;
	s7 =	smul.u32 $0x140000, s0  }
0x8: {  	_ =	strace $0x8000004A;
	s17 =	ssub.s32 $0x2, s0;
	p0 =	seq.s32 s0, $0x0  }
0x9: {  	s0 =	simm.s32 $0x380;
	s19 =	sshrl.u32 s17, $0x1;
	s20 =	sshrl.u32 s8, $0x2  }
0xa: {  	s8 =	simm.s32 $0x780;
	s5 =	sadd.s32 s6, s5;
	s6 =	sadd.s32 s16, s7  }
0xb: {  	s7 =	ssub.s32 s17, s19;
	s16 =	simm.s32 $0x3;
	s17 =	simm.s32 $0x400  }
0xc: {  	s19 =	simm.s32 $0x1;
	s5 =	sshrl.u32 s5, $0x3;
	s18 =	sshrl.u32 s6, $0x3  }
0xd: {  	s6 =	sadd.s32 s20, s3;
	s26 =	smax.u32 s7, $0x1;
	s20 =	simm.s32 $0x4800  }
0xe: {  	s7 =	simm.s32 $0x700;
	s9 =	sadd.s32 s5, s2;
	s2 =	sadd.s32 s18, s2  }
0xf: {  	s5 =	simm.s32 $0xF;
	s21 =	sadd.s32 $0x4000, s6;
	[dreg:$0x9] =	wrdreg s26  }
0x10: {  	s22 =	sadd.s32 $0x8000, s6;
	s23 =	sadd.s32 $0xC000, s6;
	[dreg:$0x4] =	wrdreg s21  }
0x11: {  	s24 =	sadd.s32 $0x10000, s6;
	s18 =	simm.s32 $0x80;
	[dreg:$0x5] =	wrdreg s22  }
0x12: {  	s26 =	simm.s32 $0x200;
	s5 =	simm.s32 @!p0 $0x5;
	[dreg:$0x6] =	wrdreg s23  }
0x13: {  	[dreg:$0x7] =	wrdreg s24;
	s25 =	sadd.s32 $0x70E00, s2;
	s11 =	sadd.s32 $0x2E00, s9  }
0x14: {  	s12 =	sadd.s32 $0x11E00, s9;
	s21 =	simm.s32 $0x2;
	s22 =	simm.s32 $0x100  }
0x15: {  	s23 =	simm.s32 $0x480;
	s24 =	simm.s32 $0x180;
	s2 =	simm.s32 $0x680  }
0x16: {  	v0 =	vimm.f32 $0.0e+00;
	s9 =	simm.s32 $0x0;
	[dreg:$0x8] =	wrdreg s25;
	s25 =	simm.s32 $0x500  }
.LBB2_1:
0x17: {  	s10 =	simm.s32 $0x0;
	s13 =	simm.s32 $0x200  }
.LBB2_2:
0x18: {  	p0 =	sne.s32 s13, $0xFE00;
	[tilespmem:s10+$0x870] =	vst v0  }
0x19: {  	[tilespmem:s10+$0x800] =	vst v0  }
0x1a: {  	[tilespmem:s10+$0x810] =	vst v0  }
.Ltmp0:
0x1b: {  	[tilespmem:s10+$0x820] =	vst v0;
	(pc) =	sbr.rel @p0 .LBB2_2-.Ltmp0, $4  }
0x1c: {  	[tilespmem:s10+$0x830] =	vst v0  }
0x1d: {  	[tilespmem:s10+$0x840] =	vst v0  }
0x1e: {  	[tilespmem:s10+$0x850] =	vst v0  }
0x1f: {  	[tilespmem:s10+$0x860] =	vst v0;
	s10 =	sshra.s32 s13, $0x2;
	s13 =	sadd.s32 $0x200, s13  }
0x20: {  	[tilespmem:s10+$0x870] =	vst v0  }
0x21: {  	[tilespmem:s10+$0x800] =	vst v0  }
0x22: {  	[tilespmem:s10+$0x810] =	vst v0  }
0x23: {  	[tilespmem:s10+$0x820] =	vst v0  }
0x24: {  	[tilespmem:s10+$0x830] =	vst v0  }
0x25: {  	[tilespmem:s10+$0x840] =	vst v0  }
0x26: {  	[tilespmem:s10+$0x850] =	vst v0  }
0x27: {  	[tilespmem:s10+$0x860] =	vst v0  }
0x28: {  	[spmem:s6] =	stream.linear.scatter [tilespmem:s15], [sflag:$0x3], $0x4000, $0x38;
	[tilespmem:$0x1C800] =	vst v63  }
0x29: {  	_ =	swait.ge [sflag:s16], $0x4000  }
0x2a: {  	[sflag:s16] =	ssyncset.done $0x0  }
0x2b: {  	s13 =	rddreg [dreg:$0x4];
	[sflag:s16] =	ssyncadd.s32 $0xFFFFC000  }
0x2c: {  	[spmem:s13] =	stream.linear.scatter [tilespmem:s15], [sflag:$0x3], $0x4000, $0x38;
	[tilespmem:$0x1C800] =	vst v63  }
0x2d: {  	_ =	swait.ge [sflag:s16], $0x4000  }
0x2e: {  	[sflag:s16] =	ssyncset.done $0x0  }
0x2f: {  	s14 =	rddreg [dreg:$0x5];
	[sflag:s16] =	ssyncadd.s32 $0xFFFFC000  }
0x30: {  	[spmem:s14] =	stream.linear.scatter [tilespmem:s15], [sflag:$0x3], $0x4000, $0x38;
	[tilespmem:$0x1C800] =	vst v63  }
0x31: {  	_ =	swait.ge [sflag:s16], $0x4000  }
0x32: {  	[sflag:s16] =	ssyncset.done $0x0  }
0x33: {  	s13 =	rddreg [dreg:$0x6];
	[sflag:s16] =	ssyncadd.s32 $0xFFFFC000  }
0x34: {  	[spmem:s13] =	stream.linear.scatter [tilespmem:s15], [sflag:$0x3], $0x4000, $0x38;
	[tilespmem:$0x1C800] =	vst v63  }
0x35: {  	_ =	swait.ge [sflag:s16], $0x4000  }
0x36: {  	[sflag:s16] =	ssyncset.done $0x0  }
0x37: {  	s14 =	rddreg [dreg:$0x7];
	[sflag:s16] =	ssyncadd.s32 $0xFFFFC000  }
0x38: {  	[spmem:s14] =	stream.linear.scatter [tilespmem:s15], [sflag:$0x3], $0x4000, $0x38;
	[tilespmem:$0x1C800] =	vst v63  }
0x39: {  	_ =	swait.ge [sflag:s16], $0x4000  }
0x3a: {  	[sflag:s16] =	ssyncset.done $0x0  }
0x3b: {  	[sflag:s16] =	ssyncadd.s32 $0xFFFFC000  }
0x3c: {  	[bflag:$0x0] =	sbarrier.arrive $0xFFFF  }
0x3d: {  	[tilespmem:s4], [sflag:$0x3] =	stream.linear.gather [hbm4b:s12+s4], $0x400, $0x38;
	[tilespmem:$0x1C800] =	vst v63  }
0x3e: {  	_ =	swait.ge [sflag:s16], $0x400  }
0x3f: {  	[sflag:s16] =	ssyncset.done $0x0  }
0x40: {  	[sflag:s16] =	ssyncadd.s32 $0xFFFFFC00  }
0x41: {  	[tilespmem:s17], [sflag:$0x3] =	stream.linear.gather [hbm4b:s11+s4], $0x400, $0x38;
	[tilespmem:$0x1C800] =	vst v63  }
0x42: {  	_ =	swait.ge [sflag:s16], $0x400  }
0x43: {  	[sflag:s16] =	ssyncset.done $0x0  }
0x44: {  	[sflag:s16] =	ssyncadd.s32 $0xFFFFFC00  }
0x45: {  	[tilespmem:s15], [sflag:$0x1] =	stream.indirect.gather [hbm4b:s1+s18], $0x80, s4, s18, $0xb8;
	[tilespmem:$0x1C800] =	vst v63  }
0x46: {  	_ =	swait.ge [sflag:s19], $0x4000  }
0x47: {  	[sflag:s19] =	ssyncset.done $0x0  }
0x48: {  	[sflag:s19] =	ssyncadd.s32 $0xFFFFC000  }
0x49: {  	[tilespmem:s20], [sflag:$0x2] =	stream.indirect.gather [hbm4b:s1+s18], $0x80, s18, s18, $0xb8;
	[tilespmem:$0x1C800] =	vst v63  }
0x4a: {  	_ = 	snop  }
0x4b: {  	[spmem:s3] =	stream.indirect.scatter.add.f32 [tilespmem:s15], [sflag:$0x3], $0x80, s17, s18, $0xb8;
	[tilespmem:$0x1C800] =	vst v63  }
0x4c: {  	_ =	swait.ge [sflag:s16], $0x4000  }
0x4d: {  	[sflag:s16] =	ssyncset.done $0x0  }
0x4e: {  	[sflag:s16] =	ssyncadd.s32 $0xFFFFC000  }
0x4f: {  	_ =	swait.ge [sflag:s21], $0x4000  }
0x50: {  	[sflag:s21] =	ssyncset.done $0x0  }
0x51: {  	[sflag:s21] =	ssyncadd.s32 $0xFFFFC000  }
0x52: {  	[tilespmem:s15], [sflag:$0x1] =	stream.indirect.gather [hbm4b:s1+s18], $0x80, s22, s18, $0xb8;
	[tilespmem:$0x1C800] =	vst v63  }
0x53: {  	_ = 	snop  }
0x54: {  	[spmem:s3] =	stream.indirect.scatter.add.f32 [tilespmem:s20], [sflag:$0x3], $0x80, s23, s18, $0xb8;
	[tilespmem:$0x1C800] =	vst v63  }
0x55: {  	_ =	swait.ge [sflag:s16], $0x4000  }
0x56: {  	[sflag:s16] =	ssyncset.done $0x0  }
0x57: {  	[sflag:s16] =	ssyncadd.s32 $0xFFFFC000  }
0x58: {  	_ =	swait.ge [sflag:s19], $0x4000  }
0x59: {  	[sflag:s19] =	ssyncset.done $0x0  }
0x5a: {  	[sflag:s19] =	ssyncadd.s32 $0xFFFFC000  }
0x5b: {  	[tilespmem:s20], [sflag:$0x2] =	stream.indirect.gather [hbm4b:s1+s18], $0x80, s24, s18, $0xb8;
	[tilespmem:$0x1C800] =	vst v63  }
0x5c: {  	_ = 	snop  }
0x5d: {  	[spmem:s3] =	stream.indirect.scatter.add.f32 [tilespmem:s15], [sflag:$0x3], $0x80, s25, s18, $0xb8;
	[tilespmem:$0x1C800] =	vst v63  }
0x5e: {  	_ =	swait.ge [sflag:s16], $0x4000  }
0x5f: {  	[sflag:s16] =	ssyncset.done $0x0  }
0x60: {  	[sflag:s16] =	ssyncadd.s32 $0xFFFFC000  }
0x61: {  	_ =	swait.ge [sflag:s21], $0x4000  }
0x62: {  	[sflag:s21] =	ssyncset.done $0x0  }
0x63: {  	[sflag:s21] =	ssyncadd.s32 $0xFFFFC000  }
0x64: {  	[tilespmem:s15], [sflag:$0x1] =	stream.indirect.gather [hbm4b:s1+s18], $0x80, s26, s18, $0xb8;
	[tilespmem:$0x1C800] =	vst v63  }
0x65: {  	_ = 	snop  }
0x66: {  	[spmem:s3] =	stream.indirect.scatter.add.f32 [tilespmem:s20], [sflag:$0x3], $0x80, s28, s18, $0xb8;
	[tilespmem:$0x1C800] =	vst v63  }
0x67: {  	_ =	swait.ge [sflag:s16], $0x4000  }
0x68: {  	[sflag:s16] =	ssyncset.done $0x0  }
0x69: {  	[sflag:s16] =	ssyncadd.s32 $0xFFFFC000  }
0x6a: {  	_ =	swait.ge [sflag:s19], $0x4000  }
0x6b: {  	[sflag:s19] =	ssyncset.done $0x0  }
0x6c: {  	[sflag:s19] =	ssyncadd.s32 $0xFFFFC000  }
0x6d: {  	[tilespmem:s20], [sflag:$0x2] =	stream.indirect.gather [hbm4b:s1+s18], $0x80, s29, s18, $0xb8;
	[tilespmem:$0x1C800] =	vst v63  }
0x6e: {  	_ = 	snop  }
0x6f: {  	[spmem:s3] =	stream.indirect.scatter.add.f32 [tilespmem:s15], [sflag:$0x3], $0x80, s30, s18, $0xb8;
	[tilespmem:$0x1C800] =	vst v63  }
0x70: {  	_ =	swait.ge [sflag:s16], $0x4000  }
0x71: {  	[sflag:s16] =	ssyncset.done $0x0  }
0x72: {  	[sflag:s16] =	ssyncadd.s32 $0xFFFFC000  }
0x73: {  	_ =	swait.ge [sflag:s21], $0x4000  }
0x74: {  	[sflag:s21] =	ssyncset.done $0x0  }
0x75: {  	[sflag:s21] =	ssyncadd.s32 $0xFFFFC000  }
0x76: {  	[tilespmem:s15], [sflag:$0x1] =	stream.indirect.gather [hbm4b:s1+s18], $0x80, s31, s18, $0xb8;
	[tilespmem:$0x1C800] =	vst v63  }
0x77: {  	_ = 	snop  }
0x78: {  	[spmem:s3] =	stream.indirect.scatter.add.f32 [tilespmem:s20], [sflag:$0x3], $0x80, s2, s18, $0xb8;
	[tilespmem:$0x1C800] =	vst v63  }
0x79: {  	_ =	swait.ge [sflag:s16], $0x4000  }
0x7a: {  	[sflag:s16] =	ssyncset.done $0x0  }
0x7b: {  	[sflag:s16] =	ssyncadd.s32 $0xFFFFC000  }
0x7c: {  	_ =	swait.ge [sflag:s19], $0x4000  }
0x7d: {  	[sflag:s19] =	ssyncset.done $0x0  }
0x7e: {  	[sflag:s19] =	ssyncadd.s32 $0xFFFFC000  }
0x7f: {  	[tilespmem:s20], [sflag:$0x2] =	stream.indirect.gather [hbm4b:s1+s18], $0x80, s0, s18, $0xb8;
	[tilespmem:$0x1C800] =	vst v63  }
0x80: {  	_ = 	snop  }
0x81: {  	[spmem:s3] =	stream.indirect.scatter.add.f32 [tilespmem:s15], [sflag:$0x3], $0x80, s7, s18, $0xb8;
	[tilespmem:$0x1C800] =	vst v63  }
0x82: {  	_ =	swait.ge [sflag:s16], $0x4000  }
0x83: {  	[sflag:s16] =	ssyncset.done $0x0  }
0x84: {  	[sflag:s16] =	ssyncadd.s32 $0xFFFFC000  }
0x85: {  	p0 =	sne.s32 s5, $0x1;
	_ =	swait.ge [sflag:s21], $0x4000  }
.Ltmp1:
0x86: {  	[sflag:s21] =	ssyncset.done $0x0;
	(pc) =	sbr.rel @!p0 .LBB2_5-.Ltmp1, $4  }
0x87: {  	[sflag:s21] =	ssyncadd.s32 $0xFFFFC000  }
0x88: {  	[spmem:s3] =	stream.indirect.scatter.add.f32 [tilespmem:s20], [sflag:$0x3], $0x80, s8, s18, $0xb8;
	[tilespmem:$0x1C800] =	vst v63  }
0x89: {  	s10 =	sadd.s32 $0xFFFFFFFF, s5;
	_ =	swait.ge [sflag:s16], $0x4000  }
0x8a: {  	s13 =	smov.u32 s11;
	s14 =	smov.u32 s12;
	[sflag:s16] =	ssyncset.done $0x0  }
.LBB2_4:
0x8b: {  	[sflag:s16] =	ssyncadd.s32 $0xFFFFC000;
	s13 =	sadd.s32 $0x80, s13;
	s14 =	sadd.s32 $0x80, s14  }
0x8c: {  	[tilespmem:s4], [sflag:$0x3] =	stream.linear.gather [hbm4b:s14+s4], $0x400, $0x38;
	[tilespmem:$0x1C800] =	vst v63  }
0x8d: {  	p0 =	sne.s32 s10, $0x1;
	s10 =	sadd.s32 $0xFFFFFFFF, s10;
	_ =	swait.ge [sflag:s16], $0x400  }
0x8e: {  	[sflag:s16] =	ssyncset.done $0x0  }
0x8f: {  	[sflag:s16] =	ssyncadd.s32 $0xFFFFFC00  }
0x90: {  	[tilespmem:s17], [sflag:$0x3] =	stream.linear.gather [hbm4b:s13+s4], $0x400, $0x38;
	[tilespmem:$0x1C800] =	vst v63  }
0x91: {  	_ =	swait.ge [sflag:s16], $0x400  }
0x92: {  	[sflag:s16] =	ssyncset.done $0x0  }
0x93: {  	[sflag:s16] =	ssyncadd.s32 $0xFFFFFC00  }
0x94: {  	[tilespmem:s15], [sflag:$0x1] =	stream.indirect.gather [hbm4b:s1+s18], $0x80, s4, s18, $0xb8;
	[tilespmem:$0x1C800] =	vst v63  }
0x95: {  	_ =	swait.ge [sflag:s19], $0x4000  }
0x96: {  	[sflag:s19] =	ssyncset.done $0x0  }
0x97: {  	[sflag:s19] =	ssyncadd.s32 $0xFFFFC000  }
0x98: {  	[tilespmem:s20], [sflag:$0x2] =	stream.indirect.gather [hbm4b:s1+s18], $0x80, s18, s18, $0xb8;
	[tilespmem:$0x1C800] =	vst v63  }
0x99: {  	_ = 	snop  }
0x9a: {  	[spmem:s3] =	stream.indirect.scatter.add.f32 [tilespmem:s15], [sflag:$0x3], $0x80, s17, s18, $0xb8;
	[tilespmem:$0x1C800] =	vst v63  }
0x9b: {  	_ =	swait.ge [sflag:s16], $0x4000  }
0x9c: {  	[sflag:s16] =	ssyncset.done $0x0  }
0x9d: {  	[sflag:s16] =	ssyncadd.s32 $0xFFFFC000  }
0x9e: {  	_ =	swait.ge [sflag:s21], $0x4000  }
0x9f: {  	[sflag:s21] =	ssyncset.done $0x0  }
0xa0: {  	[sflag:s21] =	ssyncadd.s32 $0xFFFFC000  }
0xa1: {  	[tilespmem:s15], [sflag:$0x1] =	stream.indirect.gather [hbm4b:s1+s18], $0x80, s22, s18, $0xb8;
	[tilespmem:$0x1C800] =	vst v63  }
0xa2: {  	_ = 	snop  }
0xa3: {  	[spmem:s3] =	stream.indirect.scatter.add.f32 [tilespmem:s20], [sflag:$0x3], $0x80, s23, s18, $0xb8;
	[tilespmem:$0x1C800] =	vst v63  }
0xa4: {  	_ =	swait.ge [sflag:s16], $0x4000  }
0xa5: {  	[sflag:s16] =	ssyncset.done $0x0  }
0xa6: {  	[sflag:s16] =	ssyncadd.s32 $0xFFFFC000  }
0xa7: {  	_ =	swait.ge [sflag:s19], $0x4000  }
0xa8: {  	[sflag:s19] =	ssyncset.done $0x0  }
0xa9: {  	[sflag:s19] =	ssyncadd.s32 $0xFFFFC000  }
0xaa: {  	[tilespmem:s20], [sflag:$0x2] =	stream.indirect.gather [hbm4b:s1+s18], $0x80, s24, s18, $0xb8;
	[tilespmem:$0x1C800] =	vst v63  }
0xab: {  	_ = 	snop  }
0xac: {  	[spmem:s3] =	stream.indirect.scatter.add.f32 [tilespmem:s15], [sflag:$0x3], $0x80, s25, s18, $0xb8;
	[tilespmem:$0x1C800] =	vst v63  }
0xad: {  	_ =	swait.ge [sflag:s16], $0x4000  }
0xae: {  	[sflag:s16] =	ssyncset.done $0x0  }
0xaf: {  	[sflag:s16] =	ssyncadd.s32 $0xFFFFC000  }
0xb0: {  	_ =	swait.ge [sflag:s21], $0x4000  }
0xb1: {  	[sflag:s21] =	ssyncset.done $0x0  }
0xb2: {  	[sflag:s21] =	ssyncadd.s32 $0xFFFFC000  }
0xb3: {  	[tilespmem:s15], [sflag:$0x1] =	stream.indirect.gather [hbm4b:s1+s18], $0x80, s26, s18, $0xb8;
	[tilespmem:$0x1C800] =	vst v63  }
0xb4: {  	_ = 	snop  }
0xb5: {  	[spmem:s3] =	stream.indirect.scatter.add.f32 [tilespmem:s20], [sflag:$0x3], $0x80, s28, s18, $0xb8;
	[tilespmem:$0x1C800] =	vst v63  }
0xb6: {  	_ =	swait.ge [sflag:s16], $0x4000  }
0xb7: {  	[sflag:s16] =	ssyncset.done $0x0  }
0xb8: {  	[sflag:s16] =	ssyncadd.s32 $0xFFFFC000  }
0xb9: {  	_ =	swait.ge [sflag:s19], $0x4000  }
0xba: {  	[sflag:s19] =	ssyncset.done $0x0  }
0xbb: {  	[sflag:s19] =	ssyncadd.s32 $0xFFFFC000  }
0xbc: {  	[tilespmem:s20], [sflag:$0x2] =	stream.indirect.gather [hbm4b:s1+s18], $0x80, s29, s18, $0xb8;
	[tilespmem:$0x1C800] =	vst v63  }
0xbd: {  	_ = 	snop  }
0xbe: {  	[spmem:s3] =	stream.indirect.scatter.add.f32 [tilespmem:s15], [sflag:$0x3], $0x80, s30, s18, $0xb8;
	[tilespmem:$0x1C800] =	vst v63  }
0xbf: {  	_ =	swait.ge [sflag:s16], $0x4000  }
0xc0: {  	[sflag:s16] =	ssyncset.done $0x0  }
0xc1: {  	[sflag:s16] =	ssyncadd.s32 $0xFFFFC000  }
0xc2: {  	_ =	swait.ge [sflag:s21], $0x4000  }
0xc3: {  	[sflag:s21] =	ssyncset.done $0x0  }
0xc4: {  	[sflag:s21] =	ssyncadd.s32 $0xFFFFC000  }
0xc5: {  	[tilespmem:s15], [sflag:$0x1] =	stream.indirect.gather [hbm4b:s1+s18], $0x80, s31, s18, $0xb8;
	[tilespmem:$0x1C800] =	vst v63  }
0xc6: {  	_ = 	snop  }
0xc7: {  	[spmem:s3] =	stream.indirect.scatter.add.f32 [tilespmem:s20], [sflag:$0x3], $0x80, s2, s18, $0xb8;
	[tilespmem:$0x1C800] =	vst v63  }
0xc8: {  	_ =	swait.ge [sflag:s16], $0x4000  }
0xc9: {  	[sflag:s16] =	ssyncset.done $0x0  }
0xca: {  	[sflag:s16] =	ssyncadd.s32 $0xFFFFC000  }
0xcb: {  	_ =	swait.ge [sflag:s19], $0x4000  }
0xcc: {  	[sflag:s19] =	ssyncset.done $0x0  }
0xcd: {  	[sflag:s19] =	ssyncadd.s32 $0xFFFFC000  }
0xce: {  	[tilespmem:s20], [sflag:$0x2] =	stream.indirect.gather [hbm4b:s1+s18], $0x80, s0, s18, $0xb8;
	[tilespmem:$0x1C800] =	vst v63  }
0xcf: {  	_ = 	snop  }
0xd0: {  	[spmem:s3] =	stream.indirect.scatter.add.f32 [tilespmem:s15], [sflag:$0x3], $0x80, s7, s18, $0xb8;
	[tilespmem:$0x1C800] =	vst v63  }
0xd1: {  	_ =	swait.ge [sflag:s16], $0x4000  }
0xd2: {  	[sflag:s16] =	ssyncset.done $0x0  }
0xd3: {  	[sflag:s16] =	ssyncadd.s32 $0xFFFFC000  }
0xd4: {  	_ =	swait.ge [sflag:s21], $0x4000  }
.Ltmp2:
0xd5: {  	[sflag:s21] =	ssyncset.done $0x0;
	(pc) =	sbr.rel @p0 .LBB2_4-.Ltmp2, $4  }
0xd6: {  	[sflag:s21] =	ssyncadd.s32 $0xFFFFC000  }
0xd7: {  	[spmem:s3] =	stream.indirect.scatter.add.f32 [tilespmem:s20], [sflag:$0x3], $0x80, s8, s18, $0xb8;
	[tilespmem:$0x1C800] =	vst v63  }
0xd8: {  	_ =	swait.ge [sflag:s16], $0x4000  }
0xd9: {  	[sflag:s16] =	ssyncset.done $0x0  }
.LBB2_5:
0xda: {  	[sflag:s16] =	ssyncadd.s32 $0xFFFFC000;
	s10 =	stileid.u32  }
0xdb: {  	s10 =	sshll.u32 s10, $0x6;
	[bflag:$0x0] =	sbarrier.arrive $0xFFFF  }
0xdc: {  	s13 =	sshrl.u32 s6, $0x3;
	s10 =	sor.u32 $0x1C03, s10;
	s14 =	rddreg [dreg:$0x8]  }
0xdd: {  	[hbm:s14], [sflag:s10] =	dma.local [spmem:s13], $0x2800  }
0xde: {  	_ =	swait.ge [sflag:s16], $0x2800  }
0xdf: {  	s9 =	sadd.s32 $0x1, s9;
	s14 =	rddreg [dreg:$0x9]  }
0xe0: {  	p0 =	sne.s32 s9, s14  }
.Ltmp3:
0xe1: {  	_ = 	snop;
	(pc) =	sbr.rel @p0 .LBB2_1-.Ltmp3, $3  }
0xe2: {  	_ =	sdelay $0x1  }
0xe3: {  	[sflag:s16] =	ssyncset.done $0x0  }
0xe4: {  	[sflag:s16] =	ssyncadd.s32 $0xFFFFD800  }
0xe5: {  	_ =	sfence.sel $0x180000  }
0xe6: {  	[bflag:$0x0] =	sbarrier.arrive $0xFFFF  }
0xe7: {  	_ =	strace $0x9000004A  }
0xe8: {  	s0 =	stileid.u32;
	[bflag:$0x2] =	sbarrier.arrive $0xFFFF  }
0xe9: {  	p0 =	sne.s32 s0, $0x0;
	s0 =	rddreg [dreg:$0x3]  }
0xea: {  	s0 =	sadd.s32 @!p0 $0x100000, s0  }
0xeb: {  	[sflag:s0] =	ssyncadd.tile.s32 @!p0 $0x1;
	_ =	shalt  }
.Lfunc_end2:
_tile_overlayer_lowered:
.L_overlay_start_2:
0xec: {  	(tag) =	ssettag $0x2  }
0xed: {  	s0 =	rddreg [dreg:$0x0];
	s2 =	stileid.u32  }
0xee: {  	s1 =	rddreg [dreg:$0x1];
	p0 =	sne.s32 s2, $0x0  }
0xef: {  	s3 =	rddreg [dreg:$0x2];
	[bflag:$0x3] =	sbarrier.arrive $0xFFFF;
	s2 =	simm.s32 @!p0 $0x1C03  }
0xf0: {  	[timem:s3], [sflag:s2] =	dma.local @!p0 [hbm:s0], s1  }
0xf1: {  	s0 =	simm.s32 @!p0 $0x3  }
0xf2: {  	_ =	swait.ge @!p0 [sflag:s0], s1  }
0xf3: {  	s1 =	ssub.s32 @!p0 $0x0, s1;
	[sflag:s0] =	ssyncset.done @!p0 $0x0  }
0xf4: {  	[sflag:s0] =	ssyncadd.s32 @!p0 s1  }
0xf5: {  	[bflag:$0x3] =	sbarrier.arrive $0xFFFF  }
0xf6: {  	_ =	shalt  }

// kernel: kernel.16.cloned.1.call-start
scs
__scs_entry_jumppad:
0x0: {  	(pc) =	sbr.rel $0x88, $3  }
0x1: {  	(tag) =	ssettag $0x0;
	lr =	simm.s32 $0x1  }
0x2: {  	[smem:$0x3F94] =	sst lr;
	_ =	strace $0xD0000000  }
0x3: {  	_ = 	snop  }
0x4: {  	_ = 	snop  }
0x5: {  	_ = 	snop  }
0x6: {  	_ = 	snop  }
0x7: {  	_ = 	snop  }
__scs_overlays_trampoline_lowered:
0x8: {  	[smem:$0x3FA3] =	sst s0  }
0x9: {  	[smem:$0x3FA4] =	sst s1  }
0xa: {  	[smem:$0x3FA5] =	sst s2  }
0xb: {  	[smem:$0x3FA6] =	sst s3  }
0xc: {  	[smem:$0x3FA7] =	sst s4  }
0xd: {  	[smem:$0x3FA8] =	sst s5  }
0xe: {  	[smem:$0x3FA9] =	sst s6  }
0xf: {  	[smem:$0x3FAA] =	sst s7  }
0x10: {  	[smem:$0x3FAB] =	sst s8  }
0x11: {  	[smem:$0x3FAC] =	sst s9;
	s0 =	simm.s32 @!p0 $0x0  }
0x12: {  	s1 =	sld [smem:$0x3F92];
	s0 =	simm.s32 @p0 $0x1  }
0x13: {  	[smem:$0x3FAD] =	sst s0;
	s0 =	simm.s32 @!p1 $0x0  }
0x14: {  	s2 =	sld [smem:$0x3F91];
	s0 =	simm.s32 @p1 $0x1  }
0x15: {  	[smem:$0x3FAE] =	sst s0;
	s0 =	simm.s32 @!p2 $0x0  }
0x16: {  	s3 =	sld [smem:$0x3FDB];
	s0 =	simm.s32 @p2 $0x1  }
0x17: {  	s4 =	simm.s32 $0x1BF5;
	[smem:$0x3FB0] =	sst s0  }
0x18: {  	s0 =	sld [smem:$0x3F93];
	_ =	swait.ge [sflag:s4], $0x0  }
0x19: {  	s7 =	sld [smem:$0x3F94]  }
0x1a: {  	s8 =	sadd.s32 $0xFFFFE003, lr  }
0x1b: {  	s9 =	sadd.s32 $0xFFFFFEF7, lr;
	s5 =	simm.s32 $0xFFFFFFFF;
	p2 =	slt.u32 s8, $0xFFFFF086  }
0x1c: {  	p1 =	slt.u32 s9, $0xF7A;
	s5 =	simm.s32 @!p2 $0x0  }
0x1d: {  	s5 =	simm.s32 @p1 $0x1;
	p0 =	seq.s32 s7, s2  }
0x1e: {  	s7 =	smul.u32 @!p0 $0xF7A, s2;
	p2 =	seq.s32 @!p0 s5, $0x0  }
0x1f: {  	s9 =	smul.u32 $0xF7A, s1;
	s8 =	simm.s32 @!p0 $0x1BF5;
	p2 =	por !p2, p0  }
0x20: {  	[sflag:s8] =	ssyncset.s32 @!p0 $0xFFFFF086;
	s6 =	sadd.s32 @!p0 s3, s7;
	s7 =	simm.s32 @!p0 $0x108  }
0x21: {  	s3 =	sadd.s32 s3, s9;
	s6 =	sadd.s32 @!p0 $0x88, s6;
	s7 =	simm.s32 @p2 $0x1082  }
0x22: {  	[simem:s7], [sflag:s8] =	dma.local @!p0 [hbm:s6], $0xF7A  }
0x23: {  	s9 =	sor.u32 $0xD0000000, s2;
	s6 =	simm.s32 $0x108;
	_ =	swait.ge @!p0 [sflag:s8], $0x0  }
0x24: {  	s3 =	sadd.s32 $0x88, s3;
	s6 =	simm.s32 @!p1 $0x1082;
	[sflag:s4] =	ssyncset.s32 $0xFFFFF086  }
0x25: {  	[simem:s6], [sflag:s4] =	dma.local [hbm:s3], $0xF7A  }
0x26: {  	[smem:$0x3F94] =	sst s1;
	(tag) =	ssettag s2;
	_ =	strace s9  }
0x27: {  	s1 =	sld [smem:$0x3FA4]  }
0x28: {  	s2 =	sld [smem:$0x3FA5]  }
0x29: {  	s4 =	sld [smem:$0x3FA7]  }
0x2a: {  	p0 =	seq.s32 s5, $0x0;
	s5 =	sld [smem:$0x3FA8]  }
0x2b: {  	s6 =	sld [smem:$0x3FA9]  }
0x2c: {  	s7 =	sld [smem:$0x3FAA]  }
0x2d: {  	s3 =	simm.s32 $0x108;
	s8 =	sld [smem:$0x3FAB]  }
0x2e: {  	s3 =	simm.s32 @!p0 $0x1082;
	s9 =	sld [smem:$0x3FAC]  }
0x2f: {  	lr =	sadd.s32 s0, s3;
	s0 =	sld [smem:$0x3FA3]  }
0x30: {  	s3 =	sld [smem:$0x3FA6]  }
0x31: {  	[smem:$0x3FAF] =	sst s10  }
0x32: {  	s10 =	sld [smem:$0x3FAD];
	_ =	sdelay $0x3  }
0x33: {  	p0 =	seq.s32 s10, $0x1;
	s10 =	sld [smem:$0x3FAF];
	_ =	sdelay $0x3  }
0x34: {  	[smem:$0x3FAF] =	sst s10  }
0x35: {  	s10 =	sld [smem:$0x3FAE];
	_ =	sdelay $0x3  }
0x36: {  	p1 =	seq.s32 s10, $0x1;
	s10 =	sld [smem:$0x3FAF];
	_ =	sdelay $0x3  }
0x37: {  	[smem:$0x3FAF] =	sst s10  }
0x38: {  	s10 =	sld [smem:$0x3FB0]  }
0x39: {  	_ = 	snop;
	(pc) =	sbr.ind lr, $3  }
0x3a: {  	_ = 	snop  }
0x3b: {  	_ = 	snop  }
0x3c: {  	p2 =	seq.s32 s10, $0x1;
	s10 =	sld [smem:$0x3FAF]  }
0x3d: {  	_ =	shalt  }
0x3e: {  	_ =	shalt  }
0x3f: {  	_ =	shalt  }
0x40: {  	_ =	shalt  }
0x41: {  	_ =	shalt  }
0x42: {  	_ =	shalt  }
0x43: {  	_ =	shalt  }
0x44: {  	_ =	shalt  }
0x45: {  	_ =	shalt  }
0x46: {  	_ =	shalt  }
0x47: {  	_ =	shalt  }
0x48: {  	_ =	shalt  }
0x49: {  	_ =	shalt  }
0x4a: {  	_ =	shalt  }
0x4b: {  	_ =	shalt  }
0x4c: {  	_ =	shalt  }
0x4d: {  	_ =	shalt  }
0x4e: {  	_ =	shalt  }
0x4f: {  	_ =	shalt  }
0x50: {  	_ =	shalt  }
0x51: {  	_ =	shalt  }
0x52: {  	_ =	shalt  }
0x53: {  	_ =	shalt  }
0x54: {  	_ =	shalt  }
0x55: {  	_ =	shalt  }
0x56: {  	_ =	shalt  }
0x57: {  	_ =	shalt  }
0x58: {  	_ =	shalt  }
0x59: {  	_ =	shalt  }
0x5a: {  	_ =	shalt  }
0x5b: {  	_ =	shalt  }
0x5c: {  	_ =	shalt  }
0x5d: {  	_ =	shalt  }
0x5e: {  	_ =	shalt  }
0x5f: {  	_ =	shalt  }
0x60: {  	_ =	shalt  }
0x61: {  	_ =	shalt  }
0x62: {  	_ =	shalt  }
0x63: {  	_ =	shalt  }
0x64: {  	_ =	shalt  }
0x65: {  	_ =	shalt  }
0x66: {  	_ =	shalt  }
0x67: {  	_ =	shalt  }
0x68: {  	_ =	shalt  }
0x69: {  	_ =	shalt  }
0x6a: {  	_ =	shalt  }
0x6b: {  	_ =	shalt  }
0x6c: {  	_ =	shalt  }
0x6d: {  	_ =	shalt  }
0x6e: {  	_ =	shalt  }
0x6f: {  	_ =	shalt  }
0x70: {  	_ =	shalt  }
0x71: {  	_ =	shalt  }
0x72: {  	_ =	shalt  }
0x73: {  	_ =	shalt  }
0x74: {  	_ =	shalt  }
0x75: {  	_ =	shalt  }
0x76: {  	_ =	shalt  }
0x77: {  	_ =	shalt  }
0x78: {  	_ =	shalt  }
0x79: {  	_ =	shalt  }
0x7a: {  	_ =	shalt  }
0x7b: {  	_ =	shalt  }
0x7c: {  	_ =	shalt  }
0x7d: {  	_ =	shalt  }
0x7e: {  	_ =	shalt  }
0x7f: {  	_ =	shalt  }
0x80: {  	_ =	shalt  }
0x81: {  	_ =	shalt  }
0x82: {  	_ =	shalt  }
0x83: {  	_ =	shalt  }
0x84: {  	_ =	shalt  }
0x85: {  	_ =	shalt  }
0x86: {  	_ =	shalt  }
0x87: {  	_ =	shalt  }
.Lfunc_end0:
.L_simem_size_0:
called_computation.2_lowered:
.L_overlay_start_0:
0x88: {  	s2 =	sld [smem:$0x3FD9]  }
0x89: {  	s3 =	sld [smem:$0x3FFE];
	_ =	sdelay $0x1  }
0x8a: {  	s1 =	srdreg.scid  }
0x8b: {  	s0 =	sand.u32 $0x1, s1  }
0x8c: {  	s16 =	sshll.u32 s0, $0xA;
	s2 =	sadd.s32 s3, s2  }
0x8d: {  	s2 =	sadd.s32 s2, s16  }
0x8e: {  	[smem:$0x3FBB] =	sst s2  }
0x8f: {  	_ = 	snop  }
0x90: {  	(tm) =	ssettm $0x1  }
0x91: {  	s17 =	sld [smem:$0x3FFB];
	_ =	sdelay $0x3  }
0x92: {  	_ =	strace s17  }
0x93: {  	s2 =	sld [smem:$0x3FFC];
	_ =	sdelay $0x3  }
0x94: {  	_ =	strace s2  }
0x95: {  	s2 =	sld [smem:$0x3FFD];
	_ =	sdelay $0x3  }
0x96: {  	_ =	strace s2  }
0x97: {  	_ =	strace $0x8FFFFFFF  }
0x98: {  	s18 =	sld [smem:$0x3FDB];
	_ =	sdelay $0x1  }
0x99: {  	s19 =	simm.s32 $_scs_section_size  }
0x9a: {  	s4 =	simm.s32 $_size__tile_overlayer_lowered;
	s5 =	simm.s32 $_tile_overlayer_lowered  }
0x9b: {  	s22 =	simm.s32 $0x1BFF;
	s21 =	sshll.u32 s5, $0x1;
	s2 =	sadd.s32 s19, s18  }
0x9c: {  	s6 =	simm.s32 $0x0;
	s20 =	sshll.u32 s4, $0x1;
	s4 =	sadd.s32 s21, s2  }
0x9d: {  	[timem:s6], [sflag:s22] =	dma.local [hbm:s4], s20  }
0x9e: {  	_ =	swait.ge [sflag:s22], s20  }
0x9f: {  	s3 =	ssub.s32 $0x0, s20;
	[sflag:s22] =	ssyncset.done $0x0  }
0xa0: {  	[sflag:s22] =	ssyncadd.s32 s3;
	_ =	sdelay $0x1  }
0xa1: {  	s23 =	simm.s32 $0x1B8B  }
0xa2: {  	_ =	swait.ge [sflag:s23], $0x1  }
0xa3: {  	[sflag:s23] =	ssyncset.done $0x0  }
0xa4: {  	s25 =	simm.s32 $0x1B8E;
	s24 =	sld [smem:$0x3FFE];
	[sflag:s23] =	ssyncadd.s32 $0xFFFFFFFF  }
0xa5: {  	s26 =	simm.s32 $execute0_lowered;
	[smem:$0x3FD2] =	sst s25  }
0xa6: {  	s4 =	sshll.u32 s26, $0x1;
	_ =	strace $0x8000004C;
	[dreg:$0x1] =	wrdreg $0xFFFFFFFF  }
0xa7: {  	s28 =	simm.s32 $_size_execute0_lowered;
	s2 =	sadd.s32 s2, s4;
	[dreg:$0x0] =	wrdreg $0x0  }
0xa8: {  	s4 =	sshll.u32 s28, $0x1;
	[dreg:$0x2] =	wrdreg s2  }
0xa9: {  	[dreg:$0x3] =	wrdreg s4  }
0xaa: {  	[dreg:$0x4] =	wrdreg $0xC0  }
0xab: {  	_ =	task [dreg:s6], $0x5FFFF  }
0xac: {  	[dreg:$0x1] =	wrdreg $0xFFFFFFFF  }
0xad: {  	[dreg:$0x0] =	wrdreg $0x60  }
0xae: {  	[dreg:$0x2] =	wrdreg s24  }
0xaf: {  	[dreg:$0x3] =	wrdreg $0x88000  }
0xb0: {  	[dreg:$0x4] =	wrdreg $0x9  }
0xb1: {  	_ =	task.clear_ibuf [dreg:s6], $0x5FFFF;
	_ =	strace $0x9000004C  }
0xb2: {  	s29 =	simm.s32 $0x9;
	_ =	strace $0x8000004E  }
0xb3: {  	_ =	swait.ge [sflag:s29], $0x1  }
0xb4: {  	[sflag:s29] =	ssyncadd.s32 $0xFFFFFFFF  }
0xb5: {  	_ =	strace $0x9000004E  }
0xb6: {  	_ =	sfence  }
0xb7: {  	s30 =	sld [smem:$0x0];
	_ =	sdelay $0x2  }
0xb8: {  	s31 =	sshll.u32 s1, $0xD;
	s1 =	sshrl.u32 s1, $0x2  }
0xb9: {  	s3 =	sand.u32 $0x4000, s31;
	s1 =	sadd.s32 s1, s30  }
0xba: {  	s0 =	sor.u32 s3, s0;
	s1 =	sshll.u32 s1, $0x11  }
0xbb: {  	s0 =	sor.u32 s1, s0  }
0xbc: {  	s0 =	sadd.s32 $0x8F2B, s0  }
0xbd: {  	[sflag:s0] =	ssyncadd.remote.s32 $0x1  }
0xbe: {  	_ =	sfence.sel $0xFFFF  }
0xbf: {  	[dreg:$0x0] =	wrdreg $0xFFFFFFFF;
	(pc) =	sbr.abs _section_cstart, $3  }
0xc0: {  	[dreg:$0x1] =	wrdreg $0xFFFFFFFF  }
0xc1: {  	_ =	task.clear_ibuf [dreg:s6], $0x2FFFF;
	_ =	strace $0x9FFFFFFF  }
0xc2: {  	(tm) =	ssettm $0x7FFFFFFF  }
0xc3: {  	_ =	shalt  }
tec
execute0_lowered:
.L_overlay_start_1:
0x0: {  	(tag) =	ssettag $0x1  }
0x1: {  	s0 =	srdreg.scid  }
0x2: {  	s1 =	rddreg [dreg:$0x0];
	s8 =	stileid.u32  }
0x3: {  	s2 =	rddreg [dreg:$0x1];
	s3 =	simm.s32 $0x0;
	s5 =	smul.u32 $0x3C00, s8  }
0x4: {  	s15 =	simm.s32 $0x800;
	s16 =	simm.s32 $0x3;
	s7 =	smul.u32 $0x14000, s8  }
0x5: {  	s28 =	simm.s32 $0x580;
	s0 =	sand.u32 $0x1, s0;
	s8 =	smul.u32 $0x50000, s8  }
0x6: {  	s29 =	simm.s32 $0x280;
	s30 =	simm.s32 $0x600;
	s4 =	smul.u32 $0x3C000, s0  }
0x7: {  	s31 =	simm.s32 $0x300;
	[smem:$0x7FF] =	sst s3;
	s6 =	smul.u32 $0x140000, s0  }
0x8: {  	_ =	strace $0x8000004D;
	s17 =	ssub.s32 $0x2, s0;
	p0 =	seq.s32 s0, $0x0  }
0x9: {  	s0 =	simm.s32 $0x380;
	s19 =	sshrl.u32 s17, $0x1;
	s20 =	sshrl.u32 s8, $0x2  }
0xa: {  	s8 =	simm.s32 $0x780;
	s5 =	sadd.s32 s5, s4;
	s4 =	sadd.s32 $0x20E00, s1  }
0xb: {  	s6 =	sadd.s32 s7, s6;
	s7 =	ssub.s32 s17, s19;
	s17 =	simm.s32 $0x400  }
0xc: {  	s19 =	simm.s32 $0x1;
	s5 =	sshrl.u32 s5, $0x3;
	s18 =	sshrl.u32 s6, $0x3  }
0xd: {  	s6 =	sadd.s32 s20, s2;
	s26 =	smax.u32 s7, $0x1;
	s20 =	simm.s32 $0x4800  }
0xe: {  	s7 =	simm.s32 $0x700;
	s9 =	sadd.s32 s5, s1;
	s1 =	sadd.s32 s18, s1  }
0xf: {  	s5 =	simm.s32 $0xF;
	s21 =	sadd.s32 $0x4000, s6;
	[dreg:$0x8] =	wrdreg s26  }
0x10: {  	s22 =	sadd.s32 $0x8000, s6;
	s23 =	sadd.s32 $0xC000, s6;
	[dreg:$0x3] =	wrdreg s21  }
0x11: {  	s24 =	sadd.s32 $0x10000, s6;
	s18 =	simm.s32 $0x80;
	[dreg:$0x4] =	wrdreg s22  }
0x12: {  	s26 =	simm.s32 $0x200;
	s5 =	simm.s32 @!p0 $0x5;
	[dreg:$0x5] =	wrdreg s23  }
0x13: {  	[dreg:$0x6] =	wrdreg s24;
	s25 =	sadd.s32 $0x48000, s1;
	s11 =	sadd.s32 $0x2E00, s9  }
0x14: {  	s12 =	sadd.s32 $0x11E00, s9;
	s21 =	simm.s32 $0x2;
	s22 =	simm.s32 $0x100  }
0x15: {  	s23 =	simm.s32 $0x480;
	s24 =	simm.s32 $0x180;
	s1 =	simm.s32 $0x680  }
0x16: {  	v0 =	vimm.f32 $0.0e+00;
	s9 =	simm.s32 $0x0;
	[dreg:$0x7] =	wrdreg s25;
	s25 =	simm.s32 $0x500  }
.LBB2_1:
0x17: {  	s10 =	simm.s32 $0x0;
	s13 =	simm.s32 $0x200  }
.LBB2_2:
0x18: {  	p0 =	sne.s32 s13, $0xFE00;
	[tilespmem:s10+$0x870] =	vst v0  }
0x19: {  	[tilespmem:s10+$0x800] =	vst v0  }
0x1a: {  	[tilespmem:s10+$0x810] =	vst v0  }
.Ltmp0:
0x1b: {  	[tilespmem:s10+$0x820] =	vst v0;
	(pc) =	sbr.rel @p0 .LBB2_2-.Ltmp0, $4  }
0x1c: {  	[tilespmem:s10+$0x830] =	vst v0  }
0x1d: {  	[tilespmem:s10+$0x840] =	vst v0  }
0x1e: {  	[tilespmem:s10+$0x850] =	vst v0  }
0x1f: {  	[tilespmem:s10+$0x860] =	vst v0;
	s10 =	sshra.s32 s13, $0x2;
	s13 =	sadd.s32 $0x200, s13  }
0x20: {  	[tilespmem:s10+$0x870] =	vst v0  }
0x21: {  	[tilespmem:s10+$0x800] =	vst v0  }
0x22: {  	[tilespmem:s10+$0x810] =	vst v0  }
0x23: {  	[tilespmem:s10+$0x820] =	vst v0  }
0x24: {  	[tilespmem:s10+$0x830] =	vst v0  }
0x25: {  	[tilespmem:s10+$0x840] =	vst v0  }
0x26: {  	[tilespmem:s10+$0x850] =	vst v0  }
0x27: {  	[tilespmem:s10+$0x860] =	vst v0  }
0x28: {  	[spmem:s6] =	stream.linear.scatter [tilespmem:s15], [sflag:$0x3], $0x4000, $0x38;
	[tilespmem:$0x1C800] =	vst v63  }
0x29: {  	_ =	swait.ge [sflag:s16], $0x4000  }
0x2a: {  	[sflag:s16] =	ssyncset.done $0x0  }
0x2b: {  	s13 =	rddreg [dreg:$0x3];
	[sflag:s16] =	ssyncadd.s32 $0xFFFFC000  }
0x2c: {  	[spmem:s13] =	stream.linear.scatter [tilespmem:s15], [sflag:$0x3], $0x4000, $0x38;
	[tilespmem:$0x1C800] =	vst v63  }
0x2d: {  	_ =	swait.ge [sflag:s16], $0x4000  }
0x2e: {  	[sflag:s16] =	ssyncset.done $0x0  }
0x2f: {  	s14 =	rddreg [dreg:$0x4];
	[sflag:s16] =	ssyncadd.s32 $0xFFFFC000  }
0x30: {  	[spmem:s14] =	stream.linear.scatter [tilespmem:s15], [sflag:$0x3], $0x4000, $0x38;
	[tilespmem:$0x1C800] =	vst v63  }
0x31: {  	_ =	swait.ge [sflag:s16], $0x4000  }
0x32: {  	[sflag:s16] =	ssyncset.done $0x0  }
0x33: {  	s13 =	rddreg [dreg:$0x5];
	[sflag:s16] =	ssyncadd.s32 $0xFFFFC000  }
0x34: {  	[spmem:s13] =	stream.linear.scatter [tilespmem:s15], [sflag:$0x3], $0x4000, $0x38;
	[tilespmem:$0x1C800] =	vst v63  }
0x35: {  	_ =	swait.ge [sflag:s16], $0x4000  }
0x36: {  	[sflag:s16] =	ssyncset.done $0x0  }
0x37: {  	s14 =	rddreg [dreg:$0x6];
	[sflag:s16] =	ssyncadd.s32 $0xFFFFC000  }
0x38: {  	[spmem:s14] =	stream.linear.scatter [tilespmem:s15], [sflag:$0x3], $0x4000, $0x38;
	[tilespmem:$0x1C800] =	vst v63  }
0x39: {  	_ =	swait.ge [sflag:s16], $0x4000  }
0x3a: {  	[sflag:s16] =	ssyncset.done $0x0  }
0x3b: {  	[sflag:s16] =	ssyncadd.s32 $0xFFFFC000  }
0x3c: {  	[bflag:$0x0] =	sbarrier.arrive $0xFFFF  }
0x3d: {  	[tilespmem:s3], [sflag:$0x3] =	stream.linear.gather [hbm4b:s12+s3], $0x400, $0x38;
	[tilespmem:$0x1C800] =	vst v63  }
0x3e: {  	_ =	swait.ge [sflag:s16], $0x400  }
0x3f: {  	[sflag:s16] =	ssyncset.done $0x0  }
0x40: {  	[sflag:s16] =	ssyncadd.s32 $0xFFFFFC00  }
0x41: {  	[tilespmem:s17], [sflag:$0x3] =	stream.linear.gather [hbm4b:s11+s3], $0x400, $0x38;
	[tilespmem:$0x1C800] =	vst v63  }
0x42: {  	_ =	swait.ge [sflag:s16], $0x400  }
0x43: {  	[sflag:s16] =	ssyncset.done $0x0  }
0x44: {  	[sflag:s16] =	ssyncadd.s32 $0xFFFFFC00  }
0x45: {  	[tilespmem:s15], [sflag:$0x1] =	stream.indirect.gather [hbm4b:s4+s18], $0x80, s3, s18, $0xb8;
	[tilespmem:$0x1C800] =	vst v63  }
0x46: {  	_ =	swait.ge [sflag:s19], $0x4000  }
0x47: {  	[sflag:s19] =	ssyncset.done $0x0  }
0x48: {  	[sflag:s19] =	ssyncadd.s32 $0xFFFFC000  }
0x49: {  	[tilespmem:s20], [sflag:$0x2] =	stream.indirect.gather [hbm4b:s4+s18], $0x80, s18, s18, $0xb8;
	[tilespmem:$0x1C800] =	vst v63  }
0x4a: {  	_ = 	snop  }
0x4b: {  	[spmem:s2] =	stream.indirect.scatter.add.f32 [tilespmem:s15], [sflag:$0x3], $0x80, s17, s18, $0xb8;
	[tilespmem:$0x1C800] =	vst v63  }
0x4c: {  	_ =	swait.ge [sflag:s16], $0x4000  }
0x4d: {  	[sflag:s16] =	ssyncset.done $0x0  }
0x4e: {  	[sflag:s16] =	ssyncadd.s32 $0xFFFFC000  }
0x4f: {  	_ =	swait.ge [sflag:s21], $0x4000  }
0x50: {  	[sflag:s21] =	ssyncset.done $0x0  }
0x51: {  	[sflag:s21] =	ssyncadd.s32 $0xFFFFC000  }
0x52: {  	[tilespmem:s15], [sflag:$0x1] =	stream.indirect.gather [hbm4b:s4+s18], $0x80, s22, s18, $0xb8;
	[tilespmem:$0x1C800] =	vst v63  }
0x53: {  	_ = 	snop  }
0x54: {  	[spmem:s2] =	stream.indirect.scatter.add.f32 [tilespmem:s20], [sflag:$0x3], $0x80, s23, s18, $0xb8;
	[tilespmem:$0x1C800] =	vst v63  }
0x55: {  	_ =	swait.ge [sflag:s16], $0x4000  }
0x56: {  	[sflag:s16] =	ssyncset.done $0x0  }
0x57: {  	[sflag:s16] =	ssyncadd.s32 $0xFFFFC000  }
0x58: {  	_ =	swait.ge [sflag:s19], $0x4000  }
0x59: {  	[sflag:s19] =	ssyncset.done $0x0  }
0x5a: {  	[sflag:s19] =	ssyncadd.s32 $0xFFFFC000  }
0x5b: {  	[tilespmem:s20], [sflag:$0x2] =	stream.indirect.gather [hbm4b:s4+s18], $0x80, s24, s18, $0xb8;
	[tilespmem:$0x1C800] =	vst v63  }
0x5c: {  	_ = 	snop  }
0x5d: {  	[spmem:s2] =	stream.indirect.scatter.add.f32 [tilespmem:s15], [sflag:$0x3], $0x80, s25, s18, $0xb8;
	[tilespmem:$0x1C800] =	vst v63  }
0x5e: {  	_ =	swait.ge [sflag:s16], $0x4000  }
0x5f: {  	[sflag:s16] =	ssyncset.done $0x0  }
0x60: {  	[sflag:s16] =	ssyncadd.s32 $0xFFFFC000  }
0x61: {  	_ =	swait.ge [sflag:s21], $0x4000  }
0x62: {  	[sflag:s21] =	ssyncset.done $0x0  }
0x63: {  	[sflag:s21] =	ssyncadd.s32 $0xFFFFC000  }
0x64: {  	[tilespmem:s15], [sflag:$0x1] =	stream.indirect.gather [hbm4b:s4+s18], $0x80, s26, s18, $0xb8;
	[tilespmem:$0x1C800] =	vst v63  }
0x65: {  	_ = 	snop  }
0x66: {  	[spmem:s2] =	stream.indirect.scatter.add.f32 [tilespmem:s20], [sflag:$0x3], $0x80, s28, s18, $0xb8;
	[tilespmem:$0x1C800] =	vst v63  }
0x67: {  	_ =	swait.ge [sflag:s16], $0x4000  }
0x68: {  	[sflag:s16] =	ssyncset.done $0x0  }
0x69: {  	[sflag:s16] =	ssyncadd.s32 $0xFFFFC000  }
0x6a: {  	_ =	swait.ge [sflag:s19], $0x4000  }
0x6b: {  	[sflag:s19] =	ssyncset.done $0x0  }
0x6c: {  	[sflag:s19] =	ssyncadd.s32 $0xFFFFC000  }
0x6d: {  	[tilespmem:s20], [sflag:$0x2] =	stream.indirect.gather [hbm4b:s4+s18], $0x80, s29, s18, $0xb8;
	[tilespmem:$0x1C800] =	vst v63  }
0x6e: {  	_ = 	snop  }
0x6f: {  	[spmem:s2] =	stream.indirect.scatter.add.f32 [tilespmem:s15], [sflag:$0x3], $0x80, s30, s18, $0xb8;
	[tilespmem:$0x1C800] =	vst v63  }
0x70: {  	_ =	swait.ge [sflag:s16], $0x4000  }
0x71: {  	[sflag:s16] =	ssyncset.done $0x0  }
0x72: {  	[sflag:s16] =	ssyncadd.s32 $0xFFFFC000  }
0x73: {  	_ =	swait.ge [sflag:s21], $0x4000  }
0x74: {  	[sflag:s21] =	ssyncset.done $0x0  }
0x75: {  	[sflag:s21] =	ssyncadd.s32 $0xFFFFC000  }
0x76: {  	[tilespmem:s15], [sflag:$0x1] =	stream.indirect.gather [hbm4b:s4+s18], $0x80, s31, s18, $0xb8;
	[tilespmem:$0x1C800] =	vst v63  }
0x77: {  	_ = 	snop  }
0x78: {  	[spmem:s2] =	stream.indirect.scatter.add.f32 [tilespmem:s20], [sflag:$0x3], $0x80, s1, s18, $0xb8;
	[tilespmem:$0x1C800] =	vst v63  }
0x79: {  	_ =	swait.ge [sflag:s16], $0x4000  }
0x7a: {  	[sflag:s16] =	ssyncset.done $0x0  }
0x7b: {  	[sflag:s16] =	ssyncadd.s32 $0xFFFFC000  }
0x7c: {  	_ =	swait.ge [sflag:s19], $0x4000  }
0x7d: {  	[sflag:s19] =	ssyncset.done $0x0  }
0x7e: {  	[sflag:s19] =	ssyncadd.s32 $0xFFFFC000  }
0x7f: {  	[tilespmem:s20], [sflag:$0x2] =	stream.indirect.gather [hbm4b:s4+s18], $0x80, s0, s18, $0xb8;
	[tilespmem:$0x1C800] =	vst v63  }
0x80: {  	_ = 	snop  }
0x81: {  	[spmem:s2] =	stream.indirect.scatter.add.f32 [tilespmem:s15], [sflag:$0x3], $0x80, s7, s18, $0xb8;
	[tilespmem:$0x1C800] =	vst v63  }
0x82: {  	_ =	swait.ge [sflag:s16], $0x4000  }
0x83: {  	[sflag:s16] =	ssyncset.done $0x0  }
0x84: {  	[sflag:s16] =	ssyncadd.s32 $0xFFFFC000  }
0x85: {  	p0 =	sne.s32 s5, $0x1;
	_ =	swait.ge [sflag:s21], $0x4000  }
.Ltmp1:
0x86: {  	[sflag:s21] =	ssyncset.done $0x0;
	(pc) =	sbr.rel @!p0 .LBB2_5-.Ltmp1, $4  }
0x87: {  	[sflag:s21] =	ssyncadd.s32 $0xFFFFC000  }
0x88: {  	[spmem:s2] =	stream.indirect.scatter.add.f32 [tilespmem:s20], [sflag:$0x3], $0x80, s8, s18, $0xb8;
	[tilespmem:$0x1C800] =	vst v63  }
0x89: {  	s10 =	sadd.s32 $0xFFFFFFFF, s5;
	_ =	swait.ge [sflag:s16], $0x4000  }
0x8a: {  	s13 =	smov.u32 s11;
	s14 =	smov.u32 s12;
	[sflag:s16] =	ssyncset.done $0x0  }
.LBB2_4:
0x8b: {  	[sflag:s16] =	ssyncadd.s32 $0xFFFFC000;
	s13 =	sadd.s32 $0x80, s13;
	s14 =	sadd.s32 $0x80, s14  }
0x8c: {  	[tilespmem:s3], [sflag:$0x3] =	stream.linear.gather [hbm4b:s14+s3], $0x400, $0x38;
	[tilespmem:$0x1C800] =	vst v63  }
0x8d: {  	p0 =	sne.s32 s10, $0x1;
	s10 =	sadd.s32 $0xFFFFFFFF, s10;
	_ =	swait.ge [sflag:s16], $0x400  }
0x8e: {  	[sflag:s16] =	ssyncset.done $0x0  }
0x8f: {  	[sflag:s16] =	ssyncadd.s32 $0xFFFFFC00  }
0x90: {  	[tilespmem:s17], [sflag:$0x3] =	stream.linear.gather [hbm4b:s13+s3], $0x400, $0x38;
	[tilespmem:$0x1C800] =	vst v63  }
0x91: {  	_ =	swait.ge [sflag:s16], $0x400  }
0x92: {  	[sflag:s16] =	ssyncset.done $0x0  }
0x93: {  	[sflag:s16] =	ssyncadd.s32 $0xFFFFFC00  }
0x94: {  	[tilespmem:s15], [sflag:$0x1] =	stream.indirect.gather [hbm4b:s4+s18], $0x80, s3, s18, $0xb8;
	[tilespmem:$0x1C800] =	vst v63  }
0x95: {  	_ =	swait.ge [sflag:s19], $0x4000  }
0x96: {  	[sflag:s19] =	ssyncset.done $0x0  }
0x97: {  	[sflag:s19] =	ssyncadd.s32 $0xFFFFC000  }
0x98: {  	[tilespmem:s20], [sflag:$0x2] =	stream.indirect.gather [hbm4b:s4+s18], $0x80, s18, s18, $0xb8;
	[tilespmem:$0x1C800] =	vst v63  }
0x99: {  	_ = 	snop  }
0x9a: {  	[spmem:s2] =	stream.indirect.scatter.add.f32 [tilespmem:s15], [sflag:$0x3], $0x80, s17, s18, $0xb8;
	[tilespmem:$0x1C800] =	vst v63  }
0x9b: {  	_ =	swait.ge [sflag:s16], $0x4000  }
0x9c: {  	[sflag:s16] =	ssyncset.done $0x0  }
0x9d: {  	[sflag:s16] =	ssyncadd.s32 $0xFFFFC000  }
0x9e: {  	_ =	swait.ge [sflag:s21], $0x4000  }
0x9f: {  	[sflag:s21] =	ssyncset.done $0x0  }
0xa0: {  	[sflag:s21] =	ssyncadd.s32 $0xFFFFC000  }
0xa1: {  	[tilespmem:s15], [sflag:$0x1] =	stream.indirect.gather [hbm4b:s4+s18], $0x80, s22, s18, $0xb8;
	[tilespmem:$0x1C800] =	vst v63  }
0xa2: {  	_ = 	snop  }
0xa3: {  	[spmem:s2] =	stream.indirect.scatter.add.f32 [tilespmem:s20], [sflag:$0x3], $0x80, s23, s18, $0xb8;
	[tilespmem:$0x1C800] =	vst v63  }
0xa4: {  	_ =	swait.ge [sflag:s16], $0x4000  }
0xa5: {  	[sflag:s16] =	ssyncset.done $0x0  }
0xa6: {  	[sflag:s16] =	ssyncadd.s32 $0xFFFFC000  }
0xa7: {  	_ =	swait.ge [sflag:s19], $0x4000  }
0xa8: {  	[sflag:s19] =	ssyncset.done $0x0  }
0xa9: {  	[sflag:s19] =	ssyncadd.s32 $0xFFFFC000  }
0xaa: {  	[tilespmem:s20], [sflag:$0x2] =	stream.indirect.gather [hbm4b:s4+s18], $0x80, s24, s18, $0xb8;
	[tilespmem:$0x1C800] =	vst v63  }
0xab: {  	_ = 	snop  }
0xac: {  	[spmem:s2] =	stream.indirect.scatter.add.f32 [tilespmem:s15], [sflag:$0x3], $0x80, s25, s18, $0xb8;
	[tilespmem:$0x1C800] =	vst v63  }
0xad: {  	_ =	swait.ge [sflag:s16], $0x4000  }
0xae: {  	[sflag:s16] =	ssyncset.done $0x0  }
0xaf: {  	[sflag:s16] =	ssyncadd.s32 $0xFFFFC000  }
0xb0: {  	_ =	swait.ge [sflag:s21], $0x4000  }
0xb1: {  	[sflag:s21] =	ssyncset.done $0x0  }
0xb2: {  	[sflag:s21] =	ssyncadd.s32 $0xFFFFC000  }
0xb3: {  	[tilespmem:s15], [sflag:$0x1] =	stream.indirect.gather [hbm4b:s4+s18], $0x80, s26, s18, $0xb8;
	[tilespmem:$0x1C800] =	vst v63  }
0xb4: {  	_ = 	snop  }
0xb5: {  	[spmem:s2] =	stream.indirect.scatter.add.f32 [tilespmem:s20], [sflag:$0x3], $0x80, s28, s18, $0xb8;
	[tilespmem:$0x1C800] =	vst v63  }
0xb6: {  	_ =	swait.ge [sflag:s16], $0x4000  }
0xb7: {  	[sflag:s16] =	ssyncset.done $0x0  }
0xb8: {  	[sflag:s16] =	ssyncadd.s32 $0xFFFFC000  }
0xb9: {  	_ =	swait.ge [sflag:s19], $0x4000  }
0xba: {  	[sflag:s19] =	ssyncset.done $0x0  }
0xbb: {  	[sflag:s19] =	ssyncadd.s32 $0xFFFFC000  }
0xbc: {  	[tilespmem:s20], [sflag:$0x2] =	stream.indirect.gather [hbm4b:s4+s18], $0x80, s29, s18, $0xb8;
	[tilespmem:$0x1C800] =	vst v63  }
0xbd: {  	_ = 	snop  }
0xbe: {  	[spmem:s2] =	stream.indirect.scatter.add.f32 [tilespmem:s15], [sflag:$0x3], $0x80, s30, s18, $0xb8;
	[tilespmem:$0x1C800] =	vst v63  }
0xbf: {  	_ =	swait.ge [sflag:s16], $0x4000  }
0xc0: {  	[sflag:s16] =	ssyncset.done $0x0  }
0xc1: {  	[sflag:s16] =	ssyncadd.s32 $0xFFFFC000  }
0xc2: {  	_ =	swait.ge [sflag:s21], $0x4000  }
0xc3: {  	[sflag:s21] =	ssyncset.done $0x0  }
0xc4: {  	[sflag:s21] =	ssyncadd.s32 $0xFFFFC000  }
0xc5: {  	[tilespmem:s15], [sflag:$0x1] =	stream.indirect.gather [hbm4b:s4+s18], $0x80, s31, s18, $0xb8;
	[tilespmem:$0x1C800] =	vst v63  }
0xc6: {  	_ = 	snop  }
0xc7: {  	[spmem:s2] =	stream.indirect.scatter.add.f32 [tilespmem:s20], [sflag:$0x3], $0x80, s1, s18, $0xb8;
	[tilespmem:$0x1C800] =	vst v63  }
0xc8: {  	_ =	swait.ge [sflag:s16], $0x4000  }
0xc9: {  	[sflag:s16] =	ssyncset.done $0x0  }
0xca: {  	[sflag:s16] =	ssyncadd.s32 $0xFFFFC000  }
0xcb: {  	_ =	swait.ge [sflag:s19], $0x4000  }
0xcc: {  	[sflag:s19] =	ssyncset.done $0x0  }
0xcd: {  	[sflag:s19] =	ssyncadd.s32 $0xFFFFC000  }
0xce: {  	[tilespmem:s20], [sflag:$0x2] =	stream.indirect.gather [hbm4b:s4+s18], $0x80, s0, s18, $0xb8;
	[tilespmem:$0x1C800] =	vst v63  }
0xcf: {  	_ = 	snop  }
0xd0: {  	[spmem:s2] =	stream.indirect.scatter.add.f32 [tilespmem:s15], [sflag:$0x3], $0x80, s7, s18, $0xb8;
	[tilespmem:$0x1C800] =	vst v63  }
0xd1: {  	_ =	swait.ge [sflag:s16], $0x4000  }
0xd2: {  	[sflag:s16] =	ssyncset.done $0x0  }
0xd3: {  	[sflag:s16] =	ssyncadd.s32 $0xFFFFC000  }
0xd4: {  	_ =	swait.ge [sflag:s21], $0x4000  }
.Ltmp2:
0xd5: {  	[sflag:s21] =	ssyncset.done $0x0;
	(pc) =	sbr.rel @p0 .LBB2_4-.Ltmp2, $4  }
0xd6: {  	[sflag:s21] =	ssyncadd.s32 $0xFFFFC000  }
0xd7: {  	[spmem:s2] =	stream.indirect.scatter.add.f32 [tilespmem:s20], [sflag:$0x3], $0x80, s8, s18, $0xb8;
	[tilespmem:$0x1C800] =	vst v63  }
0xd8: {  	_ =	swait.ge [sflag:s16], $0x4000  }
0xd9: {  	[sflag:s16] =	ssyncset.done $0x0  }
.LBB2_5:
0xda: {  	[sflag:s16] =	ssyncadd.s32 $0xFFFFC000;
	s10 =	stileid.u32  }
0xdb: {  	s10 =	sshll.u32 s10, $0x6;
	[bflag:$0x0] =	sbarrier.arrive $0xFFFF  }
0xdc: {  	s13 =	sshrl.u32 s6, $0x3;
	s10 =	sor.u32 $0x1C03, s10;
	s14 =	rddreg [dreg:$0x7]  }
0xdd: {  	[hbm:s14], [sflag:s10] =	dma.local [spmem:s13], $0x2800  }
0xde: {  	_ =	swait.ge [sflag:s16], $0x2800  }
0xdf: {  	s9 =	sadd.s32 $0x1, s9;
	s14 =	rddreg [dreg:$0x8]  }
0xe0: {  	p0 =	sne.s32 s9, s14  }
.Ltmp3:
0xe1: {  	_ = 	snop;
	(pc) =	sbr.rel @p0 .LBB2_1-.Ltmp3, $3  }
0xe2: {  	_ =	sdelay $0x1  }
0xe3: {  	[sflag:s16] =	ssyncset.done $0x0  }
0xe4: {  	[sflag:s16] =	ssyncadd.s32 $0xFFFFD800  }
0xe5: {  	_ =	sfence.sel $0x180000  }
0xe6: {  	[bflag:$0x0] =	sbarrier.arrive $0xFFFF  }
0xe7: {  	_ =	strace $0x9000004D  }
0xe8: {  	s0 =	stileid.u32;
	[bflag:$0x2] =	sbarrier.arrive $0xFFFF  }
0xe9: {  	p0 =	sne.s32 s0, $0x0;
	s0 =	rddreg [dreg:$0x2]  }
0xea: {  	s0 =	sadd.s32 @!p0 $0x100000, s0  }
0xeb: {  	[sflag:s0] =	ssyncadd.tile.s32 @!p0 $0x1;
	_ =	shalt  }
.Lfunc_end2:
_tile_overlayer_lowered:
.L_overlay_start_2:
0xec: {  	(tag) =	ssettag $0x2  }
0xed: {  	s0 =	rddreg [dreg:$0x0];
	s2 =	stileid.u32  }
0xee: {  	s1 =	rddreg [dreg:$0x1];
	p0 =	sne.s32 s2, $0x0  }
0xef: {  	s3 =	rddreg [dreg:$0x2];
	[bflag:$0x3] =	sbarrier.arrive $0xFFFF;
	s2 =	simm.s32 @!p0 $0x1C03  }
0xf0: {  	[timem:s3], [sflag:s2] =	dma.local @!p0 [hbm:s0], s1  }
0xf1: {  	s0 =	simm.s32 @!p0 $0x3  }
0xf2: {  	_ =	swait.ge @!p0 [sflag:s0], s1  }
0xf3: {  	s1 =	ssub.s32 @!p0 $0x0, s1;
	[sflag:s0] =	ssyncset.done @!p0 $0x0  }
0xf4: {  	[sflag:s0] =	ssyncadd.s32 @!p0 s1  }
0xf5: {  	[bflag:$0x3] =	sbarrier.arrive $0xFFFF  }
0xf6: {  	_ =	shalt  }

// kernel: kernel.19.cloned.1.call-start
scs
__scs_entry_jumppad:
0x0: {  	(pc) =	sbr.rel $0x88, $3  }
0x1: {  	(tag) =	ssettag $0x0;
	lr =	simm.s32 $0x1  }
0x2: {  	[smem:$0x3F94] =	sst lr;
	_ =	strace $0xD0000000  }
0x3: {  	_ = 	snop  }
0x4: {  	_ = 	snop  }
0x5: {  	_ = 	snop  }
0x6: {  	_ = 	snop  }
0x7: {  	_ = 	snop  }
__scs_overlays_trampoline_lowered:
0x8: {  	[smem:$0x3FA3] =	sst s0  }
0x9: {  	[smem:$0x3FA4] =	sst s1  }
0xa: {  	[smem:$0x3FA5] =	sst s2  }
0xb: {  	[smem:$0x3FA6] =	sst s3  }
0xc: {  	[smem:$0x3FA7] =	sst s4  }
0xd: {  	[smem:$0x3FA8] =	sst s5  }
0xe: {  	[smem:$0x3FA9] =	sst s6  }
0xf: {  	[smem:$0x3FAA] =	sst s7  }
0x10: {  	[smem:$0x3FAB] =	sst s8  }
0x11: {  	[smem:$0x3FAC] =	sst s9;
	s0 =	simm.s32 @!p0 $0x0  }
0x12: {  	s1 =	sld [smem:$0x3F92];
	s0 =	simm.s32 @p0 $0x1  }
0x13: {  	[smem:$0x3FAD] =	sst s0;
	s0 =	simm.s32 @!p1 $0x0  }
0x14: {  	s2 =	sld [smem:$0x3F91];
	s0 =	simm.s32 @p1 $0x1  }
0x15: {  	[smem:$0x3FAE] =	sst s0;
	s0 =	simm.s32 @!p2 $0x0  }
0x16: {  	s3 =	sld [smem:$0x3FDB];
	s0 =	simm.s32 @p2 $0x1  }
0x17: {  	s4 =	simm.s32 $0x1BF5;
	[smem:$0x3FB0] =	sst s0  }
0x18: {  	s0 =	sld [smem:$0x3F93];
	_ =	swait.ge [sflag:s4], $0x0  }
0x19: {  	s7 =	sld [smem:$0x3F94]  }
0x1a: {  	s8 =	sadd.s32 $0xFFFFE003, lr  }
0x1b: {  	s9 =	sadd.s32 $0xFFFFFEF7, lr;
	s5 =	simm.s32 $0xFFFFFFFF;
	p2 =	slt.u32 s8, $0xFFFFF086  }
0x1c: {  	p1 =	slt.u32 s9, $0xF7A;
	s5 =	simm.s32 @!p2 $0x0  }
0x1d: {  	s5 =	simm.s32 @p1 $0x1;
	p0 =	seq.s32 s7, s2  }
0x1e: {  	s7 =	smul.u32 @!p0 $0xF7A, s2;
	p2 =	seq.s32 @!p0 s5, $0x0  }
0x1f: {  	s9 =	smul.u32 $0xF7A, s1;
	s8 =	simm.s32 @!p0 $0x1BF5;
	p2 =	por !p2, p0  }
0x20: {  	[sflag:s8] =	ssyncset.s32 @!p0 $0xFFFFF086;
	s6 =	sadd.s32 @!p0 s3, s7;
	s7 =	simm.s32 @!p0 $0x108  }
0x21: {  	s3 =	sadd.s32 s3, s9;
	s6 =	sadd.s32 @!p0 $0x88, s6;
	s7 =	simm.s32 @p2 $0x1082  }
0x22: {  	[simem:s7], [sflag:s8] =	dma.local @!p0 [hbm:s6], $0xF7A  }
0x23: {  	s9 =	sor.u32 $0xD0000000, s2;
	s6 =	simm.s32 $0x108;
	_ =	swait.ge @!p0 [sflag:s8], $0x0  }
0x24: {  	s3 =	sadd.s32 $0x88, s3;
	s6 =	simm.s32 @!p1 $0x1082;
	[sflag:s4] =	ssyncset.s32 $0xFFFFF086  }
0x25: {  	[simem:s6], [sflag:s4] =	dma.local [hbm:s3], $0xF7A  }
0x26: {  	[smem:$0x3F94] =	sst s1;
	(tag) =	ssettag s2;
	_ =	strace s9  }
0x27: {  	s1 =	sld [smem:$0x3FA4]  }
0x28: {  	s2 =	sld [smem:$0x3FA5]  }
0x29: {  	s4 =	sld [smem:$0x3FA7]  }
0x2a: {  	p0 =	seq.s32 s5, $0x0;
	s5 =	sld [smem:$0x3FA8]  }
0x2b: {  	s6 =	sld [smem:$0x3FA9]  }
0x2c: {  	s7 =	sld [smem:$0x3FAA]  }
0x2d: {  	s3 =	simm.s32 $0x108;
	s8 =	sld [smem:$0x3FAB]  }
0x2e: {  	s3 =	simm.s32 @!p0 $0x1082;
	s9 =	sld [smem:$0x3FAC]  }
0x2f: {  	lr =	sadd.s32 s0, s3;
	s0 =	sld [smem:$0x3FA3]  }
0x30: {  	s3 =	sld [smem:$0x3FA6]  }
0x31: {  	[smem:$0x3FAF] =	sst s10  }
0x32: {  	s10 =	sld [smem:$0x3FAD];
	_ =	sdelay $0x3  }
0x33: {  	p0 =	seq.s32 s10, $0x1;
	s10 =	sld [smem:$0x3FAF];
	_ =	sdelay $0x3  }
0x34: {  	[smem:$0x3FAF] =	sst s10  }
0x35: {  	s10 =	sld [smem:$0x3FAE];
	_ =	sdelay $0x3  }
0x36: {  	p1 =	seq.s32 s10, $0x1;
	s10 =	sld [smem:$0x3FAF];
	_ =	sdelay $0x3  }
0x37: {  	[smem:$0x3FAF] =	sst s10  }
0x38: {  	s10 =	sld [smem:$0x3FB0]  }
0x39: {  	_ = 	snop;
	(pc) =	sbr.ind lr, $3  }
0x3a: {  	_ = 	snop  }
0x3b: {  	_ = 	snop  }
0x3c: {  	p2 =	seq.s32 s10, $0x1;
	s10 =	sld [smem:$0x3FAF]  }
0x3d: {  	_ =	shalt  }
0x3e: {  	_ =	shalt  }
0x3f: {  	_ =	shalt  }
0x40: {  	_ =	shalt  }
0x41: {  	_ =	shalt  }
0x42: {  	_ =	shalt  }
0x43: {  	_ =	shalt  }
0x44: {  	_ =	shalt  }
0x45: {  	_ =	shalt  }
0x46: {  	_ =	shalt  }
0x47: {  	_ =	shalt  }
0x48: {  	_ =	shalt  }
0x49: {  	_ =	shalt  }
0x4a: {  	_ =	shalt  }
0x4b: {  	_ =	shalt  }
0x4c: {  	_ =	shalt  }
0x4d: {  	_ =	shalt  }
0x4e: {  	_ =	shalt  }
0x4f: {  	_ =	shalt  }
0x50: {  	_ =	shalt  }
0x51: {  	_ =	shalt  }
0x52: {  	_ =	shalt  }
0x53: {  	_ =	shalt  }
0x54: {  	_ =	shalt  }
0x55: {  	_ =	shalt  }
0x56: {  	_ =	shalt  }
0x57: {  	_ =	shalt  }
0x58: {  	_ =	shalt  }
0x59: {  	_ =	shalt  }
0x5a: {  	_ =	shalt  }
0x5b: {  	_ =	shalt  }
0x5c: {  	_ =	shalt  }
0x5d: {  	_ =	shalt  }
0x5e: {  	_ =	shalt  }
0x5f: {  	_ =	shalt  }
0x60: {  	_ =	shalt  }
0x61: {  	_ =	shalt  }
0x62: {  	_ =	shalt  }
0x63: {  	_ =	shalt  }
0x64: {  	_ =	shalt  }
0x65: {  	_ =	shalt  }
0x66: {  	_ =	shalt  }
0x67: {  	_ =	shalt  }
0x68: {  	_ =	shalt  }
0x69: {  	_ =	shalt  }
0x6a: {  	_ =	shalt  }
0x6b: {  	_ =	shalt  }
0x6c: {  	_ =	shalt  }
0x6d: {  	_ =	shalt  }
0x6e: {  	_ =	shalt  }
0x6f: {  	_ =	shalt  }
0x70: {  	_ =	shalt  }
0x71: {  	_ =	shalt  }
0x72: {  	_ =	shalt  }
0x73: {  	_ =	shalt  }
0x74: {  	_ =	shalt  }
0x75: {  	_ =	shalt  }
0x76: {  	_ =	shalt  }
0x77: {  	_ =	shalt  }
0x78: {  	_ =	shalt  }
0x79: {  	_ =	shalt  }
0x7a: {  	_ =	shalt  }
0x7b: {  	_ =	shalt  }
0x7c: {  	_ =	shalt  }
0x7d: {  	_ =	shalt  }
0x7e: {  	_ =	shalt  }
0x7f: {  	_ =	shalt  }
0x80: {  	_ =	shalt  }
0x81: {  	_ =	shalt  }
0x82: {  	_ =	shalt  }
0x83: {  	_ =	shalt  }
0x84: {  	_ =	shalt  }
0x85: {  	_ =	shalt  }
0x86: {  	_ =	shalt  }
0x87: {  	_ =	shalt  }
.Lfunc_end0:
.L_simem_size_0:
called_computation.3_lowered:
.L_overlay_start_0:
0x88: {  	s2 =	sld [smem:$0x3FD9]  }
0x89: {  	s3 =	sld [smem:$0x3FFE];
	_ =	sdelay $0x1  }
0x8a: {  	s1 =	srdreg.scid  }
0x8b: {  	s0 =	sand.u32 $0x1, s1  }
0x8c: {  	s16 =	sshll.u32 s0, $0xA;
	s2 =	sadd.s32 s3, s2  }
0x8d: {  	s2 =	sadd.s32 s2, s16  }
0x8e: {  	[smem:$0x3FBB] =	sst s2  }
0x8f: {  	_ = 	snop  }
0x90: {  	(tm) =	ssettm $0x1  }
0x91: {  	s17 =	sld [smem:$0x3FFB];
	_ =	sdelay $0x3  }
0x92: {  	_ =	strace s17  }
0x93: {  	s2 =	sld [smem:$0x3FFC];
	_ =	sdelay $0x3  }
0x94: {  	_ =	strace s2  }
0x95: {  	s2 =	sld [smem:$0x3FFD];
	_ =	sdelay $0x3  }
0x96: {  	_ =	strace s2  }
0x97: {  	_ =	strace $0x8FFFFFFF  }
0x98: {  	s18 =	sld [smem:$0x3FDB];
	_ =	sdelay $0x1  }
0x99: {  	s19 =	simm.s32 $_scs_section_size  }
0x9a: {  	s4 =	simm.s32 $_size__tile_overlayer_lowered;
	s5 =	simm.s32 $_tile_overlayer_lowered  }
0x9b: {  	s22 =	simm.s32 $0x1BFF;
	s21 =	sshll.u32 s5, $0x1;
	s2 =	sadd.s32 s19, s18  }
0x9c: {  	s6 =	simm.s32 $0x0;
	s20 =	sshll.u32 s4, $0x1;
	s4 =	sadd.s32 s21, s2  }
0x9d: {  	[timem:s6], [sflag:s22] =	dma.local [hbm:s4], s20  }
0x9e: {  	_ =	swait.ge [sflag:s22], s20  }
0x9f: {  	s3 =	ssub.s32 $0x0, s20;
	[sflag:s22] =	ssyncset.done $0x0  }
0xa0: {  	[sflag:s22] =	ssyncadd.s32 s3;
	_ =	sdelay $0x1  }
0xa1: {  	s23 =	simm.s32 $0x1B8B  }
0xa2: {  	_ =	swait.ge [sflag:s23], $0x1  }
0xa3: {  	[sflag:s23] =	ssyncset.done $0x0  }
0xa4: {  	s25 =	simm.s32 $0x1B8E;
	s24 =	sld [smem:$0x3FFE];
	[sflag:s23] =	ssyncadd.s32 $0xFFFFFFFF  }
0xa5: {  	s26 =	simm.s32 $execute0_lowered;
	[smem:$0x3FD2] =	sst s25  }
0xa6: {  	s4 =	sshll.u32 s26, $0x1;
	_ =	strace $0x8000004F;
	[dreg:$0x1] =	wrdreg $0xFFFFFFFF  }
0xa7: {  	s28 =	simm.s32 $_size_execute0_lowered;
	s2 =	sadd.s32 s2, s4;
	[dreg:$0x0] =	wrdreg $0x0  }
0xa8: {  	s4 =	sshll.u32 s28, $0x1;
	[dreg:$0x2] =	wrdreg s2  }
0xa9: {  	[dreg:$0x3] =	wrdreg s4  }
0xaa: {  	[dreg:$0x4] =	wrdreg $0xC0  }
0xab: {  	_ =	task [dreg:s6], $0x5FFFF  }
0xac: {  	[dreg:$0x1] =	wrdreg $0xFFFFFFFF  }
0xad: {  	[dreg:$0x0] =	wrdreg $0x60  }
0xae: {  	[dreg:$0x2] =	wrdreg s24  }
0xaf: {  	[dreg:$0x3] =	wrdreg $0x88000  }
0xb0: {  	[dreg:$0x4] =	wrdreg $0x9  }
0xb1: {  	_ =	task.clear_ibuf [dreg:s6], $0x5FFFF;
	_ =	strace $0x9000004F  }
0xb2: {  	s29 =	simm.s32 $0x9;
	_ =	strace $0x80000051  }
0xb3: {  	_ =	swait.ge [sflag:s29], $0x1  }
0xb4: {  	[sflag:s29] =	ssyncadd.s32 $0xFFFFFFFF  }
0xb5: {  	_ =	strace $0x90000051  }
0xb6: {  	_ =	sfence  }
0xb7: {  	s30 =	sld [smem:$0x0];
	_ =	sdelay $0x2  }
0xb8: {  	s31 =	sshll.u32 s1, $0xD;
	s1 =	sshrl.u32 s1, $0x2  }
0xb9: {  	s3 =	sand.u32 $0x4000, s31;
	s1 =	sadd.s32 s1, s30  }
0xba: {  	s0 =	sor.u32 s3, s0;
	s1 =	sshll.u32 s1, $0x11  }
0xbb: {  	s0 =	sor.u32 s1, s0  }
0xbc: {  	s0 =	sadd.s32 $0x8F2B, s0  }
0xbd: {  	[sflag:s0] =	ssyncadd.remote.s32 $0x1  }
0xbe: {  	_ =	sfence.sel $0xFFFF  }
0xbf: {  	[dreg:$0x0] =	wrdreg $0xFFFFFFFF;
	(pc) =	sbr.abs _section_cstart, $3  }
0xc0: {  	[dreg:$0x1] =	wrdreg $0xFFFFFFFF  }
0xc1: {  	_ =	task.clear_ibuf [dreg:s6], $0x2FFFF;
	_ =	strace $0x9FFFFFFF  }
0xc2: {  	(tm) =	ssettm $0x7FFFFFFF  }
0xc3: {  	_ =	shalt  }
tec
execute0_lowered:
.L_overlay_start_1:
0x0: {  	(tag) =	ssettag $0x1  }
0x1: {  	s0 =	srdreg.scid  }
0x2: {  	s1 =	rddreg [dreg:$0x0];
	s8 =	stileid.u32  }
0x3: {  	s2 =	rddreg [dreg:$0x1];
	s3 =	simm.s32 $0x0;
	s5 =	smul.u32 $0x3C00, s8  }
0x4: {  	s15 =	simm.s32 $0x800;
	s16 =	simm.s32 $0x3;
	s7 =	smul.u32 $0x14000, s8  }
0x5: {  	s28 =	simm.s32 $0x580;
	s0 =	sand.u32 $0x1, s0;
	s8 =	smul.u32 $0x50000, s8  }
0x6: {  	s29 =	simm.s32 $0x280;
	s30 =	simm.s32 $0x600;
	s4 =	smul.u32 $0x3C000, s0  }
0x7: {  	s31 =	simm.s32 $0x300;
	[smem:$0x7FF] =	sst s3;
	s6 =	smul.u32 $0x140000, s0  }
0x8: {  	_ =	strace $0x80000050;
	s17 =	ssub.s32 $0x2, s0;
	p0 =	seq.s32 s0, $0x0  }
0x9: {  	s0 =	simm.s32 $0x380;
	s19 =	sshrl.u32 s17, $0x1;
	s20 =	sshrl.u32 s8, $0x2  }
0xa: {  	s8 =	simm.s32 $0x780;
	s5 =	sadd.s32 s5, s4;
	s4 =	sadd.s32 $0x20E00, s1  }
0xb: {  	s6 =	sadd.s32 s7, s6;
	s7 =	ssub.s32 s17, s19;
	s17 =	simm.s32 $0x400  }
0xc: {  	s19 =	simm.s32 $0x1;
	s5 =	sshrl.u32 s5, $0x3;
	s18 =	sshrl.u32 s6, $0x3  }
0xd: {  	s6 =	sadd.s32 s20, s2;
	s26 =	smax.u32 s7, $0x1;
	s20 =	simm.s32 $0x4800  }
0xe: {  	s7 =	simm.s32 $0x700;
	s9 =	sadd.s32 s5, s1;
	s1 =	sadd.s32 s18, s1  }
0xf: {  	s5 =	simm.s32 $0xF;
	s21 =	sadd.s32 $0x4000, s6;
	[dreg:$0x8] =	wrdreg s26  }
0x10: {  	s22 =	sadd.s32 $0x8000, s6;
	s23 =	sadd.s32 $0xC000, s6;
	[dreg:$0x3] =	wrdreg s21  }
0x11: {  	s24 =	sadd.s32 $0x10000, s6;
	s18 =	simm.s32 $0x80;
	[dreg:$0x4] =	wrdreg s22  }
0x12: {  	s26 =	simm.s32 $0x200;
	s5 =	simm.s32 @!p0 $0x5;
	[dreg:$0x5] =	wrdreg s23  }
0x13: {  	[dreg:$0x6] =	wrdreg s24;
	s25 =	sadd.s32 $0x48000, s1;
	s11 =	sadd.s32 $0x2E00, s9  }
0x14: {  	s12 =	sadd.s32 $0x11E00, s9;
	s21 =	simm.s32 $0x2;
	s22 =	simm.s32 $0x100  }
0x15: {  	s23 =	simm.s32 $0x480;
	s24 =	simm.s32 $0x180;
	s1 =	simm.s32 $0x680  }
0x16: {  	v0 =	vimm.f32 $0.0e+00;
	s9 =	simm.s32 $0x0;
	[dreg:$0x7] =	wrdreg s25;
	s25 =	simm.s32 $0x500  }
.LBB2_1:
0x17: {  	s10 =	simm.s32 $0x0;
	s13 =	simm.s32 $0x200  }
.LBB2_2:
0x18: {  	p0 =	sne.s32 s13, $0xFE00;
	[tilespmem:s10+$0x870] =	vst v0  }
0x19: {  	[tilespmem:s10+$0x800] =	vst v0  }
0x1a: {  	[tilespmem:s10+$0x810] =	vst v0  }
.Ltmp0:
0x1b: {  	[tilespmem:s10+$0x820] =	vst v0;
	(pc) =	sbr.rel @p0 .LBB2_2-.Ltmp0, $4  }
0x1c: {  	[tilespmem:s10+$0x830] =	vst v0  }
0x1d: {  	[tilespmem:s10+$0x840] =	vst v0  }
0x1e: {  	[tilespmem:s10+$0x850] =	vst v0  }
0x1f: {  	[tilespmem:s10+$0x860] =	vst v0;
	s10 =	sshra.s32 s13, $0x2;
	s13 =	sadd.s32 $0x200, s13  }
0x20: {  	[tilespmem:s10+$0x870] =	vst v0  }
0x21: {  	[tilespmem:s10+$0x800] =	vst v0  }
0x22: {  	[tilespmem:s10+$0x810] =	vst v0  }
0x23: {  	[tilespmem:s10+$0x820] =	vst v0  }
0x24: {  	[tilespmem:s10+$0x830] =	vst v0  }
0x25: {  	[tilespmem:s10+$0x840] =	vst v0  }
0x26: {  	[tilespmem:s10+$0x850] =	vst v0  }
0x27: {  	[tilespmem:s10+$0x860] =	vst v0  }
0x28: {  	[spmem:s6] =	stream.linear.scatter [tilespmem:s15], [sflag:$0x3], $0x4000, $0x38;
	[tilespmem:$0x1C800] =	vst v63  }
0x29: {  	_ =	swait.ge [sflag:s16], $0x4000  }
0x2a: {  	[sflag:s16] =	ssyncset.done $0x0  }
0x2b: {  	s13 =	rddreg [dreg:$0x3];
	[sflag:s16] =	ssyncadd.s32 $0xFFFFC000  }
0x2c: {  	[spmem:s13] =	stream.linear.scatter [tilespmem:s15], [sflag:$0x3], $0x4000, $0x38;
	[tilespmem:$0x1C800] =	vst v63  }
0x2d: {  	_ =	swait.ge [sflag:s16], $0x4000  }
0x2e: {  	[sflag:s16] =	ssyncset.done $0x0  }
0x2f: {  	s14 =	rddreg [dreg:$0x4];
	[sflag:s16] =	ssyncadd.s32 $0xFFFFC000  }
0x30: {  	[spmem:s14] =	stream.linear.scatter [tilespmem:s15], [sflag:$0x3], $0x4000, $0x38;
	[tilespmem:$0x1C800] =	vst v63  }
0x31: {  	_ =	swait.ge [sflag:s16], $0x4000  }
0x32: {  	[sflag:s16] =	ssyncset.done $0x0  }
0x33: {  	s13 =	rddreg [dreg:$0x5];
	[sflag:s16] =	ssyncadd.s32 $0xFFFFC000  }
0x34: {  	[spmem:s13] =	stream.linear.scatter [tilespmem:s15], [sflag:$0x3], $0x4000, $0x38;
	[tilespmem:$0x1C800] =	vst v63  }
0x35: {  	_ =	swait.ge [sflag:s16], $0x4000  }
0x36: {  	[sflag:s16] =	ssyncset.done $0x0  }
0x37: {  	s14 =	rddreg [dreg:$0x6];
	[sflag:s16] =	ssyncadd.s32 $0xFFFFC000  }
0x38: {  	[spmem:s14] =	stream.linear.scatter [tilespmem:s15], [sflag:$0x3], $0x4000, $0x38;
	[tilespmem:$0x1C800] =	vst v63  }
0x39: {  	_ =	swait.ge [sflag:s16], $0x4000  }
0x3a: {  	[sflag:s16] =	ssyncset.done $0x0  }
0x3b: {  	[sflag:s16] =	ssyncadd.s32 $0xFFFFC000  }
0x3c: {  	[bflag:$0x0] =	sbarrier.arrive $0xFFFF  }
0x3d: {  	[tilespmem:s3], [sflag:$0x3] =	stream.linear.gather [hbm4b:s12+s3], $0x400, $0x38;
	[tilespmem:$0x1C800] =	vst v63  }
0x3e: {  	_ =	swait.ge [sflag:s16], $0x400  }
0x3f: {  	[sflag:s16] =	ssyncset.done $0x0  }
0x40: {  	[sflag:s16] =	ssyncadd.s32 $0xFFFFFC00  }
0x41: {  	[tilespmem:s17], [sflag:$0x3] =	stream.linear.gather [hbm4b:s11+s3], $0x400, $0x38;
	[tilespmem:$0x1C800] =	vst v63  }
0x42: {  	_ =	swait.ge [sflag:s16], $0x400  }
0x43: {  	[sflag:s16] =	ssyncset.done $0x0  }
0x44: {  	[sflag:s16] =	ssyncadd.s32 $0xFFFFFC00  }
0x45: {  	[tilespmem:s15], [sflag:$0x1] =	stream.indirect.gather [hbm4b:s4+s18], $0x80, s3, s18, $0xb8;
	[tilespmem:$0x1C800] =	vst v63  }
0x46: {  	_ =	swait.ge [sflag:s19], $0x4000  }
0x47: {  	[sflag:s19] =	ssyncset.done $0x0  }
0x48: {  	[sflag:s19] =	ssyncadd.s32 $0xFFFFC000  }
0x49: {  	[tilespmem:s20], [sflag:$0x2] =	stream.indirect.gather [hbm4b:s4+s18], $0x80, s18, s18, $0xb8;
	[tilespmem:$0x1C800] =	vst v63  }
0x4a: {  	_ = 	snop  }
0x4b: {  	[spmem:s2] =	stream.indirect.scatter.add.f32 [tilespmem:s15], [sflag:$0x3], $0x80, s17, s18, $0xb8;
	[tilespmem:$0x1C800] =	vst v63  }
0x4c: {  	_ =	swait.ge [sflag:s16], $0x4000  }
0x4d: {  	[sflag:s16] =	ssyncset.done $0x0  }
0x4e: {  	[sflag:s16] =	ssyncadd.s32 $0xFFFFC000  }
0x4f: {  	_ =	swait.ge [sflag:s21], $0x4000  }
0x50: {  	[sflag:s21] =	ssyncset.done $0x0  }
0x51: {  	[sflag:s21] =	ssyncadd.s32 $0xFFFFC000  }
0x52: {  	[tilespmem:s15], [sflag:$0x1] =	stream.indirect.gather [hbm4b:s4+s18], $0x80, s22, s18, $0xb8;
	[tilespmem:$0x1C800] =	vst v63  }
0x53: {  	_ = 	snop  }
0x54: {  	[spmem:s2] =	stream.indirect.scatter.add.f32 [tilespmem:s20], [sflag:$0x3], $0x80, s23, s18, $0xb8;
	[tilespmem:$0x1C800] =	vst v63  }
0x55: {  	_ =	swait.ge [sflag:s16], $0x4000  }
0x56: {  	[sflag:s16] =	ssyncset.done $0x0  }
0x57: {  	[sflag:s16] =	ssyncadd.s32 $0xFFFFC000  }
0x58: {  	_ =	swait.ge [sflag:s19], $0x4000  }
0x59: {  	[sflag:s19] =	ssyncset.done $0x0  }
0x5a: {  	[sflag:s19] =	ssyncadd.s32 $0xFFFFC000  }
0x5b: {  	[tilespmem:s20], [sflag:$0x2] =	stream.indirect.gather [hbm4b:s4+s18], $0x80, s24, s18, $0xb8;
	[tilespmem:$0x1C800] =	vst v63  }
0x5c: {  	_ = 	snop  }
0x5d: {  	[spmem:s2] =	stream.indirect.scatter.add.f32 [tilespmem:s15], [sflag:$0x3], $0x80, s25, s18, $0xb8;
	[tilespmem:$0x1C800] =	vst v63  }
0x5e: {  	_ =	swait.ge [sflag:s16], $0x4000  }
0x5f: {  	[sflag:s16] =	ssyncset.done $0x0  }
0x60: {  	[sflag:s16] =	ssyncadd.s32 $0xFFFFC000  }
0x61: {  	_ =	swait.ge [sflag:s21], $0x4000  }
0x62: {  	[sflag:s21] =	ssyncset.done $0x0  }
0x63: {  	[sflag:s21] =	ssyncadd.s32 $0xFFFFC000  }
0x64: {  	[tilespmem:s15], [sflag:$0x1] =	stream.indirect.gather [hbm4b:s4+s18], $0x80, s26, s18, $0xb8;
	[tilespmem:$0x1C800] =	vst v63  }
0x65: {  	_ = 	snop  }
0x66: {  	[spmem:s2] =	stream.indirect.scatter.add.f32 [tilespmem:s20], [sflag:$0x3], $0x80, s28, s18, $0xb8;
	[tilespmem:$0x1C800] =	vst v63  }
0x67: {  	_ =	swait.ge [sflag:s16], $0x4000  }
0x68: {  	[sflag:s16] =	ssyncset.done $0x0  }
0x69: {  	[sflag:s16] =	ssyncadd.s32 $0xFFFFC000  }
0x6a: {  	_ =	swait.ge [sflag:s19], $0x4000  }
0x6b: {  	[sflag:s19] =	ssyncset.done $0x0  }
0x6c: {  	[sflag:s19] =	ssyncadd.s32 $0xFFFFC000  }
0x6d: {  	[tilespmem:s20], [sflag:$0x2] =	stream.indirect.gather [hbm4b:s4+s18], $0x80, s29, s18, $0xb8;
	[tilespmem:$0x1C800] =	vst v63  }
0x6e: {  	_ = 	snop  }
0x6f: {  	[spmem:s2] =	stream.indirect.scatter.add.f32 [tilespmem:s15], [sflag:$0x3], $0x80, s30, s18, $0xb8;
	[tilespmem:$0x1C800] =	vst v63  }
0x70: {  	_ =	swait.ge [sflag:s16], $0x4000  }
0x71: {  	[sflag:s16] =	ssyncset.done $0x0  }
0x72: {  	[sflag:s16] =	ssyncadd.s32 $0xFFFFC000  }
0x73: {  	_ =	swait.ge [sflag:s21], $0x4000  }
0x74: {  	[sflag:s21] =	ssyncset.done $0x0  }
0x75: {  	[sflag:s21] =	ssyncadd.s32 $0xFFFFC000  }
0x76: {  	[tilespmem:s15], [sflag:$0x1] =	stream.indirect.gather [hbm4b:s4+s18], $0x80, s31, s18, $0xb8;
	[tilespmem:$0x1C800] =	vst v63  }
0x77: {  	_ = 	snop  }
0x78: {  	[spmem:s2] =	stream.indirect.scatter.add.f32 [tilespmem:s20], [sflag:$0x3], $0x80, s1, s18, $0xb8;
	[tilespmem:$0x1C800] =	vst v63  }
0x79: {  	_ =	swait.ge [sflag:s16], $0x4000  }
0x7a: {  	[sflag:s16] =	ssyncset.done $0x0  }
0x7b: {  	[sflag:s16] =	ssyncadd.s32 $0xFFFFC000  }
0x7c: {  	_ =	swait.ge [sflag:s19], $0x4000  }
0x7d: {  	[sflag:s19] =	ssyncset.done $0x0  }
0x7e: {  	[sflag:s19] =	ssyncadd.s32 $0xFFFFC000  }
0x7f: {  	[tilespmem:s20], [sflag:$0x2] =	stream.indirect.gather [hbm4b:s4+s18], $0x80, s0, s18, $0xb8;
	[tilespmem:$0x1C800] =	vst v63  }
0x80: {  	_ = 	snop  }
0x81: {  	[spmem:s2] =	stream.indirect.scatter.add.f32 [tilespmem:s15], [sflag:$0x3], $0x80, s7, s18, $0xb8;
	[tilespmem:$0x1C800] =	vst v63  }
0x82: {  	_ =	swait.ge [sflag:s16], $0x4000  }
0x83: {  	[sflag:s16] =	ssyncset.done $0x0  }
0x84: {  	[sflag:s16] =	ssyncadd.s32 $0xFFFFC000  }
0x85: {  	p0 =	sne.s32 s5, $0x1;
	_ =	swait.ge [sflag:s21], $0x4000  }
.Ltmp1:
0x86: {  	[sflag:s21] =	ssyncset.done $0x0;
	(pc) =	sbr.rel @!p0 .LBB2_5-.Ltmp1, $4  }
0x87: {  	[sflag:s21] =	ssyncadd.s32 $0xFFFFC000  }
0x88: {  	[spmem:s2] =	stream.indirect.scatter.add.f32 [tilespmem:s20], [sflag:$0x3], $0x80, s8, s18, $0xb8;
	[tilespmem:$0x1C800] =	vst v63  }
0x89: {  	s10 =	sadd.s32 $0xFFFFFFFF, s5;
	_ =	swait.ge [sflag:s16], $0x4000  }
0x8a: {  	s13 =	smov.u32 s11;
	s14 =	smov.u32 s12;
	[sflag:s16] =	ssyncset.done $0x0  }
.LBB2_4:
0x8b: {  	[sflag:s16] =	ssyncadd.s32 $0xFFFFC000;
	s13 =	sadd.s32 $0x80, s13;
	s14 =	sadd.s32 $0x80, s14  }
0x8c: {  	[tilespmem:s3], [sflag:$0x3] =	stream.linear.gather [hbm4b:s14+s3], $0x400, $0x38;
	[tilespmem:$0x1C800] =	vst v63  }
0x8d: {  	p0 =	sne.s32 s10, $0x1;
	s10 =	sadd.s32 $0xFFFFFFFF, s10;
	_ =	swait.ge [sflag:s16], $0x400  }
0x8e: {  	[sflag:s16] =	ssyncset.done $0x0  }
0x8f: {  	[sflag:s16] =	ssyncadd.s32 $0xFFFFFC00  }
0x90: {  	[tilespmem:s17], [sflag:$0x3] =	stream.linear.gather [hbm4b:s13+s3], $0x400, $0x38;
	[tilespmem:$0x1C800] =	vst v63  }
0x91: {  	_ =	swait.ge [sflag:s16], $0x400  }
0x92: {  	[sflag:s16] =	ssyncset.done $0x0  }
0x93: {  	[sflag:s16] =	ssyncadd.s32 $0xFFFFFC00  }
0x94: {  	[tilespmem:s15], [sflag:$0x1] =	stream.indirect.gather [hbm4b:s4+s18], $0x80, s3, s18, $0xb8;
	[tilespmem:$0x1C800] =	vst v63  }
0x95: {  	_ =	swait.ge [sflag:s19], $0x4000  }
0x96: {  	[sflag:s19] =	ssyncset.done $0x0  }
0x97: {  	[sflag:s19] =	ssyncadd.s32 $0xFFFFC000  }
0x98: {  	[tilespmem:s20], [sflag:$0x2] =	stream.indirect.gather [hbm4b:s4+s18], $0x80, s18, s18, $0xb8;
	[tilespmem:$0x1C800] =	vst v63  }
0x99: {  	_ = 	snop  }
0x9a: {  	[spmem:s2] =	stream.indirect.scatter.add.f32 [tilespmem:s15], [sflag:$0x3], $0x80, s17, s18, $0xb8;
	[tilespmem:$0x1C800] =	vst v63  }
0x9b: {  	_ =	swait.ge [sflag:s16], $0x4000  }
0x9c: {  	[sflag:s16] =	ssyncset.done $0x0  }
0x9d: {  	[sflag:s16] =	ssyncadd.s32 $0xFFFFC000  }
0x9e: {  	_ =	swait.ge [sflag:s21], $0x4000  }
0x9f: {  	[sflag:s21] =	ssyncset.done $0x0  }
0xa0: {  	[sflag:s21] =	ssyncadd.s32 $0xFFFFC000  }
0xa1: {  	[tilespmem:s15], [sflag:$0x1] =	stream.indirect.gather [hbm4b:s4+s18], $0x80, s22, s18, $0xb8;
	[tilespmem:$0x1C800] =	vst v63  }
0xa2: {  	_ = 	snop  }
0xa3: {  	[spmem:s2] =	stream.indirect.scatter.add.f32 [tilespmem:s20], [sflag:$0x3], $0x80, s23, s18, $0xb8;
	[tilespmem:$0x1C800] =	vst v63  }
0xa4: {  	_ =	swait.ge [sflag:s16], $0x4000  }
0xa5: {  	[sflag:s16] =	ssyncset.done $0x0  }
0xa6: {  	[sflag:s16] =	ssyncadd.s32 $0xFFFFC000  }
0xa7: {  	_ =	swait.ge [sflag:s19], $0x4000  }
0xa8: {  	[sflag:s19] =	ssyncset.done $0x0  }
0xa9: {  	[sflag:s19] =	ssyncadd.s32 $0xFFFFC000  }
0xaa: {  	[tilespmem:s20], [sflag:$0x2] =	stream.indirect.gather [hbm4b:s4+s18], $0x80, s24, s18, $0xb8;
	[tilespmem:$0x1C800] =	vst v63  }
0xab: {  	_ = 	snop  }
0xac: {  	[spmem:s2] =	stream.indirect.scatter.add.f32 [tilespmem:s15], [sflag:$0x3], $0x80, s25, s18, $0xb8;
	[tilespmem:$0x1C800] =	vst v63  }
0xad: {  	_ =	swait.ge [sflag:s16], $0x4000  }
0xae: {  	[sflag:s16] =	ssyncset.done $0x0  }
0xaf: {  	[sflag:s16] =	ssyncadd.s32 $0xFFFFC000  }
0xb0: {  	_ =	swait.ge [sflag:s21], $0x4000  }
0xb1: {  	[sflag:s21] =	ssyncset.done $0x0  }
0xb2: {  	[sflag:s21] =	ssyncadd.s32 $0xFFFFC000  }
0xb3: {  	[tilespmem:s15], [sflag:$0x1] =	stream.indirect.gather [hbm4b:s4+s18], $0x80, s26, s18, $0xb8;
	[tilespmem:$0x1C800] =	vst v63  }
0xb4: {  	_ = 	snop  }
0xb5: {  	[spmem:s2] =	stream.indirect.scatter.add.f32 [tilespmem:s20], [sflag:$0x3], $0x80, s28, s18, $0xb8;
	[tilespmem:$0x1C800] =	vst v63  }
0xb6: {  	_ =	swait.ge [sflag:s16], $0x4000  }
0xb7: {  	[sflag:s16] =	ssyncset.done $0x0  }
0xb8: {  	[sflag:s16] =	ssyncadd.s32 $0xFFFFC000  }
0xb9: {  	_ =	swait.ge [sflag:s19], $0x4000  }
0xba: {  	[sflag:s19] =	ssyncset.done $0x0  }
0xbb: {  	[sflag:s19] =	ssyncadd.s32 $0xFFFFC000  }
0xbc: {  	[tilespmem:s20], [sflag:$0x2] =	stream.indirect.gather [hbm4b:s4+s18], $0x80, s29, s18, $0xb8;
	[tilespmem:$0x1C800] =	vst v63  }
0xbd: {  	_ = 	snop  }
0xbe: {  	[spmem:s2] =	stream.indirect.scatter.add.f32 [tilespmem:s15], [sflag:$0x3], $0x80, s30, s18, $0xb8;
	[tilespmem:$0x1C800] =	vst v63  }
0xbf: {  	_ =	swait.ge [sflag:s16], $0x4000  }
0xc0: {  	[sflag:s16] =	ssyncset.done $0x0  }
0xc1: {  	[sflag:s16] =	ssyncadd.s32 $0xFFFFC000  }
0xc2: {  	_ =	swait.ge [sflag:s21], $0x4000  }
0xc3: {  	[sflag:s21] =	ssyncset.done $0x0  }
0xc4: {  	[sflag:s21] =	ssyncadd.s32 $0xFFFFC000  }
0xc5: {  	[tilespmem:s15], [sflag:$0x1] =	stream.indirect.gather [hbm4b:s4+s18], $0x80, s31, s18, $0xb8;
	[tilespmem:$0x1C800] =	vst v63  }
0xc6: {  	_ = 	snop  }
0xc7: {  	[spmem:s2] =	stream.indirect.scatter.add.f32 [tilespmem:s20], [sflag:$0x3], $0x80, s1, s18, $0xb8;
	[tilespmem:$0x1C800] =	vst v63  }
0xc8: {  	_ =	swait.ge [sflag:s16], $0x4000  }
0xc9: {  	[sflag:s16] =	ssyncset.done $0x0  }
0xca: {  	[sflag:s16] =	ssyncadd.s32 $0xFFFFC000  }
0xcb: {  	_ =	swait.ge [sflag:s19], $0x4000  }
0xcc: {  	[sflag:s19] =	ssyncset.done $0x0  }
0xcd: {  	[sflag:s19] =	ssyncadd.s32 $0xFFFFC000  }
0xce: {  	[tilespmem:s20], [sflag:$0x2] =	stream.indirect.gather [hbm4b:s4+s18], $0x80, s0, s18, $0xb8;
	[tilespmem:$0x1C800] =	vst v63  }
0xcf: {  	_ = 	snop  }
0xd0: {  	[spmem:s2] =	stream.indirect.scatter.add.f32 [tilespmem:s15], [sflag:$0x3], $0x80, s7, s18, $0xb8;
	[tilespmem:$0x1C800] =	vst v63  }
0xd1: {  	_ =	swait.ge [sflag:s16], $0x4000  }
0xd2: {  	[sflag:s16] =	ssyncset.done $0x0  }
0xd3: {  	[sflag:s16] =	ssyncadd.s32 $0xFFFFC000  }
0xd4: {  	_ =	swait.ge [sflag:s21], $0x4000  }
.Ltmp2:
0xd5: {  	[sflag:s21] =	ssyncset.done $0x0;
	(pc) =	sbr.rel @p0 .LBB2_4-.Ltmp2, $4  }
0xd6: {  	[sflag:s21] =	ssyncadd.s32 $0xFFFFC000  }
0xd7: {  	[spmem:s2] =	stream.indirect.scatter.add.f32 [tilespmem:s20], [sflag:$0x3], $0x80, s8, s18, $0xb8;
	[tilespmem:$0x1C800] =	vst v63  }
0xd8: {  	_ =	swait.ge [sflag:s16], $0x4000  }
0xd9: {  	[sflag:s16] =	ssyncset.done $0x0  }
.LBB2_5:
0xda: {  	[sflag:s16] =	ssyncadd.s32 $0xFFFFC000;
	s10 =	stileid.u32  }
0xdb: {  	s10 =	sshll.u32 s10, $0x6;
	[bflag:$0x0] =	sbarrier.arrive $0xFFFF  }
0xdc: {  	s13 =	sshrl.u32 s6, $0x3;
	s10 =	sor.u32 $0x1C03, s10;
	s14 =	rddreg [dreg:$0x7]  }
0xdd: {  	[hbm:s14], [sflag:s10] =	dma.local [spmem:s13], $0x2800  }
0xde: {  	_ =	swait.ge [sflag:s16], $0x2800  }
0xdf: {  	s9 =	sadd.s32 $0x1, s9;
	s14 =	rddreg [dreg:$0x8]  }
0xe0: {  	p0 =	sne.s32 s9, s14  }
.Ltmp3:
0xe1: {  	_ = 	snop;
	(pc) =	sbr.rel @p0 .LBB2_1-.Ltmp3, $3  }
0xe2: {  	_ =	sdelay $0x1  }
0xe3: {  	[sflag:s16] =	ssyncset.done $0x0  }
0xe4: {  	[sflag:s16] =	ssyncadd.s32 $0xFFFFD800  }
0xe5: {  	_ =	sfence.sel $0x180000  }
0xe6: {  	[bflag:$0x0] =	sbarrier.arrive $0xFFFF  }
0xe7: {  	_ =	strace $0x90000050  }
0xe8: {  	s0 =	stileid.u32;
	[bflag:$0x2] =	sbarrier.arrive $0xFFFF  }
0xe9: {  	p0 =	sne.s32 s0, $0x0;
	s0 =	rddreg [dreg:$0x2]  }
0xea: {  	s0 =	sadd.s32 @!p0 $0x100000, s0  }
0xeb: {  	[sflag:s0] =	ssyncadd.tile.s32 @!p0 $0x1;
	_ =	shalt  }
.Lfunc_end2:
_tile_overlayer_lowered:
.L_overlay_start_2:
0xec: {  	(tag) =	ssettag $0x2  }
0xed: {  	s0 =	rddreg [dreg:$0x0];
	s2 =	stileid.u32  }
0xee: {  	s1 =	rddreg [dreg:$0x1];
	p0 =	sne.s32 s2, $0x0  }
0xef: {  	s3 =	rddreg [dreg:$0x2];
	[bflag:$0x3] =	sbarrier.arrive $0xFFFF;
	s2 =	simm.s32 @!p0 $0x1C03  }
0xf0: {  	[timem:s3], [sflag:s2] =	dma.local @!p0 [hbm:s0], s1  }
0xf1: {  	s0 =	simm.s32 @!p0 $0x3  }
0xf2: {  	_ =	swait.ge @!p0 [sflag:s0], s1  }
0xf3: {  	s1 =	ssub.s32 @!p0 $0x0, s1;
	[sflag:s0] =	ssyncset.done @!p0 $0x0  }
0xf4: {  	[sflag:s0] =	ssyncadd.s32 @!p0 s1  }
0xf5: {  	[bflag:$0x3] =	sbarrier.arrive $0xFFFF  }
0xf6: {  	_ =	shalt  }

</sc_bundles>
